<compile_context>
chip_gen: v7x
topology: tpu7x:2x2x1
jax: 0.10.2.dev20260603
libtpu: 0.0.44.dev20260713+nightly
codegen_flags: <defaults>
</compile_context>

<pallas_src>
import functools

import jax
import jax.numpy as jnp
from jax import lax
from jax.experimental import pallas as pl
from jax.experimental.pallas import tpu as pltpu
from jax.experimental.pallas import tpu_sc as plsc

CENTER_RADIUS = 1.5
NUM_HEADS = 6
CLS_WEIGHT = 2.0
REG_WEIGHT = 0.25
IOU_WEIGHT = 0.25
ALPHA = 0.25
GAMMA = 2.0
EPS = 1e-12

NGT = 256
BIG_I = 1 << 30


def _pass1_body(pt_ref, gt_ref, cost_ref, ctop_ref, itop_ref, iou_ref, *, P):
    pt = pt_ref[0]
    g = gt_ref[0]

    def grow(i):
        return g[i:i + 1, :]

    px = pt[:, 0:1]
    py = pt[:, 1:2]
    pz = pt[:, 2:3]

    ib = ((px > grow(0)) & (px < grow(3)) &
          (py > grow(1)) & (py < grow(4)) &
          (pz > grow(2)) & (pz < grow(5)))
    ic = ((px > grow(6)) & (px < grow(9)) &
          (py > grow(7)) & (py < grow(10)) &
          (pz > grow(8)) & (pz < grow(11)))
    in_bc = ib & ic
    orv = (ib | ic).astype(jnp.float32)
    cnt = lax.dot_general(orv, jnp.ones((NGT, 128), jnp.float32),
                          (((1,), (0,)), ((), ())),
                          preferred_element_type=jnp.float32)
    valid = cnt[:, 0:1] > 0.0

    labf = grow(27)
    cls_c = jnp.where(labf == 0.0, pt[:, 16:17], 0.0)
    for c in range(1, 10):
        cls_c = cls_c + jnp.where(labf == float(c), pt[:, 16 + c:17 + c], 0.0)

    reg = jnp.abs(pt[:, 0:1] - grow(12))
    for j in range(1, 8):
        reg = reg + jnp.abs(pt[:, j:j + 1] - grow(12 + j))
    reg_c = reg * REG_WEIGHT

    pdx = pt[:, 10:11]
    pdy = pt[:, 11:12]
    pdz = pt[:, 12:13]
    ltx = jnp.maximum(px - pdx * 0.5, grow(20))
    lty = jnp.maximum(py - pdy * 0.5, grow(21))
    ltz = jnp.maximum(pz - pdz * 0.5, grow(22))
    rbx = jnp.minimum(px + pdx * 0.5, grow(23))
    rby = jnp.minimum(py + pdy * 0.5, grow(24))
    rbz = jnp.minimum(pz + pdz * 0.5, grow(25))
    ix = jnp.maximum(rbx - ltx, 0.0)
    iy = jnp.maximum(rby - lty, 0.0)
    iz = jnp.maximum(rbz - ltz, 0.0)
    inter = (ix * iy) * iz
    va = (pdx * pdy) * pdz
    union = jnp.maximum(va + grow(26) - inter, 1e-6)
    iou = inter / union

    cost = cls_c + reg_c
    cost = cost + (-iou) * IOU_WEIGHT
    cost = cost + jnp.where(in_bc, 0.0, 100.0)
    cost = cost + jnp.where(valid, 0.0, 10000.0)

    col = lax.broadcasted_iota(jnp.int32, (P, NGT), 1)
    colmask = col < 200
    costm = jnp.where(colmask, cost, jnp.inf)
    cost_ref[0] = costm
    iou_ref[...] = jnp.where(colmask, iou, -jnp.inf)

    def chunk_body(j, carry):
        cs, is_ = carry
        c = cost_ref[0, pl.ds(j * 8, 8), :]
        for k in range(5):
            m = jnp.minimum(cs[k], c)
            c = jnp.maximum(cs[k], c)
            cs[k] = m
        v = iou_ref[pl.ds(j * 8, 8), :]
        for k in range(5):
            m = jnp.maximum(is_[k], v)
            v = jnp.minimum(is_[k], v)
            is_[k] = m
        return cs, is_

    cs0 = [jnp.full((8, NGT), jnp.inf, jnp.float32) for _ in range(5)]
    is0 = [jnp.full((8, NGT), -jnp.inf, jnp.float32) for _ in range(5)]
    cs, is_ = lax.fori_loop(0, P // 8, chunk_body, (cs0, is0))

    C = jnp.concatenate(cs, axis=0)
    crows = []
    for j in range(5):
        m = jnp.min(C, axis=0, keepdims=True)
        crows.append(m)
        if j < 4:
            C = jnp.where(C == m, jnp.inf, C)
    ctop_ref[0] = jnp.concatenate(
        crows + [jnp.full((3, NGT), jnp.inf, jnp.float32)], axis=0)

    I = jnp.concatenate(is_, axis=0)
    irows = []
    for j in range(5):
        m = jnp.max(I, axis=0, keepdims=True)
        irows.append(jnp.maximum(m, 0.0))
        if j < 4:
            I = jnp.where(I == m, -jnp.inf, I)
    itop_ref[0] = jnp.concatenate(
        irows + [jnp.zeros((3, NGT), jnp.float32)], axis=0)


def _sc_merge(ctop_hbm, itop_hbm, off_hbm, thr_hbm, ct_v, it_v, off_v, thr_v,
              *, R, n_work, n_chunk):
    wid = lax.axis_index("c") * 16 + lax.axis_index("s")
    for step in range(n_chunk // n_work + (1 if n_chunk % n_work else 0)):
        chunk = wid + step * n_work
        @pl.when(chunk < n_chunk)
        def _():
            pltpu.sync_copy(ctop_hbm.at[chunk], ct_v)
            pltpu.sync_copy(itop_hbm.at[chunk], it_v)
            pltpu.sync_copy(off_hbm.at[0], off_v)
            cs = [jnp.full((16,), jnp.inf, jnp.float32) for _ in range(5)]
            is_ = [jnp.full((16,), -jnp.inf, jnp.float32) for _ in range(5)]
            for j in range(R):
                v = ct_v[pl.ds(j * 16, 16)]
                for k in range(5):
                    m = jnp.minimum(cs[k], v)
                    v = jnp.maximum(cs[k], v)
                    cs[k] = m
                w = it_v[pl.ds(j * 16, 16)]
                for k in range(5):
                    m = jnp.maximum(is_[k], w)
                    w = jnp.minimum(is_[k], w)
                    is_[k] = m
            s = jnp.maximum(is_[0], 0.0)
            for k in range(1, 5):
                s = s + jnp.maximum(is_[k], 0.0)
            dk = jnp.clip((s - off_v[...]).astype(jnp.int32), 1, 5)
            thr = jnp.where(dk == 1, cs[0],
                            jnp.where(dk == 2, cs[1],
                                      jnp.where(dk == 3, cs[2],
                                                jnp.where(dk == 4, cs[3],
                                                          cs[4]))))
            thr_v[...] = thr
            pltpu.sync_copy(thr_v, thr_hbm.at[chunk])


def _merge_body(ctop_ref, itop_ref, off_ref, thr_ref, *, R):
    ct = ctop_ref[0]
    it = itop_ref[0]
    off = off_ref[0]

    C = ct
    cv = []
    for j in range(5):
        m = jnp.min(C, axis=0, keepdims=True)
        cv.append(m)
        if j < 4:
            C = jnp.where(C == m, jnp.inf, C)

    I = it
    s = None
    for j in range(5):
        m = jnp.max(I, axis=0, keepdims=True)
        v = jnp.maximum(m, 0.0)
        s = v if s is None else s + v
        if j < 4:
            I = jnp.where(I == m, -jnp.inf, I)

    dk = jnp.clip((s - off).astype(jnp.int32), 1, 5)
    thr = jnp.where(dk == 1, cv[0],
                    jnp.where(dk == 2, cv[1],
                              jnp.where(dk == 3, cv[2],
                                        jnp.where(dk == 4, cv[3], cv[4]))))
    thr_ref[0] = thr


def _pass2_body(cost_ref, thr_ref, fg_ref, m_ref, *, P):
    C = cost_ref[0]
    thr = thr_ref[0]
    col = lax.broadcasted_iota(jnp.int32, (P, NGT), 1)
    colmask = col < 200
    match = (C <= thr) & colmask
    lane = lax.broadcasted_iota(jnp.int32, (NGT, 128), 1)
    rowf = lax.broadcasted_iota(jnp.int32, (NGT, 128), 0).astype(jnp.float32)
    B = jnp.where(lane == 0, 1.0, jnp.where(lane == 1, rowf, 0.0))
    acc = lax.dot_general(match.astype(jnp.float32), B,
                          (((1,), (0,)), ((), ())),
                          preferred_element_type=jnp.float32)
    nmf = acc[:, 0:1]
    sgf = acc[:, 1:2]
    minv = jnp.min(C, axis=1, keepdims=True)
    amin = jnp.min(jnp.where(C == minv, col, BIG_I), axis=1, keepdims=True)
    fg = nmf > 0.0
    matched = jnp.where(nmf > 1.0, amin,
                        jnp.where(nmf == 1.0, sgf.astype(jnp.int32), -1))
    fg_ref[0] = fg.astype(jnp.int32)
    m_ref[0] = matched


def _corners_minmax(boxes):
    signs = jnp.array([[1, 1, 1], [1, 1, -1], [1, -1, 1], [1, -1, -1],
                       [-1, 1, 1], [-1, 1, -1], [-1, -1, 1], [-1, -1, -1]],
                      dtype=jnp.float32) * 0.5
    corners = signs[None, :, :] * boxes[:, None, 3:6]
    ry = boxes[:, 6]
    c, s = jnp.cos(ry)[:, None], jnp.sin(ry)[:, None]
    x = corners[..., 0] * c - corners[..., 1] * s
    y = corners[..., 0] * s + corners[..., 1] * c
    pts = jnp.stack([x, y, corners[..., 2]], axis=-1) + boxes[:, None, 0:3]
    return jnp.min(pts, axis=1), jnp.max(pts, axis=1)


def kernel(pred_logits, pred_boxes, gt_boxes, gt_labels, head_idx):
    bs, n_p, _ = pred_logits.shape
    n_gt = gt_boxes.shape[1]
    P = 2000 if n_p % 2000 == 0 else n_p
    T = n_p // P

    p = jax.nn.sigmoid(pred_logits)
    neg = -jnp.log(1.0 - p + EPS) * (1.0 - ALPHA) * jnp.power(p, GAMMA)
    pos = -jnp.log(p + EPS) * ALPHA * jnp.power(1.0 - p, GAMMA)
    dfocal = (pos - neg) * CLS_WEIGHT
    pdims = jnp.exp(pred_boxes[..., 3:6])
    zero_p = jnp.zeros((bs, n_p, 3), jnp.float32)
    predtab = jnp.concatenate(
        [pred_boxes, pdims, zero_p, dfocal,
         jnp.zeros((bs, n_p, 6), jnp.float32)], axis=-1)

    gb = jnp.pad(gt_boxes, ((0, 0), (0, NGT - n_gt), (0, 0)))
    gbf = gb.reshape(bs * NGT, 7)
    mn, mx = _corners_minmax(gbf)
    mn = mn.reshape(bs, NGT, 3)
    mx = mx.reshape(bs, NGT, 3)
    gc = gb[..., 0:3]
    gd = gb[..., 3:6]
    lo = gc - CENTER_RADIUS * gd
    hi = gc + CENTER_RADIUS * gd
    rot = gb[..., 6:7]
    gnorm = jnp.concatenate(
        [gc, jnp.log(gd), jnp.sin(rot), jnp.cos(rot)], axis=-1)
    bmin = gc - gd * 0.5
    bmax = gc + gd * 0.5
    vb = (gd[..., 0:1] * gd[..., 1:2]) * gd[..., 2:3]
    labf = jnp.pad(gt_labels, ((0, 0), (0, NGT - n_gt))).astype(
        jnp.float32)[..., None]
    gttab = jnp.concatenate(
        [mn, mx, lo, hi, gnorm, bmin, bmax, vb, labf,
         jnp.zeros((bs, NGT, 4), jnp.float32)], axis=-1)
    gttab = gttab.transpose(0, 2, 1)

    off = 0.5 * (NUM_HEADS - head_idx)
    offs = jnp.broadcast_to(
        jnp.asarray(off, jnp.float32).reshape(1, 1, 1), (bs, 1, NGT))

    f32 = jnp.float32
    cost, ctop, itop = pl.pallas_call(
        functools.partial(_pass1_body, P=P),
        grid=(bs, T),
        in_specs=[
            pl.BlockSpec((1, P, 32), lambda b, t: (b, t, 0)),
            pl.BlockSpec((1, 32, NGT), lambda b, t: (b, 0, 0)),
        ],
        out_specs=[
            pl.BlockSpec((1, P, NGT), lambda b, t: (b, t, 0)),
            pl.BlockSpec((1, 8, NGT), lambda b, t: (b, t, 0)),
            pl.BlockSpec((1, 8, NGT), lambda b, t: (b, t, 0)),
        ],
        out_shape=[
            jax.ShapeDtypeStruct((bs, n_p, NGT), f32),
            jax.ShapeDtypeStruct((bs, T * 8, NGT), f32),
            jax.ShapeDtypeStruct((bs, T * 8, NGT), f32),
        ],
        scratch_shapes=[pltpu.VMEM((P, NGT), f32)],
    )(predtab, gttab)

    R = T * 8
    n_chunk = bs * (NGT // 16)
    ctop_r = ctop.reshape(bs, R, NGT // 16, 16).transpose(0, 2, 1, 3)
    ctop_r = ctop_r.reshape(n_chunk, R * 16)
    itop_r = itop.reshape(bs, R, NGT // 16, 16).transpose(0, 2, 1, 3)
    itop_r = itop_r.reshape(n_chunk, R * 16)
    off_r = jnp.broadcast_to(offs[0:1, 0, 0:1], (1, 16))
    mesh = plsc.VectorSubcoreMesh(core_axis_name="c", subcore_axis_name="s")
    sc_fn = pl.kernel(
        functools.partial(_sc_merge, R=R, n_work=32, n_chunk=n_chunk),
        mesh=mesh,
        out_type=jax.ShapeDtypeStruct((n_chunk, 16), f32),
        scratch_types=[
            pltpu.VMEM((R * 16,), f32),
            pltpu.VMEM((R * 16,), f32),
            pltpu.VMEM((16,), f32),
            pltpu.VMEM((16,), f32),
        ],
    )
    thr_flat = sc_fn(ctop_r, itop_r, off_r)
    thr = thr_flat.reshape(bs, 1, NGT)

    fgi, mt = pl.pallas_call(
        functools.partial(_pass2_body, P=P),
        grid=(bs, T),
        in_specs=[
            pl.BlockSpec((1, P, NGT), lambda b, t: (b, t, 0)),
            pl.BlockSpec((1, 1, NGT), lambda b, t: (b, 0, 0)),
        ],
        out_specs=[
            pl.BlockSpec((1, P, 1), lambda b, t: (b, t, 0)),
            pl.BlockSpec((1, P, 1), lambda b, t: (b, t, 0)),
        ],
        out_shape=[
            jax.ShapeDtypeStruct((bs, n_p, 1), jnp.int32),
            jax.ShapeDtypeStruct((bs, n_p, 1), jnp.int32),
        ],
    )(cost, thr)

    return fgi[..., 0] != 0, mt[..., 0]

# --- scband reference (transcript-rebuilt; emitter-appended) ---
"""Pipeline reference for scband-otassigner-srfdet-8710193676395 (READ-ONLY COPY).

The authoritative reference and input builder live on the scoring server;
editing this copy changes nothing except your own understanding.
"""

import jax, jax.numpy as jnp
import numpy as np

CENTER_RADIUS = 1.5
CANDIDATE_TOPK = 5
NUM_HEADS = 6
CLS_WEIGHT = 2.0
REG_WEIGHT = 0.25
IOU_WEIGHT = 0.25
ALPHA = 0.25
GAMMA = 2.0
EPS = 1e-12


def normalize_bbox(b):
    rot = b[:, 6:7]
    return jnp.concatenate([b[:, 0:3], jnp.log(b[:, 3:6]), jnp.sin(rot), jnp.cos(rot)], axis=-1)


def denormalize_bbox(b):
    rot = jnp.arctan2(b[:, 6:7], b[:, 7:8])
    return jnp.concatenate([b[:, 0:3], jnp.exp(b[:, 3:6]), rot], axis=-1)


def boxes3d_to_corners3d(boxes):
    signs = jnp.array([[1, 1, 1], [1, 1, -1], [1, -1, 1], [1, -1, -1],
                       [-1, 1, 1], [-1, 1, -1], [-1, -1, 1], [-1, -1, -1]], dtype=jnp.float32) * 0.5
    corners = signs[None, :, :] * boxes[:, None, 3:6]
    ry = boxes[:, 6]
    c, s = jnp.cos(ry)[:, None], jnp.sin(ry)[:, None]
    x = corners[..., 0] * c - corners[..., 1] * s
    y = corners[..., 0] * s + corners[..., 1] * c
    return jnp.stack([x, y, corners[..., 2]], axis=-1) + boxes[:, None, 0:3]


def iou3d(boxes_a, boxes_b):
    amin = boxes_a[:, 0:3] - boxes_a[:, 3:6] * 0.5
    amax = boxes_a[:, 0:3] + boxes_a[:, 3:6] * 0.5
    bmin = boxes_b[:, 0:3] - boxes_b[:, 3:6] * 0.5
    bmax = boxes_b[:, 0:3] + boxes_b[:, 3:6] * 0.5
    lt = jnp.maximum(amin[:, None, :], bmin[None, :, :])
    rb = jnp.minimum(amax[:, None, :], bmax[None, :, :])
    inter = jnp.prod(jnp.clip(rb - lt, 0.0, None), axis=-1)
    va = jnp.prod(boxes_a[:, 3:6], axis=-1)[:, None]
    vb = jnp.prod(boxes_b[:, 3:6], axis=-1)[None, :]
    return inter / jnp.clip(va + vb - inter, 1e-6, None)


def focal_cls_cost(cls_pred, gt_labels):
    p = jax.nn.sigmoid(cls_pred)
    neg = -jnp.log(1.0 - p + EPS) * (1.0 - ALPHA) * jnp.power(p, GAMMA)
    pos = -jnp.log(p + EPS) * ALPHA * jnp.power(1.0 - p, GAMMA)
    return (pos[:, gt_labels] - neg[:, gt_labels]) * CLS_WEIGHT


def get_in_gt_and_in_center_info(pred_bboxes, gt_bboxes):
    px = pred_bboxes[:, 0:1]
    py = pred_bboxes[:, 1:2]
    pz = pred_bboxes[:, 2:3]
    corners = boxes3d_to_corners3d(gt_bboxes[:, :7])
    mn = jnp.min(corners, axis=1)
    mx = jnp.max(corners, axis=1)
    is_in_boxes = ((px > mn[:, 0][None, :]) & (px < mx[:, 0][None, :]) &
                   (py > mn[:, 1][None, :]) & (py < mx[:, 1][None, :]) &
                   (pz > mn[:, 2][None, :]) & (pz < mx[:, 2][None, :]))
    cr = CENTER_RADIUS
    gx = gt_bboxes[:, 0][None, :]
    gy = gt_bboxes[:, 1][None, :]
    gz = gt_bboxes[:, 2][None, :]
    gw = gt_bboxes[:, 3][None, :]
    gl = gt_bboxes[:, 4][None, :]
    gh = gt_bboxes[:, 5][None, :]
    is_in_centers = ((px > gx - cr * gw) & (px < gx + cr * gw) &
                     (py > gy - cr * gl) & (py < gy + cr * gl) &
                     (pz > gz - cr * gh) & (pz < gz + cr * gh))
    anchor = jnp.any(is_in_boxes, axis=1) | jnp.any(is_in_centers, axis=1)
    return anchor, is_in_boxes & is_in_centers


def cost_matrix_single(pred_bboxes, pred_logits, gt_boxes, gt_labels):
    valid_mask, in_bc = get_in_gt_and_in_center_info(pred_bboxes, gt_boxes)
    cls_cost = focal_cls_cost(pred_logits, gt_labels)
    gt_norm = normalize_bbox(gt_boxes[:, :7])
    reg_cost = jnp.sum(jnp.abs(pred_bboxes[:, None, :8] - gt_norm[None, :, :]), axis=-1) * REG_WEIGHT
    ious = iou3d(denormalize_bbox(pred_bboxes), gt_boxes[:, :7])
    iou_cost = -ious * IOU_WEIGHT
    cost = cls_cost + reg_cost + iou_cost + (~in_bc).astype(jnp.float32) * 100.0
    cost = cost + (~valid_mask).astype(jnp.float32)[:, None] * 10000.0
    return cost, ious


def dynamic_k_matching(cost, ious, head_idx):
    n_p, n_gt = cost.shape
    k = min(CANDIDATE_TOPK, n_p)
    topk_ious, _ = jax.lax.top_k(ious.T, k)
    dynamic_ks = jnp.clip((jnp.sum(topk_ious, axis=1) - 0.5 * (NUM_HEADS - head_idx)).astype(jnp.int32), 1, None)
    order = jnp.argsort(cost, axis=0)
    ranks = jnp.argsort(order, axis=0)
    matching = (ranks < dynamic_ks[None, :]).astype(jnp.float32)
    multi = jnp.sum(matching, axis=1) > 1.0
    onehot = jax.nn.one_hot(jnp.argmin(cost, axis=1), n_gt, dtype=jnp.float32)
    matching = jnp.where(multi[:, None], onehot, matching)
    fg = jnp.sum(matching, axis=1) > 0.0
    matched = jnp.argmax(matching, axis=1)
    return fg, jnp.where(fg, matched, -1)


def setup_inputs(seed: int = 0):
    key = jax.random.key(seed)
    ks = jax.random.split(key, 8)
    bs, n_p, n_cls, n_gt = 2, 20000, 10, 200
    pred_logits = jax.random.normal(ks[0], (bs, n_p, n_cls), dtype=jnp.float32)
    centers = jax.random.normal(ks[1], (bs, n_p, 3), dtype=jnp.float32) * 25.0
    rest = jax.random.normal(ks[2], (bs, n_p, 7), dtype=jnp.float32) * 0.5
    pred_boxes = jnp.concatenate([centers, rest], axis=-1)
    gxy = jax.random.uniform(ks[3], (bs, n_gt, 2), minval=-50.0, maxval=50.0)
    gz = jax.random.uniform(ks[4], (bs, n_gt, 1), minval=-3.0, maxval=1.0)
    gsize = jax.random.uniform(ks[5], (bs, n_gt, 3), minval=0.5, maxval=5.0)
    gyaw = jax.random.uniform(ks[6], (bs, n_gt, 1), minval=-np.pi, maxval=np.pi)
    gt_boxes = jnp.concatenate([gxy, gz, gsize, gyaw], axis=-1).astype(jnp.float32)
    gt_labels = jax.random.randint(ks[7], (bs, n_gt), 0, n_cls)
    return {"pred_logits": pred_logits, "pred_boxes": pred_boxes, "gt_boxes": gt_boxes,
            "gt_labels": gt_labels, "head_idx": 2}


def reference(pred_logits, pred_boxes, gt_boxes, gt_labels, head_idx):
    fg_masks = []
    matched = []
    for i in range(pred_logits.shape[0]):
        cost, ious = cost_matrix_single(pred_boxes[i], pred_logits[i], gt_boxes[i], gt_labels[i])
        fg, m = dynamic_k_matching(cost, ious, head_idx)
        fg_masks.append(fg)
        matched.append(m)
    return jnp.stack(fg_masks), jnp.stack(matched)

if __name__ == "__main__":
    import jax
    _d = setup_inputs()
    print(jax.jit(kernel)(*tuple(_d.values())))

</pallas_src>

<mosaic_0001>
#map = affine_map<(d0, d1) -> (0, 0)>
module attributes {stable_mosaic.version = 14 : i64} {
  func.func @_sc_merge(%arg0: i32, %arg1: i32, %arg2: memref<32x1280xf32, #tpu.memory_space<hbm>>, %arg3: memref<32x1280xf32, #tpu.memory_space<hbm>>, %arg4: memref<1x16xf32, #tpu.memory_space<hbm>>, %arg5: memref<32x16xf32, #tpu.memory_space<hbm>>, %arg6: memref<1280xf32, #tpu.memory_space<vmem>>, %arg7: memref<1280xf32, #tpu.memory_space<vmem>>, %arg8: memref<16xf32, #tpu.memory_space<vmem>>, %arg9: memref<16xf32, #tpu.memory_space<vmem>>) attributes {dimension_semantics = [#tpu.dimension_semantics<core_parallel>, #tpu.dimension_semantics<subcore_parallel>], iteration_bounds = array<i64: 2, 16>, scalar_prefetch = 0 : i64, scratch_operands = 4 : i64, tpu.core_type = #tpu.core_type<sc_vector_subcore>, window_params = [{transform_indices = #map}, {transform_indices = #map}, {transform_indices = #map}, {transform_indices = #map}]} {
    %mul3A = arith.constant 16 : i32
    %mul3A_0 = arith.muli %arg0, %mul3A : i32
    %add3A = arith.addi %mul3A_0, %arg1 : i32
    %add3A_1 = arith.constant 0 : i32
    %add3A_2 = arith.addi %add3A, %add3A_1 : i32
    %lt3A = arith.constant 32 : i32
    %lt3A_3 = arith.cmpi slt, %add3A_2, %lt3A : i32
    %convert_element_type3A = arith.extui %lt3A_3 : i1 to i32
    %cond3A = arith.constant 0 : i32
    %cond3A_4 = arith.cmpi ne, %convert_element_type3A, %cond3A : i32
    scf.if %cond3A_4 {
      "tpu.region"() ({
        %run_scoped3A_2146 = tpu.sem_alloc : memref<!tpu.dma_semaphore, #tpu.memory_space<semaphore_mem>>
        %dma_start3A = arith.constant 0 : i32
        %dma_start3A_2147 = tpu.memref_slice %arg2[%add3A_2, %dma_start3A] : memref<32x1280xf32, #tpu.memory_space<hbm>> -> memref<1x1280xf32, #tpu.memory_space<hbm>>
        %dma_start3A_2148 = tpu.memref_squeeze %dma_start3A_2147 : memref<1x1280xf32, #tpu.memory_space<hbm>> -> memref<1280xf32, #tpu.memory_space<hbm>>
        %dma_start3A_2149 = arith.constant 0 : i32
        %dma_start3A_2150 = tpu.memref_slice %arg2[%add3A_2, %dma_start3A_2149] : memref<32x1280xf32, #tpu.memory_space<hbm>> -> memref<1x1280xf32, #tpu.memory_space<hbm>>
        %dma_start3A_2151 = tpu.memref_squeeze %dma_start3A_2150 : memref<1x1280xf32, #tpu.memory_space<hbm>> -> memref<1280xf32, #tpu.memory_space<hbm>>
        tpu.enqueue_dma source(%dma_start3A_2151 : memref<1280xf32, #tpu.memory_space<hbm>>) target(%arg6 : memref<1280xf32, #tpu.memory_space<vmem>>) target_semaphore(%run_scoped3A_2146 : memref<!tpu.dma_semaphore, #tpu.memory_space<semaphore_mem>>)
        %dma_wait3A = arith.constant 0 : i32
        %dma_wait3A_2152 = tpu.memref_slice %arg2[%add3A_2, %dma_wait3A] : memref<32x1280xf32, #tpu.memory_space<hbm>> -> memref<1x1280xf32, #tpu.memory_space<hbm>>
        %dma_wait3A_2153 = tpu.memref_squeeze %dma_wait3A_2152 : memref<1x1280xf32, #tpu.memory_space<hbm>> -> memref<1280xf32, #tpu.memory_space<hbm>>
        %dma_wait3A_2154 = arith.constant 0 : i32
        %dma_wait3A_2155 = tpu.memref_slice %arg2[%add3A_2, %dma_wait3A_2154] : memref<32x1280xf32, #tpu.memory_space<hbm>> -> memref<1x1280xf32, #tpu.memory_space<hbm>>
        %dma_wait3A_2156 = tpu.memref_squeeze %dma_wait3A_2155 : memref<1x1280xf32, #tpu.memory_space<hbm>> -> memref<1280xf32, #tpu.memory_space<hbm>>
        tpu.wait_dma2 semaphore(%run_scoped3A_2146 : memref<!tpu.dma_semaphore, #tpu.memory_space<semaphore_mem>>) src(%dma_wait3A_2156 : memref<1280xf32, #tpu.memory_space<hbm>>) dst(%arg6 : memref<1280xf32, #tpu.memory_space<vmem>>)
        tpu.yield
      }) : () -> ()
      "tpu.region"() ({
        %run_scoped3A_2146 = tpu.sem_alloc : memref<!tpu.dma_semaphore, #tpu.memory_space<semaphore_mem>>
        %dma_start3A = arith.constant 0 : i32
        %dma_start3A_2147 = tpu.memref_slice %arg3[%add3A_2, %dma_start3A] : memref<32x1280xf32, #tpu.memory_space<hbm>> -> memref<1x1280xf32, #tpu.memory_space<hbm>>
        %dma_start3A_2148 = tpu.memref_squeeze %dma_start3A_2147 : memref<1x1280xf32, #tpu.memory_space<hbm>> -> memref<1280xf32, #tpu.memory_space<hbm>>
        %dma_start3A_2149 = arith.constant 0 : i32
        %dma_start3A_2150 = tpu.memref_slice %arg3[%add3A_2, %dma_start3A_2149] : memref<32x1280xf32, #tpu.memory_space<hbm>> -> memref<1x1280xf32, #tpu.memory_space<hbm>>
        %dma_start3A_2151 = tpu.memref_squeeze %dma_start3A_2150 : memref<1x1280xf32, #tpu.memory_space<hbm>> -> memref<1280xf32, #tpu.memory_space<hbm>>
        tpu.enqueue_dma source(%dma_start3A_2151 : memref<1280xf32, #tpu.memory_space<hbm>>) target(%arg7 : memref<1280xf32, #tpu.memory_space<vmem>>) target_semaphore(%run_scoped3A_2146 : memref<!tpu.dma_semaphore, #tpu.memory_space<semaphore_mem>>)
        %dma_wait3A = arith.constant 0 : i32
        %dma_wait3A_2152 = tpu.memref_slice %arg3[%add3A_2, %dma_wait3A] : memref<32x1280xf32, #tpu.memory_space<hbm>> -> memref<1x1280xf32, #tpu.memory_space<hbm>>
        %dma_wait3A_2153 = tpu.memref_squeeze %dma_wait3A_2152 : memref<1x1280xf32, #tpu.memory_space<hbm>> -> memref<1280xf32, #tpu.memory_space<hbm>>
        %dma_wait3A_2154 = arith.constant 0 : i32
        %dma_wait3A_2155 = tpu.memref_slice %arg3[%add3A_2, %dma_wait3A_2154] : memref<32x1280xf32, #tpu.memory_space<hbm>> -> memref<1x1280xf32, #tpu.memory_space<hbm>>
        %dma_wait3A_2156 = tpu.memref_squeeze %dma_wait3A_2155 : memref<1x1280xf32, #tpu.memory_space<hbm>> -> memref<1280xf32, #tpu.memory_space<hbm>>
        tpu.wait_dma2 semaphore(%run_scoped3A_2146 : memref<!tpu.dma_semaphore, #tpu.memory_space<semaphore_mem>>) src(%dma_wait3A_2156 : memref<1280xf32, #tpu.memory_space<hbm>>) dst(%arg7 : memref<1280xf32, #tpu.memory_space<vmem>>)
        tpu.yield
      }) : () -> ()
      %run_scoped3A = arith.constant 0 : i32
      "tpu.region"() ({
        %run_scoped3A_2146 = tpu.sem_alloc : memref<!tpu.dma_semaphore, #tpu.memory_space<semaphore_mem>>
        %dma_start3A = arith.constant 0 : i32
        %dma_start3A_2147 = tpu.memref_slice %arg4[%run_scoped3A, %dma_start3A] : memref<1x16xf32, #tpu.memory_space<hbm>> -> memref<1x16xf32, #tpu.memory_space<hbm>>
        %dma_start3A_2148 = tpu.memref_squeeze %dma_start3A_2147 : memref<1x16xf32, #tpu.memory_space<hbm>> -> memref<16xf32, #tpu.memory_space<hbm>>
        %dma_start3A_2149 = arith.constant 0 : i32
        %dma_start3A_2150 = tpu.memref_slice %arg4[%run_scoped3A, %dma_start3A_2149] : memref<1x16xf32, #tpu.memory_space<hbm>> -> memref<1x16xf32, #tpu.memory_space<hbm>>
        %dma_start3A_2151 = tpu.memref_squeeze %dma_start3A_2150 : memref<1x16xf32, #tpu.memory_space<hbm>> -> memref<16xf32, #tpu.memory_space<hbm>>
        tpu.enqueue_dma source(%dma_start3A_2151 : memref<16xf32, #tpu.memory_space<hbm>>) target(%arg8 : memref<16xf32, #tpu.memory_space<vmem>>) target_semaphore(%run_scoped3A_2146 : memref<!tpu.dma_semaphore, #tpu.memory_space<semaphore_mem>>)
        %dma_wait3A = arith.constant 0 : i32
        %dma_wait3A_2152 = tpu.memref_slice %arg4[%run_scoped3A, %dma_wait3A] : memref<1x16xf32, #tpu.memory_space<hbm>> -> memref<1x16xf32, #tpu.memory_space<hbm>>
        %dma_wait3A_2153 = tpu.memref_squeeze %dma_wait3A_2152 : memref<1x16xf32, #tpu.memory_space<hbm>> -> memref<16xf32, #tpu.memory_space<hbm>>
        %dma_wait3A_2154 = arith.constant 0 : i32
        %dma_wait3A_2155 = tpu.memref_slice %arg4[%run_scoped3A, %dma_wait3A_2154] : memref<1x16xf32, #tpu.memory_space<hbm>> -> memref<1x16xf32, #tpu.memory_space<hbm>>
        %dma_wait3A_2156 = tpu.memref_squeeze %dma_wait3A_2155 : memref<1x16xf32, #tpu.memory_space<hbm>> -> memref<16xf32, #tpu.memory_space<hbm>>
        tpu.wait_dma2 semaphore(%run_scoped3A_2146 : memref<!tpu.dma_semaphore, #tpu.memory_space<semaphore_mem>>) src(%dma_wait3A_2156 : memref<16xf32, #tpu.memory_space<hbm>>) dst(%arg8 : memref<16xf32, #tpu.memory_space<vmem>>)
        tpu.yield
      }) : () -> ()
      %broadcast_in_dim3A = arith.constant 0x7F800000 : f32
      %broadcast_in_dim3A_5 = vector.broadcast %broadcast_in_dim3A : f32 to vector<16xf32>
      %broadcast_in_dim3A_6 = arith.constant 0x7F800000 : f32
      %broadcast_in_dim3A_7 = vector.broadcast %broadcast_in_dim3A_6 : f32 to vector<16xf32>
      %broadcast_in_dim3A_8 = arith.constant 0x7F800000 : f32
      %broadcast_in_dim3A_9 = vector.broadcast %broadcast_in_dim3A_8 : f32 to vector<16xf32>
      %broadcast_in_dim3A_10 = arith.constant 0x7F800000 : f32
      %broadcast_in_dim3A_11 = vector.broadcast %broadcast_in_dim3A_10 : f32 to vector<16xf32>
      %broadcast_in_dim3A_12 = arith.constant 0x7F800000 : f32
      %broadcast_in_dim3A_13 = vector.broadcast %broadcast_in_dim3A_12 : f32 to vector<16xf32>
      %broadcast_in_dim3A_14 = arith.constant 0xFF800000 : f32
      %broadcast_in_dim3A_15 = vector.broadcast %broadcast_in_dim3A_14 : f32 to vector<16xf32>
      %broadcast_in_dim3A_16 = arith.constant 0xFF800000 : f32
      %broadcast_in_dim3A_17 = vector.broadcast %broadcast_in_dim3A_16 : f32 to vector<16xf32>
      %broadcast_in_dim3A_18 = arith.constant 0xFF800000 : f32
      %broadcast_in_dim3A_19 = vector.broadcast %broadcast_in_dim3A_18 : f32 to vector<16xf32>
      %broadcast_in_dim3A_20 = arith.constant 0xFF800000 : f32
      %broadcast_in_dim3A_21 = vector.broadcast %broadcast_in_dim3A_20 : f32 to vector<16xf32>
      %broadcast_in_dim3A_22 = arith.constant 0xFF800000 : f32
      %broadcast_in_dim3A_23 = vector.broadcast %broadcast_in_dim3A_22 : f32 to vector<16xf32>
      %get3A = arith.constant 0 : index
      %get3A_24 = tpu.vector_load %arg6[%get3A] {strides = array<i32>} : memref<1280xf32, #tpu.memory_space<vmem>>, vector<16xf32>,
      %get3A_25 = vector.shape_cast %get3A_24 : vector<16xf32> to vector<16xf32>
      %min3A = arith.minimumf %broadcast_in_dim3A_5, %get3A_25 : vector<16xf32>
      %max3A = arith.maximumf %broadcast_in_dim3A_5, %get3A_25 : vector<16xf32>
      %min3A_26 = arith.minimumf %broadcast_in_dim3A_7, %max3A : vector<16xf32>
      %max3A_27 = arith.maximumf %broadcast_in_dim3A_7, %max3A : vector<16xf32>
      %min3A_28 = arith.minimumf %broadcast_in_dim3A_9, %max3A_27 : vector<16xf32>
      %max3A_29 = arith.maximumf %broadcast_in_dim3A_9, %max3A_27 : vector<16xf32>
      %min3A_30 = arith.minimumf %broadcast_in_dim3A_11, %max3A_29 : vector<16xf32>
      %max3A_31 = arith.maximumf %broadcast_in_dim3A_11, %max3A_29 : vector<16xf32>
      %min3A_32 = arith.minimumf %broadcast_in_dim3A_13, %max3A_31 : vector<16xf32>
      %max3A_33 = arith.maximumf %broadcast_in_dim3A_13, %max3A_31 : vector<16xf32>
      %get3A_34 = arith.constant 0 : index
      %get3A_35 = tpu.vector_load %arg7[%get3A_34] {strides = array<i32>} : memref<1280xf32, #tpu.memory_space<vmem>>, vector<16xf32>,
      %get3A_36 = vector.shape_cast %get3A_35 : vector<16xf32> to vector<16xf32>
      %max3A_37 = arith.maximumf %broadcast_in_dim3A_15, %get3A_36 : vector<16xf32>
      %min3A_38 = arith.minimumf %broadcast_in_dim3A_15, %get3A_36 : vector<16xf32>
      %max3A_39 = arith.maximumf %broadcast_in_dim3A_17, %min3A_38 : vector<16xf32>
      %min3A_40 = arith.minimumf %broadcast_in_dim3A_17, %min3A_38 : vector<16xf32>
      %max3A_41 = arith.maximumf %broadcast_in_dim3A_19, %min3A_40 : vector<16xf32>
      %min3A_42 = arith.minimumf %broadcast_in_dim3A_19, %min3A_40 : vector<16xf32>
      %max3A_43 = arith.maximumf %broadcast_in_dim3A_21, %min3A_42 : vector<16xf32>
      %min3A_44 = arith.minimumf %broadcast_in_dim3A_21, %min3A_42 : vector<16xf32>
      %max3A_45 = arith.maximumf %broadcast_in_dim3A_23, %min3A_44 : vector<16xf32>
      %min3A_46 = arith.minimumf %broadcast_in_dim3A_23, %min3A_44 : vector<16xf32>
      %get3A_47 = arith.constant 16 : index
      %get3A_48 = tpu.vector_load %arg6[%get3A_47] {strides = array<i32>} : memref<1280xf32, #tpu.memory_space<vmem>>, vector<16xf32>,
      %get3A_49 = vector.shape_cast %get3A_48 : vector<16xf32> to vector<16xf32>
      %min3A_50 = arith.minimumf %min3A, %get3A_49 : vector<16xf32>
      %max3A_51 = arith.maximumf %min3A, %get3A_49 : vector<16xf32>
      %min3A_52 = arith.minimumf %min3A_26, %max3A_51 : vector<16xf32>
      %max3A_53 = arith.maximumf %min3A_26, %max3A_51 : vector<16xf32>
      %min3A_54 = arith.minimumf %min3A_28, %max3A_53 : vector<16xf32>
      %max3A_55 = arith.maximumf %min3A_28, %max3A_53 : vector<16xf32>
      %min3A_56 = arith.minimumf %min3A_30, %max3A_55 : vector<16xf32>
      %max3A_57 = arith.maximumf %min3A_30, %max3A_55 : vector<16xf32>
      %min3A_58 = arith.minimumf %min3A_32, %max3A_57 : vector<16xf32>
      %max3A_59 = arith.maximumf %min3A_32, %max3A_57 : vector<16xf32>
      %get3A_60 = arith.constant 16 : index
      %get3A_61 = tpu.vector_load %arg7[%get3A_60] {strides = array<i32>} : memref<1280xf32, #tpu.memory_space<vmem>>, vector<16xf32>,
      %get3A_62 = vector.shape_cast %get3A_61 : vector<16xf32> to vector<16xf32>
      %max3A_63 = arith.maximumf %max3A_37, %get3A_62 : vector<16xf32>
      %min3A_64 = arith.minimumf %max3A_37, %get3A_62 : vector<16xf32>
      %max3A_65 = arith.maximumf %max3A_39, %min3A_64 : vector<16xf32>
      %min3A_66 = arith.minimumf %max3A_39, %min3A_64 : vector<16xf32>
      %max3A_67 = arith.maximumf %max3A_41, %min3A_66 : vector<16xf32>
      %min3A_68 = arith.minimumf %max3A_41, %min3A_66 : vector<16xf32>
      %max3A_69 = arith.maximumf %max3A_43, %min3A_68 : vector<16xf32>
      %min3A_70 = arith.minimumf %max3A_43, %min3A_68 : vector<16xf32>
      %max3A_71 = arith.maximumf %max3A_45, %min3A_70 : vector<16xf32>
      %min3A_72 = arith.minimumf %max3A_45, %min3A_70 : vector<16xf32>
      %get3A_73 = arith.constant 32 : index
      %get3A_74 = tpu.vector_load %arg6[%get3A_73] {strides = array<i32>} : memref<1280xf32, #tpu.memory_space<vmem>>, vector<16xf32>,
      %get3A_75 = vector.shape_cast %get3A_74 : vector<16xf32> to vector<16xf32>
      %min3A_76 = arith.minimumf %min3A_50, %get3A_75 : vector<16xf32>
      %max3A_77 = arith.maximumf %min3A_50, %get3A_75 : vector<16xf32>
      %min3A_78 = arith.minimumf %min3A_52, %max3A_77 : vector<16xf32>
      %max3A_79 = arith.maximumf %min3A_52, %max3A_77 : vector<16xf32>
      %min3A_80 = arith.minimumf %min3A_54, %max3A_79 : vector<16xf32>
      %max3A_81 = arith.maximumf %min3A_54, %max3A_79 : vector<16xf32>
      %min3A_82 = arith.minimumf %min3A_56, %max3A_81 : vector<16xf32>
      %max3A_83 = arith.maximumf %min3A_56, %max3A_81 : vector<16xf32>
      %min3A_84 = arith.minimumf %min3A_58, %max3A_83 : vector<16xf32>
      %max3A_85 = arith.maximumf %min3A_58, %max3A_83 : vector<16xf32>
      %get3A_86 = arith.constant 32 : index
      %get3A_87 = tpu.vector_load %arg7[%get3A_86] {strides = array<i32>} : memref<1280xf32, #tpu.memory_space<vmem>>, vector<16xf32>,
      %get3A_88 = vector.shape_cast %get3A_87 : vector<16xf32> to vector<16xf32>
      %max3A_89 = arith.maximumf %max3A_63, %get3A_88 : vector<16xf32>
      %min3A_90 = arith.minimumf %max3A_63, %get3A_88 : vector<16xf32>
      %max3A_91 = arith.maximumf %max3A_65, %min3A_90 : vector<16xf32>
      %min3A_92 = arith.minimumf %max3A_65, %min3A_90 : vector<16xf32>
      %max3A_93 = arith.maximumf %max3A_67, %min3A_92 : vector<16xf32>
      %min3A_94 = arith.minimumf %max3A_67, %min3A_92 : vector<16xf32>
      %max3A_95 = arith.maximumf %max3A_69, %min3A_94 : vector<16xf32>
      %min3A_96 = arith.minimumf %max3A_69, %min3A_94 : vector<16xf32>
      %max3A_97 = arith.maximumf %max3A_71, %min3A_96 : vector<16xf32>
      %min3A_98 = arith.minimumf %max3A_71, %min3A_96 : vector<16xf32>
      %get3A_99 = arith.constant 48 : index
      %get3A_100 = tpu.vector_load %arg6[%get3A_99] {strides = array<i32>} : memref<1280xf32, #tpu.memory_space<vmem>>, vector<16xf32>,
      %get3A_101 = vector.shape_cast %get3A_100 : vector<16xf32> to vector<16xf32>
      %min3A_102 = arith.minimumf %min3A_76, %get3A_101 : vector<16xf32>
      %max3A_103 = arith.maximumf %min3A_76, %get3A_101 : vector<16xf32>
      %min3A_104 = arith.minimumf %min3A_78, %max3A_103 : vector<16xf32>
      %max3A_105 = arith.maximumf %min3A_78, %max3A_103 : vector<16xf32>
      %min3A_106 = arith.minimumf %min3A_80, %max3A_105 : vector<16xf32>
      %max3A_107 = arith.maximumf %min3A_80, %max3A_105 : vector<16xf32>
      %min3A_108 = arith.minimumf %min3A_82, %max3A_107 : vector<16xf32>
      %max3A_109 = arith.maximumf %min3A_82, %max3A_107 : vector<16xf32>
      %min3A_110 = arith.minimumf %min3A_84, %max3A_109 : vector<16xf32>
      %max3A_111 = arith.maximumf %min3A_84, %max3A_109 : vector<16xf32>
      %get3A_112 = arith.constant 48 : index
      %get3A_113 = tpu.vector_load %arg7[%get3A_112] {strides = array<i32>} : memref<1280xf32, #tpu.memory_space<vmem>>, vector<16xf32>,
      %get3A_114 = vector.shape_cast %get3A_113 : vector<16xf32> to vector<16xf32>
      %max3A_115 = arith.maximumf %max3A_89, %get3A_114 : vector<16xf32>
      %min3A_116 = arith.minimumf %max3A_89, %get3A_114 : vector<16xf32>
      %max3A_117 = arith.maximumf %max3A_91, %min3A_116 : vector<16xf32>
      %min3A_118 = arith.minimumf %max3A_91, %min3A_116 : vector<16xf32>
      %max3A_119 = arith.maximumf %max3A_93, %min3A_118 : vector<16xf32>
      %min3A_120 = arith.minimumf %max3A_93, %min3A_118 : vector<16xf32>
      %max3A_121 = arith.maximumf %max3A_95, %min3A_120 : vector<16xf32>
      %min3A_122 = arith.minimumf %max3A_95, %min3A_120 : vector<16xf32>
      %max3A_123 = arith.maximumf %max3A_97, %min3A_122 : vector<16xf32>
      %min3A_124 = arith.minimumf %max3A_97, %min3A_122 : vector<16xf32>
      %get3A_125 = arith.constant 64 : index
      %get3A_126 = tpu.vector_load %arg6[%get3A_125] {strides = array<i32>} : memref<1280xf32, #tpu.memory_space<vmem>>, vector<16xf32>,
      %get3A_127 = vector.shape_cast %get3A_126 : vector<16xf32> to vector<16xf32>
      %min3A_128 = arith.minimumf %min3A_102, %get3A_127 : vector<16xf32>
      %max3A_129 = arith.maximumf %min3A_102, %get3A_127 : vector<16xf32>
      %min3A_130 = arith.minimumf %min3A_104, %max3A_129 : vector<16xf32>
      %max3A_131 = arith.maximumf %min3A_104, %max3A_129 : vector<16xf32>
      %min3A_132 = arith.minimumf %min3A_106, %max3A_131 : vector<16xf32>
      %max3A_133 = arith.maximumf %min3A_106, %max3A_131 : vector<16xf32>
      %min3A_134 = arith.minimumf %min3A_108, %max3A_133 : vector<16xf32>
      %max3A_135 = arith.maximumf %min3A_108, %max3A_133 : vector<16xf32>
      %min3A_136 = arith.minimumf %min3A_110, %max3A_135 : vector<16xf32>
      %max3A_137 = arith.maximumf %min3A_110, %max3A_135 : vector<16xf32>
      %get3A_138 = arith.constant 64 : index
      %get3A_139 = tpu.vector_load %arg7[%get3A_138] {strides = array<i32>} : memref<1280xf32, #tpu.memory_space<vmem>>, vector<16xf32>,
      %get3A_140 = vector.shape_cast %get3A_139 : vector<16xf32> to vector<16xf32>
      %max3A_141 = arith.maximumf %max3A_115, %get3A_140 : vector<16xf32>
      %min3A_142 = arith.minimumf %max3A_115, %get3A_140 : vector<16xf32>
      %max3A_143 = arith.maximumf %max3A_117, %min3A_142 : vector<16xf32>
      %min3A_144 = arith.minimumf %max3A_117, %min3A_142 : vector<16xf32>
      %max3A_145 = arith.maximumf %max3A_119, %min3A_144 : vector<16xf32>
      %min3A_146 = arith.minimumf %max3A_119, %min3A_144 : vector<16xf32>
      %max3A_147 = arith.maximumf %max3A_121, %min3A_146 : vector<16xf32>
      %min3A_148 = arith.minimumf %max3A_121, %min3A_146 : vector<16xf32>
      %max3A_149 = arith.maximumf %max3A_123, %min3A_148 : vector<16xf32>
      %min3A_150 = arith.minimumf %max3A_123, %min3A_148 : vector<16xf32>
      %get3A_151 = arith.constant 80 : index
      %get3A_152 = tpu.vector_load %arg6[%get3A_151] {strides = array<i32>} : memref<1280xf32, #tpu.memory_space<vmem>>, vector<16xf32>,
      %get3A_153 = vector.shape_cast %get3A_152 : vector<16xf32> to vector<16xf32>
      %min3A_154 = arith.minimumf %min3A_128, %get3A_153 : vector<16xf32>
      %max3A_155 = arith.maximumf %min3A_128, %get3A_153 : vector<16xf32>
      %min3A_156 = arith.minimumf %min3A_130, %max3A_155 : vector<16xf32>
      %max3A_157 = arith.maximumf %min3A_130, %max3A_155 : vector<16xf32>
      %min3A_158 = arith.minimumf %min3A_132, %max3A_157 : vector<16xf32>
      %max3A_159 = arith.maximumf %min3A_132, %max3A_157 : vector<16xf32>
      %min3A_160 = arith.minimumf %min3A_134, %max3A_159 : vector<16xf32>
      %max3A_161 = arith.maximumf %min3A_134, %max3A_159 : vector<16xf32>
      %min3A_162 = arith.minimumf %min3A_136, %max3A_161 : vector<16xf32>
      %max3A_163 = arith.maximumf %min3A_136, %max3A_161 : vector<16xf32>
      %get3A_164 = arith.constant 80 : index
      %get3A_165 = tpu.vector_load %arg7[%get3A_164] {strides = array<i32>} : memref<1280xf32, #tpu.memory_space<vmem>>, vector<16xf32>,
      %get3A_166 = vector.shape_cast %get3A_165 : vector<16xf32> to vector<16xf32>
      %max3A_167 = arith.maximumf %max3A_141, %get3A_166 : vector<16xf32>
      %min3A_168 = arith.minimumf %max3A_141, %get3A_166 : vector<16xf32>
      %max3A_169 = arith.maximumf %max3A_143, %min3A_168 : vector<16xf32>
      %min3A_170 = arith.minimumf %max3A_143, %min3A_168 : vector<16xf32>
      %max3A_171 = arith.maximumf %max3A_145, %min3A_170 : vector<16xf32>
      %min3A_172 = arith.minimumf %max3A_145, %min3A_170 : vector<16xf32>
      %max3A_173 = arith.maximumf %max3A_147, %min3A_172 : vector<16xf32>
      %min3A_174 = arith.minimumf %max3A_147, %min3A_172 : vector<16xf32>
      %max3A_175 = arith.maximumf %max3A_149, %min3A_174 : vector<16xf32>
      %min3A_176 = arith.minimumf %max3A_149, %min3A_174 : vector<16xf32>
      %get3A_177 = arith.constant 96 : index
      %get3A_178 = tpu.vector_load %arg6[%get3A_177] {strides = array<i32>} : memref<1280xf32, #tpu.memory_space<vmem>>, vector<16xf32>,
      %get3A_179 = vector.shape_cast %get3A_178 : vector<16xf32> to vector<16xf32>
      %min3A_180 = arith.minimumf %min3A_154, %get3A_179 : vector<16xf32>
      %max3A_181 = arith.maximumf %min3A_154, %get3A_179 : vector<16xf32>
      %min3A_182 = arith.minimumf %min3A_156, %max3A_181 : vector<16xf32>
      %max3A_183 = arith.maximumf %min3A_156, %max3A_181 : vector<16xf32>
      %min3A_184 = arith.minimumf %min3A_158, %max3A_183 : vector<16xf32>
      %max3A_185 = arith.maximumf %min3A_158, %max3A_183 : vector<16xf32>
      %min3A_186 = arith.minimumf %min3A_160, %max3A_185 : vector<16xf32>
      %max3A_187 = arith.maximumf %min3A_160, %max3A_185 : vector<16xf32>
      %min3A_188 = arith.minimumf %min3A_162, %max3A_187 : vector<16xf32>
      %max3A_189 = arith.maximumf %min3A_162, %max3A_187 : vector<16xf32>
      %get3A_190 = arith.constant 96 : index
      %get3A_191 = tpu.vector_load %arg7[%get3A_190] {strides = array<i32>} : memref<1280xf32, #tpu.memory_space<vmem>>, vector<16xf32>,
      %get3A_192 = vector.shape_cast %get3A_191 : vector<16xf32> to vector<16xf32>
      %max3A_193 = arith.maximumf %max3A_167, %get3A_192 : vector<16xf32>
      %min3A_194 = arith.minimumf %max3A_167, %get3A_192 : vector<16xf32>
      %max3A_195 = arith.maximumf %max3A_169, %min3A_194 : vector<16xf32>
      %min3A_196 = arith.minimumf %max3A_169, %min3A_194 : vector<16xf32>
      %max3A_197 = arith.maximumf %max3A_171, %min3A_196 : vector<16xf32>
      %min3A_198 = arith.minimumf %max3A_171, %min3A_196 : vector<16xf32>
      %max3A_199 = arith.maximumf %max3A_173, %min3A_198 : vector<16xf32>
      %min3A_200 = arith.minimumf %max3A_173, %min3A_198 : vector<16xf32>
      %max3A_201 = arith.maximumf %max3A_175, %min3A_200 : vector<16xf32>
      %min3A_202 = arith.minimumf %max3A_175, %min3A_200 : vector<16xf32>
      %get3A_203 = arith.constant 112 : index
      %get3A_204 = tpu.vector_load %arg6[%get3A_203] {strides = array<i32>} : memref<1280xf32, #tpu.memory_space<vmem>>, vector<16xf32>,
      %get3A_205 = vector.shape_cast %get3A_204 : vector<16xf32> to vector<16xf32>
      %min3A_206 = arith.minimumf %min3A_180, %get3A_205 : vector<16xf32>
      %max3A_207 = arith.maximumf %min3A_180, %get3A_205 : vector<16xf32>
      %min3A_208 = arith.minimumf %min3A_182, %max3A_207 : vector<16xf32>
      %max3A_209 = arith.maximumf %min3A_182, %max3A_207 : vector<16xf32>
      %min3A_210 = arith.minimumf %min3A_184, %max3A_209 : vector<16xf32>
      %max3A_211 = arith.maximumf %min3A_184, %max3A_209 : vector<16xf32>
      %min3A_212 = arith.minimumf %min3A_186, %max3A_211 : vector<16xf32>
      %max3A_213 = arith.maximumf %min3A_186, %max3A_211 : vector<16xf32>
      %min3A_214 = arith.minimumf %min3A_188, %max3A_213 : vector<16xf32>
      %max3A_215 = arith.maximumf %min3A_188, %max3A_213 : vector<16xf32>
      %get3A_216 = arith.constant 112 : index
      %get3A_217 = tpu.vector_load %arg7[%get3A_216] {strides = array<i32>} : memref<1280xf32, #tpu.memory_space<vmem>>, vector<16xf32>,
      %get3A_218 = vector.shape_cast %get3A_217 : vector<16xf32> to vector<16xf32>
      %max3A_219 = arith.maximumf %max3A_193, %get3A_218 : vector<16xf32>
      %min3A_220 = arith.minimumf %max3A_193, %get3A_218 : vector<16xf32>
      %max3A_221 = arith.maximumf %max3A_195, %min3A_220 : vector<16xf32>
      %min3A_222 = arith.minimumf %max3A_195, %min3A_220 : vector<16xf32>
      %max3A_223 = arith.maximumf %max3A_197, %min3A_222 : vector<16xf32>
      %min3A_224 = arith.minimumf %max3A_197, %min3A_222 : vector<16xf32>
      %max3A_225 = arith.maximumf %max3A_199, %min3A_224 : vector<16xf32>
      %min3A_226 = arith.minimumf %max3A_199, %min3A_224 : vector<16xf32>
      %max3A_227 = arith.maximumf %max3A_201, %min3A_226 : vector<16xf32>
      %min3A_228 = arith.minimumf %max3A_201, %min3A_226 : vector<16xf32>
      %get3A_229 = arith.constant 128 : index
      %get3A_230 = tpu.vector_load %arg6[%get3A_229] {strides = array<i32>} : memref<1280xf32, #tpu.memory_space<vmem>>, vector<16xf32>,
      %get3A_231 = vector.shape_cast %get3A_230 : vector<16xf32> to vector<16xf32>
      %min3A_232 = arith.minimumf %min3A_206, %get3A_231 : vector<16xf32>
      %max3A_233 = arith.maximumf %min3A_206, %get3A_231 : vector<16xf32>
      %min3A_234 = arith.minimumf %min3A_208, %max3A_233 : vector<16xf32>
      %max3A_235 = arith.maximumf %min3A_208, %max3A_233 : vector<16xf32>
      %min3A_236 = arith.minimumf %min3A_210, %max3A_235 : vector<16xf32>
      %max3A_237 = arith.maximumf %min3A_210, %max3A_235 : vector<16xf32>
      %min3A_238 = arith.minimumf %min3A_212, %max3A_237 : vector<16xf32>
      %max3A_239 = arith.maximumf %min3A_212, %max3A_237 : vector<16xf32>
      %min3A_240 = arith.minimumf %min3A_214, %max3A_239 : vector<16xf32>
      %max3A_241 = arith.maximumf %min3A_214, %max3A_239 : vector<16xf32>
      %get3A_242 = arith.constant 128 : index
      %get3A_243 = tpu.vector_load %arg7[%get3A_242] {strides = array<i32>} : memref<1280xf32, #tpu.memory_space<vmem>>, vector<16xf32>,
      %get3A_244 = vector.shape_cast %get3A_243 : vector<16xf32> to vector<16xf32>
      %max3A_245 = arith.maximumf %max3A_219, %get3A_244 : vector<16xf32>
      %min3A_246 = arith.minimumf %max3A_219, %get3A_244 : vector<16xf32>
      %max3A_247 = arith.maximumf %max3A_221, %min3A_246 : vector<16xf32>
      %min3A_248 = arith.minimumf %max3A_221, %min3A_246 : vector<16xf32>
      %max3A_249 = arith.maximumf %max3A_223, %min3A_248 : vector<16xf32>
      %min3A_250 = arith.minimumf %max3A_223, %min3A_248 : vector<16xf32>
      %max3A_251 = arith.maximumf %max3A_225, %min3A_250 : vector<16xf32>
      %min3A_252 = arith.minimumf %max3A_225, %min3A_250 : vector<16xf32>
      %max3A_253 = arith.maximumf %max3A_227, %min3A_252 : vector<16xf32>
      %min3A_254 = arith.minimumf %max3A_227, %min3A_252 : vector<16xf32>
      %get3A_255 = arith.constant 144 : index
      %get3A_256 = tpu.vector_load %arg6[%get3A_255] {strides = array<i32>} : memref<1280xf32, #tpu.memory_space<vmem>>, vector<16xf32>,
      %get3A_257 = vector.shape_cast %get3A_256 : vector<16xf32> to vector<16xf32>
      %min3A_258 = arith.minimumf %min3A_232, %get3A_257 : vector<16xf32>
      %max3A_259 = arith.maximumf %min3A_232, %get3A_257 : vector<16xf32>
      %min3A_260 = arith.minimumf %min3A_234, %max3A_259 : vector<16xf32>
      %max3A_261 = arith.maximumf %min3A_234, %max3A_259 : vector<16xf32>
      %min3A_262 = arith.minimumf %min3A_236, %max3A_261 : vector<16xf32>
      %max3A_263 = arith.maximumf %min3A_236, %max3A_261 : vector<16xf32>
      %min3A_264 = arith.minimumf %min3A_238, %max3A_263 : vector<16xf32>
      %max3A_265 = arith.maximumf %min3A_238, %max3A_263 : vector<16xf32>
      %min3A_266 = arith.minimumf %min3A_240, %max3A_265 : vector<16xf32>
      %max3A_267 = arith.maximumf %min3A_240, %max3A_265 : vector<16xf32>
      %get3A_268 = arith.constant 144 : index
      %get3A_269 = tpu.vector_load %arg7[%get3A_268] {strides = array<i32>} : memref<1280xf32, #tpu.memory_space<vmem>>, vector<16xf32>,
      %get3A_270 = vector.shape_cast %get3A_269 : vector<16xf32> to vector<16xf32>
      %max3A_271 = arith.maximumf %max3A_245, %get3A_270 : vector<16xf32>
      %min3A_272 = arith.minimumf %max3A_245, %get3A_270 : vector<16xf32>
      %max3A_273 = arith.maximumf %max3A_247, %min3A_272 : vector<16xf32>
      %min3A_274 = arith.minimumf %max3A_247, %min3A_272 : vector<16xf32>
      %max3A_275 = arith.maximumf %max3A_249, %min3A_274 : vector<16xf32>
      %min3A_276 = arith.minimumf %max3A_249, %min3A_274 : vector<16xf32>
      %max3A_277 = arith.maximumf %max3A_251, %min3A_276 : vector<16xf32>
      %min3A_278 = arith.minimumf %max3A_251, %min3A_276 : vector<16xf32>
      %max3A_279 = arith.maximumf %max3A_253, %min3A_278 : vector<16xf32>
      %min3A_280 = arith.minimumf %max3A_253, %min3A_278 : vector<16xf32>
      %get3A_281 = arith.constant 160 : index
      %get3A_282 = tpu.vector_load %arg6[%get3A_281] {strides = array<i32>} : memref<1280xf32, #tpu.memory_space<vmem>>, vector<16xf32>,
      %get3A_283 = vector.shape_cast %get3A_282 : vector<16xf32> to vector<16xf32>
      %min3A_284 = arith.minimumf %min3A_258, %get3A_283 : vector<16xf32>
      %max3A_285 = arith.maximumf %min3A_258, %get3A_283 : vector<16xf32>
      %min3A_286 = arith.minimumf %min3A_260, %max3A_285 : vector<16xf32>
      %max3A_287 = arith.maximumf %min3A_260, %max3A_285 : vector<16xf32>
      %min3A_288 = arith.minimumf %min3A_262, %max3A_287 : vector<16xf32>
      %max3A_289 = arith.maximumf %min3A_262, %max3A_287 : vector<16xf32>
      %min3A_290 = arith.minimumf %min3A_264, %max3A_289 : vector<16xf32>
      %max3A_291 = arith.maximumf %min3A_264, %max3A_289 : vector<16xf32>
      %min3A_292 = arith.minimumf %min3A_266, %max3A_291 : vector<16xf32>
      %max3A_293 = arith.maximumf %min3A_266, %max3A_291 : vector<16xf32>
      %get3A_294 = arith.constant 160 : index
      %get3A_295 = tpu.vector_load %arg7[%get3A_294] {strides = array<i32>} : memref<1280xf32, #tpu.memory_space<vmem>>, vector<16xf32>,
      %get3A_296 = vector.shape_cast %get3A_295 : vector<16xf32> to vector<16xf32>
      %max3A_297 = arith.maximumf %max3A_271, %get3A_296 : vector<16xf32>
      %min3A_298 = arith.minimumf %max3A_271, %get3A_296 : vector<16xf32>
      %max3A_299 = arith.maximumf %max3A_273, %min3A_298 : vector<16xf32>
      %min3A_300 = arith.minimumf %max3A_273, %min3A_298 : vector<16xf32>
      %max3A_301 = arith.maximumf %max3A_275, %min3A_300 : vector<16xf32>
      %min3A_302 = arith.minimumf %max3A_275, %min3A_300 : vector<16xf32>
      %max3A_303 = arith.maximumf %max3A_277, %min3A_302 : vector<16xf32>
      %min3A_304 = arith.minimumf %max3A_277, %min3A_302 : vector<16xf32>
      %max3A_305 = arith.maximumf %max3A_279, %min3A_304 : vector<16xf32>
      %min3A_306 = arith.minimumf %max3A_279, %min3A_304 : vector<16xf32>
      %get3A_307 = arith.constant 176 : index
      %get3A_308 = tpu.vector_load %arg6[%get3A_307] {strides = array<i32>} : memref<1280xf32, #tpu.memory_space<vmem>>, vector<16xf32>,
      %get3A_309 = vector.shape_cast %get3A_308 : vector<16xf32> to vector<16xf32>
      %min3A_310 = arith.minimumf %min3A_284, %get3A_309 : vector<16xf32>
      %max3A_311 = arith.maximumf %min3A_284, %get3A_309 : vector<16xf32>
      %min3A_312 = arith.minimumf %min3A_286, %max3A_311 : vector<16xf32>
      %max3A_313 = arith.maximumf %min3A_286, %max3A_311 : vector<16xf32>
      %min3A_314 = arith.minimumf %min3A_288, %max3A_313 : vector<16xf32>
      %max3A_315 = arith.maximumf %min3A_288, %max3A_313 : vector<16xf32>
      %min3A_316 = arith.minimumf %min3A_290, %max3A_315 : vector<16xf32>
      %max3A_317 = arith.maximumf %min3A_290, %max3A_315 : vector<16xf32>
      %min3A_318 = arith.minimumf %min3A_292, %max3A_317 : vector<16xf32>
      %max3A_319 = arith.maximumf %min3A_292, %max3A_317 : vector<16xf32>
      %get3A_320 = arith.constant 176 : index
      %get3A_321 = tpu.vector_load %arg7[%get3A_320] {strides = array<i32>} : memref<1280xf32, #tpu.memory_space<vmem>>, vector<16xf32>,
      %get3A_322 = vector.shape_cast %get3A_321 : vector<16xf32> to vector<16xf32>
      %max3A_323 = arith.maximumf %max3A_297, %get3A_322 : vector<16xf32>
      %min3A_324 = arith.minimumf %max3A_297, %get3A_322 : vector<16xf32>
      %max3A_325 = arith.maximumf %max3A_299, %min3A_324 : vector<16xf32>
      %min3A_326 = arith.minimumf %max3A_299, %min3A_324 : vector<16xf32>
      %max3A_327 = arith.maximumf %max3A_301, %min3A_326 : vector<16xf32>
      %min3A_328 = arith.minimumf %max3A_301, %min3A_326 : vector<16xf32>
      %max3A_329 = arith.maximumf %max3A_303, %min3A_328 : vector<16xf32>
      %min3A_330 = arith.minimumf %max3A_303, %min3A_328 : vector<16xf32>
      %max3A_331 = arith.maximumf %max3A_305, %min3A_330 : vector<16xf32>
      %min3A_332 = arith.minimumf %max3A_305, %min3A_330 : vector<16xf32>
      %get3A_333 = arith.constant 192 : index
      %get3A_334 = tpu.vector_load %arg6[%get3A_333] {strides = array<i32>} : memref<1280xf32, #tpu.memory_space<vmem>>, vector<16xf32>,
      %get3A_335 = vector.shape_cast %get3A_334 : vector<16xf32> to vector<16xf32>
      %min3A_336 = arith.minimumf %min3A_310, %get3A_335 : vector<16xf32>
      %max3A_337 = arith.maximumf %min3A_310, %get3A_335 : vector<16xf32>
      %min3A_338 = arith.minimumf %min3A_312, %max3A_337 : vector<16xf32>
      %max3A_339 = arith.maximumf %min3A_312, %max3A_337 : vector<16xf32>
      %min3A_340 = arith.minimumf %min3A_314, %max3A_339 : vector<16xf32>
      %max3A_341 = arith.maximumf %min3A_314, %max3A_339 : vector<16xf32>
      %min3A_342 = arith.minimumf %min3A_316, %max3A_341 : vector<16xf32>
      %max3A_343 = arith.maximumf %min3A_316, %max3A_341 : vector<16xf32>
      %min3A_344 = arith.minimumf %min3A_318, %max3A_343 : vector<16xf32>
      %max3A_345 = arith.maximumf %min3A_318, %max3A_343 : vector<16xf32>
      %get3A_346 = arith.constant 192 : index
      %get3A_347 = tpu.vector_load %arg7[%get3A_346] {strides = array<i32>} : memref<1280xf32, #tpu.memory_space<vmem>>, vector<16xf32>,
      %get3A_348 = vector.shape_cast %get3A_347 : vector<16xf32> to vector<16xf32>
      %max3A_349 = arith.maximumf %max3A_323, %get3A_348 : vector<16xf32>
      %min3A_350 = arith.minimumf %max3A_323, %get3A_348 : vector<16xf32>
      %max3A_351 = arith.maximumf %max3A_325, %min3A_350 : vector<16xf32>
      %min3A_352 = arith.minimumf %max3A_325, %min3A_350 : vector<16xf32>
      %max3A_353 = arith.maximumf %max3A_327, %min3A_352 : vector<16xf32>
      %min3A_354 = arith.minimumf %max3A_327, %min3A_352 : vector<16xf32>
      %max3A_355 = arith.maximumf %max3A_329, %min3A_354 : vector<16xf32>
      %min3A_356 = arith.minimumf %max3A_329, %min3A_354 : vector<16xf32>
      %max3A_357 = arith.maximumf %max3A_331, %min3A_356 : vector<16xf32>
      %min3A_358 = arith.minimumf %max3A_331, %min3A_356 : vector<16xf32>
      %get3A_359 = arith.constant 208 : index
      %get3A_360 = tpu.vector_load %arg6[%get3A_359] {strides = array<i32>} : memref<1280xf32, #tpu.memory_space<vmem>>, vector<16xf32>,
      %get3A_361 = vector.shape_cast %get3A_360 : vector<16xf32> to vector<16xf32>
      %min3A_362 = arith.minimumf %min3A_336, %get3A_361 : vector<16xf32>
      %max3A_363 = arith.maximumf %min3A_336, %get3A_361 : vector<16xf32>
      %min3A_364 = arith.minimumf %min3A_338, %max3A_363 : vector<16xf32>
      %max3A_365 = arith.maximumf %min3A_338, %max3A_363 : vector<16xf32>
      %min3A_366 = arith.minimumf %min3A_340, %max3A_365 : vector<16xf32>
      %max3A_367 = arith.maximumf %min3A_340, %max3A_365 : vector<16xf32>
      %min3A_368 = arith.minimumf %min3A_342, %max3A_367 : vector<16xf32>
      %max3A_369 = arith.maximumf %min3A_342, %max3A_367 : vector<16xf32>
      %min3A_370 = arith.minimumf %min3A_344, %max3A_369 : vector<16xf32>
      %max3A_371 = arith.maximumf %min3A_344, %max3A_369 : vector<16xf32>
      %get3A_372 = arith.constant 208 : index
      %get3A_373 = tpu.vector_load %arg7[%get3A_372] {strides = array<i32>} : memref<1280xf32, #tpu.memory_space<vmem>>, vector<16xf32>,
      %get3A_374 = vector.shape_cast %get3A_373 : vector<16xf32> to vector<16xf32>
      %max3A_375 = arith.maximumf %max3A_349, %get3A_374 : vector<16xf32>
      %min3A_376 = arith.minimumf %max3A_349, %get3A_374 : vector<16xf32>
      %max3A_377 = arith.maximumf %max3A_351, %min3A_376 : vector<16xf32>
      %min3A_378 = arith.minimumf %max3A_351, %min3A_376 : vector<16xf32>
      %max3A_379 = arith.maximumf %max3A_353, %min3A_378 : vector<16xf32>
      %min3A_380 = arith.minimumf %max3A_353, %min3A_378 : vector<16xf32>
      %max3A_381 = arith.maximumf %max3A_355, %min3A_380 : vector<16xf32>
      %min3A_382 = arith.minimumf %max3A_355, %min3A_380 : vector<16xf32>
      %max3A_383 = arith.maximumf %max3A_357, %min3A_382 : vector<16xf32>
      %min3A_384 = arith.minimumf %max3A_357, %min3A_382 : vector<16xf32>
      %get3A_385 = arith.constant 224 : index
      %get3A_386 = tpu.vector_load %arg6[%get3A_385] {strides = array<i32>} : memref<1280xf32, #tpu.memory_space<vmem>>, vector<16xf32>,
      %get3A_387 = vector.shape_cast %get3A_386 : vector<16xf32> to vector<16xf32>
      %min3A_388 = arith.minimumf %min3A_362, %get3A_387 : vector<16xf32>
      %max3A_389 = arith.maximumf %min3A_362, %get3A_387 : vector<16xf32>
      %min3A_390 = arith.minimumf %min3A_364, %max3A_389 : vector<16xf32>
      %max3A_391 = arith.maximumf %min3A_364, %max3A_389 : vector<16xf32>
      %min3A_392 = arith.minimumf %min3A_366, %max3A_391 : vector<16xf32>
      %max3A_393 = arith.maximumf %min3A_366, %max3A_391 : vector<16xf32>
      %min3A_394 = arith.minimumf %min3A_368, %max3A_393 : vector<16xf32>
      %max3A_395 = arith.maximumf %min3A_368, %max3A_393 : vector<16xf32>
      %min3A_396 = arith.minimumf %min3A_370, %max3A_395 : vector<16xf32>
      %max3A_397 = arith.maximumf %min3A_370, %max3A_395 : vector<16xf32>
      %get3A_398 = arith.constant 224 : index
      %get3A_399 = tpu.vector_load %arg7[%get3A_398] {strides = array<i32>} : memref<1280xf32, #tpu.memory_space<vmem>>, vector<16xf32>,
      %get3A_400 = vector.shape_cast %get3A_399 : vector<16xf32> to vector<16xf32>
      %max3A_401 = arith.maximumf %max3A_375, %get3A_400 : vector<16xf32>
      %min3A_402 = arith.minimumf %max3A_375, %get3A_400 : vector<16xf32>
      %max3A_403 = arith.maximumf %max3A_377, %min3A_402 : vector<16xf32>
      %min3A_404 = arith.minimumf %max3A_377, %min3A_402 : vector<16xf32>
      %max3A_405 = arith.maximumf %max3A_379, %min3A_404 : vector<16xf32>
      %min3A_406 = arith.minimumf %max3A_379, %min3A_404 : vector<16xf32>
      %max3A_407 = arith.maximumf %max3A_381, %min3A_406 : vector<16xf32>
      %min3A_408 = arith.minimumf %max3A_381, %min3A_406 : vector<16xf32>
      %max3A_409 = arith.maximumf %max3A_383, %min3A_408 : vector<16xf32>
      %min3A_410 = arith.minimumf %max3A_383, %min3A_408 : vector<16xf32>
      %get3A_411 = arith.constant 240 : index
      %get3A_412 = tpu.vector_load %arg6[%get3A_411] {strides = array<i32>} : memref<1280xf32, #tpu.memory_space<vmem>>, vector<16xf32>,
      %get3A_413 = vector.shape_cast %get3A_412 : vector<16xf32> to vector<16xf32>
      %min3A_414 = arith.minimumf %min3A_388, %get3A_413 : vector<16xf32>
      %max3A_415 = arith.maximumf %min3A_388, %get3A_413 : vector<16xf32>
      %min3A_416 = arith.minimumf %min3A_390, %max3A_415 : vector<16xf32>
      %max3A_417 = arith.maximumf %min3A_390, %max3A_415 : vector<16xf32>
      %min3A_418 = arith.minimumf %min3A_392, %max3A_417 : vector<16xf32>
      %max3A_419 = arith.maximumf %min3A_392, %max3A_417 : vector<16xf32>
      %min3A_420 = arith.minimumf %min3A_394, %max3A_419 : vector<16xf32>
      %max3A_421 = arith.maximumf %min3A_394, %max3A_419 : vector<16xf32>
      %min3A_422 = arith.minimumf %min3A_396, %max3A_421 : vector<16xf32>
      %max3A_423 = arith.maximumf %min3A_396, %max3A_421 : vector<16xf32>
      %get3A_424 = arith.constant 240 : index
      %get3A_425 = tpu.vector_load %arg7[%get3A_424] {strides = array<i32>} : memref<1280xf32, #tpu.memory_space<vmem>>, vector<16xf32>,
      %get3A_426 = vector.shape_cast %get3A_425 : vector<16xf32> to vector<16xf32>
      %max3A_427 = arith.maximumf %max3A_401, %get3A_426 : vector<16xf32>
      %min3A_428 = arith.minimumf %max3A_401, %get3A_426 : vector<16xf32>
      %max3A_429 = arith.maximumf %max3A_403, %min3A_428 : vector<16xf32>
      %min3A_430 = arith.minimumf %max3A_403, %min3A_428 : vector<16xf32>
      %max3A_431 = arith.maximumf %max3A_405, %min3A_430 : vector<16xf32>
      %min3A_432 = arith.minimumf %max3A_405, %min3A_430 : vector<16xf32>
      %max3A_433 = arith.maximumf %max3A_407, %min3A_432 : vector<16xf32>
      %min3A_434 = arith.minimumf %max3A_407, %min3A_432 : vector<16xf32>
      %max3A_435 = arith.maximumf %max3A_409, %min3A_434 : vector<16xf32>
      %min3A_436 = arith.minimumf %max3A_409, %min3A_434 : vector<16xf32>
      %get3A_437 = arith.constant 256 : index
      %get3A_438 = tpu.vector_load %arg6[%get3A_437] {strides = array<i32>} : memref<1280xf32, #tpu.memory_space<vmem>>, vector<16xf32>,
      %get3A_439 = vector.shape_cast %get3A_438 : vector<16xf32> to vector<16xf32>
      %min3A_440 = arith.minimumf %min3A_414, %get3A_439 : vector<16xf32>
      %max3A_441 = arith.maximumf %min3A_414, %get3A_439 : vector<16xf32>
      %min3A_442 = arith.minimumf %min3A_416, %max3A_441 : vector<16xf32>
      %max3A_443 = arith.maximumf %min3A_416, %max3A_441 : vector<16xf32>
      %min3A_444 = arith.minimumf %min3A_418, %max3A_443 : vector<16xf32>
      %max3A_445 = arith.maximumf %min3A_418, %max3A_443 : vector<16xf32>
      %min3A_446 = arith.minimumf %min3A_420, %max3A_445 : vector<16xf32>
      %max3A_447 = arith.maximumf %min3A_420, %max3A_445 : vector<16xf32>
      %min3A_448 = arith.minimumf %min3A_422, %max3A_447 : vector<16xf32>
      %max3A_449 = arith.maximumf %min3A_422, %max3A_447 : vector<16xf32>
      %get3A_450 = arith.constant 256 : index
      %get3A_451 = tpu.vector_load %arg7[%get3A_450] {strides = array<i32>} : memref<1280xf32, #tpu.memory_space<vmem>>, vector<16xf32>,
      %get3A_452 = vector.shape_cast %get3A_451 : vector<16xf32> to vector<16xf32>
      %max3A_453 = arith.maximumf %max3A_427, %get3A_452 : vector<16xf32>
      %min3A_454 = arith.minimumf %max3A_427, %get3A_452 : vector<16xf32>
      %max3A_455 = arith.maximumf %max3A_429, %min3A_454 : vector<16xf32>
      %min3A_456 = arith.minimumf %max3A_429, %min3A_454 : vector<16xf32>
      %max3A_457 = arith.maximumf %max3A_431, %min3A_456 : vector<16xf32>
      %min3A_458 = arith.minimumf %max3A_431, %min3A_456 : vector<16xf32>
      %max3A_459 = arith.maximumf %max3A_433, %min3A_458 : vector<16xf32>
      %min3A_460 = arith.minimumf %max3A_433, %min3A_458 : vector<16xf32>
      %max3A_461 = arith.maximumf %max3A_435, %min3A_460 : vector<16xf32>
      %min3A_462 = arith.minimumf %max3A_435, %min3A_460 : vector<16xf32>
      %get3A_463 = arith.constant 272 : index
      %get3A_464 = tpu.vector_load %arg6[%get3A_463] {strides = array<i32>} : memref<1280xf32, #tpu.memory_space<vmem>>, vector<16xf32>,
      %get3A_465 = vector.shape_cast %get3A_464 : vector<16xf32> to vector<16xf32>
      %min3A_466 = arith.minimumf %min3A_440, %get3A_465 : vector<16xf32>
      %max3A_467 = arith.maximumf %min3A_440, %get3A_465 : vector<16xf32>
      %min3A_468 = arith.minimumf %min3A_442, %max3A_467 : vector<16xf32>
      %max3A_469 = arith.maximumf %min3A_442, %max3A_467 : vector<16xf32>
      %min3A_470 = arith.minimumf %min3A_444, %max3A_469 : vector<16xf32>
      %max3A_471 = arith.maximumf %min3A_444, %max3A_469 : vector<16xf32>
      %min3A_472 = arith.minimumf %min3A_446, %max3A_471 : vector<16xf32>
      %max3A_473 = arith.maximumf %min3A_446, %max3A_471 : vector<16xf32>
      %min3A_474 = arith.minimumf %min3A_448, %max3A_473 : vector<16xf32>
      %max3A_475 = arith.maximumf %min3A_448, %max3A_473 : vector<16xf32>
      %get3A_476 = arith.constant 272 : index
      %get3A_477 = tpu.vector_load %arg7[%get3A_476] {strides = array<i32>} : memref<1280xf32, #tpu.memory_space<vmem>>, vector<16xf32>,
      %get3A_478 = vector.shape_cast %get3A_477 : vector<16xf32> to vector<16xf32>
      %max3A_479 = arith.maximumf %max3A_453, %get3A_478 : vector<16xf32>
      %min3A_480 = arith.minimumf %max3A_453, %get3A_478 : vector<16xf32>
      %max3A_481 = arith.maximumf %max3A_455, %min3A_480 : vector<16xf32>
      %min3A_482 = arith.minimumf %max3A_455, %min3A_480 : vector<16xf32>
      %max3A_483 = arith.maximumf %max3A_457, %min3A_482 : vector<16xf32>
      %min3A_484 = arith.minimumf %max3A_457, %min3A_482 : vector<16xf32>
      %max3A_485 = arith.maximumf %max3A_459, %min3A_484 : vector<16xf32>
      %min3A_486 = arith.minimumf %max3A_459, %min3A_484 : vector<16xf32>
      %max3A_487 = arith.maximumf %max3A_461, %min3A_486 : vector<16xf32>
      %min3A_488 = arith.minimumf %max3A_461, %min3A_486 : vector<16xf32>
      %get3A_489 = arith.constant 288 : index
      %get3A_490 = tpu.vector_load %arg6[%get3A_489] {strides = array<i32>} : memref<1280xf32, #tpu.memory_space<vmem>>, vector<16xf32>,
      %get3A_491 = vector.shape_cast %get3A_490 : vector<16xf32> to vector<16xf32>
      %min3A_492 = arith.minimumf %min3A_466, %get3A_491 : vector<16xf32>
      %max3A_493 = arith.maximumf %min3A_466, %get3A_491 : vector<16xf32>
      %min3A_494 = arith.minimumf %min3A_468, %max3A_493 : vector<16xf32>
      %max3A_495 = arith.maximumf %min3A_468, %max3A_493 : vector<16xf32>
      %min3A_496 = arith.minimumf %min3A_470, %max3A_495 : vector<16xf32>
      %max3A_497 = arith.maximumf %min3A_470, %max3A_495 : vector<16xf32>
      %min3A_498 = arith.minimumf %min3A_472, %max3A_497 : vector<16xf32>
      %max3A_499 = arith.maximumf %min3A_472, %max3A_497 : vector<16xf32>
      %min3A_500 = arith.minimumf %min3A_474, %max3A_499 : vector<16xf32>
      %max3A_501 = arith.maximumf %min3A_474, %max3A_499 : vector<16xf32>
      %get3A_502 = arith.constant 288 : index
      %get3A_503 = tpu.vector_load %arg7[%get3A_502] {strides = array<i32>} : memref<1280xf32, #tpu.memory_space<vmem>>, vector<16xf32>,
      %get3A_504 = vector.shape_cast %get3A_503 : vector<16xf32> to vector<16xf32>
      %max3A_505 = arith.maximumf %max3A_479, %get3A_504 : vector<16xf32>
      %min3A_506 = arith.minimumf %max3A_479, %get3A_504 : vector<16xf32>
      %max3A_507 = arith.maximumf %max3A_481, %min3A_506 : vector<16xf32>
      %min3A_508 = arith.minimumf %max3A_481, %min3A_506 : vector<16xf32>
      %max3A_509 = arith.maximumf %max3A_483, %min3A_508 : vector<16xf32>
      %min3A_510 = arith.minimumf %max3A_483, %min3A_508 : vector<16xf32>
      %max3A_511 = arith.maximumf %max3A_485, %min3A_510 : vector<16xf32>
      %min3A_512 = arith.minimumf %max3A_485, %min3A_510 : vector<16xf32>
      %max3A_513 = arith.maximumf %max3A_487, %min3A_512 : vector<16xf32>
      %min3A_514 = arith.minimumf %max3A_487, %min3A_512 : vector<16xf32>
      %get3A_515 = arith.constant 304 : index
      %get3A_516 = tpu.vector_load %arg6[%get3A_515] {strides = array<i32>} : memref<1280xf32, #tpu.memory_space<vmem>>, vector<16xf32>,
      %get3A_517 = vector.shape_cast %get3A_516 : vector<16xf32> to vector<16xf32>
      %min3A_518 = arith.minimumf %min3A_492, %get3A_517 : vector<16xf32>
      %max3A_519 = arith.maximumf %min3A_492, %get3A_517 : vector<16xf32>
      %min3A_520 = arith.minimumf %min3A_494, %max3A_519 : vector<16xf32>
      %max3A_521 = arith.maximumf %min3A_494, %max3A_519 : vector<16xf32>
      %min3A_522 = arith.minimumf %min3A_496, %max3A_521 : vector<16xf32>
      %max3A_523 = arith.maximumf %min3A_496, %max3A_521 : vector<16xf32>
      %min3A_524 = arith.minimumf %min3A_498, %max3A_523 : vector<16xf32>
      %max3A_525 = arith.maximumf %min3A_498, %max3A_523 : vector<16xf32>
      %min3A_526 = arith.minimumf %min3A_500, %max3A_525 : vector<16xf32>
      %max3A_527 = arith.maximumf %min3A_500, %max3A_525 : vector<16xf32>
      %get3A_528 = arith.constant 304 : index
      %get3A_529 = tpu.vector_load %arg7[%get3A_528] {strides = array<i32>} : memref<1280xf32, #tpu.memory_space<vmem>>, vector<16xf32>,
      %get3A_530 = vector.shape_cast %get3A_529 : vector<16xf32> to vector<16xf32>
      %max3A_531 = arith.maximumf %max3A_505, %get3A_530 : vector<16xf32>
      %min3A_532 = arith.minimumf %max3A_505, %get3A_530 : vector<16xf32>
      %max3A_533 = arith.maximumf %max3A_507, %min3A_532 : vector<16xf32>
      %min3A_534 = arith.minimumf %max3A_507, %min3A_532 : vector<16xf32>
      %max3A_535 = arith.maximumf %max3A_509, %min3A_534 : vector<16xf32>
      %min3A_536 = arith.minimumf %max3A_509, %min3A_534 : vector<16xf32>
      %max3A_537 = arith.maximumf %max3A_511, %min3A_536 : vector<16xf32>
      %min3A_538 = arith.minimumf %max3A_511, %min3A_536 : vector<16xf32>
      %max3A_539 = arith.maximumf %max3A_513, %min3A_538 : vector<16xf32>
      %min3A_540 = arith.minimumf %max3A_513, %min3A_538 : vector<16xf32>
      %get3A_541 = arith.constant 320 : index
      %get3A_542 = tpu.vector_load %arg6[%get3A_541] {strides = array<i32>} : memref<1280xf32, #tpu.memory_space<vmem>>, vector<16xf32>,
      %get3A_543 = vector.shape_cast %get3A_542 : vector<16xf32> to vector<16xf32>
      %min3A_544 = arith.minimumf %min3A_518, %get3A_543 : vector<16xf32>
      %max3A_545 = arith.maximumf %min3A_518, %get3A_543 : vector<16xf32>
      %min3A_546 = arith.minimumf %min3A_520, %max3A_545 : vector<16xf32>
      %max3A_547 = arith.maximumf %min3A_520, %max3A_545 : vector<16xf32>
      %min3A_548 = arith.minimumf %min3A_522, %max3A_547 : vector<16xf32>
      %max3A_549 = arith.maximumf %min3A_522, %max3A_547 : vector<16xf32>
      %min3A_550 = arith.minimumf %min3A_524, %max3A_549 : vector<16xf32>
      %max3A_551 = arith.maximumf %min3A_524, %max3A_549 : vector<16xf32>
      %min3A_552 = arith.minimumf %min3A_526, %max3A_551 : vector<16xf32>
      %max3A_553 = arith.maximumf %min3A_526, %max3A_551 : vector<16xf32>
      %get3A_554 = arith.constant 320 : index
      %get3A_555 = tpu.vector_load %arg7[%get3A_554] {strides = array<i32>} : memref<1280xf32, #tpu.memory_space<vmem>>, vector<16xf32>,
      %get3A_556 = vector.shape_cast %get3A_555 : vector<16xf32> to vector<16xf32>
      %max3A_557 = arith.maximumf %max3A_531, %get3A_556 : vector<16xf32>
      %min3A_558 = arith.minimumf %max3A_531, %get3A_556 : vector<16xf32>
      %max3A_559 = arith.maximumf %max3A_533, %min3A_558 : vector<16xf32>
      %min3A_560 = arith.minimumf %max3A_533, %min3A_558 : vector<16xf32>
      %max3A_561 = arith.maximumf %max3A_535, %min3A_560 : vector<16xf32>
      %min3A_562 = arith.minimumf %max3A_535, %min3A_560 : vector<16xf32>
      %max3A_563 = arith.maximumf %max3A_537, %min3A_562 : vector<16xf32>
      %min3A_564 = arith.minimumf %max3A_537, %min3A_562 : vector<16xf32>
      %max3A_565 = arith.maximumf %max3A_539, %min3A_564 : vector<16xf32>
      %min3A_566 = arith.minimumf %max3A_539, %min3A_564 : vector<16xf32>
      %get3A_567 = arith.constant 336 : index
      %get3A_568 = tpu.vector_load %arg6[%get3A_567] {strides = array<i32>} : memref<1280xf32, #tpu.memory_space<vmem>>, vector<16xf32>,
      %get3A_569 = vector.shape_cast %get3A_568 : vector<16xf32> to vector<16xf32>
      %min3A_570 = arith.minimumf %min3A_544, %get3A_569 : vector<16xf32>
      %max3A_571 = arith.maximumf %min3A_544, %get3A_569 : vector<16xf32>
      %min3A_572 = arith.minimumf %min3A_546, %max3A_571 : vector<16xf32>
      %max3A_573 = arith.maximumf %min3A_546, %max3A_571 : vector<16xf32>
      %min3A_574 = arith.minimumf %min3A_548, %max3A_573 : vector<16xf32>
      %max3A_575 = arith.maximumf %min3A_548, %max3A_573 : vector<16xf32>
      %min3A_576 = arith.minimumf %min3A_550, %max3A_575 : vector<16xf32>
      %max3A_577 = arith.maximumf %min3A_550, %max3A_575 : vector<16xf32>
      %min3A_578 = arith.minimumf %min3A_552, %max3A_577 : vector<16xf32>
      %max3A_579 = arith.maximumf %min3A_552, %max3A_577 : vector<16xf32>
      %get3A_580 = arith.constant 336 : index
      %get3A_581 = tpu.vector_load %arg7[%get3A_580] {strides = array<i32>} : memref<1280xf32, #tpu.memory_space<vmem>>, vector<16xf32>,
      %get3A_582 = vector.shape_cast %get3A_581 : vector<16xf32> to vector<16xf32>
      %max3A_583 = arith.maximumf %max3A_557, %get3A_582 : vector<16xf32>
      %min3A_584 = arith.minimumf %max3A_557, %get3A_582 : vector<16xf32>
      %max3A_585 = arith.maximumf %max3A_559, %min3A_584 : vector<16xf32>
      %min3A_586 = arith.minimumf %max3A_559, %min3A_584 : vector<16xf32>
      %max3A_587 = arith.maximumf %max3A_561, %min3A_586 : vector<16xf32>
      %min3A_588 = arith.minimumf %max3A_561, %min3A_586 : vector<16xf32>
      %max3A_589 = arith.maximumf %max3A_563, %min3A_588 : vector<16xf32>
      %min3A_590 = arith.minimumf %max3A_563, %min3A_588 : vector<16xf32>
      %max3A_591 = arith.maximumf %max3A_565, %min3A_590 : vector<16xf32>
      %min3A_592 = arith.minimumf %max3A_565, %min3A_590 : vector<16xf32>
      %get3A_593 = arith.constant 352 : index
      %get3A_594 = tpu.vector_load %arg6[%get3A_593] {strides = array<i32>} : memref<1280xf32, #tpu.memory_space<vmem>>, vector<16xf32>,
      %get3A_595 = vector.shape_cast %get3A_594 : vector<16xf32> to vector<16xf32>
      %min3A_596 = arith.minimumf %min3A_570, %get3A_595 : vector<16xf32>
      %max3A_597 = arith.maximumf %min3A_570, %get3A_595 : vector<16xf32>
      %min3A_598 = arith.minimumf %min3A_572, %max3A_597 : vector<16xf32>
      %max3A_599 = arith.maximumf %min3A_572, %max3A_597 : vector<16xf32>
      %min3A_600 = arith.minimumf %min3A_574, %max3A_599 : vector<16xf32>
      %max3A_601 = arith.maximumf %min3A_574, %max3A_599 : vector<16xf32>
      %min3A_602 = arith.minimumf %min3A_576, %max3A_601 : vector<16xf32>
      %max3A_603 = arith.maximumf %min3A_576, %max3A_601 : vector<16xf32>
      %min3A_604 = arith.minimumf %min3A_578, %max3A_603 : vector<16xf32>
      %max3A_605 = arith.maximumf %min3A_578, %max3A_603 : vector<16xf32>
      %get3A_606 = arith.constant 352 : index
      %get3A_607 = tpu.vector_load %arg7[%get3A_606] {strides = array<i32>} : memref<1280xf32, #tpu.memory_space<vmem>>, vector<16xf32>,
      %get3A_608 = vector.shape_cast %get3A_607 : vector<16xf32> to vector<16xf32>
      %max3A_609 = arith.maximumf %max3A_583, %get3A_608 : vector<16xf32>
      %min3A_610 = arith.minimumf %max3A_583, %get3A_608 : vector<16xf32>
      %max3A_611 = arith.maximumf %max3A_585, %min3A_610 : vector<16xf32>
      %min3A_612 = arith.minimumf %max3A_585, %min3A_610 : vector<16xf32>
      %max3A_613 = arith.maximumf %max3A_587, %min3A_612 : vector<16xf32>
      %min3A_614 = arith.minimumf %max3A_587, %min3A_612 : vector<16xf32>
      %max3A_615 = arith.maximumf %max3A_589, %min3A_614 : vector<16xf32>
      %min3A_616 = arith.minimumf %max3A_589, %min3A_614 : vector<16xf32>
      %max3A_617 = arith.maximumf %max3A_591, %min3A_616 : vector<16xf32>
      %min3A_618 = arith.minimumf %max3A_591, %min3A_616 : vector<16xf32>
      %get3A_619 = arith.constant 368 : index
      %get3A_620 = tpu.vector_load %arg6[%get3A_619] {strides = array<i32>} : memref<1280xf32, #tpu.memory_space<vmem>>, vector<16xf32>,
      %get3A_621 = vector.shape_cast %get3A_620 : vector<16xf32> to vector<16xf32>
      %min3A_622 = arith.minimumf %min3A_596, %get3A_621 : vector<16xf32>
      %max3A_623 = arith.maximumf %min3A_596, %get3A_621 : vector<16xf32>
      %min3A_624 = arith.minimumf %min3A_598, %max3A_623 : vector<16xf32>
      %max3A_625 = arith.maximumf %min3A_598, %max3A_623 : vector<16xf32>
      %min3A_626 = arith.minimumf %min3A_600, %max3A_625 : vector<16xf32>
      %max3A_627 = arith.maximumf %min3A_600, %max3A_625 : vector<16xf32>
      %min3A_628 = arith.minimumf %min3A_602, %max3A_627 : vector<16xf32>
      %max3A_629 = arith.maximumf %min3A_602, %max3A_627 : vector<16xf32>
      %min3A_630 = arith.minimumf %min3A_604, %max3A_629 : vector<16xf32>
      %max3A_631 = arith.maximumf %min3A_604, %max3A_629 : vector<16xf32>
      %get3A_632 = arith.constant 368 : index
      %get3A_633 = tpu.vector_load %arg7[%get3A_632] {strides = array<i32>} : memref<1280xf32, #tpu.memory_space<vmem>>, vector<16xf32>,
      %get3A_634 = vector.shape_cast %get3A_633 : vector<16xf32> to vector<16xf32>
      %max3A_635 = arith.maximumf %max3A_609, %get3A_634 : vector<16xf32>
      %min3A_636 = arith.minimumf %max3A_609, %get3A_634 : vector<16xf32>
      %max3A_637 = arith.maximumf %max3A_611, %min3A_636 : vector<16xf32>
      %min3A_638 = arith.minimumf %max3A_611, %min3A_636 : vector<16xf32>
      %max3A_639 = arith.maximumf %max3A_613, %min3A_638 : vector<16xf32>
      %min3A_640 = arith.minimumf %max3A_613, %min3A_638 : vector<16xf32>
      %max3A_641 = arith.maximumf %max3A_615, %min3A_640 : vector<16xf32>
      %min3A_642 = arith.minimumf %max3A_615, %min3A_640 : vector<16xf32>
      %max3A_643 = arith.maximumf %max3A_617, %min3A_642 : vector<16xf32>
      %min3A_644 = arith.minimumf %max3A_617, %min3A_642 : vector<16xf32>
      %get3A_645 = arith.constant 384 : index
      %get3A_646 = tpu.vector_load %arg6[%get3A_645] {strides = array<i32>} : memref<1280xf32, #tpu.memory_space<vmem>>, vector<16xf32>,
      %get3A_647 = vector.shape_cast %get3A_646 : vector<16xf32> to vector<16xf32>
      %min3A_648 = arith.minimumf %min3A_622, %get3A_647 : vector<16xf32>
      %max3A_649 = arith.maximumf %min3A_622, %get3A_647 : vector<16xf32>
      %min3A_650 = arith.minimumf %min3A_624, %max3A_649 : vector<16xf32>
      %max3A_651 = arith.maximumf %min3A_624, %max3A_649 : vector<16xf32>
      %min3A_652 = arith.minimumf %min3A_626, %max3A_651 : vector<16xf32>
      %max3A_653 = arith.maximumf %min3A_626, %max3A_651 : vector<16xf32>
      %min3A_654 = arith.minimumf %min3A_628, %max3A_653 : vector<16xf32>
      %max3A_655 = arith.maximumf %min3A_628, %max3A_653 : vector<16xf32>
      %min3A_656 = arith.minimumf %min3A_630, %max3A_655 : vector<16xf32>
      %max3A_657 = arith.maximumf %min3A_630, %max3A_655 : vector<16xf32>
      %get3A_658 = arith.constant 384 : index
      %get3A_659 = tpu.vector_load %arg7[%get3A_658] {strides = array<i32>} : memref<1280xf32, #tpu.memory_space<vmem>>, vector<16xf32>,
      %get3A_660 = vector.shape_cast %get3A_659 : vector<16xf32> to vector<16xf32>
      %max3A_661 = arith.maximumf %max3A_635, %get3A_660 : vector<16xf32>
      %min3A_662 = arith.minimumf %max3A_635, %get3A_660 : vector<16xf32>
      %max3A_663 = arith.maximumf %max3A_637, %min3A_662 : vector<16xf32>
      %min3A_664 = arith.minimumf %max3A_637, %min3A_662 : vector<16xf32>
      %max3A_665 = arith.maximumf %max3A_639, %min3A_664 : vector<16xf32>
      %min3A_666 = arith.minimumf %max3A_639, %min3A_664 : vector<16xf32>
      %max3A_667 = arith.maximumf %max3A_641, %min3A_666 : vector<16xf32>
      %min3A_668 = arith.minimumf %max3A_641, %min3A_666 : vector<16xf32>
      %max3A_669 = arith.maximumf %max3A_643, %min3A_668 : vector<16xf32>
      %min3A_670 = arith.minimumf %max3A_643, %min3A_668 : vector<16xf32>
      %get3A_671 = arith.constant 400 : index
      %get3A_672 = tpu.vector_load %arg6[%get3A_671] {strides = array<i32>} : memref<1280xf32, #tpu.memory_space<vmem>>, vector<16xf32>,
      %get3A_673 = vector.shape_cast %get3A_672 : vector<16xf32> to vector<16xf32>
      %min3A_674 = arith.minimumf %min3A_648, %get3A_673 : vector<16xf32>
      %max3A_675 = arith.maximumf %min3A_648, %get3A_673 : vector<16xf32>
      %min3A_676 = arith.minimumf %min3A_650, %max3A_675 : vector<16xf32>
      %max3A_677 = arith.maximumf %min3A_650, %max3A_675 : vector<16xf32>
      %min3A_678 = arith.minimumf %min3A_652, %max3A_677 : vector<16xf32>
      %max3A_679 = arith.maximumf %min3A_652, %max3A_677 : vector<16xf32>
      %min3A_680 = arith.minimumf %min3A_654, %max3A_679 : vector<16xf32>
      %max3A_681 = arith.maximumf %min3A_654, %max3A_679 : vector<16xf32>
      %min3A_682 = arith.minimumf %min3A_656, %max3A_681 : vector<16xf32>
      %max3A_683 = arith.maximumf %min3A_656, %max3A_681 : vector<16xf32>
      %get3A_684 = arith.constant 400 : index
      %get3A_685 = tpu.vector_load %arg7[%get3A_684] {strides = array<i32>} : memref<1280xf32, #tpu.memory_space<vmem>>, vector<16xf32>,
      %get3A_686 = vector.shape_cast %get3A_685 : vector<16xf32> to vector<16xf32>
      %max3A_687 = arith.maximumf %max3A_661, %get3A_686 : vector<16xf32>
      %min3A_688 = arith.minimumf %max3A_661, %get3A_686 : vector<16xf32>
      %max3A_689 = arith.maximumf %max3A_663, %min3A_688 : vector<16xf32>
      %min3A_690 = arith.minimumf %max3A_663, %min3A_688 : vector<16xf32>
      %max3A_691 = arith.maximumf %max3A_665, %min3A_690 : vector<16xf32>
      %min3A_692 = arith.minimumf %max3A_665, %min3A_690 : vector<16xf32>
      %max3A_693 = arith.maximumf %max3A_667, %min3A_692 : vector<16xf32>
      %min3A_694 = arith.minimumf %max3A_667, %min3A_692 : vector<16xf32>
      %max3A_695 = arith.maximumf %max3A_669, %min3A_694 : vector<16xf32>
      %min3A_696 = arith.minimumf %max3A_669, %min3A_694 : vector<16xf32>
      %get3A_697 = arith.constant 416 : index
      %get3A_698 = tpu.vector_load %arg6[%get3A_697] {strides = array<i32>} : memref<1280xf32, #tpu.memory_space<vmem>>, vector<16xf32>,
      %get3A_699 = vector.shape_cast %get3A_698 : vector<16xf32> to vector<16xf32>
      %min3A_700 = arith.minimumf %min3A_674, %get3A_699 : vector<16xf32>
      %max3A_701 = arith.maximumf %min3A_674, %get3A_699 : vector<16xf32>
      %min3A_702 = arith.minimumf %min3A_676, %max3A_701 : vector<16xf32>
      %max3A_703 = arith.maximumf %min3A_676, %max3A_701 : vector<16xf32>
      %min3A_704 = arith.minimumf %min3A_678, %max3A_703 : vector<16xf32>
      %max3A_705 = arith.maximumf %min3A_678, %max3A_703 : vector<16xf32>
      %min3A_706 = arith.minimumf %min3A_680, %max3A_705 : vector<16xf32>
      %max3A_707 = arith.maximumf %min3A_680, %max3A_705 : vector<16xf32>
      %min3A_708 = arith.minimumf %min3A_682, %max3A_707 : vector<16xf32>
      %max3A_709 = arith.maximumf %min3A_682, %max3A_707 : vector<16xf32>
      %get3A_710 = arith.constant 416 : index
      %get3A_711 = tpu.vector_load %arg7[%get3A_710] {strides = array<i32>} : memref<1280xf32, #tpu.memory_space<vmem>>, vector<16xf32>,
      %get3A_712 = vector.shape_cast %get3A_711 : vector<16xf32> to vector<16xf32>
      %max3A_713 = arith.maximumf %max3A_687, %get3A_712 : vector<16xf32>
      %min3A_714 = arith.minimumf %max3A_687, %get3A_712 : vector<16xf32>
      %max3A_715 = arith.maximumf %max3A_689, %min3A_714 : vector<16xf32>
      %min3A_716 = arith.minimumf %max3A_689, %min3A_714 : vector<16xf32>
      %max3A_717 = arith.maximumf %max3A_691, %min3A_716 : vector<16xf32>
      %min3A_718 = arith.minimumf %max3A_691, %min3A_716 : vector<16xf32>
      %max3A_719 = arith.maximumf %max3A_693, %min3A_718 : vector<16xf32>
      %min3A_720 = arith.minimumf %max3A_693, %min3A_718 : vector<16xf32>
      %max3A_721 = arith.maximumf %max3A_695, %min3A_720 : vector<16xf32>
      %min3A_722 = arith.minimumf %max3A_695, %min3A_720 : vector<16xf32>
      %get3A_723 = arith.constant 432 : index
      %get3A_724 = tpu.vector_load %arg6[%get3A_723] {strides = array<i32>} : memref<1280xf32, #tpu.memory_space<vmem>>, vector<16xf32>,
      %get3A_725 = vector.shape_cast %get3A_724 : vector<16xf32> to vector<16xf32>
      %min3A_726 = arith.minimumf %min3A_700, %get3A_725 : vector<16xf32>
      %max3A_727 = arith.maximumf %min3A_700, %get3A_725 : vector<16xf32>
      %min3A_728 = arith.minimumf %min3A_702, %max3A_727 : vector<16xf32>
      %max3A_729 = arith.maximumf %min3A_702, %max3A_727 : vector<16xf32>
      %min3A_730 = arith.minimumf %min3A_704, %max3A_729 : vector<16xf32>
      %max3A_731 = arith.maximumf %min3A_704, %max3A_729 : vector<16xf32>
      %min3A_732 = arith.minimumf %min3A_706, %max3A_731 : vector<16xf32>
      %max3A_733 = arith.maximumf %min3A_706, %max3A_731 : vector<16xf32>
      %min3A_734 = arith.minimumf %min3A_708, %max3A_733 : vector<16xf32>
      %max3A_735 = arith.maximumf %min3A_708, %max3A_733 : vector<16xf32>
      %get3A_736 = arith.constant 432 : index
      %get3A_737 = tpu.vector_load %arg7[%get3A_736] {strides = array<i32>} : memref<1280xf32, #tpu.memory_space<vmem>>, vector<16xf32>,
      %get3A_738 = vector.shape_cast %get3A_737 : vector<16xf32> to vector<16xf32>
      %max3A_739 = arith.maximumf %max3A_713, %get3A_738 : vector<16xf32>
      %min3A_740 = arith.minimumf %max3A_713, %get3A_738 : vector<16xf32>
      %max3A_741 = arith.maximumf %max3A_715, %min3A_740 : vector<16xf32>
      %min3A_742 = arith.minimumf %max3A_715, %min3A_740 : vector<16xf32>
      %max3A_743 = arith.maximumf %max3A_717, %min3A_742 : vector<16xf32>
      %min3A_744 = arith.minimumf %max3A_717, %min3A_742 : vector<16xf32>
      %max3A_745 = arith.maximumf %max3A_719, %min3A_744 : vector<16xf32>
      %min3A_746 = arith.minimumf %max3A_719, %min3A_744 : vector<16xf32>
      %max3A_747 = arith.maximumf %max3A_721, %min3A_746 : vector<16xf32>
      %min3A_748 = arith.minimumf %max3A_721, %min3A_746 : vector<16xf32>
      %get3A_749 = arith.constant 448 : index
      %get3A_750 = tpu.vector_load %arg6[%get3A_749] {strides = array<i32>} : memref<1280xf32, #tpu.memory_space<vmem>>, vector<16xf32>,
      %get3A_751 = vector.shape_cast %get3A_750 : vector<16xf32> to vector<16xf32>
      %min3A_752 = arith.minimumf %min3A_726, %get3A_751 : vector<16xf32>
      %max3A_753 = arith.maximumf %min3A_726, %get3A_751 : vector<16xf32>
      %min3A_754 = arith.minimumf %min3A_728, %max3A_753 : vector<16xf32>
      %max3A_755 = arith.maximumf %min3A_728, %max3A_753 : vector<16xf32>
      %min3A_756 = arith.minimumf %min3A_730, %max3A_755 : vector<16xf32>
      %max3A_757 = arith.maximumf %min3A_730, %max3A_755 : vector<16xf32>
      %min3A_758 = arith.minimumf %min3A_732, %max3A_757 : vector<16xf32>
      %max3A_759 = arith.maximumf %min3A_732, %max3A_757 : vector<16xf32>
      %min3A_760 = arith.minimumf %min3A_734, %max3A_759 : vector<16xf32>
      %max3A_761 = arith.maximumf %min3A_734, %max3A_759 : vector<16xf32>
      %get3A_762 = arith.constant 448 : index
      %get3A_763 = tpu.vector_load %arg7[%get3A_762] {strides = array<i32>} : memref<1280xf32, #tpu.memory_space<vmem>>, vector<16xf32>,
      %get3A_764 = vector.shape_cast %get3A_763 : vector<16xf32> to vector<16xf32>
      %max3A_765 = arith.maximumf %max3A_739, %get3A_764 : vector<16xf32>
      %min3A_766 = arith.minimumf %max3A_739, %get3A_764 : vector<16xf32>
      %max3A_767 = arith.maximumf %max3A_741, %min3A_766 : vector<16xf32>
      %min3A_768 = arith.minimumf %max3A_741, %min3A_766 : vector<16xf32>
      %max3A_769 = arith.maximumf %max3A_743, %min3A_768 : vector<16xf32>
      %min3A_770 = arith.minimumf %max3A_743, %min3A_768 : vector<16xf32>
      %max3A_771 = arith.maximumf %max3A_745, %min3A_770 : vector<16xf32>
      %min3A_772 = arith.minimumf %max3A_745, %min3A_770 : vector<16xf32>
      %max3A_773 = arith.maximumf %max3A_747, %min3A_772 : vector<16xf32>
      %min3A_774 = arith.minimumf %max3A_747, %min3A_772 : vector<16xf32>
      %get3A_775 = arith.constant 464 : index
      %get3A_776 = tpu.vector_load %arg6[%get3A_775] {strides = array<i32>} : memref<1280xf32, #tpu.memory_space<vmem>>, vector<16xf32>,
      %get3A_777 = vector.shape_cast %get3A_776 : vector<16xf32> to vector<16xf32>
      %min3A_778 = arith.minimumf %min3A_752, %get3A_777 : vector<16xf32>
      %max3A_779 = arith.maximumf %min3A_752, %get3A_777 : vector<16xf32>
      %min3A_780 = arith.minimumf %min3A_754, %max3A_779 : vector<16xf32>
      %max3A_781 = arith.maximumf %min3A_754, %max3A_779 : vector<16xf32>
      %min3A_782 = arith.minimumf %min3A_756, %max3A_781 : vector<16xf32>
      %max3A_783 = arith.maximumf %min3A_756, %max3A_781 : vector<16xf32>
      %min3A_784 = arith.minimumf %min3A_758, %max3A_783 : vector<16xf32>
      %max3A_785 = arith.maximumf %min3A_758, %max3A_783 : vector<16xf32>
      %min3A_786 = arith.minimumf %min3A_760, %max3A_785 : vector<16xf32>
      %max3A_787 = arith.maximumf %min3A_760, %max3A_785 : vector<16xf32>
      %get3A_788 = arith.constant 464 : index
      %get3A_789 = tpu.vector_load %arg7[%get3A_788] {strides = array<i32>} : memref<1280xf32, #tpu.memory_space<vmem>>, vector<16xf32>,
      %get3A_790 = vector.shape_cast %get3A_789 : vector<16xf32> to vector<16xf32>
      %max3A_791 = arith.maximumf %max3A_765, %get3A_790 : vector<16xf32>
      %min3A_792 = arith.minimumf %max3A_765, %get3A_790 : vector<16xf32>
      %max3A_793 = arith.maximumf %max3A_767, %min3A_792 : vector<16xf32>
      %min3A_794 = arith.minimumf %max3A_767, %min3A_792 : vector<16xf32>
      %max3A_795 = arith.maximumf %max3A_769, %min3A_794 : vector<16xf32>
      %min3A_796 = arith.minimumf %max3A_769, %min3A_794 : vector<16xf32>
      %max3A_797 = arith.maximumf %max3A_771, %min3A_796 : vector<16xf32>
      %min3A_798 = arith.minimumf %max3A_771, %min3A_796 : vector<16xf32>
      %max3A_799 = arith.maximumf %max3A_773, %min3A_798 : vector<16xf32>
      %min3A_800 = arith.minimumf %max3A_773, %min3A_798 : vector<16xf32>
      %get3A_801 = arith.constant 480 : index
      %get3A_802 = tpu.vector_load %arg6[%get3A_801] {strides = array<i32>} : memref<1280xf32, #tpu.memory_space<vmem>>, vector<16xf32>,
      %get3A_803 = vector.shape_cast %get3A_802 : vector<16xf32> to vector<16xf32>
      %min3A_804 = arith.minimumf %min3A_778, %get3A_803 : vector<16xf32>
      %max3A_805 = arith.maximumf %min3A_778, %get3A_803 : vector<16xf32>
      %min3A_806 = arith.minimumf %min3A_780, %max3A_805 : vector<16xf32>
      %max3A_807 = arith.maximumf %min3A_780, %max3A_805 : vector<16xf32>
      %min3A_808 = arith.minimumf %min3A_782, %max3A_807 : vector<16xf32>
      %max3A_809 = arith.maximumf %min3A_782, %max3A_807 : vector<16xf32>
      %min3A_810 = arith.minimumf %min3A_784, %max3A_809 : vector<16xf32>
      %max3A_811 = arith.maximumf %min3A_784, %max3A_809 : vector<16xf32>
      %min3A_812 = arith.minimumf %min3A_786, %max3A_811 : vector<16xf32>
      %max3A_813 = arith.maximumf %min3A_786, %max3A_811 : vector<16xf32>
      %get3A_814 = arith.constant 480 : index
      %get3A_815 = tpu.vector_load %arg7[%get3A_814] {strides = array<i32>} : memref<1280xf32, #tpu.memory_space<vmem>>, vector<16xf32>,
      %get3A_816 = vector.shape_cast %get3A_815 : vector<16xf32> to vector<16xf32>
      %max3A_817 = arith.maximumf %max3A_791, %get3A_816 : vector<16xf32>
      %min3A_818 = arith.minimumf %max3A_791, %get3A_816 : vector<16xf32>
      %max3A_819 = arith.maximumf %max3A_793, %min3A_818 : vector<16xf32>
      %min3A_820 = arith.minimumf %max3A_793, %min3A_818 : vector<16xf32>
      %max3A_821 = arith.maximumf %max3A_795, %min3A_820 : vector<16xf32>
      %min3A_822 = arith.minimumf %max3A_795, %min3A_820 : vector<16xf32>
      %max3A_823 = arith.maximumf %max3A_797, %min3A_822 : vector<16xf32>
      %min3A_824 = arith.minimumf %max3A_797, %min3A_822 : vector<16xf32>
      %max3A_825 = arith.maximumf %max3A_799, %min3A_824 : vector<16xf32>
      %min3A_826 = arith.minimumf %max3A_799, %min3A_824 : vector<16xf32>
      %get3A_827 = arith.constant 496 : index
      %get3A_828 = tpu.vector_load %arg6[%get3A_827] {strides = array<i32>} : memref<1280xf32, #tpu.memory_space<vmem>>, vector<16xf32>,
      %get3A_829 = vector.shape_cast %get3A_828 : vector<16xf32> to vector<16xf32>
      %min3A_830 = arith.minimumf %min3A_804, %get3A_829 : vector<16xf32>
      %max3A_831 = arith.maximumf %min3A_804, %get3A_829 : vector<16xf32>
      %min3A_832 = arith.minimumf %min3A_806, %max3A_831 : vector<16xf32>
      %max3A_833 = arith.maximumf %min3A_806, %max3A_831 : vector<16xf32>
      %min3A_834 = arith.minimumf %min3A_808, %max3A_833 : vector<16xf32>
      %max3A_835 = arith.maximumf %min3A_808, %max3A_833 : vector<16xf32>
      %min3A_836 = arith.minimumf %min3A_810, %max3A_835 : vector<16xf32>
      %max3A_837 = arith.maximumf %min3A_810, %max3A_835 : vector<16xf32>
      %min3A_838 = arith.minimumf %min3A_812, %max3A_837 : vector<16xf32>
      %max3A_839 = arith.maximumf %min3A_812, %max3A_837 : vector<16xf32>
      %get3A_840 = arith.constant 496 : index
      %get3A_841 = tpu.vector_load %arg7[%get3A_840] {strides = array<i32>} : memref<1280xf32, #tpu.memory_space<vmem>>, vector<16xf32>,
      %get3A_842 = vector.shape_cast %get3A_841 : vector<16xf32> to vector<16xf32>
      %max3A_843 = arith.maximumf %max3A_817, %get3A_842 : vector<16xf32>
      %min3A_844 = arith.minimumf %max3A_817, %get3A_842 : vector<16xf32>
      %max3A_845 = arith.maximumf %max3A_819, %min3A_844 : vector<16xf32>
      %min3A_846 = arith.minimumf %max3A_819, %min3A_844 : vector<16xf32>
      %max3A_847 = arith.maximumf %max3A_821, %min3A_846 : vector<16xf32>
      %min3A_848 = arith.minimumf %max3A_821, %min3A_846 : vector<16xf32>
      %max3A_849 = arith.maximumf %max3A_823, %min3A_848 : vector<16xf32>
      %min3A_850 = arith.minimumf %max3A_823, %min3A_848 : vector<16xf32>
      %max3A_851 = arith.maximumf %max3A_825, %min3A_850 : vector<16xf32>
      %min3A_852 = arith.minimumf %max3A_825, %min3A_850 : vector<16xf32>
      %get3A_853 = arith.constant 512 : index
      %get3A_854 = tpu.vector_load %arg6[%get3A_853] {strides = array<i32>} : memref<1280xf32, #tpu.memory_space<vmem>>, vector<16xf32>,
      %get3A_855 = vector.shape_cast %get3A_854 : vector<16xf32> to vector<16xf32>
      %min3A_856 = arith.minimumf %min3A_830, %get3A_855 : vector<16xf32>
      %max3A_857 = arith.maximumf %min3A_830, %get3A_855 : vector<16xf32>
      %min3A_858 = arith.minimumf %min3A_832, %max3A_857 : vector<16xf32>
      %max3A_859 = arith.maximumf %min3A_832, %max3A_857 : vector<16xf32>
      %min3A_860 = arith.minimumf %min3A_834, %max3A_859 : vector<16xf32>
      %max3A_861 = arith.maximumf %min3A_834, %max3A_859 : vector<16xf32>
      %min3A_862 = arith.minimumf %min3A_836, %max3A_861 : vector<16xf32>
      %max3A_863 = arith.maximumf %min3A_836, %max3A_861 : vector<16xf32>
      %min3A_864 = arith.minimumf %min3A_838, %max3A_863 : vector<16xf32>
      %max3A_865 = arith.maximumf %min3A_838, %max3A_863 : vector<16xf32>
      %get3A_866 = arith.constant 512 : index
      %get3A_867 = tpu.vector_load %arg7[%get3A_866] {strides = array<i32>} : memref<1280xf32, #tpu.memory_space<vmem>>, vector<16xf32>,
      %get3A_868 = vector.shape_cast %get3A_867 : vector<16xf32> to vector<16xf32>
      %max3A_869 = arith.maximumf %max3A_843, %get3A_868 : vector<16xf32>
      %min3A_870 = arith.minimumf %max3A_843, %get3A_868 : vector<16xf32>
      %max3A_871 = arith.maximumf %max3A_845, %min3A_870 : vector<16xf32>
      %min3A_872 = arith.minimumf %max3A_845, %min3A_870 : vector<16xf32>
      %max3A_873 = arith.maximumf %max3A_847, %min3A_872 : vector<16xf32>
      %min3A_874 = arith.minimumf %max3A_847, %min3A_872 : vector<16xf32>
      %max3A_875 = arith.maximumf %max3A_849, %min3A_874 : vector<16xf32>
      %min3A_876 = arith.minimumf %max3A_849, %min3A_874 : vector<16xf32>
      %max3A_877 = arith.maximumf %max3A_851, %min3A_876 : vector<16xf32>
      %min3A_878 = arith.minimumf %max3A_851, %min3A_876 : vector<16xf32>
      %get3A_879 = arith.constant 528 : index
      %get3A_880 = tpu.vector_load %arg6[%get3A_879] {strides = array<i32>} : memref<1280xf32, #tpu.memory_space<vmem>>, vector<16xf32>,
      %get3A_881 = vector.shape_cast %get3A_880 : vector<16xf32> to vector<16xf32>
      %min3A_882 = arith.minimumf %min3A_856, %get3A_881 : vector<16xf32>
      %max3A_883 = arith.maximumf %min3A_856, %get3A_881 : vector<16xf32>
      %min3A_884 = arith.minimumf %min3A_858, %max3A_883 : vector<16xf32>
      %max3A_885 = arith.maximumf %min3A_858, %max3A_883 : vector<16xf32>
      %min3A_886 = arith.minimumf %min3A_860, %max3A_885 : vector<16xf32>
      %max3A_887 = arith.maximumf %min3A_860, %max3A_885 : vector<16xf32>
      %min3A_888 = arith.minimumf %min3A_862, %max3A_887 : vector<16xf32>
      %max3A_889 = arith.maximumf %min3A_862, %max3A_887 : vector<16xf32>
      %min3A_890 = arith.minimumf %min3A_864, %max3A_889 : vector<16xf32>
      %max3A_891 = arith.maximumf %min3A_864, %max3A_889 : vector<16xf32>
      %get3A_892 = arith.constant 528 : index
      %get3A_893 = tpu.vector_load %arg7[%get3A_892] {strides = array<i32>} : memref<1280xf32, #tpu.memory_space<vmem>>, vector<16xf32>,
      %get3A_894 = vector.shape_cast %get3A_893 : vector<16xf32> to vector<16xf32>
      %max3A_895 = arith.maximumf %max3A_869, %get3A_894 : vector<16xf32>
      %min3A_896 = arith.minimumf %max3A_869, %get3A_894 : vector<16xf32>
      %max3A_897 = arith.maximumf %max3A_871, %min3A_896 : vector<16xf32>
      %min3A_898 = arith.minimumf %max3A_871, %min3A_896 : vector<16xf32>
      %max3A_899 = arith.maximumf %max3A_873, %min3A_898 : vector<16xf32>
      %min3A_900 = arith.minimumf %max3A_873, %min3A_898 : vector<16xf32>
      %max3A_901 = arith.maximumf %max3A_875, %min3A_900 : vector<16xf32>
      %min3A_902 = arith.minimumf %max3A_875, %min3A_900 : vector<16xf32>
      %max3A_903 = arith.maximumf %max3A_877, %min3A_902 : vector<16xf32>
      %min3A_904 = arith.minimumf %max3A_877, %min3A_902 : vector<16xf32>
      %get3A_905 = arith.constant 544 : index
      %get3A_906 = tpu.vector_load %arg6[%get3A_905] {strides = array<i32>} : memref<1280xf32, #tpu.memory_space<vmem>>, vector<16xf32>,
      %get3A_907 = vector.shape_cast %get3A_906 : vector<16xf32> to vector<16xf32>
      %min3A_908 = arith.minimumf %min3A_882, %get3A_907 : vector<16xf32>
      %max3A_909 = arith.maximumf %min3A_882, %get3A_907 : vector<16xf32>
      %min3A_910 = arith.minimumf %min3A_884, %max3A_909 : vector<16xf32>
      %max3A_911 = arith.maximumf %min3A_884, %max3A_909 : vector<16xf32>
      %min3A_912 = arith.minimumf %min3A_886, %max3A_911 : vector<16xf32>
      %max3A_913 = arith.maximumf %min3A_886, %max3A_911 : vector<16xf32>
      %min3A_914 = arith.minimumf %min3A_888, %max3A_913 : vector<16xf32>
      %max3A_915 = arith.maximumf %min3A_888, %max3A_913 : vector<16xf32>
      %min3A_916 = arith.minimumf %min3A_890, %max3A_915 : vector<16xf32>
      %max3A_917 = arith.maximumf %min3A_890, %max3A_915 : vector<16xf32>
      %get3A_918 = arith.constant 544 : index
      %get3A_919 = tpu.vector_load %arg7[%get3A_918] {strides = array<i32>} : memref<1280xf32, #tpu.memory_space<vmem>>, vector<16xf32>,
      %get3A_920 = vector.shape_cast %get3A_919 : vector<16xf32> to vector<16xf32>
      %max3A_921 = arith.maximumf %max3A_895, %get3A_920 : vector<16xf32>
      %min3A_922 = arith.minimumf %max3A_895, %get3A_920 : vector<16xf32>
      %max3A_923 = arith.maximumf %max3A_897, %min3A_922 : vector<16xf32>
      %min3A_924 = arith.minimumf %max3A_897, %min3A_922 : vector<16xf32>
      %max3A_925 = arith.maximumf %max3A_899, %min3A_924 : vector<16xf32>
      %min3A_926 = arith.minimumf %max3A_899, %min3A_924 : vector<16xf32>
      %max3A_927 = arith.maximumf %max3A_901, %min3A_926 : vector<16xf32>
      %min3A_928 = arith.minimumf %max3A_901, %min3A_926 : vector<16xf32>
      %max3A_929 = arith.maximumf %max3A_903, %min3A_928 : vector<16xf32>
      %min3A_930 = arith.minimumf %max3A_903, %min3A_928 : vector<16xf32>
      %get3A_931 = arith.constant 560 : index
      %get3A_932 = tpu.vector_load %arg6[%get3A_931] {strides = array<i32>} : memref<1280xf32, #tpu.memory_space<vmem>>, vector<16xf32>,
      %get3A_933 = vector.shape_cast %get3A_932 : vector<16xf32> to vector<16xf32>
      %min3A_934 = arith.minimumf %min3A_908, %get3A_933 : vector<16xf32>
      %max3A_935 = arith.maximumf %min3A_908, %get3A_933 : vector<16xf32>
      %min3A_936 = arith.minimumf %min3A_910, %max3A_935 : vector<16xf32>
      %max3A_937 = arith.maximumf %min3A_910, %max3A_935 : vector<16xf32>
      %min3A_938 = arith.minimumf %min3A_912, %max3A_937 : vector<16xf32>
      %max3A_939 = arith.maximumf %min3A_912, %max3A_937 : vector<16xf32>
      %min3A_940 = arith.minimumf %min3A_914, %max3A_939 : vector<16xf32>
      %max3A_941 = arith.maximumf %min3A_914, %max3A_939 : vector<16xf32>
      %min3A_942 = arith.minimumf %min3A_916, %max3A_941 : vector<16xf32>
      %max3A_943 = arith.maximumf %min3A_916, %max3A_941 : vector<16xf32>
      %get3A_944 = arith.constant 560 : index
      %get3A_945 = tpu.vector_load %arg7[%get3A_944] {strides = array<i32>} : memref<1280xf32, #tpu.memory_space<vmem>>, vector<16xf32>,
      %get3A_946 = vector.shape_cast %get3A_945 : vector<16xf32> to vector<16xf32>
      %max3A_947 = arith.maximumf %max3A_921, %get3A_946 : vector<16xf32>
      %min3A_948 = arith.minimumf %max3A_921, %get3A_946 : vector<16xf32>
      %max3A_949 = arith.maximumf %max3A_923, %min3A_948 : vector<16xf32>
      %min3A_950 = arith.minimumf %max3A_923, %min3A_948 : vector<16xf32>
      %max3A_951 = arith.maximumf %max3A_925, %min3A_950 : vector<16xf32>
      %min3A_952 = arith.minimumf %max3A_925, %min3A_950 : vector<16xf32>
      %max3A_953 = arith.maximumf %max3A_927, %min3A_952 : vector<16xf32>
      %min3A_954 = arith.minimumf %max3A_927, %min3A_952 : vector<16xf32>
      %max3A_955 = arith.maximumf %max3A_929, %min3A_954 : vector<16xf32>
      %min3A_956 = arith.minimumf %max3A_929, %min3A_954 : vector<16xf32>
      %get3A_957 = arith.constant 576 : index
      %get3A_958 = tpu.vector_load %arg6[%get3A_957] {strides = array<i32>} : memref<1280xf32, #tpu.memory_space<vmem>>, vector<16xf32>,
      %get3A_959 = vector.shape_cast %get3A_958 : vector<16xf32> to vector<16xf32>
      %min3A_960 = arith.minimumf %min3A_934, %get3A_959 : vector<16xf32>
      %max3A_961 = arith.maximumf %min3A_934, %get3A_959 : vector<16xf32>
      %min3A_962 = arith.minimumf %min3A_936, %max3A_961 : vector<16xf32>
      %max3A_963 = arith.maximumf %min3A_936, %max3A_961 : vector<16xf32>
      %min3A_964 = arith.minimumf %min3A_938, %max3A_963 : vector<16xf32>
      %max3A_965 = arith.maximumf %min3A_938, %max3A_963 : vector<16xf32>
      %min3A_966 = arith.minimumf %min3A_940, %max3A_965 : vector<16xf32>
      %max3A_967 = arith.maximumf %min3A_940, %max3A_965 : vector<16xf32>
      %min3A_968 = arith.minimumf %min3A_942, %max3A_967 : vector<16xf32>
      %max3A_969 = arith.maximumf %min3A_942, %max3A_967 : vector<16xf32>
      %get3A_970 = arith.constant 576 : index
      %get3A_971 = tpu.vector_load %arg7[%get3A_970] {strides = array<i32>} : memref<1280xf32, #tpu.memory_space<vmem>>, vector<16xf32>,
      %get3A_972 = vector.shape_cast %get3A_971 : vector<16xf32> to vector<16xf32>
      %max3A_973 = arith.maximumf %max3A_947, %get3A_972 : vector<16xf32>
      %min3A_974 = arith.minimumf %max3A_947, %get3A_972 : vector<16xf32>
      %max3A_975 = arith.maximumf %max3A_949, %min3A_974 : vector<16xf32>
      %min3A_976 = arith.minimumf %max3A_949, %min3A_974 : vector<16xf32>
      %max3A_977 = arith.maximumf %max3A_951, %min3A_976 : vector<16xf32>
      %min3A_978 = arith.minimumf %max3A_951, %min3A_976 : vector<16xf32>
      %max3A_979 = arith.maximumf %max3A_953, %min3A_978 : vector<16xf32>
      %min3A_980 = arith.minimumf %max3A_953, %min3A_978 : vector<16xf32>
      %max3A_981 = arith.maximumf %max3A_955, %min3A_980 : vector<16xf32>
      %min3A_982 = arith.minimumf %max3A_955, %min3A_980 : vector<16xf32>
      %get3A_983 = arith.constant 592 : index
      %get3A_984 = tpu.vector_load %arg6[%get3A_983] {strides = array<i32>} : memref<1280xf32, #tpu.memory_space<vmem>>, vector<16xf32>,
      %get3A_985 = vector.shape_cast %get3A_984 : vector<16xf32> to vector<16xf32>
      %min3A_986 = arith.minimumf %min3A_960, %get3A_985 : vector<16xf32>
      %max3A_987 = arith.maximumf %min3A_960, %get3A_985 : vector<16xf32>
      %min3A_988 = arith.minimumf %min3A_962, %max3A_987 : vector<16xf32>
      %max3A_989 = arith.maximumf %min3A_962, %max3A_987 : vector<16xf32>
      %min3A_990 = arith.minimumf %min3A_964, %max3A_989 : vector<16xf32>
      %max3A_991 = arith.maximumf %min3A_964, %max3A_989 : vector<16xf32>
      %min3A_992 = arith.minimumf %min3A_966, %max3A_991 : vector<16xf32>
      %max3A_993 = arith.maximumf %min3A_966, %max3A_991 : vector<16xf32>
      %min3A_994 = arith.minimumf %min3A_968, %max3A_993 : vector<16xf32>
      %max3A_995 = arith.maximumf %min3A_968, %max3A_993 : vector<16xf32>
      %get3A_996 = arith.constant 592 : index
      %get3A_997 = tpu.vector_load %arg7[%get3A_996] {strides = array<i32>} : memref<1280xf32, #tpu.memory_space<vmem>>, vector<16xf32>,
      %get3A_998 = vector.shape_cast %get3A_997 : vector<16xf32> to vector<16xf32>
      %max3A_999 = arith.maximumf %max3A_973, %get3A_998 : vector<16xf32>
      %min3A_1000 = arith.minimumf %max3A_973, %get3A_998 : vector<16xf32>
      %max3A_1001 = arith.maximumf %max3A_975, %min3A_1000 : vector<16xf32>
      %min3A_1002 = arith.minimumf %max3A_975, %min3A_1000 : vector<16xf32>
      %max3A_1003 = arith.maximumf %max3A_977, %min3A_1002 : vector<16xf32>
      %min3A_1004 = arith.minimumf %max3A_977, %min3A_1002 : vector<16xf32>
      %max3A_1005 = arith.maximumf %max3A_979, %min3A_1004 : vector<16xf32>
      %min3A_1006 = arith.minimumf %max3A_979, %min3A_1004 : vector<16xf32>
      %max3A_1007 = arith.maximumf %max3A_981, %min3A_1006 : vector<16xf32>
      %min3A_1008 = arith.minimumf %max3A_981, %min3A_1006 : vector<16xf32>
      %get3A_1009 = arith.constant 608 : index
      %get3A_1010 = tpu.vector_load %arg6[%get3A_1009] {strides = array<i32>} : memref<1280xf32, #tpu.memory_space<vmem>>, vector<16xf32>,
      %get3A_1011 = vector.shape_cast %get3A_1010 : vector<16xf32> to vector<16xf32>
      %min3A_1012 = arith.minimumf %min3A_986, %get3A_1011 : vector<16xf32>
      %max3A_1013 = arith.maximumf %min3A_986, %get3A_1011 : vector<16xf32>
      %min3A_1014 = arith.minimumf %min3A_988, %max3A_1013 : vector<16xf32>
      %max3A_1015 = arith.maximumf %min3A_988, %max3A_1013 : vector<16xf32>
      %min3A_1016 = arith.minimumf %min3A_990, %max3A_1015 : vector<16xf32>
      %max3A_1017 = arith.maximumf %min3A_990, %max3A_1015 : vector<16xf32>
      %min3A_1018 = arith.minimumf %min3A_992, %max3A_1017 : vector<16xf32>
      %max3A_1019 = arith.maximumf %min3A_992, %max3A_1017 : vector<16xf32>
      %min3A_1020 = arith.minimumf %min3A_994, %max3A_1019 : vector<16xf32>
      %max3A_1021 = arith.maximumf %min3A_994, %max3A_1019 : vector<16xf32>
      %get3A_1022 = arith.constant 608 : index
      %get3A_1023 = tpu.vector_load %arg7[%get3A_1022] {strides = array<i32>} : memref<1280xf32, #tpu.memory_space<vmem>>, vector<16xf32>,
      %get3A_1024 = vector.shape_cast %get3A_1023 : vector<16xf32> to vector<16xf32>
      %max3A_1025 = arith.maximumf %max3A_999, %get3A_1024 : vector<16xf32>
      %min3A_1026 = arith.minimumf %max3A_999, %get3A_1024 : vector<16xf32>
      %max3A_1027 = arith.maximumf %max3A_1001, %min3A_1026 : vector<16xf32>
      %min3A_1028 = arith.minimumf %max3A_1001, %min3A_1026 : vector<16xf32>
      %max3A_1029 = arith.maximumf %max3A_1003, %min3A_1028 : vector<16xf32>
      %min3A_1030 = arith.minimumf %max3A_1003, %min3A_1028 : vector<16xf32>
      %max3A_1031 = arith.maximumf %max3A_1005, %min3A_1030 : vector<16xf32>
      %min3A_1032 = arith.minimumf %max3A_1005, %min3A_1030 : vector<16xf32>
      %max3A_1033 = arith.maximumf %max3A_1007, %min3A_1032 : vector<16xf32>
      %min3A_1034 = arith.minimumf %max3A_1007, %min3A_1032 : vector<16xf32>
      %get3A_1035 = arith.constant 624 : index
      %get3A_1036 = tpu.vector_load %arg6[%get3A_1035] {strides = array<i32>} : memref<1280xf32, #tpu.memory_space<vmem>>, vector<16xf32>,
      %get3A_1037 = vector.shape_cast %get3A_1036 : vector<16xf32> to vector<16xf32>
      %min3A_1038 = arith.minimumf %min3A_1012, %get3A_1037 : vector<16xf32>
      %max3A_1039 = arith.maximumf %min3A_1012, %get3A_1037 : vector<16xf32>
      %min3A_1040 = arith.minimumf %min3A_1014, %max3A_1039 : vector<16xf32>
      %max3A_1041 = arith.maximumf %min3A_1014, %max3A_1039 : vector<16xf32>
      %min3A_1042 = arith.minimumf %min3A_1016, %max3A_1041 : vector<16xf32>
      %max3A_1043 = arith.maximumf %min3A_1016, %max3A_1041 : vector<16xf32>
      %min3A_1044 = arith.minimumf %min3A_1018, %max3A_1043 : vector<16xf32>
      %max3A_1045 = arith.maximumf %min3A_1018, %max3A_1043 : vector<16xf32>
      %min3A_1046 = arith.minimumf %min3A_1020, %max3A_1045 : vector<16xf32>
      %max3A_1047 = arith.maximumf %min3A_1020, %max3A_1045 : vector<16xf32>
      %get3A_1048 = arith.constant 624 : index
      %get3A_1049 = tpu.vector_load %arg7[%get3A_1048] {strides = array<i32>} : memref<1280xf32, #tpu.memory_space<vmem>>, vector<16xf32>,
      %get3A_1050 = vector.shape_cast %get3A_1049 : vector<16xf32> to vector<16xf32>
      %max3A_1051 = arith.maximumf %max3A_1025, %get3A_1050 : vector<16xf32>
      %min3A_1052 = arith.minimumf %max3A_1025, %get3A_1050 : vector<16xf32>
      %max3A_1053 = arith.maximumf %max3A_1027, %min3A_1052 : vector<16xf32>
      %min3A_1054 = arith.minimumf %max3A_1027, %min3A_1052 : vector<16xf32>
      %max3A_1055 = arith.maximumf %max3A_1029, %min3A_1054 : vector<16xf32>
      %min3A_1056 = arith.minimumf %max3A_1029, %min3A_1054 : vector<16xf32>
      %max3A_1057 = arith.maximumf %max3A_1031, %min3A_1056 : vector<16xf32>
      %min3A_1058 = arith.minimumf %max3A_1031, %min3A_1056 : vector<16xf32>
      %max3A_1059 = arith.maximumf %max3A_1033, %min3A_1058 : vector<16xf32>
      %min3A_1060 = arith.minimumf %max3A_1033, %min3A_1058 : vector<16xf32>
      %get3A_1061 = arith.constant 640 : index
      %get3A_1062 = tpu.vector_load %arg6[%get3A_1061] {strides = array<i32>} : memref<1280xf32, #tpu.memory_space<vmem>>, vector<16xf32>,
      %get3A_1063 = vector.shape_cast %get3A_1062 : vector<16xf32> to vector<16xf32>
      %min3A_1064 = arith.minimumf %min3A_1038, %get3A_1063 : vector<16xf32>
      %max3A_1065 = arith.maximumf %min3A_1038, %get3A_1063 : vector<16xf32>
      %min3A_1066 = arith.minimumf %min3A_1040, %max3A_1065 : vector<16xf32>
      %max3A_1067 = arith.maximumf %min3A_1040, %max3A_1065 : vector<16xf32>
      %min3A_1068 = arith.minimumf %min3A_1042, %max3A_1067 : vector<16xf32>
      %max3A_1069 = arith.maximumf %min3A_1042, %max3A_1067 : vector<16xf32>
      %min3A_1070 = arith.minimumf %min3A_1044, %max3A_1069 : vector<16xf32>
      %max3A_1071 = arith.maximumf %min3A_1044, %max3A_1069 : vector<16xf32>
      %min3A_1072 = arith.minimumf %min3A_1046, %max3A_1071 : vector<16xf32>
      %max3A_1073 = arith.maximumf %min3A_1046, %max3A_1071 : vector<16xf32>
      %get3A_1074 = arith.constant 640 : index
      %get3A_1075 = tpu.vector_load %arg7[%get3A_1074] {strides = array<i32>} : memref<1280xf32, #tpu.memory_space<vmem>>, vector<16xf32>,
      %get3A_1076 = vector.shape_cast %get3A_1075 : vector<16xf32> to vector<16xf32>
      %max3A_1077 = arith.maximumf %max3A_1051, %get3A_1076 : vector<16xf32>
      %min3A_1078 = arith.minimumf %max3A_1051, %get3A_1076 : vector<16xf32>
      %max3A_1079 = arith.maximumf %max3A_1053, %min3A_1078 : vector<16xf32>
      %min3A_1080 = arith.minimumf %max3A_1053, %min3A_1078 : vector<16xf32>
      %max3A_1081 = arith.maximumf %max3A_1055, %min3A_1080 : vector<16xf32>
      %min3A_1082 = arith.minimumf %max3A_1055, %min3A_1080 : vector<16xf32>
      %max3A_1083 = arith.maximumf %max3A_1057, %min3A_1082 : vector<16xf32>
      %min3A_1084 = arith.minimumf %max3A_1057, %min3A_1082 : vector<16xf32>
      %max3A_1085 = arith.maximumf %max3A_1059, %min3A_1084 : vector<16xf32>
      %min3A_1086 = arith.minimumf %max3A_1059, %min3A_1084 : vector<16xf32>
      %get3A_1087 = arith.constant 656 : index
      %get3A_1088 = tpu.vector_load %arg6[%get3A_1087] {strides = array<i32>} : memref<1280xf32, #tpu.memory_space<vmem>>, vector<16xf32>,
      %get3A_1089 = vector.shape_cast %get3A_1088 : vector<16xf32> to vector<16xf32>
      %min3A_1090 = arith.minimumf %min3A_1064, %get3A_1089 : vector<16xf32>
      %max3A_1091 = arith.maximumf %min3A_1064, %get3A_1089 : vector<16xf32>
      %min3A_1092 = arith.minimumf %min3A_1066, %max3A_1091 : vector<16xf32>
      %max3A_1093 = arith.maximumf %min3A_1066, %max3A_1091 : vector<16xf32>
      %min3A_1094 = arith.minimumf %min3A_1068, %max3A_1093 : vector<16xf32>
      %max3A_1095 = arith.maximumf %min3A_1068, %max3A_1093 : vector<16xf32>
      %min3A_1096 = arith.minimumf %min3A_1070, %max3A_1095 : vector<16xf32>
      %max3A_1097 = arith.maximumf %min3A_1070, %max3A_1095 : vector<16xf32>
      %min3A_1098 = arith.minimumf %min3A_1072, %max3A_1097 : vector<16xf32>
      %max3A_1099 = arith.maximumf %min3A_1072, %max3A_1097 : vector<16xf32>
      %get3A_1100 = arith.constant 656 : index
      %get3A_1101 = tpu.vector_load %arg7[%get3A_1100] {strides = array<i32>} : memref<1280xf32, #tpu.memory_space<vmem>>, vector<16xf32>,
      %get3A_1102 = vector.shape_cast %get3A_1101 : vector<16xf32> to vector<16xf32>
      %max3A_1103 = arith.maximumf %max3A_1077, %get3A_1102 : vector<16xf32>
      %min3A_1104 = arith.minimumf %max3A_1077, %get3A_1102 : vector<16xf32>
      %max3A_1105 = arith.maximumf %max3A_1079, %min3A_1104 : vector<16xf32>
      %min3A_1106 = arith.minimumf %max3A_1079, %min3A_1104 : vector<16xf32>
      %max3A_1107 = arith.maximumf %max3A_1081, %min3A_1106 : vector<16xf32>
      %min3A_1108 = arith.minimumf %max3A_1081, %min3A_1106 : vector<16xf32>
      %max3A_1109 = arith.maximumf %max3A_1083, %min3A_1108 : vector<16xf32>
      %min3A_1110 = arith.minimumf %max3A_1083, %min3A_1108 : vector<16xf32>
      %max3A_1111 = arith.maximumf %max3A_1085, %min3A_1110 : vector<16xf32>
      %min3A_1112 = arith.minimumf %max3A_1085, %min3A_1110 : vector<16xf32>
      %get3A_1113 = arith.constant 672 : index
      %get3A_1114 = tpu.vector_load %arg6[%get3A_1113] {strides = array<i32>} : memref<1280xf32, #tpu.memory_space<vmem>>, vector<16xf32>,
      %get3A_1115 = vector.shape_cast %get3A_1114 : vector<16xf32> to vector<16xf32>
      %min3A_1116 = arith.minimumf %min3A_1090, %get3A_1115 : vector<16xf32>
      %max3A_1117 = arith.maximumf %min3A_1090, %get3A_1115 : vector<16xf32>
      %min3A_1118 = arith.minimumf %min3A_1092, %max3A_1117 : vector<16xf32>
      %max3A_1119 = arith.maximumf %min3A_1092, %max3A_1117 : vector<16xf32>
      %min3A_1120 = arith.minimumf %min3A_1094, %max3A_1119 : vector<16xf32>
      %max3A_1121 = arith.maximumf %min3A_1094, %max3A_1119 : vector<16xf32>
      %min3A_1122 = arith.minimumf %min3A_1096, %max3A_1121 : vector<16xf32>
      %max3A_1123 = arith.maximumf %min3A_1096, %max3A_1121 : vector<16xf32>
      %min3A_1124 = arith.minimumf %min3A_1098, %max3A_1123 : vector<16xf32>
      %max3A_1125 = arith.maximumf %min3A_1098, %max3A_1123 : vector<16xf32>
      %get3A_1126 = arith.constant 672 : index
      %get3A_1127 = tpu.vector_load %arg7[%get3A_1126] {strides = array<i32>} : memref<1280xf32, #tpu.memory_space<vmem>>, vector<16xf32>,
      %get3A_1128 = vector.shape_cast %get3A_1127 : vector<16xf32> to vector<16xf32>
      %max3A_1129 = arith.maximumf %max3A_1103, %get3A_1128 : vector<16xf32>
      %min3A_1130 = arith.minimumf %max3A_1103, %get3A_1128 : vector<16xf32>
      %max3A_1131 = arith.maximumf %max3A_1105, %min3A_1130 : vector<16xf32>
      %min3A_1132 = arith.minimumf %max3A_1105, %min3A_1130 : vector<16xf32>
      %max3A_1133 = arith.maximumf %max3A_1107, %min3A_1132 : vector<16xf32>
      %min3A_1134 = arith.minimumf %max3A_1107, %min3A_1132 : vector<16xf32>
      %max3A_1135 = arith.maximumf %max3A_1109, %min3A_1134 : vector<16xf32>
      %min3A_1136 = arith.minimumf %max3A_1109, %min3A_1134 : vector<16xf32>
      %max3A_1137 = arith.maximumf %max3A_1111, %min3A_1136 : vector<16xf32>
      %min3A_1138 = arith.minimumf %max3A_1111, %min3A_1136 : vector<16xf32>
      %get3A_1139 = arith.constant 688 : index
      %get3A_1140 = tpu.vector_load %arg6[%get3A_1139] {strides = array<i32>} : memref<1280xf32, #tpu.memory_space<vmem>>, vector<16xf32>,
      %get3A_1141 = vector.shape_cast %get3A_1140 : vector<16xf32> to vector<16xf32>
      %min3A_1142 = arith.minimumf %min3A_1116, %get3A_1141 : vector<16xf32>
      %max3A_1143 = arith.maximumf %min3A_1116, %get3A_1141 : vector<16xf32>
      %min3A_1144 = arith.minimumf %min3A_1118, %max3A_1143 : vector<16xf32>
      %max3A_1145 = arith.maximumf %min3A_1118, %max3A_1143 : vector<16xf32>
      %min3A_1146 = arith.minimumf %min3A_1120, %max3A_1145 : vector<16xf32>
      %max3A_1147 = arith.maximumf %min3A_1120, %max3A_1145 : vector<16xf32>
      %min3A_1148 = arith.minimumf %min3A_1122, %max3A_1147 : vector<16xf32>
      %max3A_1149 = arith.maximumf %min3A_1122, %max3A_1147 : vector<16xf32>
      %min3A_1150 = arith.minimumf %min3A_1124, %max3A_1149 : vector<16xf32>
      %max3A_1151 = arith.maximumf %min3A_1124, %max3A_1149 : vector<16xf32>
      %get3A_1152 = arith.constant 688 : index
      %get3A_1153 = tpu.vector_load %arg7[%get3A_1152] {strides = array<i32>} : memref<1280xf32, #tpu.memory_space<vmem>>, vector<16xf32>,
      %get3A_1154 = vector.shape_cast %get3A_1153 : vector<16xf32> to vector<16xf32>
      %max3A_1155 = arith.maximumf %max3A_1129, %get3A_1154 : vector<16xf32>
      %min3A_1156 = arith.minimumf %max3A_1129, %get3A_1154 : vector<16xf32>
      %max3A_1157 = arith.maximumf %max3A_1131, %min3A_1156 : vector<16xf32>
      %min3A_1158 = arith.minimumf %max3A_1131, %min3A_1156 : vector<16xf32>
      %max3A_1159 = arith.maximumf %max3A_1133, %min3A_1158 : vector<16xf32>
      %min3A_1160 = arith.minimumf %max3A_1133, %min3A_1158 : vector<16xf32>
      %max3A_1161 = arith.maximumf %max3A_1135, %min3A_1160 : vector<16xf32>
      %min3A_1162 = arith.minimumf %max3A_1135, %min3A_1160 : vector<16xf32>
      %max3A_1163 = arith.maximumf %max3A_1137, %min3A_1162 : vector<16xf32>
      %min3A_1164 = arith.minimumf %max3A_1137, %min3A_1162 : vector<16xf32>
      %get3A_1165 = arith.constant 704 : index
      %get3A_1166 = tpu.vector_load %arg6[%get3A_1165] {strides = array<i32>} : memref<1280xf32, #tpu.memory_space<vmem>>, vector<16xf32>,
      %get3A_1167 = vector.shape_cast %get3A_1166 : vector<16xf32> to vector<16xf32>
      %min3A_1168 = arith.minimumf %min3A_1142, %get3A_1167 : vector<16xf32>
      %max3A_1169 = arith.maximumf %min3A_1142, %get3A_1167 : vector<16xf32>
      %min3A_1170 = arith.minimumf %min3A_1144, %max3A_1169 : vector<16xf32>
      %max3A_1171 = arith.maximumf %min3A_1144, %max3A_1169 : vector<16xf32>
      %min3A_1172 = arith.minimumf %min3A_1146, %max3A_1171 : vector<16xf32>
      %max3A_1173 = arith.maximumf %min3A_1146, %max3A_1171 : vector<16xf32>
      %min3A_1174 = arith.minimumf %min3A_1148, %max3A_1173 : vector<16xf32>
      %max3A_1175 = arith.maximumf %min3A_1148, %max3A_1173 : vector<16xf32>
      %min3A_1176 = arith.minimumf %min3A_1150, %max3A_1175 : vector<16xf32>
      %max3A_1177 = arith.maximumf %min3A_1150, %max3A_1175 : vector<16xf32>
      %get3A_1178 = arith.constant 704 : index
      %get3A_1179 = tpu.vector_load %arg7[%get3A_1178] {strides = array<i32>} : memref<1280xf32, #tpu.memory_space<vmem>>, vector<16xf32>,
      %get3A_1180 = vector.shape_cast %get3A_1179 : vector<16xf32> to vector<16xf32>
      %max3A_1181 = arith.maximumf %max3A_1155, %get3A_1180 : vector<16xf32>
      %min3A_1182 = arith.minimumf %max3A_1155, %get3A_1180 : vector<16xf32>
      %max3A_1183 = arith.maximumf %max3A_1157, %min3A_1182 : vector<16xf32>
      %min3A_1184 = arith.minimumf %max3A_1157, %min3A_1182 : vector<16xf32>
      %max3A_1185 = arith.maximumf %max3A_1159, %min3A_1184 : vector<16xf32>
      %min3A_1186 = arith.minimumf %max3A_1159, %min3A_1184 : vector<16xf32>
      %max3A_1187 = arith.maximumf %max3A_1161, %min3A_1186 : vector<16xf32>
      %min3A_1188 = arith.minimumf %max3A_1161, %min3A_1186 : vector<16xf32>
      %max3A_1189 = arith.maximumf %max3A_1163, %min3A_1188 : vector<16xf32>
      %min3A_1190 = arith.minimumf %max3A_1163, %min3A_1188 : vector<16xf32>
      %get3A_1191 = arith.constant 720 : index
      %get3A_1192 = tpu.vector_load %arg6[%get3A_1191] {strides = array<i32>} : memref<1280xf32, #tpu.memory_space<vmem>>, vector<16xf32>,
      %get3A_1193 = vector.shape_cast %get3A_1192 : vector<16xf32> to vector<16xf32>
      %min3A_1194 = arith.minimumf %min3A_1168, %get3A_1193 : vector<16xf32>
      %max3A_1195 = arith.maximumf %min3A_1168, %get3A_1193 : vector<16xf32>
      %min3A_1196 = arith.minimumf %min3A_1170, %max3A_1195 : vector<16xf32>
      %max3A_1197 = arith.maximumf %min3A_1170, %max3A_1195 : vector<16xf32>
      %min3A_1198 = arith.minimumf %min3A_1172, %max3A_1197 : vector<16xf32>
      %max3A_1199 = arith.maximumf %min3A_1172, %max3A_1197 : vector<16xf32>
      %min3A_1200 = arith.minimumf %min3A_1174, %max3A_1199 : vector<16xf32>
      %max3A_1201 = arith.maximumf %min3A_1174, %max3A_1199 : vector<16xf32>
      %min3A_1202 = arith.minimumf %min3A_1176, %max3A_1201 : vector<16xf32>
      %max3A_1203 = arith.maximumf %min3A_1176, %max3A_1201 : vector<16xf32>
      %get3A_1204 = arith.constant 720 : index
      %get3A_1205 = tpu.vector_load %arg7[%get3A_1204] {strides = array<i32>} : memref<1280xf32, #tpu.memory_space<vmem>>, vector<16xf32>,
      %get3A_1206 = vector.shape_cast %get3A_1205 : vector<16xf32> to vector<16xf32>
      %max3A_1207 = arith.maximumf %max3A_1181, %get3A_1206 : vector<16xf32>
      %min3A_1208 = arith.minimumf %max3A_1181, %get3A_1206 : vector<16xf32>
      %max3A_1209 = arith.maximumf %max3A_1183, %min3A_1208 : vector<16xf32>
      %min3A_1210 = arith.minimumf %max3A_1183, %min3A_1208 : vector<16xf32>
      %max3A_1211 = arith.maximumf %max3A_1185, %min3A_1210 : vector<16xf32>
      %min3A_1212 = arith.minimumf %max3A_1185, %min3A_1210 : vector<16xf32>
      %max3A_1213 = arith.maximumf %max3A_1187, %min3A_1212 : vector<16xf32>
      %min3A_1214 = arith.minimumf %max3A_1187, %min3A_1212 : vector<16xf32>
      %max3A_1215 = arith.maximumf %max3A_1189, %min3A_1214 : vector<16xf32>
      %min3A_1216 = arith.minimumf %max3A_1189, %min3A_1214 : vector<16xf32>
      %get3A_1217 = arith.constant 736 : index
      %get3A_1218 = tpu.vector_load %arg6[%get3A_1217] {strides = array<i32>} : memref<1280xf32, #tpu.memory_space<vmem>>, vector<16xf32>,
      %get3A_1219 = vector.shape_cast %get3A_1218 : vector<16xf32> to vector<16xf32>
      %min3A_1220 = arith.minimumf %min3A_1194, %get3A_1219 : vector<16xf32>
      %max3A_1221 = arith.maximumf %min3A_1194, %get3A_1219 : vector<16xf32>
      %min3A_1222 = arith.minimumf %min3A_1196, %max3A_1221 : vector<16xf32>
      %max3A_1223 = arith.maximumf %min3A_1196, %max3A_1221 : vector<16xf32>
      %min3A_1224 = arith.minimumf %min3A_1198, %max3A_1223 : vector<16xf32>
      %max3A_1225 = arith.maximumf %min3A_1198, %max3A_1223 : vector<16xf32>
      %min3A_1226 = arith.minimumf %min3A_1200, %max3A_1225 : vector<16xf32>
      %max3A_1227 = arith.maximumf %min3A_1200, %max3A_1225 : vector<16xf32>
      %min3A_1228 = arith.minimumf %min3A_1202, %max3A_1227 : vector<16xf32>
      %max3A_1229 = arith.maximumf %min3A_1202, %max3A_1227 : vector<16xf32>
      %get3A_1230 = arith.constant 736 : index
      %get3A_1231 = tpu.vector_load %arg7[%get3A_1230] {strides = array<i32>} : memref<1280xf32, #tpu.memory_space<vmem>>, vector<16xf32>,
      %get3A_1232 = vector.shape_cast %get3A_1231 : vector<16xf32> to vector<16xf32>
      %max3A_1233 = arith.maximumf %max3A_1207, %get3A_1232 : vector<16xf32>
      %min3A_1234 = arith.minimumf %max3A_1207, %get3A_1232 : vector<16xf32>
      %max3A_1235 = arith.maximumf %max3A_1209, %min3A_1234 : vector<16xf32>
      %min3A_1236 = arith.minimumf %max3A_1209, %min3A_1234 : vector<16xf32>
      %max3A_1237 = arith.maximumf %max3A_1211, %min3A_1236 : vector<16xf32>
      %min3A_1238 = arith.minimumf %max3A_1211, %min3A_1236 : vector<16xf32>
      %max3A_1239 = arith.maximumf %max3A_1213, %min3A_1238 : vector<16xf32>
      %min3A_1240 = arith.minimumf %max3A_1213, %min3A_1238 : vector<16xf32>
      %max3A_1241 = arith.maximumf %max3A_1215, %min3A_1240 : vector<16xf32>
      %min3A_1242 = arith.minimumf %max3A_1215, %min3A_1240 : vector<16xf32>
      %get3A_1243 = arith.constant 752 : index
      %get3A_1244 = tpu.vector_load %arg6[%get3A_1243] {strides = array<i32>} : memref<1280xf32, #tpu.memory_space<vmem>>, vector<16xf32>,
      %get3A_1245 = vector.shape_cast %get3A_1244 : vector<16xf32> to vector<16xf32>
      %min3A_1246 = arith.minimumf %min3A_1220, %get3A_1245 : vector<16xf32>
      %max3A_1247 = arith.maximumf %min3A_1220, %get3A_1245 : vector<16xf32>
      %min3A_1248 = arith.minimumf %min3A_1222, %max3A_1247 : vector<16xf32>
      %max3A_1249 = arith.maximumf %min3A_1222, %max3A_1247 : vector<16xf32>
      %min3A_1250 = arith.minimumf %min3A_1224, %max3A_1249 : vector<16xf32>
      %max3A_1251 = arith.maximumf %min3A_1224, %max3A_1249 : vector<16xf32>
      %min3A_1252 = arith.minimumf %min3A_1226, %max3A_1251 : vector<16xf32>
      %max3A_1253 = arith.maximumf %min3A_1226, %max3A_1251 : vector<16xf32>
      %min3A_1254 = arith.minimumf %min3A_1228, %max3A_1253 : vector<16xf32>
      %max3A_1255 = arith.maximumf %min3A_1228, %max3A_1253 : vector<16xf32>
      %get3A_1256 = arith.constant 752 : index
      %get3A_1257 = tpu.vector_load %arg7[%get3A_1256] {strides = array<i32>} : memref<1280xf32, #tpu.memory_space<vmem>>, vector<16xf32>,
      %get3A_1258 = vector.shape_cast %get3A_1257 : vector<16xf32> to vector<16xf32>
      %max3A_1259 = arith.maximumf %max3A_1233, %get3A_1258 : vector<16xf32>
      %min3A_1260 = arith.minimumf %max3A_1233, %get3A_1258 : vector<16xf32>
      %max3A_1261 = arith.maximumf %max3A_1235, %min3A_1260 : vector<16xf32>
      %min3A_1262 = arith.minimumf %max3A_1235, %min3A_1260 : vector<16xf32>
      %max3A_1263 = arith.maximumf %max3A_1237, %min3A_1262 : vector<16xf32>
      %min3A_1264 = arith.minimumf %max3A_1237, %min3A_1262 : vector<16xf32>
      %max3A_1265 = arith.maximumf %max3A_1239, %min3A_1264 : vector<16xf32>
      %min3A_1266 = arith.minimumf %max3A_1239, %min3A_1264 : vector<16xf32>
      %max3A_1267 = arith.maximumf %max3A_1241, %min3A_1266 : vector<16xf32>
      %min3A_1268 = arith.minimumf %max3A_1241, %min3A_1266 : vector<16xf32>
      %get3A_1269 = arith.constant 768 : index
      %get3A_1270 = tpu.vector_load %arg6[%get3A_1269] {strides = array<i32>} : memref<1280xf32, #tpu.memory_space<vmem>>, vector<16xf32>,
      %get3A_1271 = vector.shape_cast %get3A_1270 : vector<16xf32> to vector<16xf32>
      %min3A_1272 = arith.minimumf %min3A_1246, %get3A_1271 : vector<16xf32>
      %max3A_1273 = arith.maximumf %min3A_1246, %get3A_1271 : vector<16xf32>
      %min3A_1274 = arith.minimumf %min3A_1248, %max3A_1273 : vector<16xf32>
      %max3A_1275 = arith.maximumf %min3A_1248, %max3A_1273 : vector<16xf32>
      %min3A_1276 = arith.minimumf %min3A_1250, %max3A_1275 : vector<16xf32>
      %max3A_1277 = arith.maximumf %min3A_1250, %max3A_1275 : vector<16xf32>
      %min3A_1278 = arith.minimumf %min3A_1252, %max3A_1277 : vector<16xf32>
      %max3A_1279 = arith.maximumf %min3A_1252, %max3A_1277 : vector<16xf32>
      %min3A_1280 = arith.minimumf %min3A_1254, %max3A_1279 : vector<16xf32>
      %max3A_1281 = arith.maximumf %min3A_1254, %max3A_1279 : vector<16xf32>
      %get3A_1282 = arith.constant 768 : index
      %get3A_1283 = tpu.vector_load %arg7[%get3A_1282] {strides = array<i32>} : memref<1280xf32, #tpu.memory_space<vmem>>, vector<16xf32>,
      %get3A_1284 = vector.shape_cast %get3A_1283 : vector<16xf32> to vector<16xf32>
      %max3A_1285 = arith.maximumf %max3A_1259, %get3A_1284 : vector<16xf32>
      %min3A_1286 = arith.minimumf %max3A_1259, %get3A_1284 : vector<16xf32>
      %max3A_1287 = arith.maximumf %max3A_1261, %min3A_1286 : vector<16xf32>
      %min3A_1288 = arith.minimumf %max3A_1261, %min3A_1286 : vector<16xf32>
      %max3A_1289 = arith.maximumf %max3A_1263, %min3A_1288 : vector<16xf32>
      %min3A_1290 = arith.minimumf %max3A_1263, %min3A_1288 : vector<16xf32>
      %max3A_1291 = arith.maximumf %max3A_1265, %min3A_1290 : vector<16xf32>
      %min3A_1292 = arith.minimumf %max3A_1265, %min3A_1290 : vector<16xf32>
      %max3A_1293 = arith.maximumf %max3A_1267, %min3A_1292 : vector<16xf32>
      %min3A_1294 = arith.minimumf %max3A_1267, %min3A_1292 : vector<16xf32>
      %get3A_1295 = arith.constant 784 : index
      %get3A_1296 = tpu.vector_load %arg6[%get3A_1295] {strides = array<i32>} : memref<1280xf32, #tpu.memory_space<vmem>>, vector<16xf32>,
      %get3A_1297 = vector.shape_cast %get3A_1296 : vector<16xf32> to vector<16xf32>
      %min3A_1298 = arith.minimumf %min3A_1272, %get3A_1297 : vector<16xf32>
      %max3A_1299 = arith.maximumf %min3A_1272, %get3A_1297 : vector<16xf32>
      %min3A_1300 = arith.minimumf %min3A_1274, %max3A_1299 : vector<16xf32>
      %max3A_1301 = arith.maximumf %min3A_1274, %max3A_1299 : vector<16xf32>
      %min3A_1302 = arith.minimumf %min3A_1276, %max3A_1301 : vector<16xf32>
      %max3A_1303 = arith.maximumf %min3A_1276, %max3A_1301 : vector<16xf32>
      %min3A_1304 = arith.minimumf %min3A_1278, %max3A_1303 : vector<16xf32>
      %max3A_1305 = arith.maximumf %min3A_1278, %max3A_1303 : vector<16xf32>
      %min3A_1306 = arith.minimumf %min3A_1280, %max3A_1305 : vector<16xf32>
      %max3A_1307 = arith.maximumf %min3A_1280, %max3A_1305 : vector<16xf32>
      %get3A_1308 = arith.constant 784 : index
      %get3A_1309 = tpu.vector_load %arg7[%get3A_1308] {strides = array<i32>} : memref<1280xf32, #tpu.memory_space<vmem>>, vector<16xf32>,
      %get3A_1310 = vector.shape_cast %get3A_1309 : vector<16xf32> to vector<16xf32>
      %max3A_1311 = arith.maximumf %max3A_1285, %get3A_1310 : vector<16xf32>
      %min3A_1312 = arith.minimumf %max3A_1285, %get3A_1310 : vector<16xf32>
      %max3A_1313 = arith.maximumf %max3A_1287, %min3A_1312 : vector<16xf32>
      %min3A_1314 = arith.minimumf %max3A_1287, %min3A_1312 : vector<16xf32>
      %max3A_1315 = arith.maximumf %max3A_1289, %min3A_1314 : vector<16xf32>
      %min3A_1316 = arith.minimumf %max3A_1289, %min3A_1314 : vector<16xf32>
      %max3A_1317 = arith.maximumf %max3A_1291, %min3A_1316 : vector<16xf32>
      %min3A_1318 = arith.minimumf %max3A_1291, %min3A_1316 : vector<16xf32>
      %max3A_1319 = arith.maximumf %max3A_1293, %min3A_1318 : vector<16xf32>
      %min3A_1320 = arith.minimumf %max3A_1293, %min3A_1318 : vector<16xf32>
      %get3A_1321 = arith.constant 800 : index
      %get3A_1322 = tpu.vector_load %arg6[%get3A_1321] {strides = array<i32>} : memref<1280xf32, #tpu.memory_space<vmem>>, vector<16xf32>,
      %get3A_1323 = vector.shape_cast %get3A_1322 : vector<16xf32> to vector<16xf32>
      %min3A_1324 = arith.minimumf %min3A_1298, %get3A_1323 : vector<16xf32>
      %max3A_1325 = arith.maximumf %min3A_1298, %get3A_1323 : vector<16xf32>
      %min3A_1326 = arith.minimumf %min3A_1300, %max3A_1325 : vector<16xf32>
      %max3A_1327 = arith.maximumf %min3A_1300, %max3A_1325 : vector<16xf32>
      %min3A_1328 = arith.minimumf %min3A_1302, %max3A_1327 : vector<16xf32>
      %max3A_1329 = arith.maximumf %min3A_1302, %max3A_1327 : vector<16xf32>
      %min3A_1330 = arith.minimumf %min3A_1304, %max3A_1329 : vector<16xf32>
      %max3A_1331 = arith.maximumf %min3A_1304, %max3A_1329 : vector<16xf32>
      %min3A_1332 = arith.minimumf %min3A_1306, %max3A_1331 : vector<16xf32>
      %max3A_1333 = arith.maximumf %min3A_1306, %max3A_1331 : vector<16xf32>
      %get3A_1334 = arith.constant 800 : index
      %get3A_1335 = tpu.vector_load %arg7[%get3A_1334] {strides = array<i32>} : memref<1280xf32, #tpu.memory_space<vmem>>, vector<16xf32>,
      %get3A_1336 = vector.shape_cast %get3A_1335 : vector<16xf32> to vector<16xf32>
      %max3A_1337 = arith.maximumf %max3A_1311, %get3A_1336 : vector<16xf32>
      %min3A_1338 = arith.minimumf %max3A_1311, %get3A_1336 : vector<16xf32>
      %max3A_1339 = arith.maximumf %max3A_1313, %min3A_1338 : vector<16xf32>
      %min3A_1340 = arith.minimumf %max3A_1313, %min3A_1338 : vector<16xf32>
      %max3A_1341 = arith.maximumf %max3A_1315, %min3A_1340 : vector<16xf32>
      %min3A_1342 = arith.minimumf %max3A_1315, %min3A_1340 : vector<16xf32>
      %max3A_1343 = arith.maximumf %max3A_1317, %min3A_1342 : vector<16xf32>
      %min3A_1344 = arith.minimumf %max3A_1317, %min3A_1342 : vector<16xf32>
      %max3A_1345 = arith.maximumf %max3A_1319, %min3A_1344 : vector<16xf32>
      %min3A_1346 = arith.minimumf %max3A_1319, %min3A_1344 : vector<16xf32>
      %get3A_1347 = arith.constant 816 : index
      %get3A_1348 = tpu.vector_load %arg6[%get3A_1347] {strides = array<i32>} : memref<1280xf32, #tpu.memory_space<vmem>>, vector<16xf32>,
      %get3A_1349 = vector.shape_cast %get3A_1348 : vector<16xf32> to vector<16xf32>
      %min3A_1350 = arith.minimumf %min3A_1324, %get3A_1349 : vector<16xf32>
      %max3A_1351 = arith.maximumf %min3A_1324, %get3A_1349 : vector<16xf32>
      %min3A_1352 = arith.minimumf %min3A_1326, %max3A_1351 : vector<16xf32>
      %max3A_1353 = arith.maximumf %min3A_1326, %max3A_1351 : vector<16xf32>
      %min3A_1354 = arith.minimumf %min3A_1328, %max3A_1353 : vector<16xf32>
      %max3A_1355 = arith.maximumf %min3A_1328, %max3A_1353 : vector<16xf32>
      %min3A_1356 = arith.minimumf %min3A_1330, %max3A_1355 : vector<16xf32>
      %max3A_1357 = arith.maximumf %min3A_1330, %max3A_1355 : vector<16xf32>
      %min3A_1358 = arith.minimumf %min3A_1332, %max3A_1357 : vector<16xf32>
      %max3A_1359 = arith.maximumf %min3A_1332, %max3A_1357 : vector<16xf32>
      %get3A_1360 = arith.constant 816 : index
      %get3A_1361 = tpu.vector_load %arg7[%get3A_1360] {strides = array<i32>} : memref<1280xf32, #tpu.memory_space<vmem>>, vector<16xf32>,
      %get3A_1362 = vector.shape_cast %get3A_1361 : vector<16xf32> to vector<16xf32>
      %max3A_1363 = arith.maximumf %max3A_1337, %get3A_1362 : vector<16xf32>
      %min3A_1364 = arith.minimumf %max3A_1337, %get3A_1362 : vector<16xf32>
      %max3A_1365 = arith.maximumf %max3A_1339, %min3A_1364 : vector<16xf32>
      %min3A_1366 = arith.minimumf %max3A_1339, %min3A_1364 : vector<16xf32>
      %max3A_1367 = arith.maximumf %max3A_1341, %min3A_1366 : vector<16xf32>
      %min3A_1368 = arith.minimumf %max3A_1341, %min3A_1366 : vector<16xf32>
      %max3A_1369 = arith.maximumf %max3A_1343, %min3A_1368 : vector<16xf32>
      %min3A_1370 = arith.minimumf %max3A_1343, %min3A_1368 : vector<16xf32>
      %max3A_1371 = arith.maximumf %max3A_1345, %min3A_1370 : vector<16xf32>
      %min3A_1372 = arith.minimumf %max3A_1345, %min3A_1370 : vector<16xf32>
      %get3A_1373 = arith.constant 832 : index
      %get3A_1374 = tpu.vector_load %arg6[%get3A_1373] {strides = array<i32>} : memref<1280xf32, #tpu.memory_space<vmem>>, vector<16xf32>,
      %get3A_1375 = vector.shape_cast %get3A_1374 : vector<16xf32> to vector<16xf32>
      %min3A_1376 = arith.minimumf %min3A_1350, %get3A_1375 : vector<16xf32>
      %max3A_1377 = arith.maximumf %min3A_1350, %get3A_1375 : vector<16xf32>
      %min3A_1378 = arith.minimumf %min3A_1352, %max3A_1377 : vector<16xf32>
      %max3A_1379 = arith.maximumf %min3A_1352, %max3A_1377 : vector<16xf32>
      %min3A_1380 = arith.minimumf %min3A_1354, %max3A_1379 : vector<16xf32>
      %max3A_1381 = arith.maximumf %min3A_1354, %max3A_1379 : vector<16xf32>
      %min3A_1382 = arith.minimumf %min3A_1356, %max3A_1381 : vector<16xf32>
      %max3A_1383 = arith.maximumf %min3A_1356, %max3A_1381 : vector<16xf32>
      %min3A_1384 = arith.minimumf %min3A_1358, %max3A_1383 : vector<16xf32>
      %max3A_1385 = arith.maximumf %min3A_1358, %max3A_1383 : vector<16xf32>
      %get3A_1386 = arith.constant 832 : index
      %get3A_1387 = tpu.vector_load %arg7[%get3A_1386] {strides = array<i32>} : memref<1280xf32, #tpu.memory_space<vmem>>, vector<16xf32>,
      %get3A_1388 = vector.shape_cast %get3A_1387 : vector<16xf32> to vector<16xf32>
      %max3A_1389 = arith.maximumf %max3A_1363, %get3A_1388 : vector<16xf32>
      %min3A_1390 = arith.minimumf %max3A_1363, %get3A_1388 : vector<16xf32>
      %max3A_1391 = arith.maximumf %max3A_1365, %min3A_1390 : vector<16xf32>
      %min3A_1392 = arith.minimumf %max3A_1365, %min3A_1390 : vector<16xf32>
      %max3A_1393 = arith.maximumf %max3A_1367, %min3A_1392 : vector<16xf32>
      %min3A_1394 = arith.minimumf %max3A_1367, %min3A_1392 : vector<16xf32>
      %max3A_1395 = arith.maximumf %max3A_1369, %min3A_1394 : vector<16xf32>
      %min3A_1396 = arith.minimumf %max3A_1369, %min3A_1394 : vector<16xf32>
      %max3A_1397 = arith.maximumf %max3A_1371, %min3A_1396 : vector<16xf32>
      %min3A_1398 = arith.minimumf %max3A_1371, %min3A_1396 : vector<16xf32>
      %get3A_1399 = arith.constant 848 : index
      %get3A_1400 = tpu.vector_load %arg6[%get3A_1399] {strides = array<i32>} : memref<1280xf32, #tpu.memory_space<vmem>>, vector<16xf32>,
      %get3A_1401 = vector.shape_cast %get3A_1400 : vector<16xf32> to vector<16xf32>
      %min3A_1402 = arith.minimumf %min3A_1376, %get3A_1401 : vector<16xf32>
      %max3A_1403 = arith.maximumf %min3A_1376, %get3A_1401 : vector<16xf32>
      %min3A_1404 = arith.minimumf %min3A_1378, %max3A_1403 : vector<16xf32>
      %max3A_1405 = arith.maximumf %min3A_1378, %max3A_1403 : vector<16xf32>
      %min3A_1406 = arith.minimumf %min3A_1380, %max3A_1405 : vector<16xf32>
      %max3A_1407 = arith.maximumf %min3A_1380, %max3A_1405 : vector<16xf32>
      %min3A_1408 = arith.minimumf %min3A_1382, %max3A_1407 : vector<16xf32>
      %max3A_1409 = arith.maximumf %min3A_1382, %max3A_1407 : vector<16xf32>
      %min3A_1410 = arith.minimumf %min3A_1384, %max3A_1409 : vector<16xf32>
      %max3A_1411 = arith.maximumf %min3A_1384, %max3A_1409 : vector<16xf32>
      %get3A_1412 = arith.constant 848 : index
      %get3A_1413 = tpu.vector_load %arg7[%get3A_1412] {strides = array<i32>} : memref<1280xf32, #tpu.memory_space<vmem>>, vector<16xf32>,
      %get3A_1414 = vector.shape_cast %get3A_1413 : vector<16xf32> to vector<16xf32>
      %max3A_1415 = arith.maximumf %max3A_1389, %get3A_1414 : vector<16xf32>
      %min3A_1416 = arith.minimumf %max3A_1389, %get3A_1414 : vector<16xf32>
      %max3A_1417 = arith.maximumf %max3A_1391, %min3A_1416 : vector<16xf32>
      %min3A_1418 = arith.minimumf %max3A_1391, %min3A_1416 : vector<16xf32>
      %max3A_1419 = arith.maximumf %max3A_1393, %min3A_1418 : vector<16xf32>
      %min3A_1420 = arith.minimumf %max3A_1393, %min3A_1418 : vector<16xf32>
      %max3A_1421 = arith.maximumf %max3A_1395, %min3A_1420 : vector<16xf32>
      %min3A_1422 = arith.minimumf %max3A_1395, %min3A_1420 : vector<16xf32>
      %max3A_1423 = arith.maximumf %max3A_1397, %min3A_1422 : vector<16xf32>
      %min3A_1424 = arith.minimumf %max3A_1397, %min3A_1422 : vector<16xf32>
      %get3A_1425 = arith.constant 864 : index
      %get3A_1426 = tpu.vector_load %arg6[%get3A_1425] {strides = array<i32>} : memref<1280xf32, #tpu.memory_space<vmem>>, vector<16xf32>,
      %get3A_1427 = vector.shape_cast %get3A_1426 : vector<16xf32> to vector<16xf32>
      %min3A_1428 = arith.minimumf %min3A_1402, %get3A_1427 : vector<16xf32>
      %max3A_1429 = arith.maximumf %min3A_1402, %get3A_1427 : vector<16xf32>
      %min3A_1430 = arith.minimumf %min3A_1404, %max3A_1429 : vector<16xf32>
      %max3A_1431 = arith.maximumf %min3A_1404, %max3A_1429 : vector<16xf32>
      %min3A_1432 = arith.minimumf %min3A_1406, %max3A_1431 : vector<16xf32>
      %max3A_1433 = arith.maximumf %min3A_1406, %max3A_1431 : vector<16xf32>
      %min3A_1434 = arith.minimumf %min3A_1408, %max3A_1433 : vector<16xf32>
      %max3A_1435 = arith.maximumf %min3A_1408, %max3A_1433 : vector<16xf32>
      %min3A_1436 = arith.minimumf %min3A_1410, %max3A_1435 : vector<16xf32>
      %max3A_1437 = arith.maximumf %min3A_1410, %max3A_1435 : vector<16xf32>
      %get3A_1438 = arith.constant 864 : index
      %get3A_1439 = tpu.vector_load %arg7[%get3A_1438] {strides = array<i32>} : memref<1280xf32, #tpu.memory_space<vmem>>, vector<16xf32>,
      %get3A_1440 = vector.shape_cast %get3A_1439 : vector<16xf32> to vector<16xf32>
      %max3A_1441 = arith.maximumf %max3A_1415, %get3A_1440 : vector<16xf32>
      %min3A_1442 = arith.minimumf %max3A_1415, %get3A_1440 : vector<16xf32>
      %max3A_1443 = arith.maximumf %max3A_1417, %min3A_1442 : vector<16xf32>
      %min3A_1444 = arith.minimumf %max3A_1417, %min3A_1442 : vector<16xf32>
      %max3A_1445 = arith.maximumf %max3A_1419, %min3A_1444 : vector<16xf32>
      %min3A_1446 = arith.minimumf %max3A_1419, %min3A_1444 : vector<16xf32>
      %max3A_1447 = arith.maximumf %max3A_1421, %min3A_1446 : vector<16xf32>
      %min3A_1448 = arith.minimumf %max3A_1421, %min3A_1446 : vector<16xf32>
      %max3A_1449 = arith.maximumf %max3A_1423, %min3A_1448 : vector<16xf32>
      %min3A_1450 = arith.minimumf %max3A_1423, %min3A_1448 : vector<16xf32>
      %get3A_1451 = arith.constant 880 : index
      %get3A_1452 = tpu.vector_load %arg6[%get3A_1451] {strides = array<i32>} : memref<1280xf32, #tpu.memory_space<vmem>>, vector<16xf32>,
      %get3A_1453 = vector.shape_cast %get3A_1452 : vector<16xf32> to vector<16xf32>
      %min3A_1454 = arith.minimumf %min3A_1428, %get3A_1453 : vector<16xf32>
      %max3A_1455 = arith.maximumf %min3A_1428, %get3A_1453 : vector<16xf32>
      %min3A_1456 = arith.minimumf %min3A_1430, %max3A_1455 : vector<16xf32>
      %max3A_1457 = arith.maximumf %min3A_1430, %max3A_1455 : vector<16xf32>
      %min3A_1458 = arith.minimumf %min3A_1432, %max3A_1457 : vector<16xf32>
      %max3A_1459 = arith.maximumf %min3A_1432, %max3A_1457 : vector<16xf32>
      %min3A_1460 = arith.minimumf %min3A_1434, %max3A_1459 : vector<16xf32>
      %max3A_1461 = arith.maximumf %min3A_1434, %max3A_1459 : vector<16xf32>
      %min3A_1462 = arith.minimumf %min3A_1436, %max3A_1461 : vector<16xf32>
      %max3A_1463 = arith.maximumf %min3A_1436, %max3A_1461 : vector<16xf32>
      %get3A_1464 = arith.constant 880 : index
      %get3A_1465 = tpu.vector_load %arg7[%get3A_1464] {strides = array<i32>} : memref<1280xf32, #tpu.memory_space<vmem>>, vector<16xf32>,
      %get3A_1466 = vector.shape_cast %get3A_1465 : vector<16xf32> to vector<16xf32>
      %max3A_1467 = arith.maximumf %max3A_1441, %get3A_1466 : vector<16xf32>
      %min3A_1468 = arith.minimumf %max3A_1441, %get3A_1466 : vector<16xf32>
      %max3A_1469 = arith.maximumf %max3A_1443, %min3A_1468 : vector<16xf32>
      %min3A_1470 = arith.minimumf %max3A_1443, %min3A_1468 : vector<16xf32>
      %max3A_1471 = arith.maximumf %max3A_1445, %min3A_1470 : vector<16xf32>
      %min3A_1472 = arith.minimumf %max3A_1445, %min3A_1470 : vector<16xf32>
      %max3A_1473 = arith.maximumf %max3A_1447, %min3A_1472 : vector<16xf32>
      %min3A_1474 = arith.minimumf %max3A_1447, %min3A_1472 : vector<16xf32>
      %max3A_1475 = arith.maximumf %max3A_1449, %min3A_1474 : vector<16xf32>
      %min3A_1476 = arith.minimumf %max3A_1449, %min3A_1474 : vector<16xf32>
      %get3A_1477 = arith.constant 896 : index
      %get3A_1478 = tpu.vector_load %arg6[%get3A_1477] {strides = array<i32>} : memref<1280xf32, #tpu.memory_space<vmem>>, vector<16xf32>,
      %get3A_1479 = vector.shape_cast %get3A_1478 : vector<16xf32> to vector<16xf32>
      %min3A_1480 = arith.minimumf %min3A_1454, %get3A_1479 : vector<16xf32>
      %max3A_1481 = arith.maximumf %min3A_1454, %get3A_1479 : vector<16xf32>
      %min3A_1482 = arith.minimumf %min3A_1456, %max3A_1481 : vector<16xf32>
      %max3A_1483 = arith.maximumf %min3A_1456, %max3A_1481 : vector<16xf32>
      %min3A_1484 = arith.minimumf %min3A_1458, %max3A_1483 : vector<16xf32>
      %max3A_1485 = arith.maximumf %min3A_1458, %max3A_1483 : vector<16xf32>
      %min3A_1486 = arith.minimumf %min3A_1460, %max3A_1485 : vector<16xf32>
      %max3A_1487 = arith.maximumf %min3A_1460, %max3A_1485 : vector<16xf32>
      %min3A_1488 = arith.minimumf %min3A_1462, %max3A_1487 : vector<16xf32>
      %max3A_1489 = arith.maximumf %min3A_1462, %max3A_1487 : vector<16xf32>
      %get3A_1490 = arith.constant 896 : index
      %get3A_1491 = tpu.vector_load %arg7[%get3A_1490] {strides = array<i32>} : memref<1280xf32, #tpu.memory_space<vmem>>, vector<16xf32>,
      %get3A_1492 = vector.shape_cast %get3A_1491 : vector<16xf32> to vector<16xf32>
      %max3A_1493 = arith.maximumf %max3A_1467, %get3A_1492 : vector<16xf32>
      %min3A_1494 = arith.minimumf %max3A_1467, %get3A_1492 : vector<16xf32>
      %max3A_1495 = arith.maximumf %max3A_1469, %min3A_1494 : vector<16xf32>
      %min3A_1496 = arith.minimumf %max3A_1469, %min3A_1494 : vector<16xf32>
      %max3A_1497 = arith.maximumf %max3A_1471, %min3A_1496 : vector<16xf32>
      %min3A_1498 = arith.minimumf %max3A_1471, %min3A_1496 : vector<16xf32>
      %max3A_1499 = arith.maximumf %max3A_1473, %min3A_1498 : vector<16xf32>
      %min3A_1500 = arith.minimumf %max3A_1473, %min3A_1498 : vector<16xf32>
      %max3A_1501 = arith.maximumf %max3A_1475, %min3A_1500 : vector<16xf32>
      %min3A_1502 = arith.minimumf %max3A_1475, %min3A_1500 : vector<16xf32>
      %get3A_1503 = arith.constant 912 : index
      %get3A_1504 = tpu.vector_load %arg6[%get3A_1503] {strides = array<i32>} : memref<1280xf32, #tpu.memory_space<vmem>>, vector<16xf32>,
      %get3A_1505 = vector.shape_cast %get3A_1504 : vector<16xf32> to vector<16xf32>
      %min3A_1506 = arith.minimumf %min3A_1480, %get3A_1505 : vector<16xf32>
      %max3A_1507 = arith.maximumf %min3A_1480, %get3A_1505 : vector<16xf32>
      %min3A_1508 = arith.minimumf %min3A_1482, %max3A_1507 : vector<16xf32>
      %max3A_1509 = arith.maximumf %min3A_1482, %max3A_1507 : vector<16xf32>
      %min3A_1510 = arith.minimumf %min3A_1484, %max3A_1509 : vector<16xf32>
      %max3A_1511 = arith.maximumf %min3A_1484, %max3A_1509 : vector<16xf32>
      %min3A_1512 = arith.minimumf %min3A_1486, %max3A_1511 : vector<16xf32>
      %max3A_1513 = arith.maximumf %min3A_1486, %max3A_1511 : vector<16xf32>
      %min3A_1514 = arith.minimumf %min3A_1488, %max3A_1513 : vector<16xf32>
      %max3A_1515 = arith.maximumf %min3A_1488, %max3A_1513 : vector<16xf32>
      %get3A_1516 = arith.constant 912 : index
      %get3A_1517 = tpu.vector_load %arg7[%get3A_1516] {strides = array<i32>} : memref<1280xf32, #tpu.memory_space<vmem>>, vector<16xf32>,
      %get3A_1518 = vector.shape_cast %get3A_1517 : vector<16xf32> to vector<16xf32>
      %max3A_1519 = arith.maximumf %max3A_1493, %get3A_1518 : vector<16xf32>
      %min3A_1520 = arith.minimumf %max3A_1493, %get3A_1518 : vector<16xf32>
      %max3A_1521 = arith.maximumf %max3A_1495, %min3A_1520 : vector<16xf32>
      %min3A_1522 = arith.minimumf %max3A_1495, %min3A_1520 : vector<16xf32>
      %max3A_1523 = arith.maximumf %max3A_1497, %min3A_1522 : vector<16xf32>
      %min3A_1524 = arith.minimumf %max3A_1497, %min3A_1522 : vector<16xf32>
      %max3A_1525 = arith.maximumf %max3A_1499, %min3A_1524 : vector<16xf32>
      %min3A_1526 = arith.minimumf %max3A_1499, %min3A_1524 : vector<16xf32>
      %max3A_1527 = arith.maximumf %max3A_1501, %min3A_1526 : vector<16xf32>
      %min3A_1528 = arith.minimumf %max3A_1501, %min3A_1526 : vector<16xf32>
      %get3A_1529 = arith.constant 928 : index
      %get3A_1530 = tpu.vector_load %arg6[%get3A_1529] {strides = array<i32>} : memref<1280xf32, #tpu.memory_space<vmem>>, vector<16xf32>,
      %get3A_1531 = vector.shape_cast %get3A_1530 : vector<16xf32> to vector<16xf32>
      %min3A_1532 = arith.minimumf %min3A_1506, %get3A_1531 : vector<16xf32>
      %max3A_1533 = arith.maximumf %min3A_1506, %get3A_1531 : vector<16xf32>
      %min3A_1534 = arith.minimumf %min3A_1508, %max3A_1533 : vector<16xf32>
      %max3A_1535 = arith.maximumf %min3A_1508, %max3A_1533 : vector<16xf32>
      %min3A_1536 = arith.minimumf %min3A_1510, %max3A_1535 : vector<16xf32>
      %max3A_1537 = arith.maximumf %min3A_1510, %max3A_1535 : vector<16xf32>
      %min3A_1538 = arith.minimumf %min3A_1512, %max3A_1537 : vector<16xf32>
      %max3A_1539 = arith.maximumf %min3A_1512, %max3A_1537 : vector<16xf32>
      %min3A_1540 = arith.minimumf %min3A_1514, %max3A_1539 : vector<16xf32>
      %max3A_1541 = arith.maximumf %min3A_1514, %max3A_1539 : vector<16xf32>
      %get3A_1542 = arith.constant 928 : index
      %get3A_1543 = tpu.vector_load %arg7[%get3A_1542] {strides = array<i32>} : memref<1280xf32, #tpu.memory_space<vmem>>, vector<16xf32>,
      %get3A_1544 = vector.shape_cast %get3A_1543 : vector<16xf32> to vector<16xf32>
      %max3A_1545 = arith.maximumf %max3A_1519, %get3A_1544 : vector<16xf32>
      %min3A_1546 = arith.minimumf %max3A_1519, %get3A_1544 : vector<16xf32>
      %max3A_1547 = arith.maximumf %max3A_1521, %min3A_1546 : vector<16xf32>
      %min3A_1548 = arith.minimumf %max3A_1521, %min3A_1546 : vector<16xf32>
      %max3A_1549 = arith.maximumf %max3A_1523, %min3A_1548 : vector<16xf32>
      %min3A_1550 = arith.minimumf %max3A_1523, %min3A_1548 : vector<16xf32>
      %max3A_1551 = arith.maximumf %max3A_1525, %min3A_1550 : vector<16xf32>
      %min3A_1552 = arith.minimumf %max3A_1525, %min3A_1550 : vector<16xf32>
      %max3A_1553 = arith.maximumf %max3A_1527, %min3A_1552 : vector<16xf32>
      %min3A_1554 = arith.minimumf %max3A_1527, %min3A_1552 : vector<16xf32>
      %get3A_1555 = arith.constant 944 : index
      %get3A_1556 = tpu.vector_load %arg6[%get3A_1555] {strides = array<i32>} : memref<1280xf32, #tpu.memory_space<vmem>>, vector<16xf32>,
      %get3A_1557 = vector.shape_cast %get3A_1556 : vector<16xf32> to vector<16xf32>
      %min3A_1558 = arith.minimumf %min3A_1532, %get3A_1557 : vector<16xf32>
      %max3A_1559 = arith.maximumf %min3A_1532, %get3A_1557 : vector<16xf32>
      %min3A_1560 = arith.minimumf %min3A_1534, %max3A_1559 : vector<16xf32>
      %max3A_1561 = arith.maximumf %min3A_1534, %max3A_1559 : vector<16xf32>
      %min3A_1562 = arith.minimumf %min3A_1536, %max3A_1561 : vector<16xf32>
      %max3A_1563 = arith.maximumf %min3A_1536, %max3A_1561 : vector<16xf32>
      %min3A_1564 = arith.minimumf %min3A_1538, %max3A_1563 : vector<16xf32>
      %max3A_1565 = arith.maximumf %min3A_1538, %max3A_1563 : vector<16xf32>
      %min3A_1566 = arith.minimumf %min3A_1540, %max3A_1565 : vector<16xf32>
      %max3A_1567 = arith.maximumf %min3A_1540, %max3A_1565 : vector<16xf32>
      %get3A_1568 = arith.constant 944 : index
      %get3A_1569 = tpu.vector_load %arg7[%get3A_1568] {strides = array<i32>} : memref<1280xf32, #tpu.memory_space<vmem>>, vector<16xf32>,
      %get3A_1570 = vector.shape_cast %get3A_1569 : vector<16xf32> to vector<16xf32>
      %max3A_1571 = arith.maximumf %max3A_1545, %get3A_1570 : vector<16xf32>
      %min3A_1572 = arith.minimumf %max3A_1545, %get3A_1570 : vector<16xf32>
      %max3A_1573 = arith.maximumf %max3A_1547, %min3A_1572 : vector<16xf32>
      %min3A_1574 = arith.minimumf %max3A_1547, %min3A_1572 : vector<16xf32>
      %max3A_1575 = arith.maximumf %max3A_1549, %min3A_1574 : vector<16xf32>
      %min3A_1576 = arith.minimumf %max3A_1549, %min3A_1574 : vector<16xf32>
      %max3A_1577 = arith.maximumf %max3A_1551, %min3A_1576 : vector<16xf32>
      %min3A_1578 = arith.minimumf %max3A_1551, %min3A_1576 : vector<16xf32>
      %max3A_1579 = arith.maximumf %max3A_1553, %min3A_1578 : vector<16xf32>
      %min3A_1580 = arith.minimumf %max3A_1553, %min3A_1578 : vector<16xf32>
      %get3A_1581 = arith.constant 960 : index
      %get3A_1582 = tpu.vector_load %arg6[%get3A_1581] {strides = array<i32>} : memref<1280xf32, #tpu.memory_space<vmem>>, vector<16xf32>,
      %get3A_1583 = vector.shape_cast %get3A_1582 : vector<16xf32> to vector<16xf32>
      %min3A_1584 = arith.minimumf %min3A_1558, %get3A_1583 : vector<16xf32>
      %max3A_1585 = arith.maximumf %min3A_1558, %get3A_1583 : vector<16xf32>
      %min3A_1586 = arith.minimumf %min3A_1560, %max3A_1585 : vector<16xf32>
      %max3A_1587 = arith.maximumf %min3A_1560, %max3A_1585 : vector<16xf32>
      %min3A_1588 = arith.minimumf %min3A_1562, %max3A_1587 : vector<16xf32>
      %max3A_1589 = arith.maximumf %min3A_1562, %max3A_1587 : vector<16xf32>
      %min3A_1590 = arith.minimumf %min3A_1564, %max3A_1589 : vector<16xf32>
      %max3A_1591 = arith.maximumf %min3A_1564, %max3A_1589 : vector<16xf32>
      %min3A_1592 = arith.minimumf %min3A_1566, %max3A_1591 : vector<16xf32>
      %max3A_1593 = arith.maximumf %min3A_1566, %max3A_1591 : vector<16xf32>
      %get3A_1594 = arith.constant 960 : index
      %get3A_1595 = tpu.vector_load %arg7[%get3A_1594] {strides = array<i32>} : memref<1280xf32, #tpu.memory_space<vmem>>, vector<16xf32>,
      %get3A_1596 = vector.shape_cast %get3A_1595 : vector<16xf32> to vector<16xf32>
      %max3A_1597 = arith.maximumf %max3A_1571, %get3A_1596 : vector<16xf32>
      %min3A_1598 = arith.minimumf %max3A_1571, %get3A_1596 : vector<16xf32>
      %max3A_1599 = arith.maximumf %max3A_1573, %min3A_1598 : vector<16xf32>
      %min3A_1600 = arith.minimumf %max3A_1573, %min3A_1598 : vector<16xf32>
      %max3A_1601 = arith.maximumf %max3A_1575, %min3A_1600 : vector<16xf32>
      %min3A_1602 = arith.minimumf %max3A_1575, %min3A_1600 : vector<16xf32>
      %max3A_1603 = arith.maximumf %max3A_1577, %min3A_1602 : vector<16xf32>
      %min3A_1604 = arith.minimumf %max3A_1577, %min3A_1602 : vector<16xf32>
      %max3A_1605 = arith.maximumf %max3A_1579, %min3A_1604 : vector<16xf32>
      %min3A_1606 = arith.minimumf %max3A_1579, %min3A_1604 : vector<16xf32>
      %get3A_1607 = arith.constant 976 : index
      %get3A_1608 = tpu.vector_load %arg6[%get3A_1607] {strides = array<i32>} : memref<1280xf32, #tpu.memory_space<vmem>>, vector<16xf32>,
      %get3A_1609 = vector.shape_cast %get3A_1608 : vector<16xf32> to vector<16xf32>
      %min3A_1610 = arith.minimumf %min3A_1584, %get3A_1609 : vector<16xf32>
      %max3A_1611 = arith.maximumf %min3A_1584, %get3A_1609 : vector<16xf32>
      %min3A_1612 = arith.minimumf %min3A_1586, %max3A_1611 : vector<16xf32>
      %max3A_1613 = arith.maximumf %min3A_1586, %max3A_1611 : vector<16xf32>
      %min3A_1614 = arith.minimumf %min3A_1588, %max3A_1613 : vector<16xf32>
      %max3A_1615 = arith.maximumf %min3A_1588, %max3A_1613 : vector<16xf32>
      %min3A_1616 = arith.minimumf %min3A_1590, %max3A_1615 : vector<16xf32>
      %max3A_1617 = arith.maximumf %min3A_1590, %max3A_1615 : vector<16xf32>
      %min3A_1618 = arith.minimumf %min3A_1592, %max3A_1617 : vector<16xf32>
      %max3A_1619 = arith.maximumf %min3A_1592, %max3A_1617 : vector<16xf32>
      %get3A_1620 = arith.constant 976 : index
      %get3A_1621 = tpu.vector_load %arg7[%get3A_1620] {strides = array<i32>} : memref<1280xf32, #tpu.memory_space<vmem>>, vector<16xf32>,
      %get3A_1622 = vector.shape_cast %get3A_1621 : vector<16xf32> to vector<16xf32>
      %max3A_1623 = arith.maximumf %max3A_1597, %get3A_1622 : vector<16xf32>
      %min3A_1624 = arith.minimumf %max3A_1597, %get3A_1622 : vector<16xf32>
      %max3A_1625 = arith.maximumf %max3A_1599, %min3A_1624 : vector<16xf32>
      %min3A_1626 = arith.minimumf %max3A_1599, %min3A_1624 : vector<16xf32>
      %max3A_1627 = arith.maximumf %max3A_1601, %min3A_1626 : vector<16xf32>
      %min3A_1628 = arith.minimumf %max3A_1601, %min3A_1626 : vector<16xf32>
      %max3A_1629 = arith.maximumf %max3A_1603, %min3A_1628 : vector<16xf32>
      %min3A_1630 = arith.minimumf %max3A_1603, %min3A_1628 : vector<16xf32>
      %max3A_1631 = arith.maximumf %max3A_1605, %min3A_1630 : vector<16xf32>
      %min3A_1632 = arith.minimumf %max3A_1605, %min3A_1630 : vector<16xf32>
      %get3A_1633 = arith.constant 992 : index
      %get3A_1634 = tpu.vector_load %arg6[%get3A_1633] {strides = array<i32>} : memref<1280xf32, #tpu.memory_space<vmem>>, vector<16xf32>,
      %get3A_1635 = vector.shape_cast %get3A_1634 : vector<16xf32> to vector<16xf32>
      %min3A_1636 = arith.minimumf %min3A_1610, %get3A_1635 : vector<16xf32>
      %max3A_1637 = arith.maximumf %min3A_1610, %get3A_1635 : vector<16xf32>
      %min3A_1638 = arith.minimumf %min3A_1612, %max3A_1637 : vector<16xf32>
      %max3A_1639 = arith.maximumf %min3A_1612, %max3A_1637 : vector<16xf32>
      %min3A_1640 = arith.minimumf %min3A_1614, %max3A_1639 : vector<16xf32>
      %max3A_1641 = arith.maximumf %min3A_1614, %max3A_1639 : vector<16xf32>
      %min3A_1642 = arith.minimumf %min3A_1616, %max3A_1641 : vector<16xf32>
      %max3A_1643 = arith.maximumf %min3A_1616, %max3A_1641 : vector<16xf32>
      %min3A_1644 = arith.minimumf %min3A_1618, %max3A_1643 : vector<16xf32>
      %max3A_1645 = arith.maximumf %min3A_1618, %max3A_1643 : vector<16xf32>
      %get3A_1646 = arith.constant 992 : index
      %get3A_1647 = tpu.vector_load %arg7[%get3A_1646] {strides = array<i32>} : memref<1280xf32, #tpu.memory_space<vmem>>, vector<16xf32>,
      %get3A_1648 = vector.shape_cast %get3A_1647 : vector<16xf32> to vector<16xf32>
      %max3A_1649 = arith.maximumf %max3A_1623, %get3A_1648 : vector<16xf32>
      %min3A_1650 = arith.minimumf %max3A_1623, %get3A_1648 : vector<16xf32>
      %max3A_1651 = arith.maximumf %max3A_1625, %min3A_1650 : vector<16xf32>
      %min3A_1652 = arith.minimumf %max3A_1625, %min3A_1650 : vector<16xf32>
      %max3A_1653 = arith.maximumf %max3A_1627, %min3A_1652 : vector<16xf32>
      %min3A_1654 = arith.minimumf %max3A_1627, %min3A_1652 : vector<16xf32>
      %max3A_1655 = arith.maximumf %max3A_1629, %min3A_1654 : vector<16xf32>
      %min3A_1656 = arith.minimumf %max3A_1629, %min3A_1654 : vector<16xf32>
      %max3A_1657 = arith.maximumf %max3A_1631, %min3A_1656 : vector<16xf32>
      %min3A_1658 = arith.minimumf %max3A_1631, %min3A_1656 : vector<16xf32>
      %get3A_1659 = arith.constant 1008 : index
      %get3A_1660 = tpu.vector_load %arg6[%get3A_1659] {strides = array<i32>} : memref<1280xf32, #tpu.memory_space<vmem>>, vector<16xf32>,
      %get3A_1661 = vector.shape_cast %get3A_1660 : vector<16xf32> to vector<16xf32>
      %min3A_1662 = arith.minimumf %min3A_1636, %get3A_1661 : vector<16xf32>
      %max3A_1663 = arith.maximumf %min3A_1636, %get3A_1661 : vector<16xf32>
      %min3A_1664 = arith.minimumf %min3A_1638, %max3A_1663 : vector<16xf32>
      %max3A_1665 = arith.maximumf %min3A_1638, %max3A_1663 : vector<16xf32>
      %min3A_1666 = arith.minimumf %min3A_1640, %max3A_1665 : vector<16xf32>
      %max3A_1667 = arith.maximumf %min3A_1640, %max3A_1665 : vector<16xf32>
      %min3A_1668 = arith.minimumf %min3A_1642, %max3A_1667 : vector<16xf32>
      %max3A_1669 = arith.maximumf %min3A_1642, %max3A_1667 : vector<16xf32>
      %min3A_1670 = arith.minimumf %min3A_1644, %max3A_1669 : vector<16xf32>
      %max3A_1671 = arith.maximumf %min3A_1644, %max3A_1669 : vector<16xf32>
      %get3A_1672 = arith.constant 1008 : index
      %get3A_1673 = tpu.vector_load %arg7[%get3A_1672] {strides = array<i32>} : memref<1280xf32, #tpu.memory_space<vmem>>, vector<16xf32>,
      %get3A_1674 = vector.shape_cast %get3A_1673 : vector<16xf32> to vector<16xf32>
      %max3A_1675 = arith.maximumf %max3A_1649, %get3A_1674 : vector<16xf32>
      %min3A_1676 = arith.minimumf %max3A_1649, %get3A_1674 : vector<16xf32>
      %max3A_1677 = arith.maximumf %max3A_1651, %min3A_1676 : vector<16xf32>
      %min3A_1678 = arith.minimumf %max3A_1651, %min3A_1676 : vector<16xf32>
      %max3A_1679 = arith.maximumf %max3A_1653, %min3A_1678 : vector<16xf32>
      %min3A_1680 = arith.minimumf %max3A_1653, %min3A_1678 : vector<16xf32>
      %max3A_1681 = arith.maximumf %max3A_1655, %min3A_1680 : vector<16xf32>
      %min3A_1682 = arith.minimumf %max3A_1655, %min3A_1680 : vector<16xf32>
      %max3A_1683 = arith.maximumf %max3A_1657, %min3A_1682 : vector<16xf32>
      %min3A_1684 = arith.minimumf %max3A_1657, %min3A_1682 : vector<16xf32>
      %get3A_1685 = arith.constant 1024 : index
      %get3A_1686 = tpu.vector_load %arg6[%get3A_1685] {strides = array<i32>} : memref<1280xf32, #tpu.memory_space<vmem>>, vector<16xf32>,
      %get3A_1687 = vector.shape_cast %get3A_1686 : vector<16xf32> to vector<16xf32>
      %min3A_1688 = arith.minimumf %min3A_1662, %get3A_1687 : vector<16xf32>
      %max3A_1689 = arith.maximumf %min3A_1662, %get3A_1687 : vector<16xf32>
      %min3A_1690 = arith.minimumf %min3A_1664, %max3A_1689 : vector<16xf32>
      %max3A_1691 = arith.maximumf %min3A_1664, %max3A_1689 : vector<16xf32>
      %min3A_1692 = arith.minimumf %min3A_1666, %max3A_1691 : vector<16xf32>
      %max3A_1693 = arith.maximumf %min3A_1666, %max3A_1691 : vector<16xf32>
      %min3A_1694 = arith.minimumf %min3A_1668, %max3A_1693 : vector<16xf32>
      %max3A_1695 = arith.maximumf %min3A_1668, %max3A_1693 : vector<16xf32>
      %min3A_1696 = arith.minimumf %min3A_1670, %max3A_1695 : vector<16xf32>
      %max3A_1697 = arith.maximumf %min3A_1670, %max3A_1695 : vector<16xf32>
      %get3A_1698 = arith.constant 1024 : index
      %get3A_1699 = tpu.vector_load %arg7[%get3A_1698] {strides = array<i32>} : memref<1280xf32, #tpu.memory_space<vmem>>, vector<16xf32>,
      %get3A_1700 = vector.shape_cast %get3A_1699 : vector<16xf32> to vector<16xf32>
      %max3A_1701 = arith.maximumf %max3A_1675, %get3A_1700 : vector<16xf32>
      %min3A_1702 = arith.minimumf %max3A_1675, %get3A_1700 : vector<16xf32>
      %max3A_1703 = arith.maximumf %max3A_1677, %min3A_1702 : vector<16xf32>
      %min3A_1704 = arith.minimumf %max3A_1677, %min3A_1702 : vector<16xf32>
      %max3A_1705 = arith.maximumf %max3A_1679, %min3A_1704 : vector<16xf32>
      %min3A_1706 = arith.minimumf %max3A_1679, %min3A_1704 : vector<16xf32>
      %max3A_1707 = arith.maximumf %max3A_1681, %min3A_1706 : vector<16xf32>
      %min3A_1708 = arith.minimumf %max3A_1681, %min3A_1706 : vector<16xf32>
      %max3A_1709 = arith.maximumf %max3A_1683, %min3A_1708 : vector<16xf32>
      %min3A_1710 = arith.minimumf %max3A_1683, %min3A_1708 : vector<16xf32>
      %get3A_1711 = arith.constant 1040 : index
      %get3A_1712 = tpu.vector_load %arg6[%get3A_1711] {strides = array<i32>} : memref<1280xf32, #tpu.memory_space<vmem>>, vector<16xf32>,
      %get3A_1713 = vector.shape_cast %get3A_1712 : vector<16xf32> to vector<16xf32>
      %min3A_1714 = arith.minimumf %min3A_1688, %get3A_1713 : vector<16xf32>
      %max3A_1715 = arith.maximumf %min3A_1688, %get3A_1713 : vector<16xf32>
      %min3A_1716 = arith.minimumf %min3A_1690, %max3A_1715 : vector<16xf32>
      %max3A_1717 = arith.maximumf %min3A_1690, %max3A_1715 : vector<16xf32>
      %min3A_1718 = arith.minimumf %min3A_1692, %max3A_1717 : vector<16xf32>
      %max3A_1719 = arith.maximumf %min3A_1692, %max3A_1717 : vector<16xf32>
      %min3A_1720 = arith.minimumf %min3A_1694, %max3A_1719 : vector<16xf32>
      %max3A_1721 = arith.maximumf %min3A_1694, %max3A_1719 : vector<16xf32>
      %min3A_1722 = arith.minimumf %min3A_1696, %max3A_1721 : vector<16xf32>
      %max3A_1723 = arith.maximumf %min3A_1696, %max3A_1721 : vector<16xf32>
      %get3A_1724 = arith.constant 1040 : index
      %get3A_1725 = tpu.vector_load %arg7[%get3A_1724] {strides = array<i32>} : memref<1280xf32, #tpu.memory_space<vmem>>, vector<16xf32>,
      %get3A_1726 = vector.shape_cast %get3A_1725 : vector<16xf32> to vector<16xf32>
      %max3A_1727 = arith.maximumf %max3A_1701, %get3A_1726 : vector<16xf32>
      %min3A_1728 = arith.minimumf %max3A_1701, %get3A_1726 : vector<16xf32>
      %max3A_1729 = arith.maximumf %max3A_1703, %min3A_1728 : vector<16xf32>
      %min3A_1730 = arith.minimumf %max3A_1703, %min3A_1728 : vector<16xf32>
      %max3A_1731 = arith.maximumf %max3A_1705, %min3A_1730 : vector<16xf32>
      %min3A_1732 = arith.minimumf %max3A_1705, %min3A_1730 : vector<16xf32>
      %max3A_1733 = arith.maximumf %max3A_1707, %min3A_1732 : vector<16xf32>
      %min3A_1734 = arith.minimumf %max3A_1707, %min3A_1732 : vector<16xf32>
      %max3A_1735 = arith.maximumf %max3A_1709, %min3A_1734 : vector<16xf32>
      %min3A_1736 = arith.minimumf %max3A_1709, %min3A_1734 : vector<16xf32>
      %get3A_1737 = arith.constant 1056 : index
      %get3A_1738 = tpu.vector_load %arg6[%get3A_1737] {strides = array<i32>} : memref<1280xf32, #tpu.memory_space<vmem>>, vector<16xf32>,
      %get3A_1739 = vector.shape_cast %get3A_1738 : vector<16xf32> to vector<16xf32>
      %min3A_1740 = arith.minimumf %min3A_1714, %get3A_1739 : vector<16xf32>
      %max3A_1741 = arith.maximumf %min3A_1714, %get3A_1739 : vector<16xf32>
      %min3A_1742 = arith.minimumf %min3A_1716, %max3A_1741 : vector<16xf32>
      %max3A_1743 = arith.maximumf %min3A_1716, %max3A_1741 : vector<16xf32>
      %min3A_1744 = arith.minimumf %min3A_1718, %max3A_1743 : vector<16xf32>
      %max3A_1745 = arith.maximumf %min3A_1718, %max3A_1743 : vector<16xf32>
      %min3A_1746 = arith.minimumf %min3A_1720, %max3A_1745 : vector<16xf32>
      %max3A_1747 = arith.maximumf %min3A_1720, %max3A_1745 : vector<16xf32>
      %min3A_1748 = arith.minimumf %min3A_1722, %max3A_1747 : vector<16xf32>
      %max3A_1749 = arith.maximumf %min3A_1722, %max3A_1747 : vector<16xf32>
      %get3A_1750 = arith.constant 1056 : index
      %get3A_1751 = tpu.vector_load %arg7[%get3A_1750] {strides = array<i32>} : memref<1280xf32, #tpu.memory_space<vmem>>, vector<16xf32>,
      %get3A_1752 = vector.shape_cast %get3A_1751 : vector<16xf32> to vector<16xf32>
      %max3A_1753 = arith.maximumf %max3A_1727, %get3A_1752 : vector<16xf32>
      %min3A_1754 = arith.minimumf %max3A_1727, %get3A_1752 : vector<16xf32>
      %max3A_1755 = arith.maximumf %max3A_1729, %min3A_1754 : vector<16xf32>
      %min3A_1756 = arith.minimumf %max3A_1729, %min3A_1754 : vector<16xf32>
      %max3A_1757 = arith.maximumf %max3A_1731, %min3A_1756 : vector<16xf32>
      %min3A_1758 = arith.minimumf %max3A_1731, %min3A_1756 : vector<16xf32>
      %max3A_1759 = arith.maximumf %max3A_1733, %min3A_1758 : vector<16xf32>
      %min3A_1760 = arith.minimumf %max3A_1733, %min3A_1758 : vector<16xf32>
      %max3A_1761 = arith.maximumf %max3A_1735, %min3A_1760 : vector<16xf32>
      %min3A_1762 = arith.minimumf %max3A_1735, %min3A_1760 : vector<16xf32>
      %get3A_1763 = arith.constant 1072 : index
      %get3A_1764 = tpu.vector_load %arg6[%get3A_1763] {strides = array<i32>} : memref<1280xf32, #tpu.memory_space<vmem>>, vector<16xf32>,
      %get3A_1765 = vector.shape_cast %get3A_1764 : vector<16xf32> to vector<16xf32>
      %min3A_1766 = arith.minimumf %min3A_1740, %get3A_1765 : vector<16xf32>
      %max3A_1767 = arith.maximumf %min3A_1740, %get3A_1765 : vector<16xf32>
      %min3A_1768 = arith.minimumf %min3A_1742, %max3A_1767 : vector<16xf32>
      %max3A_1769 = arith.maximumf %min3A_1742, %max3A_1767 : vector<16xf32>
      %min3A_1770 = arith.minimumf %min3A_1744, %max3A_1769 : vector<16xf32>
      %max3A_1771 = arith.maximumf %min3A_1744, %max3A_1769 : vector<16xf32>
      %min3A_1772 = arith.minimumf %min3A_1746, %max3A_1771 : vector<16xf32>
      %max3A_1773 = arith.maximumf %min3A_1746, %max3A_1771 : vector<16xf32>
      %min3A_1774 = arith.minimumf %min3A_1748, %max3A_1773 : vector<16xf32>
      %max3A_1775 = arith.maximumf %min3A_1748, %max3A_1773 : vector<16xf32>
      %get3A_1776 = arith.constant 1072 : index
      %get3A_1777 = tpu.vector_load %arg7[%get3A_1776] {strides = array<i32>} : memref<1280xf32, #tpu.memory_space<vmem>>, vector<16xf32>,
      %get3A_1778 = vector.shape_cast %get3A_1777 : vector<16xf32> to vector<16xf32>
      %max3A_1779 = arith.maximumf %max3A_1753, %get3A_1778 : vector<16xf32>
      %min3A_1780 = arith.minimumf %max3A_1753, %get3A_1778 : vector<16xf32>
      %max3A_1781 = arith.maximumf %max3A_1755, %min3A_1780 : vector<16xf32>
      %min3A_1782 = arith.minimumf %max3A_1755, %min3A_1780 : vector<16xf32>
      %max3A_1783 = arith.maximumf %max3A_1757, %min3A_1782 : vector<16xf32>
      %min3A_1784 = arith.minimumf %max3A_1757, %min3A_1782 : vector<16xf32>
      %max3A_1785 = arith.maximumf %max3A_1759, %min3A_1784 : vector<16xf32>
      %min3A_1786 = arith.minimumf %max3A_1759, %min3A_1784 : vector<16xf32>
      %max3A_1787 = arith.maximumf %max3A_1761, %min3A_1786 : vector<16xf32>
      %min3A_1788 = arith.minimumf %max3A_1761, %min3A_1786 : vector<16xf32>
      %get3A_1789 = arith.constant 1088 : index
      %get3A_1790 = tpu.vector_load %arg6[%get3A_1789] {strides = array<i32>} : memref<1280xf32, #tpu.memory_space<vmem>>, vector<16xf32>,
      %get3A_1791 = vector.shape_cast %get3A_1790 : vector<16xf32> to vector<16xf32>
      %min3A_1792 = arith.minimumf %min3A_1766, %get3A_1791 : vector<16xf32>
      %max3A_1793 = arith.maximumf %min3A_1766, %get3A_1791 : vector<16xf32>
      %min3A_1794 = arith.minimumf %min3A_1768, %max3A_1793 : vector<16xf32>
      %max3A_1795 = arith.maximumf %min3A_1768, %max3A_1793 : vector<16xf32>
      %min3A_1796 = arith.minimumf %min3A_1770, %max3A_1795 : vector<16xf32>
      %max3A_1797 = arith.maximumf %min3A_1770, %max3A_1795 : vector<16xf32>
      %min3A_1798 = arith.minimumf %min3A_1772, %max3A_1797 : vector<16xf32>
      %max3A_1799 = arith.maximumf %min3A_1772, %max3A_1797 : vector<16xf32>
      %min3A_1800 = arith.minimumf %min3A_1774, %max3A_1799 : vector<16xf32>
      %max3A_1801 = arith.maximumf %min3A_1774, %max3A_1799 : vector<16xf32>
      %get3A_1802 = arith.constant 1088 : index
      %get3A_1803 = tpu.vector_load %arg7[%get3A_1802] {strides = array<i32>} : memref<1280xf32, #tpu.memory_space<vmem>>, vector<16xf32>,
      %get3A_1804 = vector.shape_cast %get3A_1803 : vector<16xf32> to vector<16xf32>
      %max3A_1805 = arith.maximumf %max3A_1779, %get3A_1804 : vector<16xf32>
      %min3A_1806 = arith.minimumf %max3A_1779, %get3A_1804 : vector<16xf32>
      %max3A_1807 = arith.maximumf %max3A_1781, %min3A_1806 : vector<16xf32>
      %min3A_1808 = arith.minimumf %max3A_1781, %min3A_1806 : vector<16xf32>
      %max3A_1809 = arith.maximumf %max3A_1783, %min3A_1808 : vector<16xf32>
      %min3A_1810 = arith.minimumf %max3A_1783, %min3A_1808 : vector<16xf32>
      %max3A_1811 = arith.maximumf %max3A_1785, %min3A_1810 : vector<16xf32>
      %min3A_1812 = arith.minimumf %max3A_1785, %min3A_1810 : vector<16xf32>
      %max3A_1813 = arith.maximumf %max3A_1787, %min3A_1812 : vector<16xf32>
      %min3A_1814 = arith.minimumf %max3A_1787, %min3A_1812 : vector<16xf32>
      %get3A_1815 = arith.constant 1104 : index
      %get3A_1816 = tpu.vector_load %arg6[%get3A_1815] {strides = array<i32>} : memref<1280xf32, #tpu.memory_space<vmem>>, vector<16xf32>,
      %get3A_1817 = vector.shape_cast %get3A_1816 : vector<16xf32> to vector<16xf32>
      %min3A_1818 = arith.minimumf %min3A_1792, %get3A_1817 : vector<16xf32>
      %max3A_1819 = arith.maximumf %min3A_1792, %get3A_1817 : vector<16xf32>
      %min3A_1820 = arith.minimumf %min3A_1794, %max3A_1819 : vector<16xf32>
      %max3A_1821 = arith.maximumf %min3A_1794, %max3A_1819 : vector<16xf32>
      %min3A_1822 = arith.minimumf %min3A_1796, %max3A_1821 : vector<16xf32>
      %max3A_1823 = arith.maximumf %min3A_1796, %max3A_1821 : vector<16xf32>
      %min3A_1824 = arith.minimumf %min3A_1798, %max3A_1823 : vector<16xf32>
      %max3A_1825 = arith.maximumf %min3A_1798, %max3A_1823 : vector<16xf32>
      %min3A_1826 = arith.minimumf %min3A_1800, %max3A_1825 : vector<16xf32>
      %max3A_1827 = arith.maximumf %min3A_1800, %max3A_1825 : vector<16xf32>
      %get3A_1828 = arith.constant 1104 : index
      %get3A_1829 = tpu.vector_load %arg7[%get3A_1828] {strides = array<i32>} : memref<1280xf32, #tpu.memory_space<vmem>>, vector<16xf32>,
      %get3A_1830 = vector.shape_cast %get3A_1829 : vector<16xf32> to vector<16xf32>
      %max3A_1831 = arith.maximumf %max3A_1805, %get3A_1830 : vector<16xf32>
      %min3A_1832 = arith.minimumf %max3A_1805, %get3A_1830 : vector<16xf32>
      %max3A_1833 = arith.maximumf %max3A_1807, %min3A_1832 : vector<16xf32>
      %min3A_1834 = arith.minimumf %max3A_1807, %min3A_1832 : vector<16xf32>
      %max3A_1835 = arith.maximumf %max3A_1809, %min3A_1834 : vector<16xf32>
      %min3A_1836 = arith.minimumf %max3A_1809, %min3A_1834 : vector<16xf32>
      %max3A_1837 = arith.maximumf %max3A_1811, %min3A_1836 : vector<16xf32>
      %min3A_1838 = arith.minimumf %max3A_1811, %min3A_1836 : vector<16xf32>
      %max3A_1839 = arith.maximumf %max3A_1813, %min3A_1838 : vector<16xf32>
      %min3A_1840 = arith.minimumf %max3A_1813, %min3A_1838 : vector<16xf32>
      %get3A_1841 = arith.constant 1120 : index
      %get3A_1842 = tpu.vector_load %arg6[%get3A_1841] {strides = array<i32>} : memref<1280xf32, #tpu.memory_space<vmem>>, vector<16xf32>,
      %get3A_1843 = vector.shape_cast %get3A_1842 : vector<16xf32> to vector<16xf32>
      %min3A_1844 = arith.minimumf %min3A_1818, %get3A_1843 : vector<16xf32>
      %max3A_1845 = arith.maximumf %min3A_1818, %get3A_1843 : vector<16xf32>
      %min3A_1846 = arith.minimumf %min3A_1820, %max3A_1845 : vector<16xf32>
      %max3A_1847 = arith.maximumf %min3A_1820, %max3A_1845 : vector<16xf32>
      %min3A_1848 = arith.minimumf %min3A_1822, %max3A_1847 : vector<16xf32>
      %max3A_1849 = arith.maximumf %min3A_1822, %max3A_1847 : vector<16xf32>
      %min3A_1850 = arith.minimumf %min3A_1824, %max3A_1849 : vector<16xf32>
      %max3A_1851 = arith.maximumf %min3A_1824, %max3A_1849 : vector<16xf32>
      %min3A_1852 = arith.minimumf %min3A_1826, %max3A_1851 : vector<16xf32>
      %max3A_1853 = arith.maximumf %min3A_1826, %max3A_1851 : vector<16xf32>
      %get3A_1854 = arith.constant 1120 : index
      %get3A_1855 = tpu.vector_load %arg7[%get3A_1854] {strides = array<i32>} : memref<1280xf32, #tpu.memory_space<vmem>>, vector<16xf32>,
      %get3A_1856 = vector.shape_cast %get3A_1855 : vector<16xf32> to vector<16xf32>
      %max3A_1857 = arith.maximumf %max3A_1831, %get3A_1856 : vector<16xf32>
      %min3A_1858 = arith.minimumf %max3A_1831, %get3A_1856 : vector<16xf32>
      %max3A_1859 = arith.maximumf %max3A_1833, %min3A_1858 : vector<16xf32>
      %min3A_1860 = arith.minimumf %max3A_1833, %min3A_1858 : vector<16xf32>
      %max3A_1861 = arith.maximumf %max3A_1835, %min3A_1860 : vector<16xf32>
      %min3A_1862 = arith.minimumf %max3A_1835, %min3A_1860 : vector<16xf32>
      %max3A_1863 = arith.maximumf %max3A_1837, %min3A_1862 : vector<16xf32>
      %min3A_1864 = arith.minimumf %max3A_1837, %min3A_1862 : vector<16xf32>
      %max3A_1865 = arith.maximumf %max3A_1839, %min3A_1864 : vector<16xf32>
      %min3A_1866 = arith.minimumf %max3A_1839, %min3A_1864 : vector<16xf32>
      %get3A_1867 = arith.constant 1136 : index
      %get3A_1868 = tpu.vector_load %arg6[%get3A_1867] {strides = array<i32>} : memref<1280xf32, #tpu.memory_space<vmem>>, vector<16xf32>,
      %get3A_1869 = vector.shape_cast %get3A_1868 : vector<16xf32> to vector<16xf32>
      %min3A_1870 = arith.minimumf %min3A_1844, %get3A_1869 : vector<16xf32>
      %max3A_1871 = arith.maximumf %min3A_1844, %get3A_1869 : vector<16xf32>
      %min3A_1872 = arith.minimumf %min3A_1846, %max3A_1871 : vector<16xf32>
      %max3A_1873 = arith.maximumf %min3A_1846, %max3A_1871 : vector<16xf32>
      %min3A_1874 = arith.minimumf %min3A_1848, %max3A_1873 : vector<16xf32>
      %max3A_1875 = arith.maximumf %min3A_1848, %max3A_1873 : vector<16xf32>
      %min3A_1876 = arith.minimumf %min3A_1850, %max3A_1875 : vector<16xf32>
      %max3A_1877 = arith.maximumf %min3A_1850, %max3A_1875 : vector<16xf32>
      %min3A_1878 = arith.minimumf %min3A_1852, %max3A_1877 : vector<16xf32>
      %max3A_1879 = arith.maximumf %min3A_1852, %max3A_1877 : vector<16xf32>
      %get3A_1880 = arith.constant 1136 : index
      %get3A_1881 = tpu.vector_load %arg7[%get3A_1880] {strides = array<i32>} : memref<1280xf32, #tpu.memory_space<vmem>>, vector<16xf32>,
      %get3A_1882 = vector.shape_cast %get3A_1881 : vector<16xf32> to vector<16xf32>
      %max3A_1883 = arith.maximumf %max3A_1857, %get3A_1882 : vector<16xf32>
      %min3A_1884 = arith.minimumf %max3A_1857, %get3A_1882 : vector<16xf32>
      %max3A_1885 = arith.maximumf %max3A_1859, %min3A_1884 : vector<16xf32>
      %min3A_1886 = arith.minimumf %max3A_1859, %min3A_1884 : vector<16xf32>
      %max3A_1887 = arith.maximumf %max3A_1861, %min3A_1886 : vector<16xf32>
      %min3A_1888 = arith.minimumf %max3A_1861, %min3A_1886 : vector<16xf32>
      %max3A_1889 = arith.maximumf %max3A_1863, %min3A_1888 : vector<16xf32>
      %min3A_1890 = arith.minimumf %max3A_1863, %min3A_1888 : vector<16xf32>
      %max3A_1891 = arith.maximumf %max3A_1865, %min3A_1890 : vector<16xf32>
      %min3A_1892 = arith.minimumf %max3A_1865, %min3A_1890 : vector<16xf32>
      %get3A_1893 = arith.constant 1152 : index
      %get3A_1894 = tpu.vector_load %arg6[%get3A_1893] {strides = array<i32>} : memref<1280xf32, #tpu.memory_space<vmem>>, vector<16xf32>,
      %get3A_1895 = vector.shape_cast %get3A_1894 : vector<16xf32> to vector<16xf32>
      %min3A_1896 = arith.minimumf %min3A_1870, %get3A_1895 : vector<16xf32>
      %max3A_1897 = arith.maximumf %min3A_1870, %get3A_1895 : vector<16xf32>
      %min3A_1898 = arith.minimumf %min3A_1872, %max3A_1897 : vector<16xf32>
      %max3A_1899 = arith.maximumf %min3A_1872, %max3A_1897 : vector<16xf32>
      %min3A_1900 = arith.minimumf %min3A_1874, %max3A_1899 : vector<16xf32>
      %max3A_1901 = arith.maximumf %min3A_1874, %max3A_1899 : vector<16xf32>
      %min3A_1902 = arith.minimumf %min3A_1876, %max3A_1901 : vector<16xf32>
      %max3A_1903 = arith.maximumf %min3A_1876, %max3A_1901 : vector<16xf32>
      %min3A_1904 = arith.minimumf %min3A_1878, %max3A_1903 : vector<16xf32>
      %max3A_1905 = arith.maximumf %min3A_1878, %max3A_1903 : vector<16xf32>
      %get3A_1906 = arith.constant 1152 : index
      %get3A_1907 = tpu.vector_load %arg7[%get3A_1906] {strides = array<i32>} : memref<1280xf32, #tpu.memory_space<vmem>>, vector<16xf32>,
      %get3A_1908 = vector.shape_cast %get3A_1907 : vector<16xf32> to vector<16xf32>
      %max3A_1909 = arith.maximumf %max3A_1883, %get3A_1908 : vector<16xf32>
      %min3A_1910 = arith.minimumf %max3A_1883, %get3A_1908 : vector<16xf32>
      %max3A_1911 = arith.maximumf %max3A_1885, %min3A_1910 : vector<16xf32>
      %min3A_1912 = arith.minimumf %max3A_1885, %min3A_1910 : vector<16xf32>
      %max3A_1913 = arith.maximumf %max3A_1887, %min3A_1912 : vector<16xf32>
      %min3A_1914 = arith.minimumf %max3A_1887, %min3A_1912 : vector<16xf32>
      %max3A_1915 = arith.maximumf %max3A_1889, %min3A_1914 : vector<16xf32>
      %min3A_1916 = arith.minimumf %max3A_1889, %min3A_1914 : vector<16xf32>
      %max3A_1917 = arith.maximumf %max3A_1891, %min3A_1916 : vector<16xf32>
      %min3A_1918 = arith.minimumf %max3A_1891, %min3A_1916 : vector<16xf32>
      %get3A_1919 = arith.constant 1168 : index
      %get3A_1920 = tpu.vector_load %arg6[%get3A_1919] {strides = array<i32>} : memref<1280xf32, #tpu.memory_space<vmem>>, vector<16xf32>,
      %get3A_1921 = vector.shape_cast %get3A_1920 : vector<16xf32> to vector<16xf32>
      %min3A_1922 = arith.minimumf %min3A_1896, %get3A_1921 : vector<16xf32>
      %max3A_1923 = arith.maximumf %min3A_1896, %get3A_1921 : vector<16xf32>
      %min3A_1924 = arith.minimumf %min3A_1898, %max3A_1923 : vector<16xf32>
      %max3A_1925 = arith.maximumf %min3A_1898, %max3A_1923 : vector<16xf32>
      %min3A_1926 = arith.minimumf %min3A_1900, %max3A_1925 : vector<16xf32>
      %max3A_1927 = arith.maximumf %min3A_1900, %max3A_1925 : vector<16xf32>
      %min3A_1928 = arith.minimumf %min3A_1902, %max3A_1927 : vector<16xf32>
      %max3A_1929 = arith.maximumf %min3A_1902, %max3A_1927 : vector<16xf32>
      %min3A_1930 = arith.minimumf %min3A_1904, %max3A_1929 : vector<16xf32>
      %max3A_1931 = arith.maximumf %min3A_1904, %max3A_1929 : vector<16xf32>
      %get3A_1932 = arith.constant 1168 : index
      %get3A_1933 = tpu.vector_load %arg7[%get3A_1932] {strides = array<i32>} : memref<1280xf32, #tpu.memory_space<vmem>>, vector<16xf32>,
      %get3A_1934 = vector.shape_cast %get3A_1933 : vector<16xf32> to vector<16xf32>
      %max3A_1935 = arith.maximumf %max3A_1909, %get3A_1934 : vector<16xf32>
      %min3A_1936 = arith.minimumf %max3A_1909, %get3A_1934 : vector<16xf32>
      %max3A_1937 = arith.maximumf %max3A_1911, %min3A_1936 : vector<16xf32>
      %min3A_1938 = arith.minimumf %max3A_1911, %min3A_1936 : vector<16xf32>
      %max3A_1939 = arith.maximumf %max3A_1913, %min3A_1938 : vector<16xf32>
      %min3A_1940 = arith.minimumf %max3A_1913, %min3A_1938 : vector<16xf32>
      %max3A_1941 = arith.maximumf %max3A_1915, %min3A_1940 : vector<16xf32>
      %min3A_1942 = arith.minimumf %max3A_1915, %min3A_1940 : vector<16xf32>
      %max3A_1943 = arith.maximumf %max3A_1917, %min3A_1942 : vector<16xf32>
      %min3A_1944 = arith.minimumf %max3A_1917, %min3A_1942 : vector<16xf32>
      %get3A_1945 = arith.constant 1184 : index
      %get3A_1946 = tpu.vector_load %arg6[%get3A_1945] {strides = array<i32>} : memref<1280xf32, #tpu.memory_space<vmem>>, vector<16xf32>,
      %get3A_1947 = vector.shape_cast %get3A_1946 : vector<16xf32> to vector<16xf32>
      %min3A_1948 = arith.minimumf %min3A_1922, %get3A_1947 : vector<16xf32>
      %max3A_1949 = arith.maximumf %min3A_1922, %get3A_1947 : vector<16xf32>
      %min3A_1950 = arith.minimumf %min3A_1924, %max3A_1949 : vector<16xf32>
      %max3A_1951 = arith.maximumf %min3A_1924, %max3A_1949 : vector<16xf32>
      %min3A_1952 = arith.minimumf %min3A_1926, %max3A_1951 : vector<16xf32>
      %max3A_1953 = arith.maximumf %min3A_1926, %max3A_1951 : vector<16xf32>
      %min3A_1954 = arith.minimumf %min3A_1928, %max3A_1953 : vector<16xf32>
      %max3A_1955 = arith.maximumf %min3A_1928, %max3A_1953 : vector<16xf32>
      %min3A_1956 = arith.minimumf %min3A_1930, %max3A_1955 : vector<16xf32>
      %max3A_1957 = arith.maximumf %min3A_1930, %max3A_1955 : vector<16xf32>
      %get3A_1958 = arith.constant 1184 : index
      %get3A_1959 = tpu.vector_load %arg7[%get3A_1958] {strides = array<i32>} : memref<1280xf32, #tpu.memory_space<vmem>>, vector<16xf32>,
      %get3A_1960 = vector.shape_cast %get3A_1959 : vector<16xf32> to vector<16xf32>
      %max3A_1961 = arith.maximumf %max3A_1935, %get3A_1960 : vector<16xf32>
      %min3A_1962 = arith.minimumf %max3A_1935, %get3A_1960 : vector<16xf32>
      %max3A_1963 = arith.maximumf %max3A_1937, %min3A_1962 : vector<16xf32>
      %min3A_1964 = arith.minimumf %max3A_1937, %min3A_1962 : vector<16xf32>
      %max3A_1965 = arith.maximumf %max3A_1939, %min3A_1964 : vector<16xf32>
      %min3A_1966 = arith.minimumf %max3A_1939, %min3A_1964 : vector<16xf32>
      %max3A_1967 = arith.maximumf %max3A_1941, %min3A_1966 : vector<16xf32>
      %min3A_1968 = arith.minimumf %max3A_1941, %min3A_1966 : vector<16xf32>
      %max3A_1969 = arith.maximumf %max3A_1943, %min3A_1968 : vector<16xf32>
      %min3A_1970 = arith.minimumf %max3A_1943, %min3A_1968 : vector<16xf32>
      %get3A_1971 = arith.constant 1200 : index
      %get3A_1972 = tpu.vector_load %arg6[%get3A_1971] {strides = array<i32>} : memref<1280xf32, #tpu.memory_space<vmem>>, vector<16xf32>,
      %get3A_1973 = vector.shape_cast %get3A_1972 : vector<16xf32> to vector<16xf32>
      %min3A_1974 = arith.minimumf %min3A_1948, %get3A_1973 : vector<16xf32>
      %max3A_1975 = arith.maximumf %min3A_1948, %get3A_1973 : vector<16xf32>
      %min3A_1976 = arith.minimumf %min3A_1950, %max3A_1975 : vector<16xf32>
      %max3A_1977 = arith.maximumf %min3A_1950, %max3A_1975 : vector<16xf32>
      %min3A_1978 = arith.minimumf %min3A_1952, %max3A_1977 : vector<16xf32>
      %max3A_1979 = arith.maximumf %min3A_1952, %max3A_1977 : vector<16xf32>
      %min3A_1980 = arith.minimumf %min3A_1954, %max3A_1979 : vector<16xf32>
      %max3A_1981 = arith.maximumf %min3A_1954, %max3A_1979 : vector<16xf32>
      %min3A_1982 = arith.minimumf %min3A_1956, %max3A_1981 : vector<16xf32>
      %max3A_1983 = arith.maximumf %min3A_1956, %max3A_1981 : vector<16xf32>
      %get3A_1984 = arith.constant 1200 : index
      %get3A_1985 = tpu.vector_load %arg7[%get3A_1984] {strides = array<i32>} : memref<1280xf32, #tpu.memory_space<vmem>>, vector<16xf32>,
      %get3A_1986 = vector.shape_cast %get3A_1985 : vector<16xf32> to vector<16xf32>
      %max3A_1987 = arith.maximumf %max3A_1961, %get3A_1986 : vector<16xf32>
      %min3A_1988 = arith.minimumf %max3A_1961, %get3A_1986 : vector<16xf32>
      %max3A_1989 = arith.maximumf %max3A_1963, %min3A_1988 : vector<16xf32>
      %min3A_1990 = arith.minimumf %max3A_1963, %min3A_1988 : vector<16xf32>
      %max3A_1991 = arith.maximumf %max3A_1965, %min3A_1990 : vector<16xf32>
      %min3A_1992 = arith.minimumf %max3A_1965, %min3A_1990 : vector<16xf32>
      %max3A_1993 = arith.maximumf %max3A_1967, %min3A_1992 : vector<16xf32>
      %min3A_1994 = arith.minimumf %max3A_1967, %min3A_1992 : vector<16xf32>
      %max3A_1995 = arith.maximumf %max3A_1969, %min3A_1994 : vector<16xf32>
      %min3A_1996 = arith.minimumf %max3A_1969, %min3A_1994 : vector<16xf32>
      %get3A_1997 = arith.constant 1216 : index
      %get3A_1998 = tpu.vector_load %arg6[%get3A_1997] {strides = array<i32>} : memref<1280xf32, #tpu.memory_space<vmem>>, vector<16xf32>,
      %get3A_1999 = vector.shape_cast %get3A_1998 : vector<16xf32> to vector<16xf32>
      %min3A_2000 = arith.minimumf %min3A_1974, %get3A_1999 : vector<16xf32>
      %max3A_2001 = arith.maximumf %min3A_1974, %get3A_1999 : vector<16xf32>
      %min3A_2002 = arith.minimumf %min3A_1976, %max3A_2001 : vector<16xf32>
      %max3A_2003 = arith.maximumf %min3A_1976, %max3A_2001 : vector<16xf32>
      %min3A_2004 = arith.minimumf %min3A_1978, %max3A_2003 : vector<16xf32>
      %max3A_2005 = arith.maximumf %min3A_1978, %max3A_2003 : vector<16xf32>
      %min3A_2006 = arith.minimumf %min3A_1980, %max3A_2005 : vector<16xf32>
      %max3A_2007 = arith.maximumf %min3A_1980, %max3A_2005 : vector<16xf32>
      %min3A_2008 = arith.minimumf %min3A_1982, %max3A_2007 : vector<16xf32>
      %max3A_2009 = arith.maximumf %min3A_1982, %max3A_2007 : vector<16xf32>
      %get3A_2010 = arith.constant 1216 : index
      %get3A_2011 = tpu.vector_load %arg7[%get3A_2010] {strides = array<i32>} : memref<1280xf32, #tpu.memory_space<vmem>>, vector<16xf32>,
      %get3A_2012 = vector.shape_cast %get3A_2011 : vector<16xf32> to vector<16xf32>
      %max3A_2013 = arith.maximumf %max3A_1987, %get3A_2012 : vector<16xf32>
      %min3A_2014 = arith.minimumf %max3A_1987, %get3A_2012 : vector<16xf32>
      %max3A_2015 = arith.maximumf %max3A_1989, %min3A_2014 : vector<16xf32>
      %min3A_2016 = arith.minimumf %max3A_1989, %min3A_2014 : vector<16xf32>
      %max3A_2017 = arith.maximumf %max3A_1991, %min3A_2016 : vector<16xf32>
      %min3A_2018 = arith.minimumf %max3A_1991, %min3A_2016 : vector<16xf32>
      %max3A_2019 = arith.maximumf %max3A_1993, %min3A_2018 : vector<16xf32>
      %min3A_2020 = arith.minimumf %max3A_1993, %min3A_2018 : vector<16xf32>
      %max3A_2021 = arith.maximumf %max3A_1995, %min3A_2020 : vector<16xf32>
      %min3A_2022 = arith.minimumf %max3A_1995, %min3A_2020 : vector<16xf32>
      %get3A_2023 = arith.constant 1232 : index
      %get3A_2024 = tpu.vector_load %arg6[%get3A_2023] {strides = array<i32>} : memref<1280xf32, #tpu.memory_space<vmem>>, vector<16xf32>,
      %get3A_2025 = vector.shape_cast %get3A_2024 : vector<16xf32> to vector<16xf32>
      %min3A_2026 = arith.minimumf %min3A_2000, %get3A_2025 : vector<16xf32>
      %max3A_2027 = arith.maximumf %min3A_2000, %get3A_2025 : vector<16xf32>
      %min3A_2028 = arith.minimumf %min3A_2002, %max3A_2027 : vector<16xf32>
      %max3A_2029 = arith.maximumf %min3A_2002, %max3A_2027 : vector<16xf32>
      %min3A_2030 = arith.minimumf %min3A_2004, %max3A_2029 : vector<16xf32>
      %max3A_2031 = arith.maximumf %min3A_2004, %max3A_2029 : vector<16xf32>
      %min3A_2032 = arith.minimumf %min3A_2006, %max3A_2031 : vector<16xf32>
      %max3A_2033 = arith.maximumf %min3A_2006, %max3A_2031 : vector<16xf32>
      %min3A_2034 = arith.minimumf %min3A_2008, %max3A_2033 : vector<16xf32>
      %max3A_2035 = arith.maximumf %min3A_2008, %max3A_2033 : vector<16xf32>
      %get3A_2036 = arith.constant 1232 : index
      %get3A_2037 = tpu.vector_load %arg7[%get3A_2036] {strides = array<i32>} : memref<1280xf32, #tpu.memory_space<vmem>>, vector<16xf32>,
      %get3A_2038 = vector.shape_cast %get3A_2037 : vector<16xf32> to vector<16xf32>
      %max3A_2039 = arith.maximumf %max3A_2013, %get3A_2038 : vector<16xf32>
      %min3A_2040 = arith.minimumf %max3A_2013, %get3A_2038 : vector<16xf32>
      %max3A_2041 = arith.maximumf %max3A_2015, %min3A_2040 : vector<16xf32>
      %min3A_2042 = arith.minimumf %max3A_2015, %min3A_2040 : vector<16xf32>
      %max3A_2043 = arith.maximumf %max3A_2017, %min3A_2042 : vector<16xf32>
      %min3A_2044 = arith.minimumf %max3A_2017, %min3A_2042 : vector<16xf32>
      %max3A_2045 = arith.maximumf %max3A_2019, %min3A_2044 : vector<16xf32>
      %min3A_2046 = arith.minimumf %max3A_2019, %min3A_2044 : vector<16xf32>
      %max3A_2047 = arith.maximumf %max3A_2021, %min3A_2046 : vector<16xf32>
      %min3A_2048 = arith.minimumf %max3A_2021, %min3A_2046 : vector<16xf32>
      %get3A_2049 = arith.constant 1248 : index
      %get3A_2050 = tpu.vector_load %arg6[%get3A_2049] {strides = array<i32>} : memref<1280xf32, #tpu.memory_space<vmem>>, vector<16xf32>,
      %get3A_2051 = vector.shape_cast %get3A_2050 : vector<16xf32> to vector<16xf32>
      %min3A_2052 = arith.minimumf %min3A_2026, %get3A_2051 : vector<16xf32>
      %max3A_2053 = arith.maximumf %min3A_2026, %get3A_2051 : vector<16xf32>
      %min3A_2054 = arith.minimumf %min3A_2028, %max3A_2053 : vector<16xf32>
      %max3A_2055 = arith.maximumf %min3A_2028, %max3A_2053 : vector<16xf32>
      %min3A_2056 = arith.minimumf %min3A_2030, %max3A_2055 : vector<16xf32>
      %max3A_2057 = arith.maximumf %min3A_2030, %max3A_2055 : vector<16xf32>
      %min3A_2058 = arith.minimumf %min3A_2032, %max3A_2057 : vector<16xf32>
      %max3A_2059 = arith.maximumf %min3A_2032, %max3A_2057 : vector<16xf32>
      %min3A_2060 = arith.minimumf %min3A_2034, %max3A_2059 : vector<16xf32>
      %max3A_2061 = arith.maximumf %min3A_2034, %max3A_2059 : vector<16xf32>
      %get3A_2062 = arith.constant 1248 : index
      %get3A_2063 = tpu.vector_load %arg7[%get3A_2062] {strides = array<i32>} : memref<1280xf32, #tpu.memory_space<vmem>>, vector<16xf32>,
      %get3A_2064 = vector.shape_cast %get3A_2063 : vector<16xf32> to vector<16xf32>
      %max3A_2065 = arith.maximumf %max3A_2039, %get3A_2064 : vector<16xf32>
      %min3A_2066 = arith.minimumf %max3A_2039, %get3A_2064 : vector<16xf32>
      %max3A_2067 = arith.maximumf %max3A_2041, %min3A_2066 : vector<16xf32>
      %min3A_2068 = arith.minimumf %max3A_2041, %min3A_2066 : vector<16xf32>
      %max3A_2069 = arith.maximumf %max3A_2043, %min3A_2068 : vector<16xf32>
      %min3A_2070 = arith.minimumf %max3A_2043, %min3A_2068 : vector<16xf32>
      %max3A_2071 = arith.maximumf %max3A_2045, %min3A_2070 : vector<16xf32>
      %min3A_2072 = arith.minimumf %max3A_2045, %min3A_2070 : vector<16xf32>
      %max3A_2073 = arith.maximumf %max3A_2047, %min3A_2072 : vector<16xf32>
      %min3A_2074 = arith.minimumf %max3A_2047, %min3A_2072 : vector<16xf32>
      %get3A_2075 = arith.constant 1264 : index
      %get3A_2076 = tpu.vector_load %arg6[%get3A_2075] {strides = array<i32>} : memref<1280xf32, #tpu.memory_space<vmem>>, vector<16xf32>,
      %get3A_2077 = vector.shape_cast %get3A_2076 : vector<16xf32> to vector<16xf32>
      %min3A_2078 = arith.minimumf %min3A_2052, %get3A_2077 : vector<16xf32>
      %max3A_2079 = arith.maximumf %min3A_2052, %get3A_2077 : vector<16xf32>
      %min3A_2080 = arith.minimumf %min3A_2054, %max3A_2079 : vector<16xf32>
      %max3A_2081 = arith.maximumf %min3A_2054, %max3A_2079 : vector<16xf32>
      %min3A_2082 = arith.minimumf %min3A_2056, %max3A_2081 : vector<16xf32>
      %max3A_2083 = arith.maximumf %min3A_2056, %max3A_2081 : vector<16xf32>
      %min3A_2084 = arith.minimumf %min3A_2058, %max3A_2083 : vector<16xf32>
      %max3A_2085 = arith.maximumf %min3A_2058, %max3A_2083 : vector<16xf32>
      %min3A_2086 = arith.minimumf %min3A_2060, %max3A_2085 : vector<16xf32>
      %max3A_2087 = arith.maximumf %min3A_2060, %max3A_2085 : vector<16xf32>
      %get3A_2088 = arith.constant 1264 : index
      %get3A_2089 = tpu.vector_load %arg7[%get3A_2088] {strides = array<i32>} : memref<1280xf32, #tpu.memory_space<vmem>>, vector<16xf32>,
      %get3A_2090 = vector.shape_cast %get3A_2089 : vector<16xf32> to vector<16xf32>
      %max3A_2091 = arith.maximumf %max3A_2065, %get3A_2090 : vector<16xf32>
      %min3A_2092 = arith.minimumf %max3A_2065, %get3A_2090 : vector<16xf32>
      %max3A_2093 = arith.maximumf %max3A_2067, %min3A_2092 : vector<16xf32>
      %min3A_2094 = arith.minimumf %max3A_2067, %min3A_2092 : vector<16xf32>
      %max3A_2095 = arith.maximumf %max3A_2069, %min3A_2094 : vector<16xf32>
      %min3A_2096 = arith.minimumf %max3A_2069, %min3A_2094 : vector<16xf32>
      %max3A_2097 = arith.maximumf %max3A_2071, %min3A_2096 : vector<16xf32>
      %min3A_2098 = arith.minimumf %max3A_2071, %min3A_2096 : vector<16xf32>
      %max3A_2099 = arith.maximumf %max3A_2073, %min3A_2098 : vector<16xf32>
      %min3A_2100 = arith.minimumf %max3A_2073, %min3A_2098 : vector<16xf32>
      %max3A_2101 = arith.constant 0.000000e+00 : f32
      %max3A_2102 = vector.broadcast %max3A_2101 : f32 to vector<16xf32>
      %max3A_2103 = arith.maximumf %max3A_2091, %max3A_2102 : vector<16xf32>
      %max3A_2104 = arith.constant 0.000000e+00 : f32
      %max3A_2105 = vector.broadcast %max3A_2104 : f32 to vector<16xf32>
      %max3A_2106 = arith.maximumf %max3A_2093, %max3A_2105 : vector<16xf32>
      %add3A_2107 = arith.addf %max3A_2103, %max3A_2106 : vector<16xf32>
      %max3A_2108 = arith.constant 0.000000e+00 : f32
      %max3A_2109 = vector.broadcast %max3A_2108 : f32 to vector<16xf32>
      %max3A_2110 = arith.maximumf %max3A_2095, %max3A_2109 : vector<16xf32>
      %add3A_2111 = arith.addf %add3A_2107, %max3A_2110 : vector<16xf32>
      %max3A_2112 = arith.constant 0.000000e+00 : f32
      %max3A_2113 = vector.broadcast %max3A_2112 : f32 to vector<16xf32>
      %max3A_2114 = arith.maximumf %max3A_2097, %max3A_2113 : vector<16xf32>
      %add3A_2115 = arith.addf %add3A_2111, %max3A_2114 : vector<16xf32>
      %max3A_2116 = arith.constant 0.000000e+00 : f32
      %max3A_2117 = vector.broadcast %max3A_2116 : f32 to vector<16xf32>
      %max3A_2118 = arith.maximumf %max3A_2099, %max3A_2117 : vector<16xf32>
      %add3A_2119 = arith.addf %add3A_2115, %max3A_2118 : vector<16xf32>
      %get3A_2120 = arith.constant 0 : index
      %get3A_2121 = tpu.vector_load %arg8[%get3A_2120] {strides = array<i32>} : memref<16xf32, #tpu.memory_space<vmem>>, vector<16xf32>,
      %get3A_2122 = vector.shape_cast %get3A_2121 : vector<16xf32> to vector<16xf32>
      %sub3A = arith.subf %add3A_2119, %get3A_2122 : vector<16xf32>
      %convert_element_type3A_2123 = arith.fptosi %sub3A : vector<16xf32> to vector<16xi32>
      %jit3A = arith.constant 1 : i32
      %jit3A_2124 = arith.constant 5 : i32
      %max3A_2125 = vector.broadcast %jit3A : i32 to vector<16xi32>
      %max3A_2126 = arith.maxsi %max3A_2125, %convert_element_type3A_2123 : vector<16xi32>
      %min3A_2127 = vector.broadcast %jit3A_2124 : i32 to vector<16xi32>
      %min3A_2128 = arith.minsi %min3A_2127, %max3A_2126 : vector<16xi32>
      %eq3A = arith.constant 1 : i32
      %eq3A_2129 = vector.broadcast %eq3A : i32 to vector<16xi32>
      %eq3A_2130 = arith.cmpi eq, %min3A_2128, %eq3A_2129 : vector<16xi32>
      %eq3A_2131 = arith.constant 2 : i32
      %eq3A_2132 = vector.broadcast %eq3A_2131 : i32 to vector<16xi32>
      %eq3A_2133 = arith.cmpi eq, %min3A_2128, %eq3A_2132 : vector<16xi32>
      %eq3A_2134 = arith.constant 3 : i32
      %eq3A_2135 = vector.broadcast %eq3A_2134 : i32 to vector<16xi32>
      %eq3A_2136 = arith.cmpi eq, %min3A_2128, %eq3A_2135 : vector<16xi32>
      %eq3A_2137 = arith.constant 4 : i32
      %eq3A_2138 = vector.broadcast %eq3A_2137 : i32 to vector<16xi32>
      %eq3A_2139 = arith.cmpi eq, %min3A_2128, %eq3A_2138 : vector<16xi32>
      %select_n3A = arith.select %eq3A_2139, %min3A_2084, %min3A_2086 : vector<16xi1>, vector<16xf32>
      %select_n3A_2140 = arith.select %eq3A_2136, %min3A_2082, %select_n3A : vector<16xi1>, vector<16xf32>
      %select_n3A_2141 = arith.select %eq3A_2133, %min3A_2080, %select_n3A_2140 : vector<16xi1>, vector<16xf32>
      %select_n3A_2142 = arith.select %eq3A_2130, %min3A_2078, %select_n3A_2141 : vector<16xi1>, vector<16xf32>
      %swap3A = arith.constant 0 : index
      %swap3A_2143 = tpu.vector_load %arg9[%swap3A] {strides = array<i32>} : memref<16xf32, #tpu.memory_space<vmem>>, vector<16xf32>,
      %swap3A_2144 = vector.shape_cast %swap3A_2143 : vector<16xf32> to vector<16xf32>
      %swap3A_2145 = vector.shape_cast %select_n3A_2142 : vector<16xf32> to vector<16xf32>
      tpu.vector_store %arg9[%swap3A], %swap3A_2145 {strides = array<i32>} : memref<16xf32, #tpu.memory_space<vmem>>, vector<16xf32>,
      "tpu.region"() ({
        %run_scoped3A_2146 = tpu.sem_alloc : memref<!tpu.dma_semaphore, #tpu.memory_space<semaphore_mem>>
        %dma_start3A = arith.constant 0 : i32
        %dma_start3A_2147 = tpu.memref_slice %arg5[%add3A_2, %dma_start3A] : memref<32x16xf32, #tpu.memory_space<hbm>> -> memref<1x16xf32, #tpu.memory_space<hbm>>
        %dma_start3A_2148 = tpu.memref_squeeze %dma_start3A_2147 : memref<1x16xf32, #tpu.memory_space<hbm>> -> memref<16xf32, #tpu.memory_space<hbm>>
        %dma_start3A_2149 = arith.constant 0 : i32
        %dma_start3A_2150 = tpu.memref_slice %arg5[%add3A_2, %dma_start3A_2149] : memref<32x16xf32, #tpu.memory_space<hbm>> -> memref<1x16xf32, #tpu.memory_space<hbm>>
        %dma_start3A_2151 = tpu.memref_squeeze %dma_start3A_2150 : memref<1x16xf32, #tpu.memory_space<hbm>> -> memref<16xf32, #tpu.memory_space<hbm>>
        tpu.enqueue_dma source(%arg9 : memref<16xf32, #tpu.memory_space<vmem>>) target(%dma_start3A_2151 : memref<16xf32, #tpu.memory_space<hbm>>) target_semaphore(%run_scoped3A_2146 : memref<!tpu.dma_semaphore, #tpu.memory_space<semaphore_mem>>)
        %dma_wait3A = arith.constant 0 : i32
        %dma_wait3A_2152 = tpu.memref_slice %arg5[%add3A_2, %dma_wait3A] : memref<32x16xf32, #tpu.memory_space<hbm>> -> memref<1x16xf32, #tpu.memory_space<hbm>>
        %dma_wait3A_2153 = tpu.memref_squeeze %dma_wait3A_2152 : memref<1x16xf32, #tpu.memory_space<hbm>> -> memref<16xf32, #tpu.memory_space<hbm>>
        %dma_wait3A_2154 = arith.constant 0 : i32
        %dma_wait3A_2155 = tpu.memref_slice %arg5[%add3A_2, %dma_wait3A_2154] : memref<32x16xf32, #tpu.memory_space<hbm>> -> memref<1x16xf32, #tpu.memory_space<hbm>>
        %dma_wait3A_2156 = tpu.memref_squeeze %dma_wait3A_2155 : memref<1x16xf32, #tpu.memory_space<hbm>> -> memref<16xf32, #tpu.memory_space<hbm>>
        tpu.wait_dma2 semaphore(%run_scoped3A_2146 : memref<!tpu.dma_semaphore, #tpu.memory_space<semaphore_mem>>) src(%arg9 : memref<16xf32, #tpu.memory_space<vmem>>) dst(%dma_wait3A_2156 : memref<16xf32, #tpu.memory_space<hbm>>)
        tpu.yield
      }) : () -> ()
    } else {
    }
    return
  }
}

module attributes {stable_mosaic.version = 14 : i64} {
  func.func @_pass1_body(%arg0: i32, %arg1: i32, %arg2: memref<1x2000x32xf32, #tpu.memory_space<vmem>>, %arg3: memref<1x32x256xf32, #tpu.memory_space<vmem>>, %arg4: memref<1x2000x256xf32, #tpu.memory_space<vmem>>, %arg5: memref<1x8x256xf32, #tpu.memory_space<vmem>>, %arg6: memref<1x8x256xf32, #tpu.memory_space<vmem>>, %arg7: memref<2000x256xf32, #tpu.memory_space<vmem>>) attributes {dimension_semantics = [#tpu.dimension_semantics<arbitrary>, #tpu.dimension_semantics<arbitrary>], iteration_bounds = array<i64: 2, 10>, scalar_prefetch = 0 : i64, scratch_operands = 1 : i64, tpu.core_type = #tpu.core_type<tc>, window_params = [{transform_indices = @transform_0, window_bounds = array<i64: 1, 2000, 32>}, {transform_indices = @transform_1, window_bounds = array<i64: 1, 32, 256>}, {transform_indices = @transform_2, window_bounds = array<i64: 1, 2000, 256>}, {transform_indices = @transform_3, window_bounds = array<i64: 1, 8, 256>}, {transform_indices = @transform_4, window_bounds = array<i64: 1, 8, 256>}]} {
    %get3A = arith.constant 0 : index
    %get3A_0 = arith.constant 0 : index
    %get3A_1 = arith.constant 0 : index
    %get3A_2 = vector.load %arg2[%get3A, %get3A_0, %get3A_1] : memref<1x2000x32xf32, #tpu.memory_space<vmem>>, vector<1x2000x32xf32>
    %get3A_3 = vector.shape_cast %get3A_2 : vector<1x2000x32xf32> to vector<2000x32xf32>
    %get3A_4 = arith.constant 0 : index
    %get3A_5 = arith.constant 0 : index
    %get3A_6 = arith.constant 0 : index
    %get3A_7 = vector.load %arg3[%get3A_4, %get3A_5, %get3A_6] : memref<1x32x256xf32, #tpu.memory_space<vmem>>, vector<1x32x256xf32>
    %get3A_8 = vector.shape_cast %get3A_7 : vector<1x32x256xf32> to vector<32x256xf32>
    %slice3A = vector.extract_strided_slice %get3A_3 {offsets = [0, 0], sizes = [2000, 1], strides = [1, 1]} : vector<2000x32xf32> to vector<2000x1xf32>
    %slice3A_9 = vector.extract_strided_slice %get3A_3 {offsets = [0, 1], sizes = [2000, 1], strides = [1, 1]} : vector<2000x32xf32> to vector<2000x1xf32>
    %slice3A_10 = vector.extract_strided_slice %get3A_3 {offsets = [0, 2], sizes = [2000, 1], strides = [1, 1]} : vector<2000x32xf32> to vector<2000x1xf32>
    %slice3A_11 = vector.extract_strided_slice %get3A_8 {offsets = [0, 0], sizes = [1, 256], strides = [1, 1]} : vector<32x256xf32> to vector<1x256xf32>
    %gt3A = vector.broadcast %slice3A : vector<2000x1xf32> to vector<2000x256xf32>
    %gt3A_12 = vector.broadcast %slice3A_11 : vector<1x256xf32> to vector<2000x256xf32>
    %gt3A_13 = arith.cmpf ogt, %gt3A, %gt3A_12 : vector<2000x256xf32>
    %slice3A_14 = vector.extract_strided_slice %get3A_8 {offsets = [3, 0], sizes = [1, 256], strides = [1, 1]} : vector<32x256xf32> to vector<1x256xf32>
    %lt3A = vector.broadcast %slice3A : vector<2000x1xf32> to vector<2000x256xf32>
    %lt3A_15 = vector.broadcast %slice3A_14 : vector<1x256xf32> to vector<2000x256xf32>
    %lt3A_16 = arith.cmpf olt, %lt3A, %lt3A_15 : vector<2000x256xf32>
    %and3A = arith.andi %gt3A_13, %lt3A_16 : vector<2000x256xi1>
    %slice3A_17 = vector.extract_strided_slice %get3A_8 {offsets = [1, 0], sizes = [1, 256], strides = [1, 1]} : vector<32x256xf32> to vector<1x256xf32>
    %gt3A_18 = vector.broadcast %slice3A_9 : vector<2000x1xf32> to vector<2000x256xf32>
    %gt3A_19 = vector.broadcast %slice3A_17 : vector<1x256xf32> to vector<2000x256xf32>
    %gt3A_20 = arith.cmpf ogt, %gt3A_18, %gt3A_19 : vector<2000x256xf32>
    %and3A_21 = arith.andi %and3A, %gt3A_20 : vector<2000x256xi1>
    %slice3A_22 = vector.extract_strided_slice %get3A_8 {offsets = [4, 0], sizes = [1, 256], strides = [1, 1]} : vector<32x256xf32> to vector<1x256xf32>
    %lt3A_23 = vector.broadcast %slice3A_9 : vector<2000x1xf32> to vector<2000x256xf32>
    %lt3A_24 = vector.broadcast %slice3A_22 : vector<1x256xf32> to vector<2000x256xf32>
    %lt3A_25 = arith.cmpf olt, %lt3A_23, %lt3A_24 : vector<2000x256xf32>
    %and3A_26 = arith.andi %and3A_21, %lt3A_25 : vector<2000x256xi1>
    %slice3A_27 = vector.extract_strided_slice %get3A_8 {offsets = [2, 0], sizes = [1, 256], strides = [1, 1]} : vector<32x256xf32> to vector<1x256xf32>
    %gt3A_28 = vector.broadcast %slice3A_10 : vector<2000x1xf32> to vector<2000x256xf32>
    %gt3A_29 = vector.broadcast %slice3A_27 : vector<1x256xf32> to vector<2000x256xf32>
    %gt3A_30 = arith.cmpf ogt, %gt3A_28, %gt3A_29 : vector<2000x256xf32>
    %and3A_31 = arith.andi %and3A_26, %gt3A_30 : vector<2000x256xi1>
    %slice3A_32 = vector.extract_strided_slice %get3A_8 {offsets = [5, 0], sizes = [1, 256], strides = [1, 1]} : vector<32x256xf32> to vector<1x256xf32>
    %lt3A_33 = vector.broadcast %slice3A_10 : vector<2000x1xf32> to vector<2000x256xf32>
    %lt3A_34 = vector.broadcast %slice3A_32 : vector<1x256xf32> to vector<2000x256xf32>
    %lt3A_35 = arith.cmpf olt, %lt3A_33, %lt3A_34 : vector<2000x256xf32>
    %and3A_36 = arith.andi %and3A_31, %lt3A_35 : vector<2000x256xi1>
    %slice3A_37 = vector.extract_strided_slice %get3A_8 {offsets = [6, 0], sizes = [1, 256], strides = [1, 1]} : vector<32x256xf32> to vector<1x256xf32>
    %gt3A_38 = vector.broadcast %slice3A : vector<2000x1xf32> to vector<2000x256xf32>
    %gt3A_39 = vector.broadcast %slice3A_37 : vector<1x256xf32> to vector<2000x256xf32>
    %gt3A_40 = arith.cmpf ogt, %gt3A_38, %gt3A_39 : vector<2000x256xf32>
    %slice3A_41 = vector.extract_strided_slice %get3A_8 {offsets = [9, 0], sizes = [1, 256], strides = [1, 1]} : vector<32x256xf32> to vector<1x256xf32>
    %lt3A_42 = vector.broadcast %slice3A : vector<2000x1xf32> to vector<2000x256xf32>
    %lt3A_43 = vector.broadcast %slice3A_41 : vector<1x256xf32> to vector<2000x256xf32>
    %lt3A_44 = arith.cmpf olt, %lt3A_42, %lt3A_43 : vector<2000x256xf32>
    %and3A_45 = arith.andi %gt3A_40, %lt3A_44 : vector<2000x256xi1>
    %slice3A_46 = vector.extract_strided_slice %get3A_8 {offsets = [7, 0], sizes = [1, 256], strides = [1, 1]} : vector<32x256xf32> to vector<1x256xf32>
    %gt3A_47 = vector.broadcast %slice3A_9 : vector<2000x1xf32> to vector<2000x256xf32>
    %gt3A_48 = vector.broadcast %slice3A_46 : vector<1x256xf32> to vector<2000x256xf32>
    %gt3A_49 = arith.cmpf ogt, %gt3A_47, %gt3A_48 : vector<2000x256xf32>
    %and3A_50 = arith.andi %and3A_45, %gt3A_49 : vector<2000x256xi1>
    %slice3A_51 = vector.extract_strided_slice %get3A_8 {offsets = [10, 0], sizes = [1, 256], strides = [1, 1]} : vector<32x256xf32> to vector<1x256xf32>
    %lt3A_52 = vector.broadcast %slice3A_9 : vector<2000x1xf32> to vector<2000x256xf32>
    %lt3A_53 = vector.broadcast %slice3A_51 : vector<1x256xf32> to vector<2000x256xf32>
    %lt3A_54 = arith.cmpf olt, %lt3A_52, %lt3A_53 : vector<2000x256xf32>
    %and3A_55 = arith.andi %and3A_50, %lt3A_54 : vector<2000x256xi1>
    %slice3A_56 = vector.extract_strided_slice %get3A_8 {offsets = [8, 0], sizes = [1, 256], strides = [1, 1]} : vector<32x256xf32> to vector<1x256xf32>
    %gt3A_57 = vector.broadcast %slice3A_10 : vector<2000x1xf32> to vector<2000x256xf32>
    %gt3A_58 = vector.broadcast %slice3A_56 : vector<1x256xf32> to vector<2000x256xf32>
    %gt3A_59 = arith.cmpf ogt, %gt3A_57, %gt3A_58 : vector<2000x256xf32>
    %and3A_60 = arith.andi %and3A_55, %gt3A_59 : vector<2000x256xi1>
    %slice3A_61 = vector.extract_strided_slice %get3A_8 {offsets = [11, 0], sizes = [1, 256], strides = [1, 1]} : vector<32x256xf32> to vector<1x256xf32>
    %lt3A_62 = vector.broadcast %slice3A_10 : vector<2000x1xf32> to vector<2000x256xf32>
    %lt3A_63 = vector.broadcast %slice3A_61 : vector<1x256xf32> to vector<2000x256xf32>
    %lt3A_64 = arith.cmpf olt, %lt3A_62, %lt3A_63 : vector<2000x256xf32>
    %and3A_65 = arith.andi %and3A_60, %lt3A_64 : vector<2000x256xi1>
    %and3A_66 = arith.andi %and3A_36, %and3A_65 : vector<2000x256xi1>
    %or3A = arith.ori %and3A_36, %and3A_65 : vector<2000x256xi1>
    %convert_element_type3A = arith.extui %or3A : vector<2000x256xi1> to vector<2000x256xi32>
    %convert_element_type3A_67 = arith.sitofp %convert_element_type3A : vector<2000x256xi32> to vector<2000x256xf32>
    %broadcast_in_dim3A = arith.constant 1.000000e+00 : f32
    %broadcast_in_dim3A_68 = vector.broadcast %broadcast_in_dim3A : f32 to vector<256x128xf32>
    %dot_general3A = arith.constant dense<0.000000e+00> : vector<2000x128xf32>
    %dot_general3A_69 = tpu.matmul %convert_element_type3A_67, %broadcast_in_dim3A_68, %dot_general3A {dimension_numbers = #tpu.dot_dimension_numbers<[1], [0], [0], [1], [0, 0, 1, 1], [], []>, transpose_lhs_hint = false} : vector<2000x256xf32>, vector<256x128xf32>, vector<2000x128xf32> -> vector<2000x128xf32>
    %slice3A_70 = vector.extract_strided_slice %dot_general3A_69 {offsets = [0, 0], sizes = [2000, 1], strides = [1, 1]} : vector<2000x128xf32> to vector<2000x1xf32>
    %gt3A_71 = arith.constant 0.000000e+00 : f32
    %gt3A_72 = vector.broadcast %gt3A_71 : f32 to vector<2000x1xf32>
    %gt3A_73 = arith.cmpf ogt, %slice3A_70, %gt3A_72 : vector<2000x1xf32>
    %slice3A_74 = vector.extract_strided_slice %get3A_8 {offsets = [27, 0], sizes = [1, 256], strides = [1, 1]} : vector<32x256xf32> to vector<1x256xf32>
    %eq3A = arith.constant 0.000000e+00 : f32
    %eq3A_75 = vector.broadcast %eq3A : f32 to vector<1x256xf32>
    %eq3A_76 = arith.cmpf oeq, %slice3A_74, %eq3A_75 : vector<1x256xf32>
    %slice3A_77 = vector.extract_strided_slice %get3A_3 {offsets = [0, 16], sizes = [2000, 1], strides = [1, 1]} : vector<2000x32xf32> to vector<2000x1xf32>
    %jit3A = arith.constant 0.000000e+00 : f32
    %broadcast_in_dim3A_78 = vector.shape_cast %eq3A_76 : vector<1x256xi1> to vector<1x256xi1>
    %broadcast_in_dim3A_79 = vector.broadcast %broadcast_in_dim3A_78 : vector<1x256xi1> to vector<2000x256xi1>
    %broadcast_in_dim3A_80 = vector.shape_cast %slice3A_77 : vector<2000x1xf32> to vector<2000x1xf32>
    %broadcast_in_dim3A_81 = vector.broadcast %broadcast_in_dim3A_80 : vector<2000x1xf32> to vector<2000x256xf32>
    %broadcast_in_dim3A_82 = vector.broadcast %jit3A : f32 to vector<2000x256xf32>
    %select_n3A = arith.select %broadcast_in_dim3A_79, %broadcast_in_dim3A_81, %broadcast_in_dim3A_82 : vector<2000x256xi1>, vector<2000x256xf32>
    %eq3A_83 = arith.constant 1.000000e+00 : f32
    %eq3A_84 = vector.broadcast %eq3A_83 : f32 to vector<1x256xf32>
    %eq3A_85 = arith.cmpf oeq, %slice3A_74, %eq3A_84 : vector<1x256xf32>
    %slice3A_86 = vector.extract_strided_slice %get3A_3 {offsets = [0, 17], sizes = [2000, 1], strides = [1, 1]} : vector<2000x32xf32> to vector<2000x1xf32>
    %jit3A_87 = arith.constant 0.000000e+00 : f32
    %broadcast_in_dim3A_88 = vector.shape_cast %eq3A_85 : vector<1x256xi1> to vector<1x256xi1>
    %broadcast_in_dim3A_89 = vector.broadcast %broadcast_in_dim3A_88 : vector<1x256xi1> to vector<2000x256xi1>
    %broadcast_in_dim3A_90 = vector.shape_cast %slice3A_86 : vector<2000x1xf32> to vector<2000x1xf32>
    %broadcast_in_dim3A_91 = vector.broadcast %broadcast_in_dim3A_90 : vector<2000x1xf32> to vector<2000x256xf32>
    %broadcast_in_dim3A_92 = vector.broadcast %jit3A_87 : f32 to vector<2000x256xf32>
    %select_n3A_93 = arith.select %broadcast_in_dim3A_89, %broadcast_in_dim3A_91, %broadcast_in_dim3A_92 : vector<2000x256xi1>, vector<2000x256xf32>
    %add3A = arith.addf %select_n3A, %select_n3A_93 : vector<2000x256xf32>
    %eq3A_94 = arith.constant 2.000000e+00 : f32
    %eq3A_95 = vector.broadcast %eq3A_94 : f32 to vector<1x256xf32>
    %eq3A_96 = arith.cmpf oeq, %slice3A_74, %eq3A_95 : vector<1x256xf32>
    %slice3A_97 = vector.extract_strided_slice %get3A_3 {offsets = [0, 18], sizes = [2000, 1], strides = [1, 1]} : vector<2000x32xf32> to vector<2000x1xf32>
    %jit3A_98 = arith.constant 0.000000e+00 : f32
    %broadcast_in_dim3A_99 = vector.shape_cast %eq3A_96 : vector<1x256xi1> to vector<1x256xi1>
    %broadcast_in_dim3A_100 = vector.broadcast %broadcast_in_dim3A_99 : vector<1x256xi1> to vector<2000x256xi1>
    %broadcast_in_dim3A_101 = vector.shape_cast %slice3A_97 : vector<2000x1xf32> to vector<2000x1xf32>
    %broadcast_in_dim3A_102 = vector.broadcast %broadcast_in_dim3A_101 : vector<2000x1xf32> to vector<2000x256xf32>
    %broadcast_in_dim3A_103 = vector.broadcast %jit3A_98 : f32 to vector<2000x256xf32>
    %select_n3A_104 = arith.select %broadcast_in_dim3A_100, %broadcast_in_dim3A_102, %broadcast_in_dim3A_103 : vector<2000x256xi1>, vector<2000x256xf32>
    %add3A_105 = arith.addf %add3A, %select_n3A_104 : vector<2000x256xf32>
    %eq3A_106 = arith.constant 3.000000e+00 : f32
    %eq3A_107 = vector.broadcast %eq3A_106 : f32 to vector<1x256xf32>
    %eq3A_108 = arith.cmpf oeq, %slice3A_74, %eq3A_107 : vector<1x256xf32>
    %slice3A_109 = vector.extract_strided_slice %get3A_3 {offsets = [0, 19], sizes = [2000, 1], strides = [1, 1]} : vector<2000x32xf32> to vector<2000x1xf32>
    %jit3A_110 = arith.constant 0.000000e+00 : f32
    %broadcast_in_dim3A_111 = vector.shape_cast %eq3A_108 : vector<1x256xi1> to vector<1x256xi1>
    %broadcast_in_dim3A_112 = vector.broadcast %broadcast_in_dim3A_111 : vector<1x256xi1> to vector<2000x256xi1>
    %broadcast_in_dim3A_113 = vector.shape_cast %slice3A_109 : vector<2000x1xf32> to vector<2000x1xf32>
    %broadcast_in_dim3A_114 = vector.broadcast %broadcast_in_dim3A_113 : vector<2000x1xf32> to vector<2000x256xf32>
    %broadcast_in_dim3A_115 = vector.broadcast %jit3A_110 : f32 to vector<2000x256xf32>
    %select_n3A_116 = arith.select %broadcast_in_dim3A_112, %broadcast_in_dim3A_114, %broadcast_in_dim3A_115 : vector<2000x256xi1>, vector<2000x256xf32>
    %add3A_117 = arith.addf %add3A_105, %select_n3A_116 : vector<2000x256xf32>
    %eq3A_118 = arith.constant 4.000000e+00 : f32
    %eq3A_119 = vector.broadcast %eq3A_118 : f32 to vector<1x256xf32>
    %eq3A_120 = arith.cmpf oeq, %slice3A_74, %eq3A_119 : vector<1x256xf32>
    %slice3A_121 = vector.extract_strided_slice %get3A_3 {offsets = [0, 20], sizes = [2000, 1], strides = [1, 1]} : vector<2000x32xf32> to vector<2000x1xf32>
    %jit3A_122 = arith.constant 0.000000e+00 : f32
    %broadcast_in_dim3A_123 = vector.shape_cast %eq3A_120 : vector<1x256xi1> to vector<1x256xi1>
    %broadcast_in_dim3A_124 = vector.broadcast %broadcast_in_dim3A_123 : vector<1x256xi1> to vector<2000x256xi1>
    %broadcast_in_dim3A_125 = vector.shape_cast %slice3A_121 : vector<2000x1xf32> to vector<2000x1xf32>
    %broadcast_in_dim3A_126 = vector.broadcast %broadcast_in_dim3A_125 : vector<2000x1xf32> to vector<2000x256xf32>
    %broadcast_in_dim3A_127 = vector.broadcast %jit3A_122 : f32 to vector<2000x256xf32>
    %select_n3A_128 = arith.select %broadcast_in_dim3A_124, %broadcast_in_dim3A_126, %broadcast_in_dim3A_127 : vector<2000x256xi1>, vector<2000x256xf32>
    %add3A_129 = arith.addf %add3A_117, %select_n3A_128 : vector<2000x256xf32>
    %eq3A_130 = arith.constant 5.000000e+00 : f32
    %eq3A_131 = vector.broadcast %eq3A_130 : f32 to vector<1x256xf32>
    %eq3A_132 = arith.cmpf oeq, %slice3A_74, %eq3A_131 : vector<1x256xf32>
    %slice3A_133 = vector.extract_strided_slice %get3A_3 {offsets = [0, 21], sizes = [2000, 1], strides = [1, 1]} : vector<2000x32xf32> to vector<2000x1xf32>
    %jit3A_134 = arith.constant 0.000000e+00 : f32
    %broadcast_in_dim3A_135 = vector.shape_cast %eq3A_132 : vector<1x256xi1> to vector<1x256xi1>
    %broadcast_in_dim3A_136 = vector.broadcast %broadcast_in_dim3A_135 : vector<1x256xi1> to vector<2000x256xi1>
    %broadcast_in_dim3A_137 = vector.shape_cast %slice3A_133 : vector<2000x1xf32> to vector<2000x1xf32>
    %broadcast_in_dim3A_138 = vector.broadcast %broadcast_in_dim3A_137 : vector<2000x1xf32> to vector<2000x256xf32>
    %broadcast_in_dim3A_139 = vector.broadcast %jit3A_134 : f32 to vector<2000x256xf32>
    %select_n3A_140 = arith.select %broadcast_in_dim3A_136, %broadcast_in_dim3A_138, %broadcast_in_dim3A_139 : vector<2000x256xi1>, vector<2000x256xf32>
    %add3A_141 = arith.addf %add3A_129, %select_n3A_140 : vector<2000x256xf32>
    %eq3A_142 = arith.constant 6.000000e+00 : f32
    %eq3A_143 = vector.broadcast %eq3A_142 : f32 to vector<1x256xf32>
    %eq3A_144 = arith.cmpf oeq, %slice3A_74, %eq3A_143 : vector<1x256xf32>
    %slice3A_145 = vector.extract_strided_slice %get3A_3 {offsets = [0, 22], sizes = [2000, 1], strides = [1, 1]} : vector<2000x32xf32> to vector<2000x1xf32>
    %jit3A_146 = arith.constant 0.000000e+00 : f32
    %broadcast_in_dim3A_147 = vector.shape_cast %eq3A_144 : vector<1x256xi1> to vector<1x256xi1>
    %broadcast_in_dim3A_148 = vector.broadcast %broadcast_in_dim3A_147 : vector<1x256xi1> to vector<2000x256xi1>
    %broadcast_in_dim3A_149 = vector.shape_cast %slice3A_145 : vector<2000x1xf32> to vector<2000x1xf32>
    %broadcast_in_dim3A_150 = vector.broadcast %broadcast_in_dim3A_149 : vector<2000x1xf32> to vector<2000x256xf32>
    %broadcast_in_dim3A_151 = vector.broadcast %jit3A_146 : f32 to vector<2000x256xf32>
    %select_n3A_152 = arith.select %broadcast_in_dim3A_148, %broadcast_in_dim3A_150, %broadcast_in_dim3A_151 : vector<2000x256xi1>, vector<2000x256xf32>
    %add3A_153 = arith.addf %add3A_141, %select_n3A_152 : vector<2000x256xf32>
    %eq3A_154 = arith.constant 7.000000e+00 : f32
    %eq3A_155 = vector.broadcast %eq3A_154 : f32 to vector<1x256xf32>
    %eq3A_156 = arith.cmpf oeq, %slice3A_74, %eq3A_155 : vector<1x256xf32>
    %slice3A_157 = vector.extract_strided_slice %get3A_3 {offsets = [0, 23], sizes = [2000, 1], strides = [1, 1]} : vector<2000x32xf32> to vector<2000x1xf32>
    %jit3A_158 = arith.constant 0.000000e+00 : f32
    %broadcast_in_dim3A_159 = vector.shape_cast %eq3A_156 : vector<1x256xi1> to vector<1x256xi1>
    %broadcast_in_dim3A_160 = vector.broadcast %broadcast_in_dim3A_159 : vector<1x256xi1> to vector<2000x256xi1>
    %broadcast_in_dim3A_161 = vector.shape_cast %slice3A_157 : vector<2000x1xf32> to vector<2000x1xf32>
    %broadcast_in_dim3A_162 = vector.broadcast %broadcast_in_dim3A_161 : vector<2000x1xf32> to vector<2000x256xf32>
    %broadcast_in_dim3A_163 = vector.broadcast %jit3A_158 : f32 to vector<2000x256xf32>
    %select_n3A_164 = arith.select %broadcast_in_dim3A_160, %broadcast_in_dim3A_162, %broadcast_in_dim3A_163 : vector<2000x256xi1>, vector<2000x256xf32>
    %add3A_165 = arith.addf %add3A_153, %select_n3A_164 : vector<2000x256xf32>
    %eq3A_166 = arith.constant 8.000000e+00 : f32
    %eq3A_167 = vector.broadcast %eq3A_166 : f32 to vector<1x256xf32>
    %eq3A_168 = arith.cmpf oeq, %slice3A_74, %eq3A_167 : vector<1x256xf32>
    %slice3A_169 = vector.extract_strided_slice %get3A_3 {offsets = [0, 24], sizes = [2000, 1], strides = [1, 1]} : vector<2000x32xf32> to vector<2000x1xf32>
    %jit3A_170 = arith.constant 0.000000e+00 : f32
    %broadcast_in_dim3A_171 = vector.shape_cast %eq3A_168 : vector<1x256xi1> to vector<1x256xi1>
    %broadcast_in_dim3A_172 = vector.broadcast %broadcast_in_dim3A_171 : vector<1x256xi1> to vector<2000x256xi1>
    %broadcast_in_dim3A_173 = vector.shape_cast %slice3A_169 : vector<2000x1xf32> to vector<2000x1xf32>
    %broadcast_in_dim3A_174 = vector.broadcast %broadcast_in_dim3A_173 : vector<2000x1xf32> to vector<2000x256xf32>
    %broadcast_in_dim3A_175 = vector.broadcast %jit3A_170 : f32 to vector<2000x256xf32>
    %select_n3A_176 = arith.select %broadcast_in_dim3A_172, %broadcast_in_dim3A_174, %broadcast_in_dim3A_175 : vector<2000x256xi1>, vector<2000x256xf32>
    %add3A_177 = arith.addf %add3A_165, %select_n3A_176 : vector<2000x256xf32>
    %eq3A_178 = arith.constant 9.000000e+00 : f32
    %eq3A_179 = vector.broadcast %eq3A_178 : f32 to vector<1x256xf32>
    %eq3A_180 = arith.cmpf oeq, %slice3A_74, %eq3A_179 : vector<1x256xf32>
    %slice3A_181 = vector.extract_strided_slice %get3A_3 {offsets = [0, 25], sizes = [2000, 1], strides = [1, 1]} : vector<2000x32xf32> to vector<2000x1xf32>
    %jit3A_182 = arith.constant 0.000000e+00 : f32
    %broadcast_in_dim3A_183 = vector.shape_cast %eq3A_180 : vector<1x256xi1> to vector<1x256xi1>
    %broadcast_in_dim3A_184 = vector.broadcast %broadcast_in_dim3A_183 : vector<1x256xi1> to vector<2000x256xi1>
    %broadcast_in_dim3A_185 = vector.shape_cast %slice3A_181 : vector<2000x1xf32> to vector<2000x1xf32>
    %broadcast_in_dim3A_186 = vector.broadcast %broadcast_in_dim3A_185 : vector<2000x1xf32> to vector<2000x256xf32>
    %broadcast_in_dim3A_187 = vector.broadcast %jit3A_182 : f32 to vector<2000x256xf32>
    %select_n3A_188 = arith.select %broadcast_in_dim3A_184, %broadcast_in_dim3A_186, %broadcast_in_dim3A_187 : vector<2000x256xi1>, vector<2000x256xf32>
    %add3A_189 = arith.addf %add3A_177, %select_n3A_188 : vector<2000x256xf32>
    %slice3A_190 = vector.extract_strided_slice %get3A_3 {offsets = [0, 0], sizes = [2000, 1], strides = [1, 1]} : vector<2000x32xf32> to vector<2000x1xf32>
    %slice3A_191 = vector.extract_strided_slice %get3A_8 {offsets = [12, 0], sizes = [1, 256], strides = [1, 1]} : vector<32x256xf32> to vector<1x256xf32>
    %sub3A = vector.broadcast %slice3A_190 : vector<2000x1xf32> to vector<2000x256xf32>
    %sub3A_192 = vector.broadcast %slice3A_191 : vector<1x256xf32> to vector<2000x256xf32>
    %sub3A_193 = arith.subf %sub3A, %sub3A_192 : vector<2000x256xf32>
    %abs3A = math.absf %sub3A_193 : vector<2000x256xf32>
    %slice3A_194 = vector.extract_strided_slice %get3A_3 {offsets = [0, 1], sizes = [2000, 1], strides = [1, 1]} : vector<2000x32xf32> to vector<2000x1xf32>
    %slice3A_195 = vector.extract_strided_slice %get3A_8 {offsets = [13, 0], sizes = [1, 256], strides = [1, 1]} : vector<32x256xf32> to vector<1x256xf32>
    %sub3A_196 = vector.broadcast %slice3A_194 : vector<2000x1xf32> to vector<2000x256xf32>
    %sub3A_197 = vector.broadcast %slice3A_195 : vector<1x256xf32> to vector<2000x256xf32>
    %sub3A_198 = arith.subf %sub3A_196, %sub3A_197 : vector<2000x256xf32>
    %abs3A_199 = math.absf %sub3A_198 : vector<2000x256xf32>
    %add3A_200 = arith.addf %abs3A, %abs3A_199 : vector<2000x256xf32>
    %slice3A_201 = vector.extract_strided_slice %get3A_3 {offsets = [0, 2], sizes = [2000, 1], strides = [1, 1]} : vector<2000x32xf32> to vector<2000x1xf32>
    %slice3A_202 = vector.extract_strided_slice %get3A_8 {offsets = [14, 0], sizes = [1, 256], strides = [1, 1]} : vector<32x256xf32> to vector<1x256xf32>
    %sub3A_203 = vector.broadcast %slice3A_201 : vector<2000x1xf32> to vector<2000x256xf32>
    %sub3A_204 = vector.broadcast %slice3A_202 : vector<1x256xf32> to vector<2000x256xf32>
    %sub3A_205 = arith.subf %sub3A_203, %sub3A_204 : vector<2000x256xf32>
    %abs3A_206 = math.absf %sub3A_205 : vector<2000x256xf32>
    %add3A_207 = arith.addf %add3A_200, %abs3A_206 : vector<2000x256xf32>
    %slice3A_208 = vector.extract_strided_slice %get3A_3 {offsets = [0, 3], sizes = [2000, 1], strides = [1, 1]} : vector<2000x32xf32> to vector<2000x1xf32>
    %slice3A_209 = vector.extract_strided_slice %get3A_8 {offsets = [15, 0], sizes = [1, 256], strides = [1, 1]} : vector<32x256xf32> to vector<1x256xf32>
    %sub3A_210 = vector.broadcast %slice3A_208 : vector<2000x1xf32> to vector<2000x256xf32>
    %sub3A_211 = vector.broadcast %slice3A_209 : vector<1x256xf32> to vector<2000x256xf32>
    %sub3A_212 = arith.subf %sub3A_210, %sub3A_211 : vector<2000x256xf32>
    %abs3A_213 = math.absf %sub3A_212 : vector<2000x256xf32>
    %add3A_214 = arith.addf %add3A_207, %abs3A_213 : vector<2000x256xf32>
    %slice3A_215 = vector.extract_strided_slice %get3A_3 {offsets = [0, 4], sizes = [2000, 1], strides = [1, 1]} : vector<2000x32xf32> to vector<2000x1xf32>
    %slice3A_216 = vector.extract_strided_slice %get3A_8 {offsets = [16, 0], sizes = [1, 256], strides = [1, 1]} : vector<32x256xf32> to vector<1x256xf32>
    %sub3A_217 = vector.broadcast %slice3A_215 : vector<2000x1xf32> to vector<2000x256xf32>
    %sub3A_218 = vector.broadcast %slice3A_216 : vector<1x256xf32> to vector<2000x256xf32>
    %sub3A_219 = arith.subf %sub3A_217, %sub3A_218 : vector<2000x256xf32>
    %abs3A_220 = math.absf %sub3A_219 : vector<2000x256xf32>
    %add3A_221 = arith.addf %add3A_214, %abs3A_220 : vector<2000x256xf32>
    %slice3A_222 = vector.extract_strided_slice %get3A_3 {offsets = [0, 5], sizes = [2000, 1], strides = [1, 1]} : vector<2000x32xf32> to vector<2000x1xf32>
    %slice3A_223 = vector.extract_strided_slice %get3A_8 {offsets = [17, 0], sizes = [1, 256], strides = [1, 1]} : vector<32x256xf32> to vector<1x256xf32>
    %sub3A_224 = vector.broadcast %slice3A_222 : vector<2000x1xf32> to vector<2000x256xf32>
    %sub3A_225 = vector.broadcast %slice3A_223 : vector<1x256xf32> to vector<2000x256xf32>
    %sub3A_226 = arith.subf %sub3A_224, %sub3A_225 : vector<2000x256xf32>
    %abs3A_227 = math.absf %sub3A_226 : vector<2000x256xf32>
    %add3A_228 = arith.addf %add3A_221, %abs3A_227 : vector<2000x256xf32>
    %slice3A_229 = vector.extract_strided_slice %get3A_3 {offsets = [0, 6], sizes = [2000, 1], strides = [1, 1]} : vector<2000x32xf32> to vector<2000x1xf32>
    %slice3A_230 = vector.extract_strided_slice %get3A_8 {offsets = [18, 0], sizes = [1, 256], strides = [1, 1]} : vector<32x256xf32> to vector<1x256xf32>
    %sub3A_231 = vector.broadcast %slice3A_229 : vector<2000x1xf32> to vector<2000x256xf32>
    %sub3A_232 = vector.broadcast %slice3A_230 : vector<1x256xf32> to vector<2000x256xf32>
    %sub3A_233 = arith.subf %sub3A_231, %sub3A_232 : vector<2000x256xf32>
    %abs3A_234 = math.absf %sub3A_233 : vector<2000x256xf32>
    %add3A_235 = arith.addf %add3A_228, %abs3A_234 : vector<2000x256xf32>
    %slice3A_236 = vector.extract_strided_slice %get3A_3 {offsets = [0, 7], sizes = [2000, 1], strides = [1, 1]} : vector<2000x32xf32> to vector<2000x1xf32>
    %slice3A_237 = vector.extract_strided_slice %get3A_8 {offsets = [19, 0], sizes = [1, 256], strides = [1, 1]} : vector<32x256xf32> to vector<1x256xf32>
    %sub3A_238 = vector.broadcast %slice3A_236 : vector<2000x1xf32> to vector<2000x256xf32>
    %sub3A_239 = vector.broadcast %slice3A_237 : vector<1x256xf32> to vector<2000x256xf32>
    %sub3A_240 = arith.subf %sub3A_238, %sub3A_239 : vector<2000x256xf32>
    %abs3A_241 = math.absf %sub3A_240 : vector<2000x256xf32>
    %add3A_242 = arith.addf %add3A_235, %abs3A_241 : vector<2000x256xf32>
    %mul3A = arith.constant 2.500000e-01 : f32
    %mul3A_243 = vector.broadcast %mul3A : f32 to vector<2000x256xf32>
    %mul3A_244 = arith.mulf %add3A_242, %mul3A_243 : vector<2000x256xf32>
    %slice3A_245 = vector.extract_strided_slice %get3A_3 {offsets = [0, 10], sizes = [2000, 1], strides = [1, 1]} : vector<2000x32xf32> to vector<2000x1xf32>
    %slice3A_246 = vector.extract_strided_slice %get3A_3 {offsets = [0, 11], sizes = [2000, 1], strides = [1, 1]} : vector<2000x32xf32> to vector<2000x1xf32>
    %slice3A_247 = vector.extract_strided_slice %get3A_3 {offsets = [0, 12], sizes = [2000, 1], strides = [1, 1]} : vector<2000x32xf32> to vector<2000x1xf32>
    %mul3A_248 = arith.constant 5.000000e-01 : f32
    %mul3A_249 = vector.broadcast %mul3A_248 : f32 to vector<2000x1xf32>
    %mul3A_250 = arith.mulf %slice3A_245, %mul3A_249 : vector<2000x1xf32>
    %sub3A_251 = arith.subf %slice3A, %mul3A_250 : vector<2000x1xf32>
    %slice3A_252 = vector.extract_strided_slice %get3A_8 {offsets = [20, 0], sizes = [1, 256], strides = [1, 1]} : vector<32x256xf32> to vector<1x256xf32>
    %max3A = vector.broadcast %sub3A_251 : vector<2000x1xf32> to vector<2000x256xf32>
    %max3A_253 = vector.broadcast %slice3A_252 : vector<1x256xf32> to vector<2000x256xf32>
    %max3A_254 = arith.maximumf %max3A, %max3A_253 : vector<2000x256xf32>
    %mul3A_255 = arith.constant 5.000000e-01 : f32
    %mul3A_256 = vector.broadcast %mul3A_255 : f32 to vector<2000x1xf32>
    %mul3A_257 = arith.mulf %slice3A_246, %mul3A_256 : vector<2000x1xf32>
    %sub3A_258 = arith.subf %slice3A_9, %mul3A_257 : vector<2000x1xf32>
    %slice3A_259 = vector.extract_strided_slice %get3A_8 {offsets = [21, 0], sizes = [1, 256], strides = [1, 1]} : vector<32x256xf32> to vector<1x256xf32>
    %max3A_260 = vector.broadcast %sub3A_258 : vector<2000x1xf32> to vector<2000x256xf32>
    %max3A_261 = vector.broadcast %slice3A_259 : vector<1x256xf32> to vector<2000x256xf32>
    %max3A_262 = arith.maximumf %max3A_260, %max3A_261 : vector<2000x256xf32>
    %mul3A_263 = arith.constant 5.000000e-01 : f32
    %mul3A_264 = vector.broadcast %mul3A_263 : f32 to vector<2000x1xf32>
    %mul3A_265 = arith.mulf %slice3A_247, %mul3A_264 : vector<2000x1xf32>
    %sub3A_266 = arith.subf %slice3A_10, %mul3A_265 : vector<2000x1xf32>
    %slice3A_267 = vector.extract_strided_slice %get3A_8 {offsets = [22, 0], sizes = [1, 256], strides = [1, 1]} : vector<32x256xf32> to vector<1x256xf32>
    %max3A_268 = vector.broadcast %sub3A_266 : vector<2000x1xf32> to vector<2000x256xf32>
    %max3A_269 = vector.broadcast %slice3A_267 : vector<1x256xf32> to vector<2000x256xf32>
    %max3A_270 = arith.maximumf %max3A_268, %max3A_269 : vector<2000x256xf32>
    %mul3A_271 = arith.constant 5.000000e-01 : f32
    %mul3A_272 = vector.broadcast %mul3A_271 : f32 to vector<2000x1xf32>
    %mul3A_273 = arith.mulf %slice3A_245, %mul3A_272 : vector<2000x1xf32>
    %add3A_274 = arith.addf %slice3A, %mul3A_273 : vector<2000x1xf32>
    %slice3A_275 = vector.extract_strided_slice %get3A_8 {offsets = [23, 0], sizes = [1, 256], strides = [1, 1]} : vector<32x256xf32> to vector<1x256xf32>
    %min3A = vector.broadcast %add3A_274 : vector<2000x1xf32> to vector<2000x256xf32>
    %min3A_276 = vector.broadcast %slice3A_275 : vector<1x256xf32> to vector<2000x256xf32>
    %min3A_277 = arith.minimumf %min3A, %min3A_276 : vector<2000x256xf32>
    %mul3A_278 = arith.constant 5.000000e-01 : f32
    %mul3A_279 = vector.broadcast %mul3A_278 : f32 to vector<2000x1xf32>
    %mul3A_280 = arith.mulf %slice3A_246, %mul3A_279 : vector<2000x1xf32>
    %add3A_281 = arith.addf %slice3A_9, %mul3A_280 : vector<2000x1xf32>
    %slice3A_282 = vector.extract_strided_slice %get3A_8 {offsets = [24, 0], sizes = [1, 256], strides = [1, 1]} : vector<32x256xf32> to vector<1x256xf32>
    %min3A_283 = vector.broadcast %add3A_281 : vector<2000x1xf32> to vector<2000x256xf32>
    %min3A_284 = vector.broadcast %slice3A_282 : vector<1x256xf32> to vector<2000x256xf32>
    %min3A_285 = arith.minimumf %min3A_283, %min3A_284 : vector<2000x256xf32>
    %mul3A_286 = arith.constant 5.000000e-01 : f32
    %mul3A_287 = vector.broadcast %mul3A_286 : f32 to vector<2000x1xf32>
    %mul3A_288 = arith.mulf %slice3A_247, %mul3A_287 : vector<2000x1xf32>
    %add3A_289 = arith.addf %slice3A_10, %mul3A_288 : vector<2000x1xf32>
    %slice3A_290 = vector.extract_strided_slice %get3A_8 {offsets = [25, 0], sizes = [1, 256], strides = [1, 1]} : vector<32x256xf32> to vector<1x256xf32>
    %min3A_291 = vector.broadcast %add3A_289 : vector<2000x1xf32> to vector<2000x256xf32>
    %min3A_292 = vector.broadcast %slice3A_290 : vector<1x256xf32> to vector<2000x256xf32>
    %min3A_293 = arith.minimumf %min3A_291, %min3A_292 : vector<2000x256xf32>
    %sub3A_294 = arith.subf %min3A_277, %max3A_254 : vector<2000x256xf32>
    %max3A_295 = arith.constant 0.000000e+00 : f32
    %max3A_296 = vector.broadcast %max3A_295 : f32 to vector<2000x256xf32>
    %max3A_297 = arith.maximumf %sub3A_294, %max3A_296 : vector<2000x256xf32>
    %sub3A_298 = arith.subf %min3A_285, %max3A_262 : vector<2000x256xf32>
    %max3A_299 = arith.constant 0.000000e+00 : f32
    %max3A_300 = vector.broadcast %max3A_299 : f32 to vector<2000x256xf32>
    %max3A_301 = arith.maximumf %sub3A_298, %max3A_300 : vector<2000x256xf32>
    %sub3A_302 = arith.subf %min3A_293, %max3A_270 : vector<2000x256xf32>
    %max3A_303 = arith.constant 0.000000e+00 : f32
    %max3A_304 = vector.broadcast %max3A_303 : f32 to vector<2000x256xf32>
    %max3A_305 = arith.maximumf %sub3A_302, %max3A_304 : vector<2000x256xf32>
    %mul3A_306 = arith.mulf %max3A_297, %max3A_301 : vector<2000x256xf32>
    %mul3A_307 = arith.mulf %mul3A_306, %max3A_305 : vector<2000x256xf32>
    %mul3A_308 = arith.mulf %slice3A_245, %slice3A_246 : vector<2000x1xf32>
    %mul3A_309 = arith.mulf %mul3A_308, %slice3A_247 : vector<2000x1xf32>
    %slice3A_310 = vector.extract_strided_slice %get3A_8 {offsets = [26, 0], sizes = [1, 256], strides = [1, 1]} : vector<32x256xf32> to vector<1x256xf32>
    %add3A_311 = vector.broadcast %mul3A_309 : vector<2000x1xf32> to vector<2000x256xf32>
    %add3A_312 = vector.broadcast %slice3A_310 : vector<1x256xf32> to vector<2000x256xf32>
    %add3A_313 = arith.addf %add3A_311, %add3A_312 : vector<2000x256xf32>
    %sub3A_314 = arith.subf %add3A_313, %mul3A_307 : vector<2000x256xf32>
    %max3A_315 = arith.constant 9.99999997E-7 : f32
    %max3A_316 = vector.broadcast %max3A_315 : f32 to vector<2000x256xf32>
    %max3A_317 = arith.maximumf %sub3A_314, %max3A_316 : vector<2000x256xf32>
    %div3A = arith.divf %mul3A_307, %max3A_317 : vector<2000x256xf32>
    %add3A_318 = arith.addf %add3A_189, %mul3A_244 : vector<2000x256xf32>
    %neg3A = arith.constant 0.000000e+00 : f32
    %neg3A_319 = vector.broadcast %neg3A : f32 to vector<2000x256xf32>
    %neg3A_320 = arith.subf %neg3A_319, %div3A : vector<2000x256xf32>
    %mul3A_321 = arith.constant 2.500000e-01 : f32
    %mul3A_322 = vector.broadcast %mul3A_321 : f32 to vector<2000x256xf32>
    %mul3A_323 = arith.mulf %neg3A_320, %mul3A_322 : vector<2000x256xf32>
    %add3A_324 = arith.addf %add3A_318, %mul3A_323 : vector<2000x256xf32>
    %jit3A_325 = arith.constant 0.000000e+00 : f32
    %jit3A_326 = arith.constant 1.000000e+02 : f32
    %broadcast_in_dim3A_327 = vector.broadcast %jit3A_325 : f32 to vector<2000x256xf32>
    %broadcast_in_dim3A_328 = vector.broadcast %jit3A_326 : f32 to vector<2000x256xf32>
    %select_n3A_329 = arith.select %and3A_66, %broadcast_in_dim3A_327, %broadcast_in_dim3A_328 : vector<2000x256xi1>, vector<2000x256xf32>
    %add3A_330 = arith.addf %add3A_324, %select_n3A_329 : vector<2000x256xf32>
    %jit3A_331 = arith.constant 0.000000e+00 : f32
    %jit3A_332 = arith.constant 1.000000e+04 : f32
    %broadcast_in_dim3A_333 = vector.broadcast %jit3A_331 : f32 to vector<2000x1xf32>
    %broadcast_in_dim3A_334 = vector.broadcast %jit3A_332 : f32 to vector<2000x1xf32>
    %select_n3A_335 = arith.select %gt3A_73, %broadcast_in_dim3A_333, %broadcast_in_dim3A_334 : vector<2000x1xi1>, vector<2000x1xf32>
    %add3A_336 = vector.broadcast %select_n3A_335 : vector<2000x1xf32> to vector<2000x256xf32>
    %add3A_337 = arith.addf %add3A_330, %add3A_336 : vector<2000x256xf32>
    %iota3A = tpu.iota {dimensions = array<i32: 1>} : vector<2000x256xi32>
    %lt3A_338 = arith.constant 200 : i32
    %lt3A_339 = vector.broadcast %lt3A_338 : i32 to vector<2000x256xi32>
    %lt3A_340 = arith.cmpi slt, %iota3A, %lt3A_339 : vector<2000x256xi32>
    %jit3A_341 = arith.constant 0x7F800000 : f32
    %broadcast_in_dim3A_342 = vector.broadcast %jit3A_341 : f32 to vector<2000x256xf32>
    %select_n3A_343 = arith.select %lt3A_340, %add3A_337, %broadcast_in_dim3A_342 : vector<2000x256xi1>, vector<2000x256xf32>
    %swap3A = arith.constant 0 : index
    %swap3A_344 = arith.constant 0 : index
    %swap3A_345 = arith.constant 0 : index
    %swap3A_346 = vector.load %arg4[%swap3A, %swap3A_344, %swap3A_345] : memref<1x2000x256xf32, #tpu.memory_space<vmem>>, vector<1x2000x256xf32>
    %swap3A_347 = vector.shape_cast %swap3A_346 : vector<1x2000x256xf32> to vector<2000x256xf32>
    %swap3A_348 = vector.shape_cast %select_n3A_343 : vector<2000x256xf32> to vector<1x2000x256xf32>
    tpu.vector_store %arg4[%swap3A, %swap3A_344, %swap3A_345], %swap3A_348 {strides = array<i32>} : memref<1x2000x256xf32, #tpu.memory_space<vmem>>, vector<1x2000x256xf32>,
    %jit3A_349 = arith.constant 0xFF800000 : f32
    %broadcast_in_dim3A_350 = vector.broadcast %jit3A_349 : f32 to vector<2000x256xf32>
    %select_n3A_351 = arith.select %lt3A_340, %div3A, %broadcast_in_dim3A_350 : vector<2000x256xi1>, vector<2000x256xf32>
    %swap3A_352 = arith.constant 0 : index
    %swap3A_353 = arith.constant 0 : index
    %swap3A_354 = vector.load %arg7[%swap3A_352, %swap3A_353] : memref<2000x256xf32, #tpu.memory_space<vmem>>, vector<2000x256xf32>
    tpu.vector_store %arg7[%swap3A_352, %swap3A_353], %select_n3A_351 {strides = array<i32>} : memref<2000x256xf32, #tpu.memory_space<vmem>>, vector<2000x256xf32>,
    %broadcast_in_dim3A_355 = arith.constant 0x7F800000 : f32
    %broadcast_in_dim3A_356 = vector.broadcast %broadcast_in_dim3A_355 : f32 to vector<8x256xf32>
    %broadcast_in_dim3A_357 = arith.constant 0x7F800000 : f32
    %broadcast_in_dim3A_358 = vector.broadcast %broadcast_in_dim3A_357 : f32 to vector<8x256xf32>
    %broadcast_in_dim3A_359 = arith.constant 0x7F800000 : f32
    %broadcast_in_dim3A_360 = vector.broadcast %broadcast_in_dim3A_359 : f32 to vector<8x256xf32>
    %broadcast_in_dim3A_361 = arith.constant 0x7F800000 : f32
    %broadcast_in_dim3A_362 = vector.broadcast %broadcast_in_dim3A_361 : f32 to vector<8x256xf32>
    %broadcast_in_dim3A_363 = arith.constant 0x7F800000 : f32
    %broadcast_in_dim3A_364 = vector.broadcast %broadcast_in_dim3A_363 : f32 to vector<8x256xf32>
    %broadcast_in_dim3A_365 = arith.constant 0xFF800000 : f32
    %broadcast_in_dim3A_366 = vector.broadcast %broadcast_in_dim3A_365 : f32 to vector<8x256xf32>
    %broadcast_in_dim3A_367 = arith.constant 0xFF800000 : f32
    %broadcast_in_dim3A_368 = vector.broadcast %broadcast_in_dim3A_367 : f32 to vector<8x256xf32>
    %broadcast_in_dim3A_369 = arith.constant 0xFF800000 : f32
    %broadcast_in_dim3A_370 = vector.broadcast %broadcast_in_dim3A_369 : f32 to vector<8x256xf32>
    %broadcast_in_dim3A_371 = arith.constant 0xFF800000 : f32
    %broadcast_in_dim3A_372 = vector.broadcast %broadcast_in_dim3A_371 : f32 to vector<8x256xf32>
    %broadcast_in_dim3A_373 = arith.constant 0xFF800000 : f32
    %broadcast_in_dim3A_374 = vector.broadcast %broadcast_in_dim3A_373 : f32 to vector<8x256xf32>
    %scan3A = arith.constant 0 : i32
    %scan3A_375 = arith.constant 250 : i32
    %scan3A_376 = arith.addi %scan3A, %scan3A_375 : i32
    %scan3A_377 = arith.constant 1 : i32
    %scan3A_378:10 = scf.for %scan3A_482 = %scan3A to %scan3A_376 step %scan3A_377 iter_args(%scan3A_483 = %broadcast_in_dim3A_356, %scan3A_484 = %broadcast_in_dim3A_358, %scan3A_485 = %broadcast_in_dim3A_360, %scan3A_486 = %broadcast_in_dim3A_362, %scan3A_487 = %broadcast_in_dim3A_364, %scan3A_488 = %broadcast_in_dim3A_366, %scan3A_489 = %broadcast_in_dim3A_368, %scan3A_490 = %broadcast_in_dim3A_370, %scan3A_491 = %broadcast_in_dim3A_372, %scan3A_492 = %broadcast_in_dim3A_374) -> (vector<8x256xf32>, vector<8x256xf32>, vector<8x256xf32>, vector<8x256xf32>, vector<8x256xf32>, vector<8x256xf32>, vector<8x256xf32>, vector<8x256xf32>, vector<8x256xf32>, vector<8x256xf32>)  : i32 {
      %mul3A_493 = arith.constant 8 : i32
      %mul3A_494 = arith.muli %scan3A_482, %mul3A_493 : i32
      %get3A_495 = arith.constant 0 : index
      %get3A_496 = arith.index_cast %mul3A_494 : i32 to index
      %get3A_497 = arith.constant 0 : index
      %get3A_498 = vector.load %arg4[%get3A_495, %get3A_496, %get3A_497] : memref<1x2000x256xf32, #tpu.memory_space<vmem>>, vector<1x8x256xf32>
      %get3A_499 = vector.shape_cast %get3A_498 : vector<1x8x256xf32> to vector<8x256xf32>
      %min3A_500 = arith.minimumf %scan3A_483, %get3A_499 : vector<8x256xf32>
      %max3A_501 = arith.maximumf %scan3A_483, %get3A_499 : vector<8x256xf32>
      %min3A_502 = arith.minimumf %scan3A_484, %max3A_501 : vector<8x256xf32>
      %max3A_503 = arith.maximumf %scan3A_484, %max3A_501 : vector<8x256xf32>
      %min3A_504 = arith.minimumf %scan3A_485, %max3A_503 : vector<8x256xf32>
      %max3A_505 = arith.maximumf %scan3A_485, %max3A_503 : vector<8x256xf32>
      %min3A_506 = arith.minimumf %scan3A_486, %max3A_505 : vector<8x256xf32>
      %max3A_507 = arith.maximumf %scan3A_486, %max3A_505 : vector<8x256xf32>
      %min3A_508 = arith.minimumf %scan3A_487, %max3A_507 : vector<8x256xf32>
      %mul3A_509 = arith.constant 8 : i32
      %mul3A_510 = arith.muli %scan3A_482, %mul3A_509 : i32
      %get3A_511 = arith.index_cast %mul3A_510 : i32 to index
      %get3A_512 = arith.constant 0 : index
      %get3A_513 = vector.load %arg7[%get3A_511, %get3A_512] : memref<2000x256xf32, #tpu.memory_space<vmem>>, vector<8x256xf32>
      %max3A_514 = arith.maximumf %scan3A_488, %get3A_513 : vector<8x256xf32>
      %min3A_515 = arith.minimumf %scan3A_488, %get3A_513 : vector<8x256xf32>
      %max3A_516 = arith.maximumf %scan3A_489, %min3A_515 : vector<8x256xf32>
      %min3A_517 = arith.minimumf %scan3A_489, %min3A_515 : vector<8x256xf32>
      %max3A_518 = arith.maximumf %scan3A_490, %min3A_517 : vector<8x256xf32>
      %min3A_519 = arith.minimumf %scan3A_490, %min3A_517 : vector<8x256xf32>
      %max3A_520 = arith.maximumf %scan3A_491, %min3A_519 : vector<8x256xf32>
      %min3A_521 = arith.minimumf %scan3A_491, %min3A_519 : vector<8x256xf32>
      %max3A_522 = arith.maximumf %scan3A_492, %min3A_521 : vector<8x256xf32>
      scf.yield %min3A_500, %min3A_502, %min3A_504, %min3A_506, %min3A_508, %max3A_514, %max3A_516, %max3A_518, %max3A_520, %max3A_522 : vector<8x256xf32>, vector<8x256xf32>, vector<8x256xf32>, vector<8x256xf32>, vector<8x256xf32>, vector<8x256xf32>, vector<8x256xf32>, vector<8x256xf32>, vector<8x256xf32>, vector<8x256xf32>
    }
    %scan3A_379 = arith.constant 250 : i32
    %concatenate3A = tpu.concatenate %scan3A_378#0, %scan3A_378#1, %scan3A_378#2, %scan3A_378#3, %scan3A_378#4 in 0 : vector<8x256xf32>, vector<8x256xf32>, vector<8x256xf32>, vector<8x256xf32>, vector<8x256xf32> -> vector<40x256xf32>
    %reduce_min3A = arith.constant dense<0x7F800000> : vector<256xf32>
    %reduce_min3A_380 = vector.multi_reduction <minimumf>, %concatenate3A, %reduce_min3A [0] : vector<40x256xf32> to vector<256xf32>
    %broadcast_in_dim3A_381 = vector.shape_cast %reduce_min3A_380 : vector<256xf32> to vector<1x256xf32>
    %eq3A_382 = vector.broadcast %broadcast_in_dim3A_381 : vector<1x256xf32> to vector<40x256xf32>
    %eq3A_383 = arith.cmpf oeq, %concatenate3A, %eq3A_382 : vector<40x256xf32>
    %jit3A_384 = arith.constant 0x7F800000 : f32
    %broadcast_in_dim3A_385 = vector.broadcast %jit3A_384 : f32 to vector<40x256xf32>
    %select_n3A_386 = arith.select %eq3A_383, %broadcast_in_dim3A_385, %concatenate3A : vector<40x256xi1>, vector<40x256xf32>
    %reduce_min3A_387 = arith.constant dense<0x7F800000> : vector<256xf32>
    %reduce_min3A_388 = vector.multi_reduction <minimumf>, %select_n3A_386, %reduce_min3A_387 [0] : vector<40x256xf32> to vector<256xf32>
    %broadcast_in_dim3A_389 = vector.shape_cast %reduce_min3A_388 : vector<256xf32> to vector<1x256xf32>
    %eq3A_390 = vector.broadcast %broadcast_in_dim3A_389 : vector<1x256xf32> to vector<40x256xf32>
    %eq3A_391 = arith.cmpf oeq, %select_n3A_386, %eq3A_390 : vector<40x256xf32>
    %jit3A_392 = arith.constant 0x7F800000 : f32
    %broadcast_in_dim3A_393 = vector.broadcast %jit3A_392 : f32 to vector<40x256xf32>
    %select_n3A_394 = arith.select %eq3A_391, %broadcast_in_dim3A_393, %select_n3A_386 : vector<40x256xi1>, vector<40x256xf32>
    %reduce_min3A_395 = arith.constant dense<0x7F800000> : vector<256xf32>
    %reduce_min3A_396 = vector.multi_reduction <minimumf>, %select_n3A_394, %reduce_min3A_395 [0] : vector<40x256xf32> to vector<256xf32>
    %broadcast_in_dim3A_397 = vector.shape_cast %reduce_min3A_396 : vector<256xf32> to vector<1x256xf32>
    %eq3A_398 = vector.broadcast %broadcast_in_dim3A_397 : vector<1x256xf32> to vector<40x256xf32>
    %eq3A_399 = arith.cmpf oeq, %select_n3A_394, %eq3A_398 : vector<40x256xf32>
    %jit3A_400 = arith.constant 0x7F800000 : f32
    %broadcast_in_dim3A_401 = vector.broadcast %jit3A_400 : f32 to vector<40x256xf32>
    %select_n3A_402 = arith.select %eq3A_399, %broadcast_in_dim3A_401, %select_n3A_394 : vector<40x256xi1>, vector<40x256xf32>
    %reduce_min3A_403 = arith.constant dense<0x7F800000> : vector<256xf32>
    %reduce_min3A_404 = vector.multi_reduction <minimumf>, %select_n3A_402, %reduce_min3A_403 [0] : vector<40x256xf32> to vector<256xf32>
    %broadcast_in_dim3A_405 = vector.shape_cast %reduce_min3A_404 : vector<256xf32> to vector<1x256xf32>
    %eq3A_406 = vector.broadcast %broadcast_in_dim3A_405 : vector<1x256xf32> to vector<40x256xf32>
    %eq3A_407 = arith.cmpf oeq, %select_n3A_402, %eq3A_406 : vector<40x256xf32>
    %jit3A_408 = arith.constant 0x7F800000 : f32
    %broadcast_in_dim3A_409 = vector.broadcast %jit3A_408 : f32 to vector<40x256xf32>
    %select_n3A_410 = arith.select %eq3A_407, %broadcast_in_dim3A_409, %select_n3A_402 : vector<40x256xi1>, vector<40x256xf32>
    %reduce_min3A_411 = arith.constant dense<0x7F800000> : vector<256xf32>
    %reduce_min3A_412 = vector.multi_reduction <minimumf>, %select_n3A_410, %reduce_min3A_411 [0] : vector<40x256xf32> to vector<256xf32>
    %broadcast_in_dim3A_413 = vector.shape_cast %reduce_min3A_412 : vector<256xf32> to vector<1x256xf32>
    %broadcast_in_dim3A_414 = arith.constant 0x7F800000 : f32
    %broadcast_in_dim3A_415 = vector.broadcast %broadcast_in_dim3A_414 : f32 to vector<3x256xf32>
    %concatenate3A_416 = tpu.concatenate %broadcast_in_dim3A_381, %broadcast_in_dim3A_389, %broadcast_in_dim3A_397, %broadcast_in_dim3A_405, %broadcast_in_dim3A_413, %broadcast_in_dim3A_415 in 0 : vector<1x256xf32>, vector<1x256xf32>, vector<1x256xf32>, vector<1x256xf32>, vector<1x256xf32>, vector<3x256xf32> -> vector<8x256xf32>
    %swap3A_417 = arith.constant 0 : index
    %swap3A_418 = arith.constant 0 : index
    %swap3A_419 = arith.constant 0 : index
    %swap3A_420 = vector.load %arg5[%swap3A_417, %swap3A_418, %swap3A_419] : memref<1x8x256xf32, #tpu.memory_space<vmem>>, vector<1x8x256xf32>
    %swap3A_421 = vector.shape_cast %swap3A_420 : vector<1x8x256xf32> to vector<8x256xf32>
    %swap3A_422 = vector.shape_cast %concatenate3A_416 : vector<8x256xf32> to vector<1x8x256xf32>
    tpu.vector_store %arg5[%swap3A_417, %swap3A_418, %swap3A_419], %swap3A_422 {strides = array<i32>} : memref<1x8x256xf32, #tpu.memory_space<vmem>>, vector<1x8x256xf32>,
    %concatenate3A_423 = tpu.concatenate %scan3A_378#5, %scan3A_378#6, %scan3A_378#7, %scan3A_378#8, %scan3A_378#9 in 0 : vector<8x256xf32>, vector<8x256xf32>, vector<8x256xf32>, vector<8x256xf32>, vector<8x256xf32> -> vector<40x256xf32>
    %reduce_max3A = arith.constant dense<0xFF800000> : vector<256xf32>
    %reduce_max3A_424 = vector.multi_reduction <maximumf>, %concatenate3A_423, %reduce_max3A [0] : vector<40x256xf32> to vector<256xf32>
    %broadcast_in_dim3A_425 = vector.shape_cast %reduce_max3A_424 : vector<256xf32> to vector<1x256xf32>
    %max3A_426 = arith.constant 0.000000e+00 : f32
    %max3A_427 = vector.broadcast %max3A_426 : f32 to vector<1x256xf32>
    %max3A_428 = arith.maximumf %broadcast_in_dim3A_425, %max3A_427 : vector<1x256xf32>
    %eq3A_429 = vector.broadcast %broadcast_in_dim3A_425 : vector<1x256xf32> to vector<40x256xf32>
    %eq3A_430 = arith.cmpf oeq, %concatenate3A_423, %eq3A_429 : vector<40x256xf32>
    %jit3A_431 = arith.constant 0xFF800000 : f32
    %broadcast_in_dim3A_432 = vector.broadcast %jit3A_431 : f32 to vector<40x256xf32>
    %select_n3A_433 = arith.select %eq3A_430, %broadcast_in_dim3A_432, %concatenate3A_423 : vector<40x256xi1>, vector<40x256xf32>
    %reduce_max3A_434 = arith.constant dense<0xFF800000> : vector<256xf32>
    %reduce_max3A_435 = vector.multi_reduction <maximumf>, %select_n3A_433, %reduce_max3A_434 [0] : vector<40x256xf32> to vector<256xf32>
    %broadcast_in_dim3A_436 = vector.shape_cast %reduce_max3A_435 : vector<256xf32> to vector<1x256xf32>
    %max3A_437 = arith.constant 0.000000e+00 : f32
    %max3A_438 = vector.broadcast %max3A_437 : f32 to vector<1x256xf32>
    %max3A_439 = arith.maximumf %broadcast_in_dim3A_436, %max3A_438 : vector<1x256xf32>
    %eq3A_440 = vector.broadcast %broadcast_in_dim3A_436 : vector<1x256xf32> to vector<40x256xf32>
    %eq3A_441 = arith.cmpf oeq, %select_n3A_433, %eq3A_440 : vector<40x256xf32>
    %jit3A_442 = arith.constant 0xFF800000 : f32
    %broadcast_in_dim3A_443 = vector.broadcast %jit3A_442 : f32 to vector<40x256xf32>
    %select_n3A_444 = arith.select %eq3A_441, %broadcast_in_dim3A_443, %select_n3A_433 : vector<40x256xi1>, vector<40x256xf32>
    %reduce_max3A_445 = arith.constant dense<0xFF800000> : vector<256xf32>
    %reduce_max3A_446 = vector.multi_reduction <maximumf>, %select_n3A_444, %reduce_max3A_445 [0] : vector<40x256xf32> to vector<256xf32>
    %broadcast_in_dim3A_447 = vector.shape_cast %reduce_max3A_446 : vector<256xf32> to vector<1x256xf32>
    %max3A_448 = arith.constant 0.000000e+00 : f32
    %max3A_449 = vector.broadcast %max3A_448 : f32 to vector<1x256xf32>
    %max3A_450 = arith.maximumf %broadcast_in_dim3A_447, %max3A_449 : vector<1x256xf32>
    %eq3A_451 = vector.broadcast %broadcast_in_dim3A_447 : vector<1x256xf32> to vector<40x256xf32>
    %eq3A_452 = arith.cmpf oeq, %select_n3A_444, %eq3A_451 : vector<40x256xf32>
    %jit3A_453 = arith.constant 0xFF800000 : f32
    %broadcast_in_dim3A_454 = vector.broadcast %jit3A_453 : f32 to vector<40x256xf32>
    %select_n3A_455 = arith.select %eq3A_452, %broadcast_in_dim3A_454, %select_n3A_444 : vector<40x256xi1>, vector<40x256xf32>
    %reduce_max3A_456 = arith.constant dense<0xFF800000> : vector<256xf32>
    %reduce_max3A_457 = vector.multi_reduction <maximumf>, %select_n3A_455, %reduce_max3A_456 [0] : vector<40x256xf32> to vector<256xf32>
    %broadcast_in_dim3A_458 = vector.shape_cast %reduce_max3A_457 : vector<256xf32> to vector<1x256xf32>
    %max3A_459 = arith.constant 0.000000e+00 : f32
    %max3A_460 = vector.broadcast %max3A_459 : f32 to vector<1x256xf32>
    %max3A_461 = arith.maximumf %broadcast_in_dim3A_458, %max3A_460 : vector<1x256xf32>
    %eq3A_462 = vector.broadcast %broadcast_in_dim3A_458 : vector<1x256xf32> to vector<40x256xf32>
    %eq3A_463 = arith.cmpf oeq, %select_n3A_455, %eq3A_462 : vector<40x256xf32>
    %jit3A_464 = arith.constant 0xFF800000 : f32
    %broadcast_in_dim3A_465 = vector.broadcast %jit3A_464 : f32 to vector<40x256xf32>
    %select_n3A_466 = arith.select %eq3A_463, %broadcast_in_dim3A_465, %select_n3A_455 : vector<40x256xi1>, vector<40x256xf32>
    %reduce_max3A_467 = arith.constant dense<0xFF800000> : vector<256xf32>
    %reduce_max3A_468 = vector.multi_reduction <maximumf>, %select_n3A_466, %reduce_max3A_467 [0] : vector<40x256xf32> to vector<256xf32>
    %broadcast_in_dim3A_469 = vector.shape_cast %reduce_max3A_468 : vector<256xf32> to vector<1x256xf32>
    %max3A_470 = arith.constant 0.000000e+00 : f32
    %max3A_471 = vector.broadcast %max3A_470 : f32 to vector<1x256xf32>
    %max3A_472 = arith.maximumf %broadcast_in_dim3A_469, %max3A_471 : vector<1x256xf32>
    %broadcast_in_dim3A_473 = arith.constant 0.000000e+00 : f32
    %broadcast_in_dim3A_474 = vector.broadcast %broadcast_in_dim3A_473 : f32 to vector<3x256xf32>
    %concatenate3A_475 = tpu.concatenate %max3A_428, %max3A_439, %max3A_450, %max3A_461, %max3A_472, %broadcast_in_dim3A_474 in 0 : vector<1x256xf32>, vector<1x256xf32>, vector<1x256xf32>, vector<1x256xf32>, vector<1x256xf32>, vector<3x256xf32> -> vector<8x256xf32>
    %swap3A_476 = arith.constant 0 : index
    %swap3A_477 = arith.constant 0 : index
    %swap3A_478 = arith.constant 0 : index
    %swap3A_479 = vector.load %arg6[%swap3A_476, %swap3A_477, %swap3A_478] : memref<1x8x256xf32, #tpu.memory_space<vmem>>, vector<1x8x256xf32>
    %swap3A_480 = vector.shape_cast %swap3A_479 : vector<1x8x256xf32> to vector<8x256xf32>
    %swap3A_481 = vector.shape_cast %concatenate3A_475 : vector<8x256xf32> to vector<1x8x256xf32>
    tpu.vector_store %arg6[%swap3A_476, %swap3A_477, %swap3A_478], %swap3A_481 {strides = array<i32>} : memref<1x8x256xf32, #tpu.memory_space<vmem>>, vector<1x8x256xf32>,
    return
  }
  func.func @transform_0(%arg0: i32, %arg1: i32) -> (i32, i32, i32) {
    %c0_i32 = arith.constant 0 : i32
    %c0_i32_0 = arith.constant 0 : i32
    return %arg0, %arg1, %c0_i32 : i32, i32, i32
  }
  func.func @transform_1(%arg0: i32, %arg1: i32) -> (i32, i32, i32) {
    %c0_i32 = arith.constant 0 : i32
    %c0_i32_0 = arith.constant 0 : i32
    %c0_i32_1 = arith.constant 0 : i32
    return %arg0, %c0_i32, %c0_i32_0 : i32, i32, i32
  }
  func.func @transform_2(%arg0: i32, %arg1: i32) -> (i32, i32, i32) {
    %c0_i32 = arith.constant 0 : i32
    %c0_i32_0 = arith.constant 0 : i32
    return %arg0, %arg1, %c0_i32 : i32, i32, i32
  }
  func.func @transform_3(%arg0: i32, %arg1: i32) -> (i32, i32, i32) {
    %c0_i32 = arith.constant 0 : i32
    %c0_i32_0 = arith.constant 0 : i32
    return %arg0, %arg1, %c0_i32 : i32, i32, i32
  }
  func.func @transform_4(%arg0: i32, %arg1: i32) -> (i32, i32, i32) {
    %c0_i32 = arith.constant 0 : i32
    %c0_i32_0 = arith.constant 0 : i32
    return %arg0, %arg1, %c0_i32 : i32, i32, i32
  }
}

module attributes {stable_mosaic.version = 14 : i64} {
  func.func @_pass2_body(%arg0: i32, %arg1: i32, %arg2: memref<1x2000x256xf32, #tpu.memory_space<vmem>>, %arg3: memref<1x1x256xf32, #tpu.memory_space<vmem>>, %arg4: memref<1x2000x1xi32, #tpu.memory_space<vmem>>, %arg5: memref<1x2000x1xi32, #tpu.memory_space<vmem>>) attributes {dimension_semantics = [#tpu.dimension_semantics<arbitrary>, #tpu.dimension_semantics<arbitrary>], iteration_bounds = array<i64: 2, 10>, scalar_prefetch = 0 : i64, scratch_operands = 0 : i64, tpu.core_type = #tpu.core_type<tc>, window_params = [{transform_indices = @transform_0, window_bounds = array<i64: 1, 2000, 256>}, {transform_indices = @transform_1, window_bounds = array<i64: 1, 1, 256>}, {transform_indices = @transform_2, window_bounds = array<i64: 1, 2000, 1>}, {transform_indices = @transform_3, window_bounds = array<i64: 1, 2000, 1>}]} {
    %get3A = arith.constant 0 : index
    %get3A_0 = arith.constant 0 : index
    %get3A_1 = arith.constant 0 : index
    %get3A_2 = vector.load %arg2[%get3A, %get3A_0, %get3A_1] : memref<1x2000x256xf32, #tpu.memory_space<vmem>>, vector<1x2000x256xf32>
    %get3A_3 = vector.shape_cast %get3A_2 : vector<1x2000x256xf32> to vector<2000x256xf32>
    %get3A_4 = arith.constant 0 : index
    %get3A_5 = arith.constant 0 : index
    %get3A_6 = arith.constant 0 : index
    %get3A_7 = vector.load %arg3[%get3A_4, %get3A_5, %get3A_6] : memref<1x1x256xf32, #tpu.memory_space<vmem>>, vector<1x1x256xf32>
    %get3A_8 = vector.shape_cast %get3A_7 : vector<1x1x256xf32> to vector<1x256xf32>
    %iota3A = tpu.iota {dimensions = array<i32: 1>} : vector<2000x256xi32>
    %lt3A = arith.constant 200 : i32
    %lt3A_9 = vector.broadcast %lt3A : i32 to vector<2000x256xi32>
    %lt3A_10 = arith.cmpi slt, %iota3A, %lt3A_9 : vector<2000x256xi32>
    %le3A = vector.broadcast %get3A_8 : vector<1x256xf32> to vector<2000x256xf32>
    %le3A_11 = arith.cmpf ole, %get3A_3, %le3A : vector<2000x256xf32>
    %and3A = arith.andi %le3A_11, %lt3A_10 : vector<2000x256xi1>
    %iota3A_12 = tpu.iota {dimensions = array<i32: 1>} : vector<256x128xi32>
    %iota3A_13 = tpu.iota {dimensions = array<i32: 0>} : vector<256x128xi32>
    %convert_element_type3A = arith.sitofp %iota3A_13 : vector<256x128xi32> to vector<256x128xf32>
    %eq3A = arith.constant 0 : i32
    %eq3A_14 = vector.broadcast %eq3A : i32 to vector<256x128xi32>
    %eq3A_15 = arith.cmpi eq, %iota3A_12, %eq3A_14 : vector<256x128xi32>
    %eq3A_16 = arith.constant 1 : i32
    %eq3A_17 = vector.broadcast %eq3A_16 : i32 to vector<256x128xi32>
    %eq3A_18 = arith.cmpi eq, %iota3A_12, %eq3A_17 : vector<256x128xi32>
    %jit3A = arith.constant 0.000000e+00 : f32
    %broadcast_in_dim3A = vector.broadcast %jit3A : f32 to vector<256x128xf32>
    %select_n3A = arith.select %eq3A_18, %convert_element_type3A, %broadcast_in_dim3A : vector<256x128xi1>, vector<256x128xf32>
    %jit3A_19 = arith.constant 1.000000e+00 : f32
    %broadcast_in_dim3A_20 = vector.broadcast %jit3A_19 : f32 to vector<256x128xf32>
    %select_n3A_21 = arith.select %eq3A_15, %broadcast_in_dim3A_20, %select_n3A : vector<256x128xi1>, vector<256x128xf32>
    %convert_element_type3A_22 = arith.extui %and3A : vector<2000x256xi1> to vector<2000x256xi32>
    %convert_element_type3A_23 = arith.sitofp %convert_element_type3A_22 : vector<2000x256xi32> to vector<2000x256xf32>
    %dot_general3A = arith.constant dense<0.000000e+00> : vector<2000x128xf32>
    %dot_general3A_24 = tpu.matmul %convert_element_type3A_23, %select_n3A_21, %dot_general3A {dimension_numbers = #tpu.dot_dimension_numbers<[1], [0], [0], [1], [0, 0, 1, 1], [], []>, transpose_lhs_hint = false} : vector<2000x256xf32>, vector<256x128xf32>, vector<2000x128xf32> -> vector<2000x128xf32>
    %slice3A = vector.extract_strided_slice %dot_general3A_24 {offsets = [0, 0], sizes = [2000, 1], strides = [1, 1]} : vector<2000x128xf32> to vector<2000x1xf32>
    %slice3A_25 = vector.extract_strided_slice %dot_general3A_24 {offsets = [0, 1], sizes = [2000, 1], strides = [1, 1]} : vector<2000x128xf32> to vector<2000x1xf32>
    %reduce_min3A = arith.constant dense<0x7F800000> : vector<2000xf32>
    %reduce_min3A_26 = vector.multi_reduction <minimumf>, %get3A_3, %reduce_min3A [1] : vector<2000x256xf32> to vector<2000xf32>
    %broadcast_in_dim3A_27 = vector.shape_cast %reduce_min3A_26 : vector<2000xf32> to vector<2000x1xf32>
    %eq3A_28 = vector.broadcast %broadcast_in_dim3A_27 : vector<2000x1xf32> to vector<2000x256xf32>
    %eq3A_29 = arith.cmpf oeq, %get3A_3, %eq3A_28 : vector<2000x256xf32>
    %jit3A_30 = arith.constant 1073741824 : i32
    %broadcast_in_dim3A_31 = vector.broadcast %jit3A_30 : i32 to vector<2000x256xi32>
    %select_n3A_32 = arith.select %eq3A_29, %iota3A, %broadcast_in_dim3A_31 : vector<2000x256xi1>, vector<2000x256xi32>
    %reduce_min3A_33 = arith.constant dense<2147483647> : vector<2000xi32>
    %reduce_min3A_34 = vector.multi_reduction <minsi>, %select_n3A_32, %reduce_min3A_33 [1] : vector<2000x256xi32> to vector<2000xi32>
    %broadcast_in_dim3A_35 = vector.shape_cast %reduce_min3A_34 : vector<2000xi32> to vector<2000x1xi32>
    %gt3A = arith.constant 0.000000e+00 : f32
    %gt3A_36 = vector.broadcast %gt3A : f32 to vector<2000x1xf32>
    %gt3A_37 = arith.cmpf ogt, %slice3A, %gt3A_36 : vector<2000x1xf32>
    %gt3A_38 = arith.constant 1.000000e+00 : f32
    %gt3A_39 = vector.broadcast %gt3A_38 : f32 to vector<2000x1xf32>
    %gt3A_40 = arith.cmpf ogt, %slice3A, %gt3A_39 : vector<2000x1xf32>
    %eq3A_41 = arith.constant 1.000000e+00 : f32
    %eq3A_42 = vector.broadcast %eq3A_41 : f32 to vector<2000x1xf32>
    %eq3A_43 = arith.cmpf oeq, %slice3A, %eq3A_42 : vector<2000x1xf32>
    %convert_element_type3A_44 = arith.fptosi %slice3A_25 : vector<2000x1xf32> to vector<2000x1xi32>
    %jit3A_45 = arith.constant -1 : i32
    %broadcast_in_dim3A_46 = vector.broadcast %jit3A_45 : i32 to vector<2000x1xi32>
    %select_n3A_47 = arith.select %eq3A_43, %convert_element_type3A_44, %broadcast_in_dim3A_46 : vector<2000x1xi1>, vector<2000x1xi32>
    %select_n3A_48 = arith.select %gt3A_40, %broadcast_in_dim3A_35, %select_n3A_47 : vector<2000x1xi1>, vector<2000x1xi32>
    %convert_element_type3A_49 = arith.extui %gt3A_37 : vector<2000x1xi1> to vector<2000x1xi32>
    %swap3A = arith.constant 0 : index
    %swap3A_50 = arith.constant 0 : index
    %swap3A_51 = arith.constant 0 : index
    %swap3A_52 = vector.load %arg4[%swap3A, %swap3A_50, %swap3A_51] : memref<1x2000x1xi32, #tpu.memory_space<vmem>>, vector<1x2000x1xi32>
    %swap3A_53 = vector.shape_cast %swap3A_52 : vector<1x2000x1xi32> to vector<2000x1xi32>
    %swap3A_54 = vector.shape_cast %convert_element_type3A_49 : vector<2000x1xi32> to vector<1x2000x1xi32>
    tpu.vector_store %arg4[%swap3A, %swap3A_50, %swap3A_51], %swap3A_54 {strides = array<i32>} : memref<1x2000x1xi32, #tpu.memory_space<vmem>>, vector<1x2000x1xi32>,
    %swap3A_55 = arith.constant 0 : index
    %swap3A_56 = arith.constant 0 : index
    %swap3A_57 = arith.constant 0 : index
    %swap3A_58 = vector.load %arg5[%swap3A_55, %swap3A_56, %swap3A_57] : memref<1x2000x1xi32, #tpu.memory_space<vmem>>, vector<1x2000x1xi32>
    %swap3A_59 = vector.shape_cast %swap3A_58 : vector<1x2000x1xi32> to vector<2000x1xi32>
    %swap3A_60 = vector.shape_cast %select_n3A_48 : vector<2000x1xi32> to vector<1x2000x1xi32>
    tpu.vector_store %arg5[%swap3A_55, %swap3A_56, %swap3A_57], %swap3A_60 {strides = array<i32>} : memref<1x2000x1xi32, #tpu.memory_space<vmem>>, vector<1x2000x1xi32>,
    return
  }
  func.func @transform_0(%arg0: i32, %arg1: i32) -> (i32, i32, i32) {
    %c0_i32 = arith.constant 0 : i32
    %c0_i32_0 = arith.constant 0 : i32
    return %arg0, %arg1, %c0_i32 : i32, i32, i32
  }
  func.func @transform_1(%arg0: i32, %arg1: i32) -> (i32, i32, i32) {
    %c0_i32 = arith.constant 0 : i32
    %c0_i32_0 = arith.constant 0 : i32
    %c0_i32_1 = arith.constant 0 : i32
    return %arg0, %c0_i32, %c0_i32_0 : i32, i32, i32
  }
  func.func @transform_2(%arg0: i32, %arg1: i32) -> (i32, i32, i32) {
    %c0_i32 = arith.constant 0 : i32
    %c0_i32_0 = arith.constant 0 : i32
    return %arg0, %arg1, %c0_i32 : i32, i32, i32
  }
  func.func @transform_3(%arg0: i32, %arg1: i32) -> (i32, i32, i32) {
    %c0_i32 = arith.constant 0 : i32
    %c0_i32_0 = arith.constant 0 : i32
    return %arg0, %arg1, %c0_i32 : i32, i32, i32
  }
}

</mosaic_0001>

<sc_bundles>
// kernel: kernel.5.cloned.1.call-start
scs
__scs_entry_jumppad:
0x0: {  	(pc) =	sbr.rel $0x88, $3  }
0x1: {  	(tag) =	ssettag $0x0;
	lr =	simm.s32 $0x1  }
0x2: {  	[smem:$0x3F9C] =	sst lr;
	_ =	strace $0xD0000000  }
0x3: {  	_ = 	snop  }
0x4: {  	_ = 	snop  }
0x5: {  	_ = 	snop  }
0x6: {  	_ = 	snop  }
0x7: {  	_ = 	snop  }
__scs_overlays_trampoline_lowered:
0x8: {  	[smem:$0x3FAB] =	sst s0  }
0x9: {  	[smem:$0x3FAC] =	sst s1  }
0xa: {  	[smem:$0x3FAD] =	sst s2  }
0xb: {  	[smem:$0x3FAE] =	sst s3  }
0xc: {  	[smem:$0x3FAF] =	sst s4  }
0xd: {  	[smem:$0x3FB0] =	sst s5  }
0xe: {  	[smem:$0x3FB1] =	sst s6  }
0xf: {  	[smem:$0x3FB2] =	sst s7  }
0x10: {  	[smem:$0x3FB3] =	sst s8  }
0x11: {  	[smem:$0x3FB4] =	sst s9;
	s0 =	simm.s32 @!p0 $0x0  }
0x12: {  	s1 =	sld [smem:$0x3F9A];
	s0 =	simm.s32 @p0 $0x1  }
0x13: {  	[smem:$0x3FB5] =	sst s0;
	s0 =	simm.s32 @!p1 $0x0  }
0x14: {  	s2 =	sld [smem:$0x3F99];
	s0 =	simm.s32 @p1 $0x1  }
0x15: {  	[smem:$0x3FB6] =	sst s0;
	s0 =	simm.s32 @!p2 $0x0  }
0x16: {  	s3 =	sld [smem:$0x3FDB];
	s0 =	simm.s32 @p2 $0x1  }
0x17: {  	s4 =	simm.s32 $0x1BF5;
	[smem:$0x3FB8] =	sst s0  }
0x18: {  	s0 =	sld [smem:$0x3F9B];
	_ =	swait.ge [sflag:s4], $0x0  }
0x19: {  	s7 =	sld [smem:$0x3F9C]  }
0x1a: {  	s8 =	sadd.s32 $0xFFFFE003, lr  }
0x1b: {  	s9 =	sadd.s32 $0xFFFFFEF7, lr;
	s5 =	simm.s32 $0xFFFFFFFF;
	p2 =	slt.u32 s8, $0xFFFFF086  }
0x1c: {  	p1 =	slt.u32 s9, $0xF7A;
	s5 =	simm.s32 @!p2 $0x0  }
0x1d: {  	s5 =	simm.s32 @p1 $0x1;
	p0 =	seq.s32 s7, s2  }
0x1e: {  	s7 =	smul.u32 @!p0 $0xF7A, s2;
	p2 =	seq.s32 @!p0 s5, $0x0  }
0x1f: {  	s9 =	smul.u32 $0xF7A, s1;
	s8 =	simm.s32 @!p0 $0x1BF5;
	p2 =	por !p2, p0  }
0x20: {  	[sflag:s8] =	ssyncset.s32 @!p0 $0xFFFFF086;
	s6 =	sadd.s32 @!p0 s3, s7;
	s7 =	simm.s32 @!p0 $0x108  }
0x21: {  	s3 =	sadd.s32 s3, s9;
	s6 =	sadd.s32 @!p0 $0x88, s6;
	s7 =	simm.s32 @p2 $0x1082  }
0x22: {  	[simem:s7], [sflag:s8] =	dma.local @!p0 [hbm:s6], $0xF7A  }
0x23: {  	s9 =	sor.u32 $0xD0000000, s2;
	s6 =	simm.s32 $0x108;
	_ =	swait.ge @!p0 [sflag:s8], $0x0  }
0x24: {  	s3 =	sadd.s32 $0x88, s3;
	s6 =	simm.s32 @!p1 $0x1082;
	[sflag:s4] =	ssyncset.s32 $0xFFFFF086  }
0x25: {  	[simem:s6], [sflag:s4] =	dma.local [hbm:s3], $0xF7A  }
0x26: {  	[smem:$0x3F9C] =	sst s1;
	(tag) =	ssettag s2;
	_ =	strace s9  }
0x27: {  	s1 =	sld [smem:$0x3FAC]  }
0x28: {  	s2 =	sld [smem:$0x3FAD]  }
0x29: {  	s4 =	sld [smem:$0x3FAF]  }
0x2a: {  	p0 =	seq.s32 s5, $0x0;
	s5 =	sld [smem:$0x3FB0]  }
0x2b: {  	s6 =	sld [smem:$0x3FB1]  }
0x2c: {  	s7 =	sld [smem:$0x3FB2]  }
0x2d: {  	s3 =	simm.s32 $0x108;
	s8 =	sld [smem:$0x3FB3]  }
0x2e: {  	s3 =	simm.s32 @!p0 $0x1082;
	s9 =	sld [smem:$0x3FB4]  }
0x2f: {  	lr =	sadd.s32 s0, s3;
	s0 =	sld [smem:$0x3FAB]  }
0x30: {  	s3 =	sld [smem:$0x3FAE]  }
0x31: {  	[smem:$0x3FB7] =	sst s10  }
0x32: {  	s10 =	sld [smem:$0x3FB5];
	_ =	sdelay $0x3  }
0x33: {  	p0 =	seq.s32 s10, $0x1;
	s10 =	sld [smem:$0x3FB7];
	_ =	sdelay $0x3  }
0x34: {  	[smem:$0x3FB7] =	sst s10  }
0x35: {  	s10 =	sld [smem:$0x3FB6];
	_ =	sdelay $0x3  }
0x36: {  	p1 =	seq.s32 s10, $0x1;
	s10 =	sld [smem:$0x3FB7];
	_ =	sdelay $0x3  }
0x37: {  	[smem:$0x3FB7] =	sst s10  }
0x38: {  	s10 =	sld [smem:$0x3FB8]  }
0x39: {  	_ = 	snop;
	(pc) =	sbr.ind lr, $3  }
0x3a: {  	_ = 	snop  }
0x3b: {  	_ = 	snop  }
0x3c: {  	p2 =	seq.s32 s10, $0x1;
	s10 =	sld [smem:$0x3FB7]  }
0x3d: {  	_ =	shalt  }
0x3e: {  	_ =	shalt  }
0x3f: {  	_ =	shalt  }
0x40: {  	_ =	shalt  }
0x41: {  	_ =	shalt  }
0x42: {  	_ =	shalt  }
0x43: {  	_ =	shalt  }
0x44: {  	_ =	shalt  }
0x45: {  	_ =	shalt  }
0x46: {  	_ =	shalt  }
0x47: {  	_ =	shalt  }
0x48: {  	_ =	shalt  }
0x49: {  	_ =	shalt  }
0x4a: {  	_ =	shalt  }
0x4b: {  	_ =	shalt  }
0x4c: {  	_ =	shalt  }
0x4d: {  	_ =	shalt  }
0x4e: {  	_ =	shalt  }
0x4f: {  	_ =	shalt  }
0x50: {  	_ =	shalt  }
0x51: {  	_ =	shalt  }
0x52: {  	_ =	shalt  }
0x53: {  	_ =	shalt  }
0x54: {  	_ =	shalt  }
0x55: {  	_ =	shalt  }
0x56: {  	_ =	shalt  }
0x57: {  	_ =	shalt  }
0x58: {  	_ =	shalt  }
0x59: {  	_ =	shalt  }
0x5a: {  	_ =	shalt  }
0x5b: {  	_ =	shalt  }
0x5c: {  	_ =	shalt  }
0x5d: {  	_ =	shalt  }
0x5e: {  	_ =	shalt  }
0x5f: {  	_ =	shalt  }
0x60: {  	_ =	shalt  }
0x61: {  	_ =	shalt  }
0x62: {  	_ =	shalt  }
0x63: {  	_ =	shalt  }
0x64: {  	_ =	shalt  }
0x65: {  	_ =	shalt  }
0x66: {  	_ =	shalt  }
0x67: {  	_ =	shalt  }
0x68: {  	_ =	shalt  }
0x69: {  	_ =	shalt  }
0x6a: {  	_ =	shalt  }
0x6b: {  	_ =	shalt  }
0x6c: {  	_ =	shalt  }
0x6d: {  	_ =	shalt  }
0x6e: {  	_ =	shalt  }
0x6f: {  	_ =	shalt  }
0x70: {  	_ =	shalt  }
0x71: {  	_ =	shalt  }
0x72: {  	_ =	shalt  }
0x73: {  	_ =	shalt  }
0x74: {  	_ =	shalt  }
0x75: {  	_ =	shalt  }
0x76: {  	_ =	shalt  }
0x77: {  	_ =	shalt  }
0x78: {  	_ =	shalt  }
0x79: {  	_ =	shalt  }
0x7a: {  	_ =	shalt  }
0x7b: {  	_ =	shalt  }
0x7c: {  	_ =	shalt  }
0x7d: {  	_ =	shalt  }
0x7e: {  	_ =	shalt  }
0x7f: {  	_ =	shalt  }
0x80: {  	_ =	shalt  }
0x81: {  	_ =	shalt  }
0x82: {  	_ =	shalt  }
0x83: {  	_ =	shalt  }
0x84: {  	_ =	shalt  }
0x85: {  	_ =	shalt  }
0x86: {  	_ =	shalt  }
0x87: {  	_ =	shalt  }
.Lfunc_end0:
.L_simem_size_0:
called_computation_lowered:
.L_overlay_start_0:
0x88: {  	s2 =	sld [smem:$0x3FD9]  }
0x89: {  	s3 =	sld [smem:$0x3FFE];
	_ =	sdelay $0x1  }
0x8a: {  	s1 =	srdreg.scid  }
0x8b: {  	s0 =	sand.u32 $0x1, s1  }
0x8c: {  	s14 =	sshll.u32 s0, $0xA;
	s2 =	sadd.s32 s3, s2  }
0x8d: {  	s2 =	sadd.s32 s2, s14  }
0x8e: {  	[smem:$0x3FC3] =	sst s2  }
0x8f: {  	_ = 	snop  }
0x90: {  	s2 =	sld [smem:$0x3FD0];
	_ =	sdelay $0x2  }
0x91: {  	s15 =	simm.s32 $0xA;
	s4 =	simm.s32 $0x10  }
0x92: {  	[smem:s4], [sflag:s15] =	dma.local [hbm:s2], $0x1  }
0x93: {  	_ =	swait.eq [sflag:s15], $0x1  }
0x94: {  	[sflag:s15] =	ssyncset.done $0x0  }
0x95: {  	s16 =	sld [smem:$0x10];
	[sflag:s15] =	ssyncadd.s32 $0xFFFFFFFF  }
0x96: {  	s17 =	sld [smem:$0x11];
	(tm) =	ssettm $0x1  }
0x97: {  	s18 =	sld [smem:$0x3FFB];
	_ =	sdelay $0x3  }
0x98: {  	_ =	strace s18  }
0x99: {  	s4 =	sld [smem:$0x3FFC];
	_ =	sdelay $0x3  }
0x9a: {  	_ =	strace s4  }
0x9b: {  	s4 =	sld [smem:$0x3FFD];
	_ =	sdelay $0x3  }
0x9c: {  	_ =	strace s4  }
0x9d: {  	_ =	strace $0x8FFFFFFF  }
0x9e: {  	s19 =	sld [smem:$0x3FDB];
	_ =	sdelay $0x1  }
0x9f: {  	s5 =	simm.s32 $_scs_section_size  }
0xa0: {  	s6 =	simm.s32 $_size__tile_overlayer_lowered;
	s7 =	simm.s32 $_tile_overlayer_lowered  }
0xa1: {  	s22 =	simm.s32 $0x1BFF;
	s21 =	sshll.u32 s7, $0x1;
	s4 =	sadd.s32 s5, s19  }
0xa2: {  	s8 =	simm.s32 $0x0;
	s20 =	sshll.u32 s6, $0x1;
	s6 =	sadd.s32 s21, s4  }
0xa3: {  	[timem:s8], [sflag:s22] =	dma.local [hbm:s6], s20  }
0xa4: {  	_ =	swait.ge [sflag:s22], s20  }
0xa5: {  	s5 =	ssub.s32 $0x0, s20;
	[sflag:s22] =	ssyncset.done $0x0  }
0xa6: {  	[sflag:s22] =	ssyncadd.s32 s5;
	_ =	sdelay $0x1  }
0xa7: {  	s23 =	simm.s32 $0x1B8B  }
0xa8: {  	_ =	swait.ge [sflag:s23], $0x1  }
0xa9: {  	[sflag:s23] =	ssyncset.done $0x0  }
0xaa: {  	s25 =	simm.s32 $0x1B8E;
	s24 =	sld [smem:$0x3FFE];
	[sflag:s23] =	ssyncadd.s32 $0xFFFFFFFF  }
0xab: {  	s26 =	simm.s32 $execute0_lowered;
	[smem:$0x3FD2] =	sst s25  }
0xac: {  	s6 =	sshll.u32 s26, $0x1;
	_ =	strace $0x80000046;
	[dreg:$0x1] =	wrdreg $0xFFFFFFFF  }
0xad: {  	s28 =	simm.s32 $_size_execute0_lowered;
	s4 =	sadd.s32 s4, s6;
	[dreg:$0x0] =	wrdreg $0x0  }
0xae: {  	s6 =	sshll.u32 s28, $0x1;
	[dreg:$0x2] =	wrdreg s4  }
0xaf: {  	[dreg:$0x3] =	wrdreg s6  }
0xb0: {  	[dreg:$0x4] =	wrdreg $0xC0  }
0xb1: {  	_ =	task [dreg:s8], $0x5FFFF  }
0xb2: {  	[dreg:$0x1] =	wrdreg $0xFFFFFFFF  }
0xb3: {  	[dreg:$0x0] =	wrdreg $0x60  }
0xb4: {  	[dreg:$0x2] =	wrdreg s24  }
0xb5: {  	[dreg:$0x3] =	wrdreg s17  }
0xb6: {  	[dreg:$0x4] =	wrdreg s16  }
0xb7: {  	[dreg:$0x5] =	wrdreg $0x9  }
0xb8: {  	_ =	task.clear_ibuf [dreg:s8], $0x6FFFF;
	_ =	strace $0x90000046  }
0xb9: {  	s29 =	simm.s32 $0x9;
	_ =	strace $0x80000048  }
0xba: {  	_ =	swait.ge [sflag:s29], $0x1  }
0xbb: {  	[sflag:s29] =	ssyncadd.s32 $0xFFFFFFFF  }
0xbc: {  	_ =	strace $0x90000048  }
0xbd: {  	_ =	sfence  }
0xbe: {  	s30 =	sld [smem:$0x0];
	_ =	sdelay $0x2  }
0xbf: {  	s31 =	sshll.u32 s1, $0xD;
	s1 =	sshrl.u32 s1, $0x2  }
0xc0: {  	s3 =	sand.u32 $0x4000, s31;
	s1 =	sadd.s32 s1, s30  }
0xc1: {  	s0 =	sor.u32 s3, s0;
	s1 =	sshll.u32 s1, $0x11  }
0xc2: {  	s0 =	sor.u32 s1, s0  }
0xc3: {  	s0 =	sadd.s32 $0x8F2B, s0  }
0xc4: {  	[sflag:s0] =	ssyncadd.remote.s32 $0x1  }
0xc5: {  	_ =	sfence.sel $0xFFFF  }
0xc6: {  	[dreg:$0x0] =	wrdreg $0xFFFFFFFF;
	(pc) =	sbr.abs _section_cstart, $3  }
0xc7: {  	[dreg:$0x1] =	wrdreg $0xFFFFFFFF  }
0xc8: {  	_ =	task.clear_ibuf [dreg:s8], $0x2FFFF;
	_ =	strace $0x9FFFFFFF  }
0xc9: {  	(tm) =	ssettm $0x7FFFFFFF  }
tec
execute0_lowered:
.L_overlay_start_1:
0x0: {  	(tag) =	ssettag $0x1  }
0x1: {  	s4 =	rddreg [dreg:$0x0]  }
0x2: {  	s0 =	srdreg.scid;
	s2 =	rddreg [dreg:$0x1]  }
0x3: {  	s6 =	rddreg [dreg:$0x2];
	s5 =	sand.u32 $0x1, s0  }
0x4: {  	s10 =	simm.s32 $0x1;
	s0 =	stileid.u32;
	s1 =	sshll.u32 s5, $0x4  }
0x5: {  	s11 =	simm.s32 $0x500;
	s12 =	simm.s32 $0xA00;
	s3 =	sor.u32 s0, s1  }
0x6: {  	s13 =	simm.s32 $0xA80;
	s8 =	sshll.u32 s0, $0x7;
	s7 =	sshrl.u32 s3, $0x3  }
0x7: {  	s5 =	ssub.s32 $0x2, s5;
	s1 =	rddreg [dreg:$0x3];
	s9 =	smul.u32 $0x2800, s7  }
0x8: {  	s8 =	sand.u32 $0x380, s8;
	s30 =	sshrl.u32 s5, $0x1;
	s3 =	simm.s32 $0x0  }
0x9: {  	s31 =	ssub.s32 s5, s30;
	s7 =	sshll.u32 s7, $0xA;
	s9 =	sor.u32 s8, s9  }
0xa: {  	[smem:$0x7FF] =	sst s3;
	s7 =	sor.u32 s8, s7;
	s9 =	sshrl.u32 s9, $0x3  }
0xb: {  	_ =	strace $0x80000047;
	s7 =	sshrl.u32 s7, $0x3;
	s9 =	sadd.s32 s9, s4  }
0xc: {  	s8 =	simm.s32 $0x80;
	s6 =	sadd.s32 s6, s7;
	s4 =	sadd.s32 $0x138E00, s9  }
0xd: {  	s7 =	smax.u32 s31, $0x1;
	s5 =	sadd.s32 $0x13A200, s9;
	s9 =	simm.s32 $0x400  }
.LBB2_1:
0xe: {  	[tilespmem:s3], [sflag:$0x1] =	stream.strided.gather [hbm4b:s4+s8], $0x500, s9, s8, $0x38;
	[tilespmem:$0xB00] =	vst v63  }
0xf: {  	_ =	swait.ge [sflag:s10], $0x500  }
0x10: {  	[sflag:s10] =	ssyncset.done $0x0  }
0x11: {  	[sflag:s10] =	ssyncadd.s32 $0xFFFFFB00  }
0x12: {  	[tilespmem:s11], [sflag:$0x1] =	stream.strided.gather [hbm4b:s5+s8], $0x500, s9, s8, $0x38;
	[tilespmem:$0xB00] =	vst v63  }
0x13: {  	_ =	swait.ge [sflag:s10], $0x500  }
0x14: {  	[sflag:s10] =	ssyncset.done $0x0  }
0x15: {  	[sflag:s10] =	ssyncadd.s32 $0xFFFFFB00  }
0x16: {  	[tilespmem:s12], [sflag:$0x1] =	stream.linear.gather [hbm4b:s2+s3], $0x80, $0x38;
	[tilespmem:$0xB00] =	vst v63  }
0x17: {  	_ =	swait.ge [sflag:s10], $0x80  }
0x18: {  	[sflag:s10] =	ssyncset.done $0x0  }
0x19: {  	[sflag:s10] =	ssyncadd.s32 $0xFFFFFF80  }
0x1a: {  	v0 =	vld [tilespmem:$0x0]  }
0x1b: {  	v1 =	vld [tilespmem:$0x500]  }
0x1c: {  	v2 =	vld [tilespmem:$0x10]  }
0x1d: {  	v3 =	vld [tilespmem:$0x510];
	_ =	sdelay $0x1  }
0x1e: {  	v4 =	vld [tilespmem:$0x20]  }
0x1f: {  	v57 =	vld [tilespmem:$0x520]  }
0x20: {  	v5 =	vmax.f32 v0, $+Inf;
	v6 =	vmin.f32 v1, $-Inf  }
0x21: {  	v59 =	vld [tilespmem:$0x30];
	v7 =	vmin.f32 v0, v2;
	v0 =	vmax.f32 v0, v2;
	v9 =	vmin.f32 v1, v3  }
0x22: {  	v11 =	vld [tilespmem:$0x530];
	v1 =	vmax.f32 v1, v3;
	v8 =	vmin.f32 v5, v0;
	v0 =	vmax.f32 v5, v0  }
0x23: {  	v58 =	vmin.f32 v6, v9;
	v9 =	vmax.f32 v6, v9;
	v60 =	vmax.f32 v7, v4  }
0x24: {  	v4 =	vmin.f32 v7, v4;
	v10 =	vmin.f32 v1, v57;
	v1 =	vmax.f32 v1, v57  }
0x25: {  	v12 =	vld [tilespmem:$0x40];
	v0 =	vmin.f32 v5, v0;
	v3 =	vmax.f32 v6, v58;
	v61 =	vmin.f32 v8, v60  }
0x26: {  	v13 =	vld [tilespmem:$0x540];
	v6 =	vmax.f32 v8, v60;
	v62 =	vmin.f32 v9, v10;
	v63 =	vmax.f32 v9, v10  }
0x27: {  	v17 =	vmax.f32 v4, v59;
	v4 =	vmin.f32 v4, v59;
	v22 =	vmin.f32 v1, v11  }
0x28: {  	v1 =	vmax.f32 v1, v11;
	v8 =	vmin.f32 v0, v6;
	v6 =	vmax.f32 v0, v6  }
0x29: {  	v14 =	vld [tilespmem:$0x50];
	v16 =	vmin.f32 v3, v62;
	v2 =	vmax.f32 v3, v62;
	v18 =	vmax.f32 v61, v17  }
0x2a: {  	v32 =	vld [tilespmem:$0x550];
	v19 =	vmin.f32 v61, v17;
	v23 =	vmin.f32 v63, v22;
	v26 =	vmax.f32 v4, v12  }
0x2b: {  	v4 =	vmin.f32 v4, v12;
	v30 =	vmin.f32 v1, v13;
	v1 =	vmax.f32 v1, v13  }
0x2c: {  	v0 =	vmin.f32 v0, v6;
	v3 =	vmax.f32 v3, v16;
	v20 =	vmax.f32 v8, v18  }
0x2d: {  	v8 =	vmin.f32 v8, v18;
	v6 =	vmax.f32 v63, v22;
	v24 =	vmin.f32 v2, v23  }
0x2e: {  	v37 =	vld [tilespmem:$0x60];
	v2 =	vmax.f32 v2, v23;
	v27 =	vmax.f32 v19, v26;
	v5 =	vmin.f32 v19, v26  }
0x2f: {  	v42 =	vld [tilespmem:$0x560];
	v35 =	vmax.f32 v4, v14;
	v4 =	vmin.f32 v4, v14;
	v40 =	vmin.f32 v1, v32  }
0x30: {  	v1 =	vmax.f32 v1, v32;
	v21 =	vmax.f32 v0, v20;
	v7 =	vmin.f32 v0, v20  }
0x31: {  	v25 =	vmin.f32 v3, v24;
	v10 =	vmax.f32 v3, v24;
	v28 =	vmax.f32 v8, v27  }
0x32: {  	v8 =	vmin.f32 v8, v27;
	v31 =	vmin.f32 v6, v30;
	v6 =	vmax.f32 v6, v30  }
0x33: {  	v47 =	vld [tilespmem:$0x70];
	v36 =	vmax.f32 v5, v35;
	v5 =	vmin.f32 v5, v35;
	v45 =	vmax.f32 v4, v37  }
0x34: {  	v52 =	vld [tilespmem:$0x570];
	v4 =	vmin.f32 v4, v37;
	v50 =	vmin.f32 v1, v42;
	v1 =	vmax.f32 v1, v42  }
0x35: {  	v0 =	vmin.f32 v0, v21;
	v3 =	vmax.f32 v3, v25;
	v29 =	vmax.f32 v7, v28  }
0x36: {  	v7 =	vmin.f32 v7, v28;
	v33 =	vmin.f32 v2, v31;
	v2 =	vmax.f32 v2, v31  }
0x37: {  	v38 =	vmax.f32 v8, v36;
	v8 =	vmin.f32 v8, v36;
	v41 =	vmin.f32 v6, v40  }
0x38: {  	v6 =	vmax.f32 v6, v40;
	v46 =	vmax.f32 v5, v45;
	v5 =	vmin.f32 v5, v45  }
0x39: {  	v57 =	vld [tilespmem:$0x80];
	v55 =	vmax.f32 v4, v47;
	v4 =	vmin.f32 v4, v47;
	v60 =	vmin.f32 v1, v52  }
0x3a: {  	v1 =	vmax.f32 v1, v52;
	v0 =	vmin.f32 v0, v29;
	v34 =	vmin.f32 v10, v33  }
0x3b: {  	v10 =	vmax.f32 v10, v33;
	v39 =	vmax.f32 v7, v38;
	v7 =	vmin.f32 v7, v38  }
0x3c: {  	v43 =	vmin.f32 v2, v41;
	v2 =	vmax.f32 v2, v41;
	v48 =	vmax.f32 v8, v46  }
0x3d: {  	v8 =	vmin.f32 v8, v46;
	v51 =	vmin.f32 v6, v50;
	v6 =	vmax.f32 v6, v50  }
0x3e: {  	v56 =	vmax.f32 v5, v55;
	v5 =	vmin.f32 v5, v55;
	v17 =	vmax.f32 v4, v57  }
0x3f: {  	v62 =	vld [tilespmem:$0x580];
	v4 =	vmin.f32 v4, v57;
	v3 =	vmax.f32 v3, v34;
	v0 =	vmin.f32 v0, v39  }
0x40: {  	v44 =	vmin.f32 v10, v43;
	v10 =	vmax.f32 v10, v43;
	v49 =	vmax.f32 v7, v48  }
0x41: {  	v7 =	vmin.f32 v7, v48;
	v53 =	vmin.f32 v2, v51;
	v2 =	vmax.f32 v2, v51  }
0x42: {  	v58 =	vmax.f32 v8, v56;
	v8 =	vmin.f32 v8, v56;
	v61 =	vmin.f32 v6, v60  }
0x43: {  	v19 =	vld [tilespmem:$0x90];
	v6 =	vmax.f32 v6, v60;
	v18 =	vmax.f32 v5, v17;
	v5 =	vmin.f32 v5, v17  }
0x44: {  	v22 =	vmin.f32 v1, v62;
	v1 =	vmax.f32 v1, v62;
	v3 =	vmax.f32 v3, v44  }
0x45: {  	v0 =	vmin.f32 v0, v49;
	v54 =	vmin.f32 v10, v53;
	v10 =	vmax.f32 v10, v53  }
0x46: {  	v59 =	vmax.f32 v7, v58;
	v7 =	vmin.f32 v7, v58;
	v63 =	vmin.f32 v2, v61  }
0x47: {  	v24 =	vld [tilespmem:$0x590];
	v2 =	vmax.f32 v2, v61;
	v20 =	vmax.f32 v8, v18;
	v8 =	vmin.f32 v8, v18  }
0x48: {  	v23 =	vmin.f32 v6, v22;
	v6 =	vmax.f32 v6, v22;
	v27 =	vmax.f32 v4, v19  }
0x49: {  	v4 =	vmin.f32 v4, v19;
	v3 =	vmax.f32 v3, v54;
	v0 =	vmin.f32 v0, v59  }
0x4a: {  	v16 =	vmin.f32 v10, v63;
	v10 =	vmax.f32 v10, v63;
	v21 =	vmax.f32 v7, v20  }
0x4b: {  	v7 =	vmin.f32 v7, v20;
	v25 =	vmin.f32 v2, v23;
	v2 =	vmax.f32 v2, v23  }
0x4c: {  	v29 =	vld [tilespmem:$0xA0];
	v28 =	vmax.f32 v5, v27;
	v5 =	vmin.f32 v5, v27;
	v32 =	vmin.f32 v1, v24  }
0x4d: {  	v1 =	vmax.f32 v1, v24;
	v3 =	vmax.f32 v3, v16;
	v0 =	vmin.f32 v0, v21  }
0x4e: {  	v34 =	vld [tilespmem:$0x5A0];
	v26 =	vmin.f32 v10, v25;
	v10 =	vmax.f32 v10, v25;
	v30 =	vmax.f32 v8, v28  }
0x4f: {  	v39 =	vld [tilespmem:$0xB0];
	v8 =	vmin.f32 v8, v28;
	v33 =	vmin.f32 v6, v32;
	v6 =	vmax.f32 v6, v32  }
0x50: {  	v3 =	vmax.f32 v3, v26;
	v31 =	vmax.f32 v7, v30;
	v7 =	vmin.f32 v7, v30  }
0x51: {  	v35 =	vmin.f32 v2, v33;
	v2 =	vmax.f32 v2, v33;
	v37 =	vmax.f32 v4, v29  }
0x52: {  	v44 =	vld [tilespmem:$0x5B0];
	v4 =	vmin.f32 v4, v29;
	v0 =	vmin.f32 v0, v31;
	v36 =	vmin.f32 v10, v35  }
0x53: {  	v49 =	vld [tilespmem:$0xC0];
	v10 =	vmax.f32 v10, v35;
	v38 =	vmax.f32 v5, v37;
	v5 =	vmin.f32 v5, v37  }
0x54: {  	v42 =	vmin.f32 v1, v34;
	v1 =	vmax.f32 v1, v34;
	v47 =	vmax.f32 v4, v39  }
0x55: {  	v4 =	vmin.f32 v4, v39;
	v3 =	vmax.f32 v3, v36;
	v40 =	vmax.f32 v8, v38  }
0x56: {  	v8 =	vmin.f32 v8, v38;
	v43 =	vmin.f32 v6, v42;
	v6 =	vmax.f32 v6, v42  }
0x57: {  	v54 =	vld [tilespmem:$0x5C0];
	v48 =	vmax.f32 v5, v47;
	v5 =	vmin.f32 v5, v47;
	v52 =	vmin.f32 v1, v44  }
0x58: {  	v59 =	vld [tilespmem:$0xD0];
	v1 =	vmax.f32 v1, v44;
	v57 =	vmax.f32 v4, v49;
	v4 =	vmin.f32 v4, v49  }
0x59: {  	v41 =	vmax.f32 v7, v40;
	v7 =	vmin.f32 v7, v40;
	v45 =	vmin.f32 v2, v43  }
0x5a: {  	v2 =	vmax.f32 v2, v43;
	v50 =	vmax.f32 v8, v48;
	v8 =	vmin.f32 v8, v48  }
0x5b: {  	v53 =	vmin.f32 v6, v52;
	v6 =	vmax.f32 v6, v52;
	v58 =	vmax.f32 v5, v57  }
0x5c: {  	v16 =	vld [tilespmem:$0x5D0];
	v5 =	vmin.f32 v5, v57;
	v62 =	vmin.f32 v1, v54;
	v1 =	vmax.f32 v1, v54  }
0x5d: {  	v21 =	vld [tilespmem:$0xE0];
	v19 =	vmax.f32 v4, v59;
	v4 =	vmin.f32 v4, v59;
	v0 =	vmin.f32 v0, v41  }
0x5e: {  	v46 =	vmin.f32 v10, v45;
	v10 =	vmax.f32 v10, v45;
	v51 =	vmax.f32 v7, v50  }
0x5f: {  	v7 =	vmin.f32 v7, v50;
	v55 =	vmin.f32 v2, v53;
	v2 =	vmax.f32 v2, v53  }
0x60: {  	v60 =	vmax.f32 v8, v58;
	v8 =	vmin.f32 v8, v58;
	v63 =	vmin.f32 v6, v62  }
0x61: {  	v6 =	vmax.f32 v6, v62;
	v20 =	vmax.f32 v5, v19;
	v5 =	vmin.f32 v5, v19  }
0x62: {  	v24 =	vmin.f32 v1, v16;
	v1 =	vmax.f32 v1, v16;
	v29 =	vmax.f32 v4, v21  }
0x63: {  	v26 =	vld [tilespmem:$0x5E0];
	v4 =	vmin.f32 v4, v21;
	v3 =	vmax.f32 v3, v46;
	v0 =	vmin.f32 v0, v51  }
0x64: {  	v56 =	vmin.f32 v10, v55;
	v10 =	vmax.f32 v10, v55;
	v61 =	vmax.f32 v7, v60  }
0x65: {  	v7 =	vmin.f32 v7, v60;
	v17 =	vmin.f32 v2, v63;
	v2 =	vmax.f32 v2, v63  }
0x66: {  	v22 =	vmax.f32 v8, v20;
	v8 =	vmin.f32 v8, v20;
	v25 =	vmin.f32 v6, v24  }
0x67: {  	v31 =	vld [tilespmem:$0xF0];
	v6 =	vmax.f32 v6, v24;
	v30 =	vmax.f32 v5, v29;
	v5 =	vmin.f32 v5, v29  }
0x68: {  	v34 =	vmin.f32 v1, v26;
	v1 =	vmax.f32 v1, v26;
	v3 =	vmax.f32 v3, v56  }
0x69: {  	v0 =	vmin.f32 v0, v61;
	v18 =	vmin.f32 v10, v17;
	v10 =	vmax.f32 v10, v17  }
0x6a: {  	v23 =	vmax.f32 v7, v22;
	v7 =	vmin.f32 v7, v22;
	v27 =	vmin.f32 v2, v25  }
0x6b: {  	v36 =	vld [tilespmem:$0x5F0];
	v2 =	vmax.f32 v2, v25;
	v32 =	vmax.f32 v8, v30;
	v8 =	vmin.f32 v8, v30  }
0x6c: {  	v35 =	vmin.f32 v6, v34;
	v6 =	vmax.f32 v6, v34;
	v39 =	vmax.f32 v4, v31  }
0x6d: {  	v4 =	vmin.f32 v4, v31;
	v3 =	vmax.f32 v3, v18;
	v0 =	vmin.f32 v0, v23  }
0x6e: {  	v28 =	vmin.f32 v10, v27;
	v10 =	vmax.f32 v10, v27;
	v33 =	vmax.f32 v7, v32  }
0x6f: {  	v7 =	vmin.f32 v7, v32;
	v37 =	vmin.f32 v2, v35;
	v2 =	vmax.f32 v2, v35  }
0x70: {  	v41 =	vld [tilespmem:$0x100];
	v40 =	vmax.f32 v5, v39;
	v5 =	vmin.f32 v5, v39;
	v44 =	vmin.f32 v1, v36  }
0x71: {  	v1 =	vmax.f32 v1, v36;
	v3 =	vmax.f32 v3, v28;
	v0 =	vmin.f32 v0, v33  }
0x72: {  	v46 =	vld [tilespmem:$0x600];
	v38 =	vmin.f32 v10, v37;
	v10 =	vmax.f32 v10, v37;
	v42 =	vmax.f32 v8, v40  }
0x73: {  	v51 =	vld [tilespmem:$0x110];
	v8 =	vmin.f32 v8, v40;
	v45 =	vmin.f32 v6, v44;
	v6 =	vmax.f32 v6, v44  }
0x74: {  	v3 =	vmax.f32 v3, v38;
	v43 =	vmax.f32 v7, v42;
	v7 =	vmin.f32 v7, v42  }
0x75: {  	v47 =	vmin.f32 v2, v45;
	v2 =	vmax.f32 v2, v45;
	v49 =	vmax.f32 v4, v41  }
0x76: {  	v56 =	vld [tilespmem:$0x610];
	v4 =	vmin.f32 v4, v41;
	v0 =	vmin.f32 v0, v43;
	v48 =	vmin.f32 v10, v47  }
0x77: {  	v61 =	vld [tilespmem:$0x120];
	v10 =	vmax.f32 v10, v47;
	v50 =	vmax.f32 v5, v49;
	v5 =	vmin.f32 v5, v49  }
0x78: {  	v54 =	vmin.f32 v1, v46;
	v1 =	vmax.f32 v1, v46;
	v59 =	vmax.f32 v4, v51  }
0x79: {  	v4 =	vmin.f32 v4, v51;
	v3 =	vmax.f32 v3, v48;
	v52 =	vmax.f32 v8, v50  }
0x7a: {  	v8 =	vmin.f32 v8, v50;
	v55 =	vmin.f32 v6, v54;
	v6 =	vmax.f32 v6, v54  }
0x7b: {  	v18 =	vld [tilespmem:$0x620];
	v60 =	vmax.f32 v5, v59;
	v5 =	vmin.f32 v5, v59;
	v16 =	vmin.f32 v1, v56  }
0x7c: {  	v23 =	vld [tilespmem:$0x130];
	v1 =	vmax.f32 v1, v56;
	v21 =	vmax.f32 v4, v61;
	v4 =	vmin.f32 v4, v61  }
0x7d: {  	v53 =	vmax.f32 v7, v52;
	v7 =	vmin.f32 v7, v52;
	v57 =	vmin.f32 v2, v55  }
0x7e: {  	v2 =	vmax.f32 v2, v55;
	v62 =	vmax.f32 v8, v60;
	v8 =	vmin.f32 v8, v60  }
0x7f: {  	v17 =	vmin.f32 v6, v16;
	v6 =	vmax.f32 v6, v16;
	v22 =	vmax.f32 v5, v21  }
0x80: {  	v28 =	vld [tilespmem:$0x630];
	v5 =	vmin.f32 v5, v21;
	v26 =	vmin.f32 v1, v18;
	v1 =	vmax.f32 v1, v18  }
0x81: {  	v33 =	vld [tilespmem:$0x140];
	v31 =	vmax.f32 v4, v23;
	v4 =	vmin.f32 v4, v23;
	v0 =	vmin.f32 v0, v53  }
0x82: {  	v58 =	vmin.f32 v10, v57;
	v10 =	vmax.f32 v10, v57;
	v63 =	vmax.f32 v7, v62  }
0x83: {  	v7 =	vmin.f32 v7, v62;
	v19 =	vmin.f32 v2, v17;
	v2 =	vmax.f32 v2, v17  }
0x84: {  	v24 =	vmax.f32 v8, v22;
	v8 =	vmin.f32 v8, v22;
	v27 =	vmin.f32 v6, v26  }
0x85: {  	v6 =	vmax.f32 v6, v26;
	v32 =	vmax.f32 v5, v31;
	v5 =	vmin.f32 v5, v31  }
0x86: {  	v36 =	vmin.f32 v1, v28;
	v1 =	vmax.f32 v1, v28;
	v41 =	vmax.f32 v4, v33  }
0x87: {  	v38 =	vld [tilespmem:$0x640];
	v4 =	vmin.f32 v4, v33;
	v3 =	vmax.f32 v3, v58;
	v0 =	vmin.f32 v0, v63  }
0x88: {  	v20 =	vmin.f32 v10, v19;
	v10 =	vmax.f32 v10, v19;
	v25 =	vmax.f32 v7, v24  }
0x89: {  	v7 =	vmin.f32 v7, v24;
	v29 =	vmin.f32 v2, v27;
	v2 =	vmax.f32 v2, v27  }
0x8a: {  	v34 =	vmax.f32 v8, v32;
	v8 =	vmin.f32 v8, v32;
	v37 =	vmin.f32 v6, v36  }
0x8b: {  	v43 =	vld [tilespmem:$0x150];
	v6 =	vmax.f32 v6, v36;
	v42 =	vmax.f32 v5, v41;
	v5 =	vmin.f32 v5, v41  }
0x8c: {  	v46 =	vmin.f32 v1, v38;
	v1 =	vmax.f32 v1, v38;
	v3 =	vmax.f32 v3, v20  }
0x8d: {  	v0 =	vmin.f32 v0, v25;
	v30 =	vmin.f32 v10, v29;
	v10 =	vmax.f32 v10, v29  }
0x8e: {  	v35 =	vmax.f32 v7, v34;
	v7 =	vmin.f32 v7, v34;
	v39 =	vmin.f32 v2, v37  }
0x8f: {  	v48 =	vld [tilespmem:$0x650];
	v2 =	vmax.f32 v2, v37;
	v44 =	vmax.f32 v8, v42;
	v8 =	vmin.f32 v8, v42  }
0x90: {  	v47 =	vmin.f32 v6, v46;
	v6 =	vmax.f32 v6, v46;
	v51 =	vmax.f32 v4, v43  }
0x91: {  	v4 =	vmin.f32 v4, v43;
	v3 =	vmax.f32 v3, v30;
	v0 =	vmin.f32 v0, v35  }
0x92: {  	v40 =	vmin.f32 v10, v39;
	v10 =	vmax.f32 v10, v39;
	v45 =	vmax.f32 v7, v44  }
0x93: {  	v7 =	vmin.f32 v7, v44;
	v49 =	vmin.f32 v2, v47;
	v2 =	vmax.f32 v2, v47  }
0x94: {  	v53 =	vld [tilespmem:$0x160];
	v52 =	vmax.f32 v5, v51;
	v5 =	vmin.f32 v5, v51;
	v56 =	vmin.f32 v1, v48  }
0x95: {  	v1 =	vmax.f32 v1, v48;
	v3 =	vmax.f32 v3, v40;
	v0 =	vmin.f32 v0, v45  }
0x96: {  	v58 =	vld [tilespmem:$0x660];
	v50 =	vmin.f32 v10, v49;
	v10 =	vmax.f32 v10, v49;
	v54 =	vmax.f32 v8, v52  }
0x97: {  	v63 =	vld [tilespmem:$0x170];
	v8 =	vmin.f32 v8, v52;
	v57 =	vmin.f32 v6, v56;
	v6 =	vmax.f32 v6, v56  }
0x98: {  	v3 =	vmax.f32 v3, v50;
	v55 =	vmax.f32 v7, v54;
	v7 =	vmin.f32 v7, v54  }
0x99: {  	v59 =	vmin.f32 v2, v57;
	v2 =	vmax.f32 v2, v57;
	v61 =	vmax.f32 v4, v53  }
0x9a: {  	v20 =	vld [tilespmem:$0x670];
	v4 =	vmin.f32 v4, v53;
	v0 =	vmin.f32 v0, v55;
	v60 =	vmin.f32 v10, v59  }
0x9b: {  	v25 =	vld [tilespmem:$0x180];
	v10 =	vmax.f32 v10, v59;
	v62 =	vmax.f32 v5, v61;
	v5 =	vmin.f32 v5, v61  }
0x9c: {  	v18 =	vmin.f32 v1, v58;
	v1 =	vmax.f32 v1, v58;
	v23 =	vmax.f32 v4, v63  }
0x9d: {  	v4 =	vmin.f32 v4, v63;
	v3 =	vmax.f32 v3, v60;
	v16 =	vmax.f32 v8, v62  }
0x9e: {  	v8 =	vmin.f32 v8, v62;
	v19 =	vmin.f32 v6, v18;
	v6 =	vmax.f32 v6, v18  }
0x9f: {  	v30 =	vld [tilespmem:$0x680];
	v24 =	vmax.f32 v5, v23;
	v5 =	vmin.f32 v5, v23;
	v28 =	vmin.f32 v1, v20  }
0xa0: {  	v35 =	vld [tilespmem:$0x190];
	v1 =	vmax.f32 v1, v20;
	v33 =	vmax.f32 v4, v25;
	v4 =	vmin.f32 v4, v25  }
0xa1: {  	v17 =	vmax.f32 v7, v16;
	v7 =	vmin.f32 v7, v16;
	v21 =	vmin.f32 v2, v19  }
0xa2: {  	v2 =	vmax.f32 v2, v19;
	v26 =	vmax.f32 v8, v24;
	v8 =	vmin.f32 v8, v24  }
0xa3: {  	v29 =	vmin.f32 v6, v28;
	v6 =	vmax.f32 v6, v28;
	v34 =	vmax.f32 v5, v33  }
0xa4: {  	v40 =	vld [tilespmem:$0x690];
	v5 =	vmin.f32 v5, v33;
	v38 =	vmin.f32 v1, v30;
	v1 =	vmax.f32 v1, v30  }
0xa5: {  	v45 =	vld [tilespmem:$0x1A0];
	v43 =	vmax.f32 v4, v35;
	v4 =	vmin.f32 v4, v35;
	v0 =	vmin.f32 v0, v17  }
0xa6: {  	v22 =	vmin.f32 v10, v21;
	v10 =	vmax.f32 v10, v21;
	v27 =	vmax.f32 v7, v26  }
0xa7: {  	v7 =	vmin.f32 v7, v26;
	v31 =	vmin.f32 v2, v29;
	v2 =	vmax.f32 v2, v29  }
0xa8: {  	v36 =	vmax.f32 v8, v34;
	v8 =	vmin.f32 v8, v34;
	v39 =	vmin.f32 v6, v38  }
0xa9: {  	v6 =	vmax.f32 v6, v38;
	v44 =	vmax.f32 v5, v43;
	v5 =	vmin.f32 v5, v43  }
0xaa: {  	v48 =	vmin.f32 v1, v40;
	v1 =	vmax.f32 v1, v40;
	v53 =	vmax.f32 v4, v45  }
0xab: {  	v50 =	vld [tilespmem:$0x6A0];
	v4 =	vmin.f32 v4, v45;
	v3 =	vmax.f32 v3, v22;
	v0 =	vmin.f32 v0, v27  }
0xac: {  	v32 =	vmin.f32 v10, v31;
	v10 =	vmax.f32 v10, v31;
	v37 =	vmax.f32 v7, v36  }
0xad: {  	v7 =	vmin.f32 v7, v36;
	v41 =	vmin.f32 v2, v39;
	v2 =	vmax.f32 v2, v39  }
0xae: {  	v46 =	vmax.f32 v8, v44;
	v8 =	vmin.f32 v8, v44;
	v49 =	vmin.f32 v6, v48  }
0xaf: {  	v55 =	vld [tilespmem:$0x1B0];
	v6 =	vmax.f32 v6, v48;
	v54 =	vmax.f32 v5, v53;
	v5 =	vmin.f32 v5, v53  }
0xb0: {  	v58 =	vmin.f32 v1, v50;
	v1 =	vmax.f32 v1, v50;
	v3 =	vmax.f32 v3, v32  }
0xb1: {  	v0 =	vmin.f32 v0, v37;
	v42 =	vmin.f32 v10, v41;
	v10 =	vmax.f32 v10, v41  }
0xb2: {  	v47 =	vmax.f32 v7, v46;
	v7 =	vmin.f32 v7, v46;
	v51 =	vmin.f32 v2, v49  }
0xb3: {  	v60 =	vld [tilespmem:$0x6B0];
	v2 =	vmax.f32 v2, v49;
	v56 =	vmax.f32 v8, v54;
	v8 =	vmin.f32 v8, v54  }
0xb4: {  	v59 =	vmin.f32 v6, v58;
	v6 =	vmax.f32 v6, v58;
	v63 =	vmax.f32 v4, v55  }
0xb5: {  	v4 =	vmin.f32 v4, v55;
	v3 =	vmax.f32 v3, v42;
	v0 =	vmin.f32 v0, v47  }
0xb6: {  	v52 =	vmin.f32 v10, v51;
	v10 =	vmax.f32 v10, v51;
	v57 =	vmax.f32 v7, v56  }
0xb7: {  	v7 =	vmin.f32 v7, v56;
	v61 =	vmin.f32 v2, v59;
	v2 =	vmax.f32 v2, v59  }
0xb8: {  	v17 =	vld [tilespmem:$0x1C0];
	v16 =	vmax.f32 v5, v63;
	v5 =	vmin.f32 v5, v63;
	v20 =	vmin.f32 v1, v60  }
0xb9: {  	v1 =	vmax.f32 v1, v60;
	v3 =	vmax.f32 v3, v52;
	v0 =	vmin.f32 v0, v57  }
0xba: {  	v22 =	vld [tilespmem:$0x6C0];
	v62 =	vmin.f32 v10, v61;
	v10 =	vmax.f32 v10, v61;
	v18 =	vmax.f32 v8, v16  }
0xbb: {  	v27 =	vld [tilespmem:$0x1D0];
	v8 =	vmin.f32 v8, v16;
	v21 =	vmin.f32 v6, v20;
	v6 =	vmax.f32 v6, v20  }
0xbc: {  	v3 =	vmax.f32 v3, v62;
	v19 =	vmax.f32 v7, v18;
	v7 =	vmin.f32 v7, v18  }
0xbd: {  	v23 =	vmin.f32 v2, v21;
	v2 =	vmax.f32 v2, v21;
	v25 =	vmax.f32 v4, v17  }
0xbe: {  	v32 =	vld [tilespmem:$0x6D0];
	v4 =	vmin.f32 v4, v17;
	v0 =	vmin.f32 v0, v19;
	v24 =	vmin.f32 v10, v23  }
0xbf: {  	v37 =	vld [tilespmem:$0x1E0];
	v10 =	vmax.f32 v10, v23;
	v26 =	vmax.f32 v5, v25;
	v5 =	vmin.f32 v5, v25  }
0xc0: {  	v30 =	vmin.f32 v1, v22;
	v1 =	vmax.f32 v1, v22;
	v35 =	vmax.f32 v4, v27  }
0xc1: {  	v4 =	vmin.f32 v4, v27;
	v3 =	vmax.f32 v3, v24;
	v28 =	vmax.f32 v8, v26  }
0xc2: {  	v8 =	vmin.f32 v8, v26;
	v31 =	vmin.f32 v6, v30;
	v6 =	vmax.f32 v6, v30  }
0xc3: {  	v42 =	vld [tilespmem:$0x6E0];
	v36 =	vmax.f32 v5, v35;
	v5 =	vmin.f32 v5, v35;
	v40 =	vmin.f32 v1, v32  }
0xc4: {  	v47 =	vld [tilespmem:$0x1F0];
	v1 =	vmax.f32 v1, v32;
	v45 =	vmax.f32 v4, v37;
	v4 =	vmin.f32 v4, v37  }
0xc5: {  	v29 =	vmax.f32 v7, v28;
	v7 =	vmin.f32 v7, v28;
	v33 =	vmin.f32 v2, v31  }
0xc6: {  	v2 =	vmax.f32 v2, v31;
	v38 =	vmax.f32 v8, v36;
	v8 =	vmin.f32 v8, v36  }
0xc7: {  	v41 =	vmin.f32 v6, v40;
	v6 =	vmax.f32 v6, v40;
	v46 =	vmax.f32 v5, v45  }
0xc8: {  	v52 =	vld [tilespmem:$0x6F0];
	v5 =	vmin.f32 v5, v45;
	v50 =	vmin.f32 v1, v42;
	v1 =	vmax.f32 v1, v42  }
0xc9: {  	v57 =	vld [tilespmem:$0x200];
	v55 =	vmax.f32 v4, v47;
	v4 =	vmin.f32 v4, v47;
	v0 =	vmin.f32 v0, v29  }
0xca: {  	v34 =	vmin.f32 v10, v33;
	v10 =	vmax.f32 v10, v33;
	v39 =	vmax.f32 v7, v38  }
0xcb: {  	v7 =	vmin.f32 v7, v38;
	v43 =	vmin.f32 v2, v41;
	v2 =	vmax.f32 v2, v41  }
0xcc: {  	v48 =	vmax.f32 v8, v46;
	v8 =	vmin.f32 v8, v46;
	v51 =	vmin.f32 v6, v50  }
0xcd: {  	v6 =	vmax.f32 v6, v50;
	v56 =	vmax.f32 v5, v55;
	v5 =	vmin.f32 v5, v55  }
0xce: {  	v60 =	vmin.f32 v1, v52;
	v1 =	vmax.f32 v1, v52;
	v17 =	vmax.f32 v4, v57  }
0xcf: {  	v62 =	vld [tilespmem:$0x700];
	v4 =	vmin.f32 v4, v57;
	v3 =	vmax.f32 v3, v34;
	v0 =	vmin.f32 v0, v39  }
0xd0: {  	v44 =	vmin.f32 v10, v43;
	v10 =	vmax.f32 v10, v43;
	v49 =	vmax.f32 v7, v48  }
0xd1: {  	v7 =	vmin.f32 v7, v48;
	v53 =	vmin.f32 v2, v51;
	v2 =	vmax.f32 v2, v51  }
0xd2: {  	v58 =	vmax.f32 v8, v56;
	v8 =	vmin.f32 v8, v56;
	v61 =	vmin.f32 v6, v60  }
0xd3: {  	v19 =	vld [tilespmem:$0x210];
	v6 =	vmax.f32 v6, v60;
	v18 =	vmax.f32 v5, v17;
	v5 =	vmin.f32 v5, v17  }
0xd4: {  	v22 =	vmin.f32 v1, v62;
	v1 =	vmax.f32 v1, v62;
	v3 =	vmax.f32 v3, v44  }
0xd5: {  	v0 =	vmin.f32 v0, v49;
	v54 =	vmin.f32 v10, v53;
	v10 =	vmax.f32 v10, v53  }
0xd6: {  	v59 =	vmax.f32 v7, v58;
	v7 =	vmin.f32 v7, v58;
	v63 =	vmin.f32 v2, v61  }
0xd7: {  	v24 =	vld [tilespmem:$0x710];
	v2 =	vmax.f32 v2, v61;
	v20 =	vmax.f32 v8, v18;
	v8 =	vmin.f32 v8, v18  }
0xd8: {  	v23 =	vmin.f32 v6, v22;
	v6 =	vmax.f32 v6, v22;
	v27 =	vmax.f32 v4, v19  }
0xd9: {  	v4 =	vmin.f32 v4, v19;
	v3 =	vmax.f32 v3, v54;
	v0 =	vmin.f32 v0, v59  }
0xda: {  	v16 =	vmin.f32 v10, v63;
	v10 =	vmax.f32 v10, v63;
	v21 =	vmax.f32 v7, v20  }
0xdb: {  	v7 =	vmin.f32 v7, v20;
	v25 =	vmin.f32 v2, v23;
	v2 =	vmax.f32 v2, v23  }
0xdc: {  	v29 =	vld [tilespmem:$0x220];
	v28 =	vmax.f32 v5, v27;
	v5 =	vmin.f32 v5, v27;
	v32 =	vmin.f32 v1, v24  }
0xdd: {  	v1 =	vmax.f32 v1, v24;
	v3 =	vmax.f32 v3, v16;
	v0 =	vmin.f32 v0, v21  }
0xde: {  	v34 =	vld [tilespmem:$0x720];
	v26 =	vmin.f32 v10, v25;
	v10 =	vmax.f32 v10, v25;
	v30 =	vmax.f32 v8, v28  }
0xdf: {  	v39 =	vld [tilespmem:$0x230];
	v8 =	vmin.f32 v8, v28;
	v33 =	vmin.f32 v6, v32;
	v6 =	vmax.f32 v6, v32  }
0xe0: {  	v3 =	vmax.f32 v3, v26;
	v31 =	vmax.f32 v7, v30;
	v7 =	vmin.f32 v7, v30  }
0xe1: {  	v35 =	vmin.f32 v2, v33;
	v2 =	vmax.f32 v2, v33;
	v37 =	vmax.f32 v4, v29  }
0xe2: {  	v44 =	vld [tilespmem:$0x730];
	v4 =	vmin.f32 v4, v29;
	v0 =	vmin.f32 v0, v31;
	v36 =	vmin.f32 v10, v35  }
0xe3: {  	v49 =	vld [tilespmem:$0x240];
	v10 =	vmax.f32 v10, v35;
	v38 =	vmax.f32 v5, v37;
	v5 =	vmin.f32 v5, v37  }
0xe4: {  	v42 =	vmin.f32 v1, v34;
	v1 =	vmax.f32 v1, v34;
	v47 =	vmax.f32 v4, v39  }
0xe5: {  	v4 =	vmin.f32 v4, v39;
	v3 =	vmax.f32 v3, v36;
	v40 =	vmax.f32 v8, v38  }
0xe6: {  	v8 =	vmin.f32 v8, v38;
	v43 =	vmin.f32 v6, v42;
	v6 =	vmax.f32 v6, v42  }
0xe7: {  	v54 =	vld [tilespmem:$0x740];
	v48 =	vmax.f32 v5, v47;
	v5 =	vmin.f32 v5, v47;
	v52 =	vmin.f32 v1, v44  }
0xe8: {  	v59 =	vld [tilespmem:$0x250];
	v1 =	vmax.f32 v1, v44;
	v57 =	vmax.f32 v4, v49;
	v4 =	vmin.f32 v4, v49  }
0xe9: {  	v41 =	vmax.f32 v7, v40;
	v7 =	vmin.f32 v7, v40;
	v45 =	vmin.f32 v2, v43  }
0xea: {  	v2 =	vmax.f32 v2, v43;
	v50 =	vmax.f32 v8, v48;
	v8 =	vmin.f32 v8, v48  }
0xeb: {  	v53 =	vmin.f32 v6, v52;
	v6 =	vmax.f32 v6, v52;
	v58 =	vmax.f32 v5, v57  }
0xec: {  	v16 =	vld [tilespmem:$0x750];
	v5 =	vmin.f32 v5, v57;
	v62 =	vmin.f32 v1, v54;
	v1 =	vmax.f32 v1, v54  }
0xed: {  	v21 =	vld [tilespmem:$0x260];
	v19 =	vmax.f32 v4, v59;
	v4 =	vmin.f32 v4, v59;
	v0 =	vmin.f32 v0, v41  }
0xee: {  	v46 =	vmin.f32 v10, v45;
	v10 =	vmax.f32 v10, v45;
	v51 =	vmax.f32 v7, v50  }
0xef: {  	v7 =	vmin.f32 v7, v50;
	v55 =	vmin.f32 v2, v53;
	v2 =	vmax.f32 v2, v53  }
0xf0: {  	v60 =	vmax.f32 v8, v58;
	v8 =	vmin.f32 v8, v58;
	v63 =	vmin.f32 v6, v62  }
0xf1: {  	v6 =	vmax.f32 v6, v62;
	v20 =	vmax.f32 v5, v19;
	v5 =	vmin.f32 v5, v19  }
0xf2: {  	v24 =	vmin.f32 v1, v16;
	v1 =	vmax.f32 v1, v16;
	v29 =	vmax.f32 v4, v21  }
0xf3: {  	v26 =	vld [tilespmem:$0x760];
	v4 =	vmin.f32 v4, v21;
	v3 =	vmax.f32 v3, v46;
	v0 =	vmin.f32 v0, v51  }
0xf4: {  	v56 =	vmin.f32 v10, v55;
	v10 =	vmax.f32 v10, v55;
	v61 =	vmax.f32 v7, v60  }
0xf5: {  	v7 =	vmin.f32 v7, v60;
	v17 =	vmin.f32 v2, v63;
	v2 =	vmax.f32 v2, v63  }
0xf6: {  	v22 =	vmax.f32 v8, v20;
	v8 =	vmin.f32 v8, v20;
	v25 =	vmin.f32 v6, v24  }
0xf7: {  	v31 =	vld [tilespmem:$0x270];
	v6 =	vmax.f32 v6, v24;
	v30 =	vmax.f32 v5, v29;
	v5 =	vmin.f32 v5, v29  }
0xf8: {  	v34 =	vmin.f32 v1, v26;
	v1 =	vmax.f32 v1, v26;
	v3 =	vmax.f32 v3, v56  }
0xf9: {  	v0 =	vmin.f32 v0, v61;
	v18 =	vmin.f32 v10, v17;
	v10 =	vmax.f32 v10, v17  }
0xfa: {  	v23 =	vmax.f32 v7, v22;
	v7 =	vmin.f32 v7, v22;
	v27 =	vmin.f32 v2, v25  }
0xfb: {  	v36 =	vld [tilespmem:$0x770];
	v2 =	vmax.f32 v2, v25;
	v32 =	vmax.f32 v8, v30;
	v8 =	vmin.f32 v8, v30  }
0xfc: {  	v35 =	vmin.f32 v6, v34;
	v6 =	vmax.f32 v6, v34;
	v39 =	vmax.f32 v4, v31  }
0xfd: {  	v4 =	vmin.f32 v4, v31;
	v3 =	vmax.f32 v3, v18;
	v0 =	vmin.f32 v0, v23  }
0xfe: {  	v28 =	vmin.f32 v10, v27;
	v10 =	vmax.f32 v10, v27;
	v33 =	vmax.f32 v7, v32  }
0xff: {  	v7 =	vmin.f32 v7, v32;
	v37 =	vmin.f32 v2, v35;
	v2 =	vmax.f32 v2, v35  }
0x100: {  	v41 =	vld [tilespmem:$0x280];
	v40 =	vmax.f32 v5, v39;
	v5 =	vmin.f32 v5, v39;
	v44 =	vmin.f32 v1, v36  }
0x101: {  	v1 =	vmax.f32 v1, v36;
	v3 =	vmax.f32 v3, v28;
	v0 =	vmin.f32 v0, v33  }
0x102: {  	v46 =	vld [tilespmem:$0x780];
	v38 =	vmin.f32 v10, v37;
	v10 =	vmax.f32 v10, v37;
	v42 =	vmax.f32 v8, v40  }
0x103: {  	v51 =	vld [tilespmem:$0x290];
	v8 =	vmin.f32 v8, v40;
	v45 =	vmin.f32 v6, v44;
	v6 =	vmax.f32 v6, v44  }
0x104: {  	v3 =	vmax.f32 v3, v38;
	v43 =	vmax.f32 v7, v42;
	v7 =	vmin.f32 v7, v42  }
0x105: {  	v47 =	vmin.f32 v2, v45;
	v2 =	vmax.f32 v2, v45;
	v49 =	vmax.f32 v4, v41  }
0x106: {  	v56 =	vld [tilespmem:$0x790];
	v4 =	vmin.f32 v4, v41;
	v0 =	vmin.f32 v0, v43;
	v48 =	vmin.f32 v10, v47  }
0x107: {  	v61 =	vld [tilespmem:$0x2A0];
	v10 =	vmax.f32 v10, v47;
	v50 =	vmax.f32 v5, v49;
	v5 =	vmin.f32 v5, v49  }
0x108: {  	v54 =	vmin.f32 v1, v46;
	v1 =	vmax.f32 v1, v46;
	v59 =	vmax.f32 v4, v51  }
0x109: {  	v4 =	vmin.f32 v4, v51;
	v3 =	vmax.f32 v3, v48;
	v52 =	vmax.f32 v8, v50  }
0x10a: {  	v8 =	vmin.f32 v8, v50;
	v55 =	vmin.f32 v6, v54;
	v6 =	vmax.f32 v6, v54  }
0x10b: {  	v18 =	vld [tilespmem:$0x7A0];
	v60 =	vmax.f32 v5, v59;
	v5 =	vmin.f32 v5, v59;
	v16 =	vmin.f32 v1, v56  }
0x10c: {  	v23 =	vld [tilespmem:$0x2B0];
	v1 =	vmax.f32 v1, v56;
	v21 =	vmax.f32 v4, v61;
	v4 =	vmin.f32 v4, v61  }
0x10d: {  	v53 =	vmax.f32 v7, v52;
	v7 =	vmin.f32 v7, v52;
	v57 =	vmin.f32 v2, v55  }
0x10e: {  	v2 =	vmax.f32 v2, v55;
	v62 =	vmax.f32 v8, v60;
	v8 =	vmin.f32 v8, v60  }
0x10f: {  	v17 =	vmin.f32 v6, v16;
	v6 =	vmax.f32 v6, v16;
	v22 =	vmax.f32 v5, v21  }
0x110: {  	v28 =	vld [tilespmem:$0x7B0];
	v5 =	vmin.f32 v5, v21;
	v26 =	vmin.f32 v1, v18;
	v1 =	vmax.f32 v1, v18  }
0x111: {  	v33 =	vld [tilespmem:$0x2C0];
	v31 =	vmax.f32 v4, v23;
	v4 =	vmin.f32 v4, v23;
	v0 =	vmin.f32 v0, v53  }
0x112: {  	v58 =	vmin.f32 v10, v57;
	v10 =	vmax.f32 v10, v57;
	v63 =	vmax.f32 v7, v62  }
0x113: {  	v7 =	vmin.f32 v7, v62;
	v19 =	vmin.f32 v2, v17;
	v2 =	vmax.f32 v2, v17  }
0x114: {  	v24 =	vmax.f32 v8, v22;
	v8 =	vmin.f32 v8, v22;
	v27 =	vmin.f32 v6, v26  }
0x115: {  	v6 =	vmax.f32 v6, v26;
	v32 =	vmax.f32 v5, v31;
	v5 =	vmin.f32 v5, v31  }
0x116: {  	v36 =	vmin.f32 v1, v28;
	v1 =	vmax.f32 v1, v28;
	v41 =	vmax.f32 v4, v33  }
0x117: {  	v38 =	vld [tilespmem:$0x7C0];
	v4 =	vmin.f32 v4, v33;
	v3 =	vmax.f32 v3, v58;
	v0 =	vmin.f32 v0, v63  }
0x118: {  	v20 =	vmin.f32 v10, v19;
	v10 =	vmax.f32 v10, v19;
	v25 =	vmax.f32 v7, v24  }
0x119: {  	v7 =	vmin.f32 v7, v24;
	v29 =	vmin.f32 v2, v27;
	v2 =	vmax.f32 v2, v27  }
0x11a: {  	v34 =	vmax.f32 v8, v32;
	v8 =	vmin.f32 v8, v32;
	v37 =	vmin.f32 v6, v36  }
0x11b: {  	v43 =	vld [tilespmem:$0x2D0];
	v6 =	vmax.f32 v6, v36;
	v42 =	vmax.f32 v5, v41;
	v5 =	vmin.f32 v5, v41  }
0x11c: {  	v46 =	vmin.f32 v1, v38;
	v1 =	vmax.f32 v1, v38;
	v3 =	vmax.f32 v3, v20  }
0x11d: {  	v0 =	vmin.f32 v0, v25;
	v30 =	vmin.f32 v10, v29;
	v10 =	vmax.f32 v10, v29  }
0x11e: {  	v35 =	vmax.f32 v7, v34;
	v7 =	vmin.f32 v7, v34;
	v39 =	vmin.f32 v2, v37  }
0x11f: {  	v48 =	vld [tilespmem:$0x7D0];
	v2 =	vmax.f32 v2, v37;
	v44 =	vmax.f32 v8, v42;
	v8 =	vmin.f32 v8, v42  }
0x120: {  	v47 =	vmin.f32 v6, v46;
	v6 =	vmax.f32 v6, v46;
	v51 =	vmax.f32 v4, v43  }
0x121: {  	v4 =	vmin.f32 v4, v43;
	v3 =	vmax.f32 v3, v30;
	v0 =	vmin.f32 v0, v35  }
0x122: {  	v40 =	vmin.f32 v10, v39;
	v10 =	vmax.f32 v10, v39;
	v45 =	vmax.f32 v7, v44  }
0x123: {  	v7 =	vmin.f32 v7, v44;
	v49 =	vmin.f32 v2, v47;
	v2 =	vmax.f32 v2, v47  }
0x124: {  	v53 =	vld [tilespmem:$0x2E0];
	v52 =	vmax.f32 v5, v51;
	v5 =	vmin.f32 v5, v51;
	v56 =	vmin.f32 v1, v48  }
0x125: {  	v1 =	vmax.f32 v1, v48;
	v3 =	vmax.f32 v3, v40;
	v0 =	vmin.f32 v0, v45  }
0x126: {  	v58 =	vld [tilespmem:$0x7E0];
	v50 =	vmin.f32 v10, v49;
	v10 =	vmax.f32 v10, v49;
	v54 =	vmax.f32 v8, v52  }
0x127: {  	v63 =	vld [tilespmem:$0x2F0];
	v8 =	vmin.f32 v8, v52;
	v57 =	vmin.f32 v6, v56;
	v6 =	vmax.f32 v6, v56  }
0x128: {  	v3 =	vmax.f32 v3, v50;
	v55 =	vmax.f32 v7, v54;
	v7 =	vmin.f32 v7, v54  }
0x129: {  	v59 =	vmin.f32 v2, v57;
	v2 =	vmax.f32 v2, v57;
	v61 =	vmax.f32 v4, v53  }
0x12a: {  	v20 =	vld [tilespmem:$0x7F0];
	v4 =	vmin.f32 v4, v53;
	v0 =	vmin.f32 v0, v55;
	v60 =	vmin.f32 v10, v59  }
0x12b: {  	v25 =	vld [tilespmem:$0x300];
	v10 =	vmax.f32 v10, v59;
	v62 =	vmax.f32 v5, v61;
	v5 =	vmin.f32 v5, v61  }
0x12c: {  	v18 =	vmin.f32 v1, v58;
	v1 =	vmax.f32 v1, v58;
	v23 =	vmax.f32 v4, v63  }
0x12d: {  	v4 =	vmin.f32 v4, v63;
	v3 =	vmax.f32 v3, v60;
	v16 =	vmax.f32 v8, v62  }
0x12e: {  	v8 =	vmin.f32 v8, v62;
	v19 =	vmin.f32 v6, v18;
	v6 =	vmax.f32 v6, v18  }
0x12f: {  	v30 =	vld [tilespmem:$0x800];
	v24 =	vmax.f32 v5, v23;
	v5 =	vmin.f32 v5, v23;
	v28 =	vmin.f32 v1, v20  }
0x130: {  	v35 =	vld [tilespmem:$0x310];
	v1 =	vmax.f32 v1, v20;
	v33 =	vmax.f32 v4, v25;
	v4 =	vmin.f32 v4, v25  }
0x131: {  	v17 =	vmax.f32 v7, v16;
	v7 =	vmin.f32 v7, v16;
	v21 =	vmin.f32 v2, v19  }
0x132: {  	v2 =	vmax.f32 v2, v19;
	v26 =	vmax.f32 v8, v24;
	v8 =	vmin.f32 v8, v24  }
0x133: {  	v29 =	vmin.f32 v6, v28;
	v6 =	vmax.f32 v6, v28;
	v34 =	vmax.f32 v5, v33  }
0x134: {  	v40 =	vld [tilespmem:$0x810];
	v5 =	vmin.f32 v5, v33;
	v38 =	vmin.f32 v1, v30;
	v1 =	vmax.f32 v1, v30  }
0x135: {  	v45 =	vld [tilespmem:$0x320];
	v43 =	vmax.f32 v4, v35;
	v4 =	vmin.f32 v4, v35;
	v0 =	vmin.f32 v0, v17  }
0x136: {  	v22 =	vmin.f32 v10, v21;
	v10 =	vmax.f32 v10, v21;
	v27 =	vmax.f32 v7, v26  }
0x137: {  	v7 =	vmin.f32 v7, v26;
	v31 =	vmin.f32 v2, v29;
	v2 =	vmax.f32 v2, v29  }
0x138: {  	v36 =	vmax.f32 v8, v34;
	v8 =	vmin.f32 v8, v34;
	v39 =	vmin.f32 v6, v38  }
0x139: {  	v6 =	vmax.f32 v6, v38;
	v44 =	vmax.f32 v5, v43;
	v5 =	vmin.f32 v5, v43  }
0x13a: {  	v48 =	vmin.f32 v1, v40;
	v1 =	vmax.f32 v1, v40;
	v53 =	vmax.f32 v4, v45  }
0x13b: {  	v50 =	vld [tilespmem:$0x820];
	v4 =	vmin.f32 v4, v45;
	v3 =	vmax.f32 v3, v22;
	v0 =	vmin.f32 v0, v27  }
0x13c: {  	v32 =	vmin.f32 v10, v31;
	v10 =	vmax.f32 v10, v31;
	v37 =	vmax.f32 v7, v36  }
0x13d: {  	v7 =	vmin.f32 v7, v36;
	v41 =	vmin.f32 v2, v39;
	v2 =	vmax.f32 v2, v39  }
0x13e: {  	v46 =	vmax.f32 v8, v44;
	v8 =	vmin.f32 v8, v44;
	v49 =	vmin.f32 v6, v48  }
0x13f: {  	v55 =	vld [tilespmem:$0x330];
	v6 =	vmax.f32 v6, v48;
	v54 =	vmax.f32 v5, v53;
	v5 =	vmin.f32 v5, v53  }
0x140: {  	v58 =	vmin.f32 v1, v50;
	v1 =	vmax.f32 v1, v50;
	v3 =	vmax.f32 v3, v32  }
0x141: {  	v0 =	vmin.f32 v0, v37;
	v42 =	vmin.f32 v10, v41;
	v10 =	vmax.f32 v10, v41  }
0x142: {  	v47 =	vmax.f32 v7, v46;
	v7 =	vmin.f32 v7, v46;
	v51 =	vmin.f32 v2, v49  }
0x143: {  	v60 =	vld [tilespmem:$0x830];
	v2 =	vmax.f32 v2, v49;
	v56 =	vmax.f32 v8, v54;
	v8 =	vmin.f32 v8, v54  }
0x144: {  	v59 =	vmin.f32 v6, v58;
	v6 =	vmax.f32 v6, v58;
	v63 =	vmax.f32 v4, v55  }
0x145: {  	v4 =	vmin.f32 v4, v55;
	v3 =	vmax.f32 v3, v42;
	v0 =	vmin.f32 v0, v47  }
0x146: {  	v52 =	vmin.f32 v10, v51;
	v10 =	vmax.f32 v10, v51;
	v57 =	vmax.f32 v7, v56  }
0x147: {  	v7 =	vmin.f32 v7, v56;
	v61 =	vmin.f32 v2, v59;
	v2 =	vmax.f32 v2, v59  }
0x148: {  	v17 =	vld [tilespmem:$0x340];
	v16 =	vmax.f32 v5, v63;
	v5 =	vmin.f32 v5, v63;
	v20 =	vmin.f32 v1, v60  }
0x149: {  	v1 =	vmax.f32 v1, v60;
	v3 =	vmax.f32 v3, v52;
	v0 =	vmin.f32 v0, v57  }
0x14a: {  	v22 =	vld [tilespmem:$0x840];
	v62 =	vmin.f32 v10, v61;
	v10 =	vmax.f32 v10, v61;
	v18 =	vmax.f32 v8, v16  }
0x14b: {  	v27 =	vld [tilespmem:$0x350];
	v8 =	vmin.f32 v8, v16;
	v21 =	vmin.f32 v6, v20;
	v6 =	vmax.f32 v6, v20  }
0x14c: {  	v3 =	vmax.f32 v3, v62;
	v19 =	vmax.f32 v7, v18;
	v7 =	vmin.f32 v7, v18  }
0x14d: {  	v23 =	vmin.f32 v2, v21;
	v2 =	vmax.f32 v2, v21;
	v25 =	vmax.f32 v4, v17  }
0x14e: {  	v32 =	vld [tilespmem:$0x850];
	v4 =	vmin.f32 v4, v17;
	v0 =	vmin.f32 v0, v19;
	v24 =	vmin.f32 v10, v23  }
0x14f: {  	v37 =	vld [tilespmem:$0x360];
	v10 =	vmax.f32 v10, v23;
	v26 =	vmax.f32 v5, v25;
	v5 =	vmin.f32 v5, v25  }
0x150: {  	v30 =	vmin.f32 v1, v22;
	v1 =	vmax.f32 v1, v22;
	v35 =	vmax.f32 v4, v27  }
0x151: {  	v4 =	vmin.f32 v4, v27;
	v3 =	vmax.f32 v3, v24;
	v28 =	vmax.f32 v8, v26  }
0x152: {  	v8 =	vmin.f32 v8, v26;
	v31 =	vmin.f32 v6, v30;
	v6 =	vmax.f32 v6, v30  }
0x153: {  	v42 =	vld [tilespmem:$0x860];
	v36 =	vmax.f32 v5, v35;
	v5 =	vmin.f32 v5, v35;
	v40 =	vmin.f32 v1, v32  }
0x154: {  	v47 =	vld [tilespmem:$0x370];
	v1 =	vmax.f32 v1, v32;
	v45 =	vmax.f32 v4, v37;
	v4 =	vmin.f32 v4, v37  }
0x155: {  	v29 =	vmax.f32 v7, v28;
	v7 =	vmin.f32 v7, v28;
	v33 =	vmin.f32 v2, v31  }
0x156: {  	v2 =	vmax.f32 v2, v31;
	v38 =	vmax.f32 v8, v36;
	v8 =	vmin.f32 v8, v36  }
0x157: {  	v41 =	vmin.f32 v6, v40;
	v6 =	vmax.f32 v6, v40;
	v46 =	vmax.f32 v5, v45  }
0x158: {  	v52 =	vld [tilespmem:$0x870];
	v5 =	vmin.f32 v5, v45;
	v50 =	vmin.f32 v1, v42;
	v1 =	vmax.f32 v1, v42  }
0x159: {  	v57 =	vld [tilespmem:$0x380];
	v55 =	vmax.f32 v4, v47;
	v4 =	vmin.f32 v4, v47;
	v0 =	vmin.f32 v0, v29  }
0x15a: {  	v34 =	vmin.f32 v10, v33;
	v10 =	vmax.f32 v10, v33;
	v39 =	vmax.f32 v7, v38  }
0x15b: {  	v7 =	vmin.f32 v7, v38;
	v43 =	vmin.f32 v2, v41;
	v2 =	vmax.f32 v2, v41  }
0x15c: {  	v48 =	vmax.f32 v8, v46;
	v8 =	vmin.f32 v8, v46;
	v51 =	vmin.f32 v6, v50  }
0x15d: {  	v6 =	vmax.f32 v6, v50;
	v56 =	vmax.f32 v5, v55;
	v5 =	vmin.f32 v5, v55  }
0x15e: {  	v60 =	vmin.f32 v1, v52;
	v1 =	vmax.f32 v1, v52;
	v17 =	vmax.f32 v4, v57  }
0x15f: {  	v62 =	vld [tilespmem:$0x880];
	v4 =	vmin.f32 v4, v57;
	v3 =	vmax.f32 v3, v34;
	v0 =	vmin.f32 v0, v39  }
0x160: {  	v44 =	vmin.f32 v10, v43;
	v10 =	vmax.f32 v10, v43;
	v49 =	vmax.f32 v7, v48  }
0x161: {  	v7 =	vmin.f32 v7, v48;
	v53 =	vmin.f32 v2, v51;
	v2 =	vmax.f32 v2, v51  }
0x162: {  	v58 =	vmax.f32 v8, v56;
	v8 =	vmin.f32 v8, v56;
	v61 =	vmin.f32 v6, v60  }
0x163: {  	v19 =	vld [tilespmem:$0x390];
	v6 =	vmax.f32 v6, v60;
	v18 =	vmax.f32 v5, v17;
	v5 =	vmin.f32 v5, v17  }
0x164: {  	v22 =	vmin.f32 v1, v62;
	v1 =	vmax.f32 v1, v62;
	v3 =	vmax.f32 v3, v44  }
0x165: {  	v0 =	vmin.f32 v0, v49;
	v54 =	vmin.f32 v10, v53;
	v10 =	vmax.f32 v10, v53  }
0x166: {  	v59 =	vmax.f32 v7, v58;
	v7 =	vmin.f32 v7, v58;
	v63 =	vmin.f32 v2, v61  }
0x167: {  	v24 =	vld [tilespmem:$0x890];
	v2 =	vmax.f32 v2, v61;
	v20 =	vmax.f32 v8, v18;
	v8 =	vmin.f32 v8, v18  }
0x168: {  	v23 =	vmin.f32 v6, v22;
	v6 =	vmax.f32 v6, v22;
	v27 =	vmax.f32 v4, v19  }
0x169: {  	v4 =	vmin.f32 v4, v19;
	v3 =	vmax.f32 v3, v54;
	v0 =	vmin.f32 v0, v59  }
0x16a: {  	v16 =	vmin.f32 v10, v63;
	v10 =	vmax.f32 v10, v63;
	v21 =	vmax.f32 v7, v20  }
0x16b: {  	v7 =	vmin.f32 v7, v20;
	v25 =	vmin.f32 v2, v23;
	v2 =	vmax.f32 v2, v23  }
0x16c: {  	v29 =	vld [tilespmem:$0x3A0];
	v28 =	vmax.f32 v5, v27;
	v5 =	vmin.f32 v5, v27;
	v32 =	vmin.f32 v1, v24  }
0x16d: {  	v1 =	vmax.f32 v1, v24;
	v3 =	vmax.f32 v3, v16;
	v0 =	vmin.f32 v0, v21  }
0x16e: {  	v34 =	vld [tilespmem:$0x8A0];
	v26 =	vmin.f32 v10, v25;
	v10 =	vmax.f32 v10, v25;
	v30 =	vmax.f32 v8, v28  }
0x16f: {  	v39 =	vld [tilespmem:$0x3B0];
	v8 =	vmin.f32 v8, v28;
	v33 =	vmin.f32 v6, v32;
	v6 =	vmax.f32 v6, v32  }
0x170: {  	v3 =	vmax.f32 v3, v26;
	v31 =	vmax.f32 v7, v30;
	v7 =	vmin.f32 v7, v30  }
0x171: {  	v35 =	vmin.f32 v2, v33;
	v2 =	vmax.f32 v2, v33;
	v37 =	vmax.f32 v4, v29  }
0x172: {  	v44 =	vld [tilespmem:$0x8B0];
	v4 =	vmin.f32 v4, v29;
	v0 =	vmin.f32 v0, v31;
	v36 =	vmin.f32 v10, v35  }
0x173: {  	v49 =	vld [tilespmem:$0x3C0];
	v10 =	vmax.f32 v10, v35;
	v38 =	vmax.f32 v5, v37;
	v5 =	vmin.f32 v5, v37  }
0x174: {  	v42 =	vmin.f32 v1, v34;
	v1 =	vmax.f32 v1, v34;
	v47 =	vmax.f32 v4, v39  }
0x175: {  	v4 =	vmin.f32 v4, v39;
	v3 =	vmax.f32 v3, v36;
	v40 =	vmax.f32 v8, v38  }
0x176: {  	v8 =	vmin.f32 v8, v38;
	v43 =	vmin.f32 v6, v42;
	v6 =	vmax.f32 v6, v42  }
0x177: {  	v54 =	vld [tilespmem:$0x8C0];
	v48 =	vmax.f32 v5, v47;
	v5 =	vmin.f32 v5, v47;
	v52 =	vmin.f32 v1, v44  }
0x178: {  	v59 =	vld [tilespmem:$0x3D0];
	v1 =	vmax.f32 v1, v44;
	v57 =	vmax.f32 v4, v49;
	v4 =	vmin.f32 v4, v49  }
0x179: {  	v41 =	vmax.f32 v7, v40;
	v7 =	vmin.f32 v7, v40;
	v45 =	vmin.f32 v2, v43  }
0x17a: {  	v2 =	vmax.f32 v2, v43;
	v50 =	vmax.f32 v8, v48;
	v8 =	vmin.f32 v8, v48  }
0x17b: {  	v53 =	vmin.f32 v6, v52;
	v6 =	vmax.f32 v6, v52;
	v58 =	vmax.f32 v5, v57  }
0x17c: {  	v16 =	vld [tilespmem:$0x8D0];
	v5 =	vmin.f32 v5, v57;
	v62 =	vmin.f32 v1, v54;
	v1 =	vmax.f32 v1, v54  }
0x17d: {  	v21 =	vld [tilespmem:$0x3E0];
	v19 =	vmax.f32 v4, v59;
	v4 =	vmin.f32 v4, v59;
	v0 =	vmin.f32 v0, v41  }
0x17e: {  	v46 =	vmin.f32 v10, v45;
	v10 =	vmax.f32 v10, v45;
	v51 =	vmax.f32 v7, v50  }
0x17f: {  	v7 =	vmin.f32 v7, v50;
	v55 =	vmin.f32 v2, v53;
	v2 =	vmax.f32 v2, v53  }
0x180: {  	v60 =	vmax.f32 v8, v58;
	v8 =	vmin.f32 v8, v58;
	v63 =	vmin.f32 v6, v62  }
0x181: {  	v6 =	vmax.f32 v6, v62;
	v20 =	vmax.f32 v5, v19;
	v5 =	vmin.f32 v5, v19  }
0x182: {  	v24 =	vmin.f32 v1, v16;
	v1 =	vmax.f32 v1, v16;
	v29 =	vmax.f32 v4, v21  }
0x183: {  	v26 =	vld [tilespmem:$0x8E0];
	v4 =	vmin.f32 v4, v21;
	v3 =	vmax.f32 v3, v46;
	v0 =	vmin.f32 v0, v51  }
0x184: {  	v56 =	vmin.f32 v10, v55;
	v10 =	vmax.f32 v10, v55;
	v61 =	vmax.f32 v7, v60  }
0x185: {  	v7 =	vmin.f32 v7, v60;
	v17 =	vmin.f32 v2, v63;
	v2 =	vmax.f32 v2, v63  }
0x186: {  	v22 =	vmax.f32 v8, v20;
	v8 =	vmin.f32 v8, v20;
	v25 =	vmin.f32 v6, v24  }
0x187: {  	v31 =	vld [tilespmem:$0x3F0];
	v6 =	vmax.f32 v6, v24;
	v30 =	vmax.f32 v5, v29;
	v5 =	vmin.f32 v5, v29  }
0x188: {  	v34 =	vmin.f32 v1, v26;
	v1 =	vmax.f32 v1, v26;
	v3 =	vmax.f32 v3, v56  }
0x189: {  	v0 =	vmin.f32 v0, v61;
	v18 =	vmin.f32 v10, v17;
	v10 =	vmax.f32 v10, v17  }
0x18a: {  	v23 =	vmax.f32 v7, v22;
	v7 =	vmin.f32 v7, v22;
	v27 =	vmin.f32 v2, v25  }
0x18b: {  	v36 =	vld [tilespmem:$0x8F0];
	v2 =	vmax.f32 v2, v25;
	v32 =	vmax.f32 v8, v30;
	v8 =	vmin.f32 v8, v30  }
0x18c: {  	v35 =	vmin.f32 v6, v34;
	v6 =	vmax.f32 v6, v34;
	v39 =	vmax.f32 v4, v31  }
0x18d: {  	v4 =	vmin.f32 v4, v31;
	v3 =	vmax.f32 v3, v18;
	v0 =	vmin.f32 v0, v23  }
0x18e: {  	v28 =	vmin.f32 v10, v27;
	v10 =	vmax.f32 v10, v27;
	v33 =	vmax.f32 v7, v32  }
0x18f: {  	v7 =	vmin.f32 v7, v32;
	v37 =	vmin.f32 v2, v35;
	v2 =	vmax.f32 v2, v35  }
0x190: {  	v41 =	vld [tilespmem:$0x400];
	v40 =	vmax.f32 v5, v39;
	v5 =	vmin.f32 v5, v39;
	v44 =	vmin.f32 v1, v36  }
0x191: {  	v1 =	vmax.f32 v1, v36;
	v3 =	vmax.f32 v3, v28;
	v0 =	vmin.f32 v0, v33  }
0x192: {  	v46 =	vld [tilespmem:$0x900];
	v38 =	vmin.f32 v10, v37;
	v10 =	vmax.f32 v10, v37;
	v42 =	vmax.f32 v8, v40  }
0x193: {  	v51 =	vld [tilespmem:$0x410];
	v8 =	vmin.f32 v8, v40;
	v45 =	vmin.f32 v6, v44;
	v6 =	vmax.f32 v6, v44  }
0x194: {  	v3 =	vmax.f32 v3, v38;
	v43 =	vmax.f32 v7, v42;
	v7 =	vmin.f32 v7, v42  }
0x195: {  	v47 =	vmin.f32 v2, v45;
	v2 =	vmax.f32 v2, v45;
	v49 =	vmax.f32 v4, v41  }
0x196: {  	v56 =	vld [tilespmem:$0x910];
	v4 =	vmin.f32 v4, v41;
	v0 =	vmin.f32 v0, v43;
	v48 =	vmin.f32 v10, v47  }
0x197: {  	v61 =	vld [tilespmem:$0x420];
	v10 =	vmax.f32 v10, v47;
	v50 =	vmax.f32 v5, v49;
	v5 =	vmin.f32 v5, v49  }
0x198: {  	v54 =	vmin.f32 v1, v46;
	v1 =	vmax.f32 v1, v46;
	v59 =	vmax.f32 v4, v51  }
0x199: {  	v4 =	vmin.f32 v4, v51;
	v3 =	vmax.f32 v3, v48;
	v52 =	vmax.f32 v8, v50  }
0x19a: {  	v8 =	vmin.f32 v8, v50;
	v55 =	vmin.f32 v6, v54;
	v6 =	vmax.f32 v6, v54  }
0x19b: {  	v18 =	vld [tilespmem:$0x920];
	v60 =	vmax.f32 v5, v59;
	v5 =	vmin.f32 v5, v59;
	v16 =	vmin.f32 v1, v56  }
0x19c: {  	v23 =	vld [tilespmem:$0x430];
	v1 =	vmax.f32 v1, v56;
	v21 =	vmax.f32 v4, v61;
	v4 =	vmin.f32 v4, v61  }
0x19d: {  	v53 =	vmax.f32 v7, v52;
	v7 =	vmin.f32 v7, v52;
	v57 =	vmin.f32 v2, v55  }
0x19e: {  	v2 =	vmax.f32 v2, v55;
	v62 =	vmax.f32 v8, v60;
	v8 =	vmin.f32 v8, v60  }
0x19f: {  	v17 =	vmin.f32 v6, v16;
	v6 =	vmax.f32 v6, v16;
	v22 =	vmax.f32 v5, v21  }
0x1a0: {  	v28 =	vld [tilespmem:$0x930];
	v5 =	vmin.f32 v5, v21;
	v26 =	vmin.f32 v1, v18;
	v1 =	vmax.f32 v1, v18  }
0x1a1: {  	v33 =	vld [tilespmem:$0x440];
	v31 =	vmax.f32 v4, v23;
	v4 =	vmin.f32 v4, v23;
	v0 =	vmin.f32 v0, v53  }
0x1a2: {  	v58 =	vmin.f32 v10, v57;
	v10 =	vmax.f32 v10, v57;
	v63 =	vmax.f32 v7, v62  }
0x1a3: {  	v7 =	vmin.f32 v7, v62;
	v19 =	vmin.f32 v2, v17;
	v2 =	vmax.f32 v2, v17  }
0x1a4: {  	v24 =	vmax.f32 v8, v22;
	v8 =	vmin.f32 v8, v22;
	v27 =	vmin.f32 v6, v26  }
0x1a5: {  	v6 =	vmax.f32 v6, v26;
	v32 =	vmax.f32 v5, v31;
	v5 =	vmin.f32 v5, v31  }
0x1a6: {  	v36 =	vmin.f32 v1, v28;
	v1 =	vmax.f32 v1, v28;
	v41 =	vmax.f32 v4, v33  }
0x1a7: {  	v38 =	vld [tilespmem:$0x940];
	v4 =	vmin.f32 v4, v33;
	v3 =	vmax.f32 v3, v58;
	v0 =	vmin.f32 v0, v63  }
0x1a8: {  	v20 =	vmin.f32 v10, v19;
	v10 =	vmax.f32 v10, v19;
	v25 =	vmax.f32 v7, v24  }
0x1a9: {  	v7 =	vmin.f32 v7, v24;
	v29 =	vmin.f32 v2, v27;
	v2 =	vmax.f32 v2, v27  }
0x1aa: {  	v34 =	vmax.f32 v8, v32;
	v8 =	vmin.f32 v8, v32;
	v37 =	vmin.f32 v6, v36  }
0x1ab: {  	v43 =	vld [tilespmem:$0x450];
	v6 =	vmax.f32 v6, v36;
	v42 =	vmax.f32 v5, v41;
	v5 =	vmin.f32 v5, v41  }
0x1ac: {  	v46 =	vmin.f32 v1, v38;
	v1 =	vmax.f32 v1, v38;
	v3 =	vmax.f32 v3, v20  }
0x1ad: {  	v0 =	vmin.f32 v0, v25;
	v30 =	vmin.f32 v10, v29;
	v10 =	vmax.f32 v10, v29  }
0x1ae: {  	v35 =	vmax.f32 v7, v34;
	v7 =	vmin.f32 v7, v34;
	v39 =	vmin.f32 v2, v37  }
0x1af: {  	v48 =	vld [tilespmem:$0x950];
	v2 =	vmax.f32 v2, v37;
	v44 =	vmax.f32 v8, v42;
	v8 =	vmin.f32 v8, v42  }
0x1b0: {  	v47 =	vmin.f32 v6, v46;
	v6 =	vmax.f32 v6, v46;
	v51 =	vmax.f32 v4, v43  }
0x1b1: {  	v4 =	vmin.f32 v4, v43;
	v3 =	vmax.f32 v3, v30;
	v0 =	vmin.f32 v0, v35  }
0x1b2: {  	v40 =	vmin.f32 v10, v39;
	v10 =	vmax.f32 v10, v39;
	v45 =	vmax.f32 v7, v44  }
0x1b3: {  	v7 =	vmin.f32 v7, v44;
	v49 =	vmin.f32 v2, v47;
	v2 =	vmax.f32 v2, v47  }
0x1b4: {  	v53 =	vld [tilespmem:$0x460];
	v52 =	vmax.f32 v5, v51;
	v5 =	vmin.f32 v5, v51;
	v56 =	vmin.f32 v1, v48  }
0x1b5: {  	v1 =	vmax.f32 v1, v48;
	v3 =	vmax.f32 v3, v40;
	v0 =	vmin.f32 v0, v45  }
0x1b6: {  	v58 =	vld [tilespmem:$0x960];
	v50 =	vmin.f32 v10, v49;
	v10 =	vmax.f32 v10, v49;
	v54 =	vmax.f32 v8, v52  }
0x1b7: {  	v63 =	vld [tilespmem:$0x470];
	v8 =	vmin.f32 v8, v52;
	v57 =	vmin.f32 v6, v56;
	v6 =	vmax.f32 v6, v56  }
0x1b8: {  	v3 =	vmax.f32 v3, v50;
	v55 =	vmax.f32 v7, v54;
	v7 =	vmin.f32 v7, v54  }
0x1b9: {  	v59 =	vmin.f32 v2, v57;
	v2 =	vmax.f32 v2, v57;
	v61 =	vmax.f32 v4, v53  }
0x1ba: {  	v20 =	vld [tilespmem:$0x970];
	v4 =	vmin.f32 v4, v53;
	v0 =	vmin.f32 v0, v55;
	v60 =	vmin.f32 v10, v59  }
0x1bb: {  	v25 =	vld [tilespmem:$0x480];
	v10 =	vmax.f32 v10, v59;
	v62 =	vmax.f32 v5, v61;
	v5 =	vmin.f32 v5, v61  }
0x1bc: {  	v18 =	vmin.f32 v1, v58;
	v1 =	vmax.f32 v1, v58;
	v23 =	vmax.f32 v4, v63  }
0x1bd: {  	v4 =	vmin.f32 v4, v63;
	v3 =	vmax.f32 v3, v60;
	v16 =	vmax.f32 v8, v62  }
0x1be: {  	v8 =	vmin.f32 v8, v62;
	v19 =	vmin.f32 v6, v18;
	v6 =	vmax.f32 v6, v18  }
0x1bf: {  	v30 =	vld [tilespmem:$0x980];
	v24 =	vmax.f32 v5, v23;
	v5 =	vmin.f32 v5, v23;
	v28 =	vmin.f32 v1, v20  }
0x1c0: {  	v35 =	vld [tilespmem:$0x490];
	v1 =	vmax.f32 v1, v20;
	v33 =	vmax.f32 v4, v25;
	v4 =	vmin.f32 v4, v25  }
0x1c1: {  	v17 =	vmax.f32 v7, v16;
	v7 =	vmin.f32 v7, v16;
	v21 =	vmin.f32 v2, v19  }
0x1c2: {  	v2 =	vmax.f32 v2, v19;
	v26 =	vmax.f32 v8, v24;
	v8 =	vmin.f32 v8, v24  }
0x1c3: {  	v29 =	vmin.f32 v6, v28;
	v6 =	vmax.f32 v6, v28;
	v34 =	vmax.f32 v5, v33  }
0x1c4: {  	v40 =	vld [tilespmem:$0x990];
	v5 =	vmin.f32 v5, v33;
	v38 =	vmin.f32 v1, v30;
	v1 =	vmax.f32 v1, v30  }
0x1c5: {  	v45 =	vld [tilespmem:$0x4A0];
	v43 =	vmax.f32 v4, v35;
	v4 =	vmin.f32 v4, v35;
	v0 =	vmin.f32 v0, v17  }
0x1c6: {  	v22 =	vmin.f32 v10, v21;
	v10 =	vmax.f32 v10, v21;
	v27 =	vmax.f32 v7, v26  }
0x1c7: {  	v7 =	vmin.f32 v7, v26;
	v31 =	vmin.f32 v2, v29;
	v2 =	vmax.f32 v2, v29  }
0x1c8: {  	v36 =	vmax.f32 v8, v34;
	v8 =	vmin.f32 v8, v34;
	v39 =	vmin.f32 v6, v38  }
0x1c9: {  	v6 =	vmax.f32 v6, v38;
	v44 =	vmax.f32 v5, v43;
	v5 =	vmin.f32 v5, v43  }
0x1ca: {  	v48 =	vmin.f32 v1, v40;
	v1 =	vmax.f32 v1, v40;
	v53 =	vmax.f32 v4, v45  }
0x1cb: {  	v50 =	vld [tilespmem:$0x9A0];
	v4 =	vmin.f32 v4, v45;
	v3 =	vmax.f32 v3, v22;
	v0 =	vmin.f32 v0, v27  }
0x1cc: {  	v32 =	vmin.f32 v10, v31;
	v10 =	vmax.f32 v10, v31;
	v37 =	vmax.f32 v7, v36  }
0x1cd: {  	v7 =	vmin.f32 v7, v36;
	v41 =	vmin.f32 v2, v39;
	v2 =	vmax.f32 v2, v39  }
0x1ce: {  	v46 =	vmax.f32 v8, v44;
	v8 =	vmin.f32 v8, v44;
	v49 =	vmin.f32 v6, v48  }
0x1cf: {  	v55 =	vld [tilespmem:$0x4B0];
	v6 =	vmax.f32 v6, v48;
	v54 =	vmax.f32 v5, v53;
	v5 =	vmin.f32 v5, v53  }
0x1d0: {  	v58 =	vmin.f32 v1, v50;
	v1 =	vmax.f32 v1, v50;
	v3 =	vmax.f32 v3, v32  }
0x1d1: {  	v0 =	vmin.f32 v0, v37;
	v42 =	vmin.f32 v10, v41;
	v10 =	vmax.f32 v10, v41  }
0x1d2: {  	v47 =	vmax.f32 v7, v46;
	v7 =	vmin.f32 v7, v46;
	v51 =	vmin.f32 v2, v49  }
0x1d3: {  	v60 =	vld [tilespmem:$0x9B0];
	v2 =	vmax.f32 v2, v49;
	v56 =	vmax.f32 v8, v54;
	v8 =	vmin.f32 v8, v54  }
0x1d4: {  	v59 =	vmin.f32 v6, v58;
	v6 =	vmax.f32 v6, v58;
	v63 =	vmax.f32 v4, v55  }
0x1d5: {  	v4 =	vmin.f32 v4, v55;
	v3 =	vmax.f32 v3, v42;
	v0 =	vmin.f32 v0, v47  }
0x1d6: {  	v52 =	vmin.f32 v10, v51;
	v10 =	vmax.f32 v10, v51;
	v57 =	vmax.f32 v7, v56  }
0x1d7: {  	v7 =	vmin.f32 v7, v56;
	v61 =	vmin.f32 v2, v59;
	v2 =	vmax.f32 v2, v59  }
0x1d8: {  	v17 =	vld [tilespmem:$0x4C0];
	v16 =	vmax.f32 v5, v63;
	v5 =	vmin.f32 v5, v63;
	v20 =	vmin.f32 v1, v60  }
0x1d9: {  	v1 =	vmax.f32 v1, v60;
	v3 =	vmax.f32 v3, v52;
	v0 =	vmin.f32 v0, v57  }
0x1da: {  	v22 =	vld [tilespmem:$0x9C0];
	v62 =	vmin.f32 v10, v61;
	v10 =	vmax.f32 v10, v61;
	v18 =	vmax.f32 v8, v16  }
0x1db: {  	v27 =	vld [tilespmem:$0x4D0];
	v8 =	vmin.f32 v8, v16;
	v21 =	vmin.f32 v6, v20;
	v6 =	vmax.f32 v6, v20  }
0x1dc: {  	v3 =	vmax.f32 v3, v62;
	v19 =	vmax.f32 v7, v18;
	v7 =	vmin.f32 v7, v18  }
0x1dd: {  	v23 =	vmin.f32 v2, v21;
	v2 =	vmax.f32 v2, v21;
	v25 =	vmax.f32 v4, v17  }
0x1de: {  	v29 =	vld [tilespmem:$0x9D0];
	v4 =	vmin.f32 v4, v17;
	v0 =	vmin.f32 v0, v19;
	v24 =	vmin.f32 v10, v23  }
0x1df: {  	v10 =	vmax.f32 v10, v23;
	v26 =	vmax.f32 v5, v25;
	v5 =	vmin.f32 v5, v25  }
0x1e0: {  	v15 =	vmin.f32 v1, v22;
	v1 =	vmax.f32 v1, v22;
	v35 =	vmin.f32 v4, v27  }
0x1e1: {  	v33 =	vld [tilespmem:$0x9E0];
	v4 =	vmax.f32 v4, v27;
	v3 =	vmax.f32 v3, v24;
	v28 =	vmax.f32 v8, v26  }
0x1e2: {  	v8 =	vmin.f32 v8, v26;
	v31 =	vmin.f32 v6, v15;
	v6 =	vmax.f32 v6, v15  }
0x1e3: {  	v36 =	vmin.f32 v1, v29;
	v1 =	vmax.f32 v1, v29;
	v49 =	vmin.f32 v5, v4  }
0x1e4: {  	v37 =	vld [tilespmem:$0x9F0];
	v4 =	vmax.f32 v5, v4;
	v30 =	vmax.f32 v7, v28;
	v7 =	vmin.f32 v7, v28  }
0x1e5: {  	v32 =	vmin.f32 v2, v31;
	v2 =	vmax.f32 v2, v31;
	v38 =	vmin.f32 v6, v36  }
0x1e6: {  	v6 =	vmax.f32 v6, v36;
	v40 =	vmin.f32 v1, v33;
	v1 =	vmax.f32 v1, v33  }
0x1e7: {  	v52 =	vmin.f32 v8, v4;
	v34 =	vmax.f32 v10, v32;
	v10 =	vmin.f32 v10, v32  }
0x1e8: {  	v39 =	vmax.f32 v2, v38;
	v2 =	vmin.f32 v2, v38;
	v41 =	vmin.f32 v6, v40  }
0x1e9: {  	v6 =	vmax.f32 v6, v40;
	v12 =	vmin.f32 v1, v37;
	v1 =	vmax.f32 v1, v37  }
0x1ea: {  	v3 =	vmax.f32 v3, v10;
	v13 =	vmax.f32 v34, v2;
	v2 =	vmin.f32 v34, v2  }
0x1eb: {  	v42 =	vmax.f32 v39, v41;
	v43 =	vmax.f32 v6, v12;
	v6 =	vmin.f32 v6, v12  }
0x1ec: {  	v1 =	vmax.f32 v1, $0.0e+00;
	v2 =	vmax.f32 v3, v2;
	v11 =	vmax.f32 v43, $0.0e+00  }
0x1ed: {  	v47 =	vld [tilespmem:$0x4E0];
	v3 =	vmin.f32 v39, v41;
	v45 =	vmax.f32 v42, v6;
	v1 =	vadd.f32 v11, v1  }
0x1ee: {  	v6 =	vmin.f32 v42, v6;
	v44 =	vmax.f32 v13, v3;
	v46 =	vmax.f32 v45, $0.0e+00  }
0x1ef: {  	v51 =	vld [tilespmem:$0x4F0];
	v3 =	vmin.f32 v13, v3;
	v48 =	vmax.f32 v44, v6;
	v1 =	vadd.f32 v46, v1  }
0x1f0: {  	v50 =	vld [tilespmem:$0xA00];
	v2 =	vmax.f32 v2, v3;
	v6 =	vmin.f32 v44, v6;
	v3 =	vmax.f32 v48, $0.0e+00  }
0x1f1: {  	v4 =	vmax.f32 v8, v4;
	v2 =	vmax.f32 v2, v6;
	v1 =	vadd.f32 v3, v1  }
0x1f2: {  	v54 =	vmin.f32 v35, v47;
	v55 =	vmax.f32 v35, v47;
	v2 =	vmax.f32 v2, $0.0e+00  }
0x1f3: {  	v0 =	vmin.f32 v0, v30;
	v53 =	vmin.f32 v7, v4;
	v1 =	vadd.f32 v2, v1  }
0x1f4: {  	v4 =	vmax.f32 v7, v4;
	v56 =	vmin.f32 v49, v55;
	v58 =	vmax.f32 v54, v51  }
0x1f5: {  	v0 =	vmin.f32 v0, v4;
	v4 =	vmax.f32 v49, v55;
	v1 =	vsub.f32 v1, v50  }
0x1f6: {  	v60 =	vmax.f32 v56, v58;
	v57 =	vmin.f32 v52, v4  }
0x1f7: {  	v61 =	vmax.f32 v57, v60;
	v3 =	vmax.f32 v52, v4;
	v1 =	vtrunc.f32 v1  }
0x1f8: {  	v59 =	vmin.f32 v53, v3;
	v3 =	vmax.f32 v53, v3;
	v1 =	vcvt.f32.s32 v1  }
0x1f9: {  	v0 =	vmin.f32 v0, v3;
	v62 =	vmax.f32 v59, v61  }
0x1fa: {  	v6 =	vmin.f32 v59, v61;
	v0 =	vmin.f32 v0, v62;
	vm0 =	veq.s32 v1, $0x4  }
0x1fb: {  	v63 =	vmin.f32 v57, v60;
	vm1 =	veq.s32 v1, $0x3;
	v0 =	vsel vm0, v6, v0  }
0x1fc: {  	v4 =	vmin.f32 v56, v58;
	vm14 =	veq.s32 v1, $0x2;
	v0 =	vsel vm1, v63, v0  }
0x1fd: {  	v2 =	vmin.f32 v54, v51;
	vm15 =	vlt.s32 v1, $0x2;
	v0 =	vsel vm14, v4, v0  }
0x1fe: {  	p0 =	sne.s32 s7, $0x1;
	v0 =	vsel vm15, v2, v0  }
.Ltmp0:
0x1ff: {  	[tilespmem:$0xA80] =	vst v0;
	(pc) =	sbr.rel @p0 .LBB2_1-.Ltmp0, $4  }
0x200: {  	[hbm4b:s6+s3] =	stream.linear.scatter [tilespmem:s13], [sflag:$0x1], $0x80, $0x38;
	[tilespmem:$0xB00] =	vst v63  }
0x201: {  	_ =	swait.ge [sflag:s10], $0x80  }
0x202: {  	[sflag:s10] =	ssyncset.done $0x0  }
0x203: {  	s7 =	sadd.s32 $0xFFFFFFFF, s7;
	[sflag:s10] =	ssyncadd.s32 $0xFFFFFF80  }
0x204: {  	_ =	sfence.sel $0x180000  }
0x205: {  	[bflag:$0x0] =	sbarrier.arrive $0xFFFF  }
0x206: {  	p0 =	sne.s32 s0, $0x0;
	_ =	strace $0x90000047  }
0x207: {  	s0 =	sadd.s32 @!p0 $0x100000, s1;
	[bflag:$0x2] =	sbarrier.arrive $0xFFFF  }
0x208: {  	[sflag:s0] =	ssyncadd.tile.s32 @!p0 $0x1;
	_ =	shalt  }
.Lfunc_end2:
_tile_overlayer_lowered:
.L_overlay_start_2:
0x209: {  	(tag) =	ssettag $0x2  }
0x20a: {  	s0 =	rddreg [dreg:$0x0];
	s2 =	stileid.u32  }
0x20b: {  	s1 =	rddreg [dreg:$0x1];
	p0 =	sne.s32 s2, $0x0  }
0x20c: {  	s3 =	rddreg [dreg:$0x2];
	[bflag:$0x3] =	sbarrier.arrive $0xFFFF;
	s2 =	simm.s32 @!p0 $0x1C01  }
0x20d: {  	[timem:s3], [sflag:s2] =	dma.local @!p0 [hbm:s0], s1  }
0x20e: {  	s0 =	simm.s32 @!p0 $0x1  }
0x20f: {  	_ =	swait.ge @!p0 [sflag:s0], s1  }
0x210: {  	s1 =	ssub.s32 @!p0 $0x0, s1;
	[sflag:s0] =	ssyncset.done @!p0 $0x0  }
0x211: {  	[sflag:s0] =	ssyncadd.s32 @!p0 s1  }
0x212: {  	[bflag:$0x3] =	sbarrier.arrive $0xFFFF  }
0x213: {  	_ =	shalt  }

</sc_bundles>
